<compile_context>
chip_gen: v7x
topology: tpu7x:2x2x1
jax: 0.10.2.dev20260603
libtpu: 0.0.44.dev20260713+nightly
codegen_flags: <defaults>
</compile_context>

<pallas_src>
import functools

import jax
import jax.numpy as jnp
from jax import lax
from jax.experimental import pallas as pl
from jax.experimental.pallas import tpu as pltpu
from jax.experimental.pallas import tpu_sc as plsc

_PROWS_BITS = 17
_PROWS = 1 << _PROWS_BITS



def _make_project_body(pack):
    def _project_body(*refs):
        tt_refs, wtt_ref, b_ref, o_ref = (
            refs[:pack], refs[pack], refs[pack + 1], refs[pack + 2])
        ys = [
            jnp.dot(wtt_ref[...], tt_refs[e][...],
                    preferred_element_type=jnp.float32)
            for e in range(pack)
        ]
        y = jnp.concatenate(ys, axis=0)
        o_ref[...] = y.T + b_ref[...]

    return _project_body


def _project(tableT, WTT, b128, block_cols=4096):
    D, V = tableT.shape
    pack = 128 // WTT.shape[0]
    n_i = _PROWS // block_cols
    max_blk = (V + block_cols - 1) // block_cols - 1

    t_specs = [
        pl.BlockSpec(
            (D, block_cols),
            lambda i, e=e, n=n_i, m=max_blk: (0, jnp.minimum(e * n + i, m)))
        for e in range(pack)
    ]
    return pl.pallas_call(
        _make_project_body(pack),
        grid=(n_i,),
        in_specs=t_specs + [
            pl.BlockSpec((WTT.shape[0], D), lambda i: (0, 0)),
            pl.BlockSpec((1, 128), lambda i: (0, 0)),
        ],
        out_specs=pl.BlockSpec((block_cols, 128), lambda i: (i, 0)),
        out_shape=jax.ShapeDtypeStruct((_PROWS, 128), jnp.float32),
    )(tableT, *([tableT] * (pack - 1)), WTT, b128)



def _xpose_body(x_ref, o_ref):
    o_ref[...] = x_ref[...].T


def _xpose(x, block_rows=512):
    R, Cc = x.shape
    return pl.pallas_call(
        _xpose_body,
        grid=(R // block_rows,),
        in_specs=[pl.BlockSpec((block_rows, Cc), lambda i: (i, 0))],
        out_specs=pl.BlockSpec((Cc, block_rows), lambda i: (0, i)),
        out_shape=jax.ShapeDtypeStruct((Cc, R), x.dtype),
    )(x)



_K = 128
_L = 16


def _make_gather(B, C, num_cores=2, num_subcores=16):
    NW = num_cores * num_subcores
    pack = 128 // C
    b_per_w = B // NW
    chunks = b_per_w // _K
    out_rows = _K // pack
    mesh = plsc.VectorSubcoreMesh(
        core_axis_name="c", subcore_axis_name="s",
        num_cores=num_cores, num_subcores=num_subcores)

    @functools.partial(
        pl.kernel,
        out_type=jax.ShapeDtypeStruct((B // pack, 128), jnp.float32),
        mesh=mesh,
        cost_estimate=pl.CostEstimate(
            flops=0, bytes_accessed=500_000_000, transcendentals=0),
        scratch_types=[
            pltpu.VMEM((chunks, _K), jnp.int32),
            pltpu.VMEM((4, _K), jnp.int32),
            pltpu.VMEM((4, _K, 128), jnp.float32),
            pltpu.VMEM((out_rows, 128), jnp.float32),
            pltpu.SemaphoreType.DMA,
            pltpu.SemaphoreType.DMA,
            pltpu.SemaphoreType.DMA,
            pltpu.SemaphoreType.DMA,
        ],
    )
    def gather(p_hbm, idx_hbm, out_hbm, idx_v, hi_v, rows_v, out_v,
               sem0, sem1, sem2, sem3):
        wid = lax.axis_index("s") * num_cores + lax.axis_index("c")
        out_base = wid * chunks * out_rows
        pltpu.sync_copy(idx_hbm.at[pl.ds(wid * chunks, chunks)], idx_v)

        def fire(j, s, sem):
            for g in range(_K // _L):
                idx16 = idx_v[j, pl.ds(g * _L, _L)]
                hi_v[s, pl.ds(g * _L, _L)] = idx16 & (_PROWS - 1)
            pltpu.async_copy(p_hbm.at[hi_v.at[s]], rows_v.at[s], sem)

        def process(j, s, sem):
            pltpu.make_async_copy(
                p_hbm.at[hi_v.at[s]], rows_v.at[s], sem).wait()

            def extract(g, _):
                idx16 = idx_v[j, pl.ds(g * _L, _L)]
                for u in range(_L):
                    kk = g * _L + u
                    lo = lax.shift_right_logical(idx16[u], _PROWS_BITS) * C
                    x = rows_v[s, kk, pl.ds(lo, C)]
                    out_v[kk // pack, pl.ds((kk % pack) * C, C)] = x
                return 0

            lax.fori_loop(0, _K // _L, extract, 0, unroll=False)
            pltpu.sync_copy(
                out_v, out_hbm.at[pl.ds(out_base + j * out_rows, out_rows)])

        sems = (sem0, sem1, sem2, sem3)
        fire(0, 0, sem0)
        fire(1, 1, sem1)
        fire(2, 2, sem2)

        def body(t, _):
            j0 = t * 4
            for u in range(4):
                nxt = j0 + u + 3

                @pl.when(nxt < chunks)
                def _prefetch(nxt=nxt, u=u):
                    fire(nxt, (u + 3) % 4, sems[(u + 3) % 4])

                process(j0 + u, u, sems[u])
            return 0

        lax.fori_loop(0, chunks // 4, body, 0, unroll=False)

    return gather


def kernel(indices, table, W, b):
    Bb, S = indices.shape
    V, D = table.shape
    C = W.shape[0]
    P = _project(table.T, W, jnp.tile(b, 128 // C).reshape(1, 128))
    idx2 = indices.reshape(-1, _K)
    out = _make_gather(Bb * S, C)(P, idx2)
    outT = _xpose(out.reshape(Bb, S * C))
    return outT.reshape(S, C, Bb).transpose(2, 0, 1)

# --- scband reference (transcript-rebuilt; emitter-appended) ---
"""Pipeline reference for scband-text-cnn-51230369906908 (READ-ONLY COPY).

The authoritative reference and input builder live on the scoring server;
editing this copy changes nothing except your own understanding.
"""

import jax, jax.numpy as jnp
import numpy as np

VOCAB = 1000000
EMBED_DIM = 64
NUM_CLASSES = 16
BATCH = 4096
SEQ = 200

def setup_inputs(seed: int = 0) -> dict:
    key = jax.random.key(seed)
    k1, k2, k3 = jax.random.split(key, 3)
    indices = jax.random.randint(k1, (BATCH, SEQ), 0, VOCAB)
    table = jax.random.normal(k2, (VOCAB, EMBED_DIM), dtype=jnp.float32) * 0.02
    W = jax.random.normal(k3, (NUM_CLASSES, EMBED_DIM), dtype=jnp.float32) * 0.05
    b = jnp.zeros((NUM_CLASSES,), dtype=jnp.float32)
    return {"indices": indices, "table": table, "W": W, "b": b}

def reference(indices, table, W, b):
    # forward: embedding lookup -> dropout (p=0.0, identity in eval) -> fc
    x = jnp.take(table, indices, axis=0)  # [B, S, D]
    out = x @ W.T + b                     # [B, S, num_classes]
    return out

if __name__ == "__main__":
    import jax
    _d = setup_inputs()
    print(jax.jit(kernel)(*tuple(_d.values())))

</pallas_src>

<mosaic_0001>
#map = affine_map<(d0, d1) -> (0, 0)>
module attributes {stable_mosaic.version = 14 : i64} {
  func.func @gather(%arg0: i32, %arg1: i32, %arg2: memref<131072x128xf32, #tpu.memory_space<hbm>>, %arg3: memref<6400x128xi32, #tpu.memory_space<hbm>>, %arg4: memref<102400x128xf32, #tpu.memory_space<hbm>>, %arg5: memref<200x128xi32, #tpu.memory_space<vmem>>, %arg6: memref<4x128xi32, #tpu.memory_space<vmem>>, %arg7: memref<4x128x128xf32, #tpu.memory_space<vmem>>, %arg8: memref<16x128xf32, #tpu.memory_space<vmem>>, %arg9: memref<!tpu.dma_semaphore, #tpu.memory_space<semaphore_mem>>, %arg10: memref<!tpu.dma_semaphore, #tpu.memory_space<semaphore_mem>>, %arg11: memref<!tpu.dma_semaphore, #tpu.memory_space<semaphore_mem>>, %arg12: memref<!tpu.dma_semaphore, #tpu.memory_space<semaphore_mem>>) attributes {dimension_semantics = [#tpu.dimension_semantics<core_parallel>, #tpu.dimension_semantics<subcore_parallel>], iteration_bounds = array<i64: 2, 16>, scalar_prefetch = 0 : i64, scratch_operands = 8 : i64, tpu.core_type = #tpu.core_type<sc_vector_subcore>, window_params = [{transform_indices = #map}, {transform_indices = #map}, {transform_indices = #map}]} {
    %mul3A = arith.constant 2 : i32
    %mul3A_0 = arith.muli %arg1, %mul3A : i32
    %add3A = arith.addi %mul3A_0, %arg0 : i32
    %mul3A_1 = arith.constant 200 : i32
    %mul3A_2 = arith.muli %add3A, %mul3A_1 : i32
    %mul3A_3 = arith.constant 16 : i32
    %mul3A_4 = arith.muli %mul3A_2, %mul3A_3 : i32
    %mul3A_5 = arith.constant 200 : i32
    %mul3A_6 = arith.muli %add3A, %mul3A_5 : i32
    "tpu.region"() ({
      %run_scoped3A = tpu.sem_alloc : memref<!tpu.dma_semaphore, #tpu.memory_space<semaphore_mem>>
      %dma_start3A_381 = arith.constant 0 : i32
      %dma_start3A_382 = tpu.memref_slice %arg3[%mul3A_6, %dma_start3A_381] : memref<6400x128xi32, #tpu.memory_space<hbm>> -> memref<200x128xi32, #tpu.memory_space<hbm>>
      %dma_start3A_383 = arith.constant 0 : i32
      %dma_start3A_384 = tpu.memref_slice %arg3[%mul3A_6, %dma_start3A_383] : memref<6400x128xi32, #tpu.memory_space<hbm>> -> memref<200x128xi32, #tpu.memory_space<hbm>>
      tpu.enqueue_dma source(%dma_start3A_384 : memref<200x128xi32, #tpu.memory_space<hbm>>) target(%arg5 : memref<200x128xi32, #tpu.memory_space<vmem>>) target_semaphore(%run_scoped3A : memref<!tpu.dma_semaphore, #tpu.memory_space<semaphore_mem>>)
      %dma_wait3A = arith.constant 0 : i32
      %dma_wait3A_385 = tpu.memref_slice %arg3[%mul3A_6, %dma_wait3A] : memref<6400x128xi32, #tpu.memory_space<hbm>> -> memref<200x128xi32, #tpu.memory_space<hbm>>
      %dma_wait3A_386 = arith.constant 0 : i32
      %dma_wait3A_387 = tpu.memref_slice %arg3[%mul3A_6, %dma_wait3A_386] : memref<6400x128xi32, #tpu.memory_space<hbm>> -> memref<200x128xi32, #tpu.memory_space<hbm>>
      tpu.wait_dma2 semaphore(%run_scoped3A : memref<!tpu.dma_semaphore, #tpu.memory_space<semaphore_mem>>) src(%dma_wait3A_387 : memref<200x128xi32, #tpu.memory_space<hbm>>) dst(%arg5 : memref<200x128xi32, #tpu.memory_space<vmem>>)
      tpu.yield
    }) : () -> ()
    %get3A = arith.constant 0 : i32
    %get3A_7 = arith.index_cast %get3A : i32 to index
    %get3A_8 = arith.constant 0 : index
    %get3A_9 = tpu.vector_load %arg5[%get3A_7, %get3A_8] {strides = array<i32>} : memref<200x128xi32, #tpu.memory_space<vmem>>, vector<1x16xi32>,
    %get3A_10 = vector.shape_cast %get3A_9 : vector<1x16xi32> to vector<16xi32>
    %and3A = arith.constant 131071 : i32
    %and3A_11 = vector.broadcast %and3A : i32 to vector<16xi32>
    %and3A_12 = arith.andi %get3A_10, %and3A_11 : vector<16xi32>
    %swap3A = arith.constant 0 : i32
    %swap3A_13 = arith.index_cast %swap3A : i32 to index
    %swap3A_14 = arith.constant 0 : index
    %swap3A_15 = tpu.vector_load %arg6[%swap3A_13, %swap3A_14] {strides = array<i32>} : memref<4x128xi32, #tpu.memory_space<vmem>>, vector<1x16xi32>,
    %swap3A_16 = vector.shape_cast %swap3A_15 : vector<1x16xi32> to vector<16xi32>
    %swap3A_17 = vector.shape_cast %and3A_12 : vector<16xi32> to vector<1x16xi32>
    tpu.vector_store %arg6[%swap3A_13, %swap3A_14], %swap3A_17 {strides = array<i32>} : memref<4x128xi32, #tpu.memory_space<vmem>>, vector<1x16xi32>,
    %get3A_18 = arith.constant 0 : i32
    %get3A_19 = arith.index_cast %get3A_18 : i32 to index
    %get3A_20 = arith.constant 16 : index
    %get3A_21 = tpu.vector_load %arg5[%get3A_19, %get3A_20] {strides = array<i32>} : memref<200x128xi32, #tpu.memory_space<vmem>>, vector<1x16xi32>,
    %get3A_22 = vector.shape_cast %get3A_21 : vector<1x16xi32> to vector<16xi32>
    %and3A_23 = arith.constant 131071 : i32
    %and3A_24 = vector.broadcast %and3A_23 : i32 to vector<16xi32>
    %and3A_25 = arith.andi %get3A_22, %and3A_24 : vector<16xi32>
    %swap3A_26 = arith.constant 0 : i32
    %swap3A_27 = arith.index_cast %swap3A_26 : i32 to index
    %swap3A_28 = arith.constant 16 : index
    %swap3A_29 = tpu.vector_load %arg6[%swap3A_27, %swap3A_28] {strides = array<i32>} : memref<4x128xi32, #tpu.memory_space<vmem>>, vector<1x16xi32>,
    %swap3A_30 = vector.shape_cast %swap3A_29 : vector<1x16xi32> to vector<16xi32>
    %swap3A_31 = vector.shape_cast %and3A_25 : vector<16xi32> to vector<1x16xi32>
    tpu.vector_store %arg6[%swap3A_27, %swap3A_28], %swap3A_31 {strides = array<i32>} : memref<4x128xi32, #tpu.memory_space<vmem>>, vector<1x16xi32>,
    %get3A_32 = arith.constant 0 : i32
    %get3A_33 = arith.index_cast %get3A_32 : i32 to index
    %get3A_34 = arith.constant 32 : index
    %get3A_35 = tpu.vector_load %arg5[%get3A_33, %get3A_34] {strides = array<i32>} : memref<200x128xi32, #tpu.memory_space<vmem>>, vector<1x16xi32>,
    %get3A_36 = vector.shape_cast %get3A_35 : vector<1x16xi32> to vector<16xi32>
    %and3A_37 = arith.constant 131071 : i32
    %and3A_38 = vector.broadcast %and3A_37 : i32 to vector<16xi32>
    %and3A_39 = arith.andi %get3A_36, %and3A_38 : vector<16xi32>
    %swap3A_40 = arith.constant 0 : i32
    %swap3A_41 = arith.index_cast %swap3A_40 : i32 to index
    %swap3A_42 = arith.constant 32 : index
    %swap3A_43 = tpu.vector_load %arg6[%swap3A_41, %swap3A_42] {strides = array<i32>} : memref<4x128xi32, #tpu.memory_space<vmem>>, vector<1x16xi32>,
    %swap3A_44 = vector.shape_cast %swap3A_43 : vector<1x16xi32> to vector<16xi32>
    %swap3A_45 = vector.shape_cast %and3A_39 : vector<16xi32> to vector<1x16xi32>
    tpu.vector_store %arg6[%swap3A_41, %swap3A_42], %swap3A_45 {strides = array<i32>} : memref<4x128xi32, #tpu.memory_space<vmem>>, vector<1x16xi32>,
    %get3A_46 = arith.constant 0 : i32
    %get3A_47 = arith.index_cast %get3A_46 : i32 to index
    %get3A_48 = arith.constant 48 : index
    %get3A_49 = tpu.vector_load %arg5[%get3A_47, %get3A_48] {strides = array<i32>} : memref<200x128xi32, #tpu.memory_space<vmem>>, vector<1x16xi32>,
    %get3A_50 = vector.shape_cast %get3A_49 : vector<1x16xi32> to vector<16xi32>
    %and3A_51 = arith.constant 131071 : i32
    %and3A_52 = vector.broadcast %and3A_51 : i32 to vector<16xi32>
    %and3A_53 = arith.andi %get3A_50, %and3A_52 : vector<16xi32>
    %swap3A_54 = arith.constant 0 : i32
    %swap3A_55 = arith.index_cast %swap3A_54 : i32 to index
    %swap3A_56 = arith.constant 48 : index
    %swap3A_57 = tpu.vector_load %arg6[%swap3A_55, %swap3A_56] {strides = array<i32>} : memref<4x128xi32, #tpu.memory_space<vmem>>, vector<1x16xi32>,
    %swap3A_58 = vector.shape_cast %swap3A_57 : vector<1x16xi32> to vector<16xi32>
    %swap3A_59 = vector.shape_cast %and3A_53 : vector<16xi32> to vector<1x16xi32>
    tpu.vector_store %arg6[%swap3A_55, %swap3A_56], %swap3A_59 {strides = array<i32>} : memref<4x128xi32, #tpu.memory_space<vmem>>, vector<1x16xi32>,
    %get3A_60 = arith.constant 0 : i32
    %get3A_61 = arith.index_cast %get3A_60 : i32 to index
    %get3A_62 = arith.constant 64 : index
    %get3A_63 = tpu.vector_load %arg5[%get3A_61, %get3A_62] {strides = array<i32>} : memref<200x128xi32, #tpu.memory_space<vmem>>, vector<1x16xi32>,
    %get3A_64 = vector.shape_cast %get3A_63 : vector<1x16xi32> to vector<16xi32>
    %and3A_65 = arith.constant 131071 : i32
    %and3A_66 = vector.broadcast %and3A_65 : i32 to vector<16xi32>
    %and3A_67 = arith.andi %get3A_64, %and3A_66 : vector<16xi32>
    %swap3A_68 = arith.constant 0 : i32
    %swap3A_69 = arith.index_cast %swap3A_68 : i32 to index
    %swap3A_70 = arith.constant 64 : index
    %swap3A_71 = tpu.vector_load %arg6[%swap3A_69, %swap3A_70] {strides = array<i32>} : memref<4x128xi32, #tpu.memory_space<vmem>>, vector<1x16xi32>,
    %swap3A_72 = vector.shape_cast %swap3A_71 : vector<1x16xi32> to vector<16xi32>
    %swap3A_73 = vector.shape_cast %and3A_67 : vector<16xi32> to vector<1x16xi32>
    tpu.vector_store %arg6[%swap3A_69, %swap3A_70], %swap3A_73 {strides = array<i32>} : memref<4x128xi32, #tpu.memory_space<vmem>>, vector<1x16xi32>,
    %get3A_74 = arith.constant 0 : i32
    %get3A_75 = arith.index_cast %get3A_74 : i32 to index
    %get3A_76 = arith.constant 80 : index
    %get3A_77 = tpu.vector_load %arg5[%get3A_75, %get3A_76] {strides = array<i32>} : memref<200x128xi32, #tpu.memory_space<vmem>>, vector<1x16xi32>,
    %get3A_78 = vector.shape_cast %get3A_77 : vector<1x16xi32> to vector<16xi32>
    %and3A_79 = arith.constant 131071 : i32
    %and3A_80 = vector.broadcast %and3A_79 : i32 to vector<16xi32>
    %and3A_81 = arith.andi %get3A_78, %and3A_80 : vector<16xi32>
    %swap3A_82 = arith.constant 0 : i32
    %swap3A_83 = arith.index_cast %swap3A_82 : i32 to index
    %swap3A_84 = arith.constant 80 : index
    %swap3A_85 = tpu.vector_load %arg6[%swap3A_83, %swap3A_84] {strides = array<i32>} : memref<4x128xi32, #tpu.memory_space<vmem>>, vector<1x16xi32>,
    %swap3A_86 = vector.shape_cast %swap3A_85 : vector<1x16xi32> to vector<16xi32>
    %swap3A_87 = vector.shape_cast %and3A_81 : vector<16xi32> to vector<1x16xi32>
    tpu.vector_store %arg6[%swap3A_83, %swap3A_84], %swap3A_87 {strides = array<i32>} : memref<4x128xi32, #tpu.memory_space<vmem>>, vector<1x16xi32>,
    %get3A_88 = arith.constant 0 : i32
    %get3A_89 = arith.index_cast %get3A_88 : i32 to index
    %get3A_90 = arith.constant 96 : index
    %get3A_91 = tpu.vector_load %arg5[%get3A_89, %get3A_90] {strides = array<i32>} : memref<200x128xi32, #tpu.memory_space<vmem>>, vector<1x16xi32>,
    %get3A_92 = vector.shape_cast %get3A_91 : vector<1x16xi32> to vector<16xi32>
    %and3A_93 = arith.constant 131071 : i32
    %and3A_94 = vector.broadcast %and3A_93 : i32 to vector<16xi32>
    %and3A_95 = arith.andi %get3A_92, %and3A_94 : vector<16xi32>
    %swap3A_96 = arith.constant 0 : i32
    %swap3A_97 = arith.index_cast %swap3A_96 : i32 to index
    %swap3A_98 = arith.constant 96 : index
    %swap3A_99 = tpu.vector_load %arg6[%swap3A_97, %swap3A_98] {strides = array<i32>} : memref<4x128xi32, #tpu.memory_space<vmem>>, vector<1x16xi32>,
    %swap3A_100 = vector.shape_cast %swap3A_99 : vector<1x16xi32> to vector<16xi32>
    %swap3A_101 = vector.shape_cast %and3A_95 : vector<16xi32> to vector<1x16xi32>
    tpu.vector_store %arg6[%swap3A_97, %swap3A_98], %swap3A_101 {strides = array<i32>} : memref<4x128xi32, #tpu.memory_space<vmem>>, vector<1x16xi32>,
    %get3A_102 = arith.constant 0 : i32
    %get3A_103 = arith.index_cast %get3A_102 : i32 to index
    %get3A_104 = arith.constant 112 : index
    %get3A_105 = tpu.vector_load %arg5[%get3A_103, %get3A_104] {strides = array<i32>} : memref<200x128xi32, #tpu.memory_space<vmem>>, vector<1x16xi32>,
    %get3A_106 = vector.shape_cast %get3A_105 : vector<1x16xi32> to vector<16xi32>
    %and3A_107 = arith.constant 131071 : i32
    %and3A_108 = vector.broadcast %and3A_107 : i32 to vector<16xi32>
    %and3A_109 = arith.andi %get3A_106, %and3A_108 : vector<16xi32>
    %swap3A_110 = arith.constant 0 : i32
    %swap3A_111 = arith.index_cast %swap3A_110 : i32 to index
    %swap3A_112 = arith.constant 112 : index
    %swap3A_113 = tpu.vector_load %arg6[%swap3A_111, %swap3A_112] {strides = array<i32>} : memref<4x128xi32, #tpu.memory_space<vmem>>, vector<1x16xi32>,
    %swap3A_114 = vector.shape_cast %swap3A_113 : vector<1x16xi32> to vector<16xi32>
    %swap3A_115 = vector.shape_cast %and3A_109 : vector<16xi32> to vector<1x16xi32>
    tpu.vector_store %arg6[%swap3A_111, %swap3A_112], %swap3A_115 {strides = array<i32>} : memref<4x128xi32, #tpu.memory_space<vmem>>, vector<1x16xi32>,
    %dma_start3A = arith.constant 0 : i32
    %dma_start3A_116 = arith.constant 0 : i32
    %dma_start3A_117 = arith.constant 0 : i32
    %dma_start3A_118 = arith.constant 0 : i32
    %dma_start3A_119 = tpu.memref_slice %arg7[%dma_start3A_116, %dma_start3A_117, %dma_start3A_118] : memref<4x128x128xf32, #tpu.memory_space<vmem>> -> memref<1x128x128xf32, #tpu.memory_space<vmem>>
    %dma_start3A_120 = tpu.memref_squeeze %dma_start3A_119 : memref<1x128x128xf32, #tpu.memory_space<vmem>> -> memref<128x128xf32, #tpu.memory_space<vmem>>
    %dma_start3A_121 = arith.constant 0 : i32
    %dma_start3A_122 = tpu.memref_slice %arg6[%dma_start3A, %dma_start3A_121] : memref<4x128xi32, #tpu.memory_space<vmem>> -> memref<1x128xi32, #tpu.memory_space<vmem>>
    %dma_start3A_123 = tpu.memref_squeeze %dma_start3A_122 : memref<1x128xi32, #tpu.memory_space<vmem>> -> memref<128xi32, #tpu.memory_space<vmem>>
    %dma_start3A_124 = arith.constant 0 : i32
    %dma_start3A_125 = arith.constant 0 : i32
    %dma_start3A_126 = tpu.memref_slice %arg2[%dma_start3A_124, %dma_start3A_125] : memref<131072x128xf32, #tpu.memory_space<hbm>> -> memref<131072x128xf32, #tpu.memory_space<hbm>>
    tpu.enqueue_indirect_dma source(%dma_start3A_126 : memref<131072x128xf32, #tpu.memory_space<hbm>>) target(%dma_start3A_120 : memref<128x128xf32, #tpu.memory_space<vmem>>) offsets(%dma_start3A_123 : memref<128xi32, #tpu.memory_space<vmem>>) semaphore(%arg9 : memref<!tpu.dma_semaphore, #tpu.memory_space<semaphore_mem>>)
    %get3A_127 = arith.constant 1 : i32
    %get3A_128 = arith.index_cast %get3A_127 : i32 to index
    %get3A_129 = arith.constant 0 : index
    %get3A_130 = tpu.vector_load %arg5[%get3A_128, %get3A_129] {strides = array<i32>} : memref<200x128xi32, #tpu.memory_space<vmem>>, vector<1x16xi32>,
    %get3A_131 = vector.shape_cast %get3A_130 : vector<1x16xi32> to vector<16xi32>
    %and3A_132 = arith.constant 131071 : i32
    %and3A_133 = vector.broadcast %and3A_132 : i32 to vector<16xi32>
    %and3A_134 = arith.andi %get3A_131, %and3A_133 : vector<16xi32>
    %swap3A_135 = arith.constant 1 : i32
    %swap3A_136 = arith.index_cast %swap3A_135 : i32 to index
    %swap3A_137 = arith.constant 0 : index
    %swap3A_138 = tpu.vector_load %arg6[%swap3A_136, %swap3A_137] {strides = array<i32>} : memref<4x128xi32, #tpu.memory_space<vmem>>, vector<1x16xi32>,
    %swap3A_139 = vector.shape_cast %swap3A_138 : vector<1x16xi32> to vector<16xi32>
    %swap3A_140 = vector.shape_cast %and3A_134 : vector<16xi32> to vector<1x16xi32>
    tpu.vector_store %arg6[%swap3A_136, %swap3A_137], %swap3A_140 {strides = array<i32>} : memref<4x128xi32, #tpu.memory_space<vmem>>, vector<1x16xi32>,
    %get3A_141 = arith.constant 1 : i32
    %get3A_142 = arith.index_cast %get3A_141 : i32 to index
    %get3A_143 = arith.constant 16 : index
    %get3A_144 = tpu.vector_load %arg5[%get3A_142, %get3A_143] {strides = array<i32>} : memref<200x128xi32, #tpu.memory_space<vmem>>, vector<1x16xi32>,
    %get3A_145 = vector.shape_cast %get3A_144 : vector<1x16xi32> to vector<16xi32>
    %and3A_146 = arith.constant 131071 : i32
    %and3A_147 = vector.broadcast %and3A_146 : i32 to vector<16xi32>
    %and3A_148 = arith.andi %get3A_145, %and3A_147 : vector<16xi32>
    %swap3A_149 = arith.constant 1 : i32
    %swap3A_150 = arith.index_cast %swap3A_149 : i32 to index
    %swap3A_151 = arith.constant 16 : index
    %swap3A_152 = tpu.vector_load %arg6[%swap3A_150, %swap3A_151] {strides = array<i32>} : memref<4x128xi32, #tpu.memory_space<vmem>>, vector<1x16xi32>,
    %swap3A_153 = vector.shape_cast %swap3A_152 : vector<1x16xi32> to vector<16xi32>
    %swap3A_154 = vector.shape_cast %and3A_148 : vector<16xi32> to vector<1x16xi32>
    tpu.vector_store %arg6[%swap3A_150, %swap3A_151], %swap3A_154 {strides = array<i32>} : memref<4x128xi32, #tpu.memory_space<vmem>>, vector<1x16xi32>,
    %get3A_155 = arith.constant 1 : i32
    %get3A_156 = arith.index_cast %get3A_155 : i32 to index
    %get3A_157 = arith.constant 32 : index
    %get3A_158 = tpu.vector_load %arg5[%get3A_156, %get3A_157] {strides = array<i32>} : memref<200x128xi32, #tpu.memory_space<vmem>>, vector<1x16xi32>,
    %get3A_159 = vector.shape_cast %get3A_158 : vector<1x16xi32> to vector<16xi32>
    %and3A_160 = arith.constant 131071 : i32
    %and3A_161 = vector.broadcast %and3A_160 : i32 to vector<16xi32>
    %and3A_162 = arith.andi %get3A_159, %and3A_161 : vector<16xi32>
    %swap3A_163 = arith.constant 1 : i32
    %swap3A_164 = arith.index_cast %swap3A_163 : i32 to index
    %swap3A_165 = arith.constant 32 : index
    %swap3A_166 = tpu.vector_load %arg6[%swap3A_164, %swap3A_165] {strides = array<i32>} : memref<4x128xi32, #tpu.memory_space<vmem>>, vector<1x16xi32>,
    %swap3A_167 = vector.shape_cast %swap3A_166 : vector<1x16xi32> to vector<16xi32>
    %swap3A_168 = vector.shape_cast %and3A_162 : vector<16xi32> to vector<1x16xi32>
    tpu.vector_store %arg6[%swap3A_164, %swap3A_165], %swap3A_168 {strides = array<i32>} : memref<4x128xi32, #tpu.memory_space<vmem>>, vector<1x16xi32>,
    %get3A_169 = arith.constant 1 : i32
    %get3A_170 = arith.index_cast %get3A_169 : i32 to index
    %get3A_171 = arith.constant 48 : index
    %get3A_172 = tpu.vector_load %arg5[%get3A_170, %get3A_171] {strides = array<i32>} : memref<200x128xi32, #tpu.memory_space<vmem>>, vector<1x16xi32>,
    %get3A_173 = vector.shape_cast %get3A_172 : vector<1x16xi32> to vector<16xi32>
    %and3A_174 = arith.constant 131071 : i32
    %and3A_175 = vector.broadcast %and3A_174 : i32 to vector<16xi32>
    %and3A_176 = arith.andi %get3A_173, %and3A_175 : vector<16xi32>
    %swap3A_177 = arith.constant 1 : i32
    %swap3A_178 = arith.index_cast %swap3A_177 : i32 to index
    %swap3A_179 = arith.constant 48 : index
    %swap3A_180 = tpu.vector_load %arg6[%swap3A_178, %swap3A_179] {strides = array<i32>} : memref<4x128xi32, #tpu.memory_space<vmem>>, vector<1x16xi32>,
    %swap3A_181 = vector.shape_cast %swap3A_180 : vector<1x16xi32> to vector<16xi32>
    %swap3A_182 = vector.shape_cast %and3A_176 : vector<16xi32> to vector<1x16xi32>
    tpu.vector_store %arg6[%swap3A_178, %swap3A_179], %swap3A_182 {strides = array<i32>} : memref<4x128xi32, #tpu.memory_space<vmem>>, vector<1x16xi32>,
    %get3A_183 = arith.constant 1 : i32
    %get3A_184 = arith.index_cast %get3A_183 : i32 to index
    %get3A_185 = arith.constant 64 : index
    %get3A_186 = tpu.vector_load %arg5[%get3A_184, %get3A_185] {strides = array<i32>} : memref<200x128xi32, #tpu.memory_space<vmem>>, vector<1x16xi32>,
    %get3A_187 = vector.shape_cast %get3A_186 : vector<1x16xi32> to vector<16xi32>
    %and3A_188 = arith.constant 131071 : i32
    %and3A_189 = vector.broadcast %and3A_188 : i32 to vector<16xi32>
    %and3A_190 = arith.andi %get3A_187, %and3A_189 : vector<16xi32>
    %swap3A_191 = arith.constant 1 : i32
    %swap3A_192 = arith.index_cast %swap3A_191 : i32 to index
    %swap3A_193 = arith.constant 64 : index
    %swap3A_194 = tpu.vector_load %arg6[%swap3A_192, %swap3A_193] {strides = array<i32>} : memref<4x128xi32, #tpu.memory_space<vmem>>, vector<1x16xi32>,
    %swap3A_195 = vector.shape_cast %swap3A_194 : vector<1x16xi32> to vector<16xi32>
    %swap3A_196 = vector.shape_cast %and3A_190 : vector<16xi32> to vector<1x16xi32>
    tpu.vector_store %arg6[%swap3A_192, %swap3A_193], %swap3A_196 {strides = array<i32>} : memref<4x128xi32, #tpu.memory_space<vmem>>, vector<1x16xi32>,
    %get3A_197 = arith.constant 1 : i32
    %get3A_198 = arith.index_cast %get3A_197 : i32 to index
    %get3A_199 = arith.constant 80 : index
    %get3A_200 = tpu.vector_load %arg5[%get3A_198, %get3A_199] {strides = array<i32>} : memref<200x128xi32, #tpu.memory_space<vmem>>, vector<1x16xi32>,
    %get3A_201 = vector.shape_cast %get3A_200 : vector<1x16xi32> to vector<16xi32>
    %and3A_202 = arith.constant 131071 : i32
    %and3A_203 = vector.broadcast %and3A_202 : i32 to vector<16xi32>
    %and3A_204 = arith.andi %get3A_201, %and3A_203 : vector<16xi32>
    %swap3A_205 = arith.constant 1 : i32
    %swap3A_206 = arith.index_cast %swap3A_205 : i32 to index
    %swap3A_207 = arith.constant 80 : index
    %swap3A_208 = tpu.vector_load %arg6[%swap3A_206, %swap3A_207] {strides = array<i32>} : memref<4x128xi32, #tpu.memory_space<vmem>>, vector<1x16xi32>,
    %swap3A_209 = vector.shape_cast %swap3A_208 : vector<1x16xi32> to vector<16xi32>
    %swap3A_210 = vector.shape_cast %and3A_204 : vector<16xi32> to vector<1x16xi32>
    tpu.vector_store %arg6[%swap3A_206, %swap3A_207], %swap3A_210 {strides = array<i32>} : memref<4x128xi32, #tpu.memory_space<vmem>>, vector<1x16xi32>,
    %get3A_211 = arith.constant 1 : i32
    %get3A_212 = arith.index_cast %get3A_211 : i32 to index
    %get3A_213 = arith.constant 96 : index
    %get3A_214 = tpu.vector_load %arg5[%get3A_212, %get3A_213] {strides = array<i32>} : memref<200x128xi32, #tpu.memory_space<vmem>>, vector<1x16xi32>,
    %get3A_215 = vector.shape_cast %get3A_214 : vector<1x16xi32> to vector<16xi32>
    %and3A_216 = arith.constant 131071 : i32
    %and3A_217 = vector.broadcast %and3A_216 : i32 to vector<16xi32>
    %and3A_218 = arith.andi %get3A_215, %and3A_217 : vector<16xi32>
    %swap3A_219 = arith.constant 1 : i32
    %swap3A_220 = arith.index_cast %swap3A_219 : i32 to index
    %swap3A_221 = arith.constant 96 : index
    %swap3A_222 = tpu.vector_load %arg6[%swap3A_220, %swap3A_221] {strides = array<i32>} : memref<4x128xi32, #tpu.memory_space<vmem>>, vector<1x16xi32>,
    %swap3A_223 = vector.shape_cast %swap3A_222 : vector<1x16xi32> to vector<16xi32>
    %swap3A_224 = vector.shape_cast %and3A_218 : vector<16xi32> to vector<1x16xi32>
    tpu.vector_store %arg6[%swap3A_220, %swap3A_221], %swap3A_224 {strides = array<i32>} : memref<4x128xi32, #tpu.memory_space<vmem>>, vector<1x16xi32>,
    %get3A_225 = arith.constant 1 : i32
    %get3A_226 = arith.index_cast %get3A_225 : i32 to index
    %get3A_227 = arith.constant 112 : index
    %get3A_228 = tpu.vector_load %arg5[%get3A_226, %get3A_227] {strides = array<i32>} : memref<200x128xi32, #tpu.memory_space<vmem>>, vector<1x16xi32>,
    %get3A_229 = vector.shape_cast %get3A_228 : vector<1x16xi32> to vector<16xi32>
    %and3A_230 = arith.constant 131071 : i32
    %and3A_231 = vector.broadcast %and3A_230 : i32 to vector<16xi32>
    %and3A_232 = arith.andi %get3A_229, %and3A_231 : vector<16xi32>
    %swap3A_233 = arith.constant 1 : i32
    %swap3A_234 = arith.index_cast %swap3A_233 : i32 to index
    %swap3A_235 = arith.constant 112 : index
    %swap3A_236 = tpu.vector_load %arg6[%swap3A_234, %swap3A_235] {strides = array<i32>} : memref<4x128xi32, #tpu.memory_space<vmem>>, vector<1x16xi32>,
    %swap3A_237 = vector.shape_cast %swap3A_236 : vector<1x16xi32> to vector<16xi32>
    %swap3A_238 = vector.shape_cast %and3A_232 : vector<16xi32> to vector<1x16xi32>
    tpu.vector_store %arg6[%swap3A_234, %swap3A_235], %swap3A_238 {strides = array<i32>} : memref<4x128xi32, #tpu.memory_space<vmem>>, vector<1x16xi32>,
    %dma_start3A_239 = arith.constant 1 : i32
    %dma_start3A_240 = arith.constant 1 : i32
    %dma_start3A_241 = arith.constant 0 : i32
    %dma_start3A_242 = arith.constant 0 : i32
    %dma_start3A_243 = tpu.memref_slice %arg7[%dma_start3A_240, %dma_start3A_241, %dma_start3A_242] : memref<4x128x128xf32, #tpu.memory_space<vmem>> -> memref<1x128x128xf32, #tpu.memory_space<vmem>>
    %dma_start3A_244 = tpu.memref_squeeze %dma_start3A_243 : memref<1x128x128xf32, #tpu.memory_space<vmem>> -> memref<128x128xf32, #tpu.memory_space<vmem>>
    %dma_start3A_245 = arith.constant 0 : i32
    %dma_start3A_246 = tpu.memref_slice %arg6[%dma_start3A_239, %dma_start3A_245] : memref<4x128xi32, #tpu.memory_space<vmem>> -> memref<1x128xi32, #tpu.memory_space<vmem>>
    %dma_start3A_247 = tpu.memref_squeeze %dma_start3A_246 : memref<1x128xi32, #tpu.memory_space<vmem>> -> memref<128xi32, #tpu.memory_space<vmem>>
    %dma_start3A_248 = arith.constant 0 : i32
    %dma_start3A_249 = arith.constant 0 : i32
    %dma_start3A_250 = tpu.memref_slice %arg2[%dma_start3A_248, %dma_start3A_249] : memref<131072x128xf32, #tpu.memory_space<hbm>> -> memref<131072x128xf32, #tpu.memory_space<hbm>>
    tpu.enqueue_indirect_dma source(%dma_start3A_250 : memref<131072x128xf32, #tpu.memory_space<hbm>>) target(%dma_start3A_244 : memref<128x128xf32, #tpu.memory_space<vmem>>) offsets(%dma_start3A_247 : memref<128xi32, #tpu.memory_space<vmem>>) semaphore(%arg10 : memref<!tpu.dma_semaphore, #tpu.memory_space<semaphore_mem>>)
    %get3A_251 = arith.constant 2 : i32
    %get3A_252 = arith.index_cast %get3A_251 : i32 to index
    %get3A_253 = arith.constant 0 : index
    %get3A_254 = tpu.vector_load %arg5[%get3A_252, %get3A_253] {strides = array<i32>} : memref<200x128xi32, #tpu.memory_space<vmem>>, vector<1x16xi32>,
    %get3A_255 = vector.shape_cast %get3A_254 : vector<1x16xi32> to vector<16xi32>
    %and3A_256 = arith.constant 131071 : i32
    %and3A_257 = vector.broadcast %and3A_256 : i32 to vector<16xi32>
    %and3A_258 = arith.andi %get3A_255, %and3A_257 : vector<16xi32>
    %swap3A_259 = arith.constant 2 : i32
    %swap3A_260 = arith.index_cast %swap3A_259 : i32 to index
    %swap3A_261 = arith.constant 0 : index
    %swap3A_262 = tpu.vector_load %arg6[%swap3A_260, %swap3A_261] {strides = array<i32>} : memref<4x128xi32, #tpu.memory_space<vmem>>, vector<1x16xi32>,
    %swap3A_263 = vector.shape_cast %swap3A_262 : vector<1x16xi32> to vector<16xi32>
    %swap3A_264 = vector.shape_cast %and3A_258 : vector<16xi32> to vector<1x16xi32>
    tpu.vector_store %arg6[%swap3A_260, %swap3A_261], %swap3A_264 {strides = array<i32>} : memref<4x128xi32, #tpu.memory_space<vmem>>, vector<1x16xi32>,
    %get3A_265 = arith.constant 2 : i32
    %get3A_266 = arith.index_cast %get3A_265 : i32 to index
    %get3A_267 = arith.constant 16 : index
    %get3A_268 = tpu.vector_load %arg5[%get3A_266, %get3A_267] {strides = array<i32>} : memref<200x128xi32, #tpu.memory_space<vmem>>, vector<1x16xi32>,
    %get3A_269 = vector.shape_cast %get3A_268 : vector<1x16xi32> to vector<16xi32>
    %and3A_270 = arith.constant 131071 : i32
    %and3A_271 = vector.broadcast %and3A_270 : i32 to vector<16xi32>
    %and3A_272 = arith.andi %get3A_269, %and3A_271 : vector<16xi32>
    %swap3A_273 = arith.constant 2 : i32
    %swap3A_274 = arith.index_cast %swap3A_273 : i32 to index
    %swap3A_275 = arith.constant 16 : index
    %swap3A_276 = tpu.vector_load %arg6[%swap3A_274, %swap3A_275] {strides = array<i32>} : memref<4x128xi32, #tpu.memory_space<vmem>>, vector<1x16xi32>,
    %swap3A_277 = vector.shape_cast %swap3A_276 : vector<1x16xi32> to vector<16xi32>
    %swap3A_278 = vector.shape_cast %and3A_272 : vector<16xi32> to vector<1x16xi32>
    tpu.vector_store %arg6[%swap3A_274, %swap3A_275], %swap3A_278 {strides = array<i32>} : memref<4x128xi32, #tpu.memory_space<vmem>>, vector<1x16xi32>,
    %get3A_279 = arith.constant 2 : i32
    %get3A_280 = arith.index_cast %get3A_279 : i32 to index
    %get3A_281 = arith.constant 32 : index
    %get3A_282 = tpu.vector_load %arg5[%get3A_280, %get3A_281] {strides = array<i32>} : memref<200x128xi32, #tpu.memory_space<vmem>>, vector<1x16xi32>,
    %get3A_283 = vector.shape_cast %get3A_282 : vector<1x16xi32> to vector<16xi32>
    %and3A_284 = arith.constant 131071 : i32
    %and3A_285 = vector.broadcast %and3A_284 : i32 to vector<16xi32>
    %and3A_286 = arith.andi %get3A_283, %and3A_285 : vector<16xi32>
    %swap3A_287 = arith.constant 2 : i32
    %swap3A_288 = arith.index_cast %swap3A_287 : i32 to index
    %swap3A_289 = arith.constant 32 : index
    %swap3A_290 = tpu.vector_load %arg6[%swap3A_288, %swap3A_289] {strides = array<i32>} : memref<4x128xi32, #tpu.memory_space<vmem>>, vector<1x16xi32>,
    %swap3A_291 = vector.shape_cast %swap3A_290 : vector<1x16xi32> to vector<16xi32>
    %swap3A_292 = vector.shape_cast %and3A_286 : vector<16xi32> to vector<1x16xi32>
    tpu.vector_store %arg6[%swap3A_288, %swap3A_289], %swap3A_292 {strides = array<i32>} : memref<4x128xi32, #tpu.memory_space<vmem>>, vector<1x16xi32>,
    %get3A_293 = arith.constant 2 : i32
    %get3A_294 = arith.index_cast %get3A_293 : i32 to index
    %get3A_295 = arith.constant 48 : index
    %get3A_296 = tpu.vector_load %arg5[%get3A_294, %get3A_295] {strides = array<i32>} : memref<200x128xi32, #tpu.memory_space<vmem>>, vector<1x16xi32>,
    %get3A_297 = vector.shape_cast %get3A_296 : vector<1x16xi32> to vector<16xi32>
    %and3A_298 = arith.constant 131071 : i32
    %and3A_299 = vector.broadcast %and3A_298 : i32 to vector<16xi32>
    %and3A_300 = arith.andi %get3A_297, %and3A_299 : vector<16xi32>
    %swap3A_301 = arith.constant 2 : i32
    %swap3A_302 = arith.index_cast %swap3A_301 : i32 to index
    %swap3A_303 = arith.constant 48 : index
    %swap3A_304 = tpu.vector_load %arg6[%swap3A_302, %swap3A_303] {strides = array<i32>} : memref<4x128xi32, #tpu.memory_space<vmem>>, vector<1x16xi32>,
    %swap3A_305 = vector.shape_cast %swap3A_304 : vector<1x16xi32> to vector<16xi32>
    %swap3A_306 = vector.shape_cast %and3A_300 : vector<16xi32> to vector<1x16xi32>
    tpu.vector_store %arg6[%swap3A_302, %swap3A_303], %swap3A_306 {strides = array<i32>} : memref<4x128xi32, #tpu.memory_space<vmem>>, vector<1x16xi32>,
    %get3A_307 = arith.constant 2 : i32
    %get3A_308 = arith.index_cast %get3A_307 : i32 to index
    %get3A_309 = arith.constant 64 : index
    %get3A_310 = tpu.vector_load %arg5[%get3A_308, %get3A_309] {strides = array<i32>} : memref<200x128xi32, #tpu.memory_space<vmem>>, vector<1x16xi32>,
    %get3A_311 = vector.shape_cast %get3A_310 : vector<1x16xi32> to vector<16xi32>
    %and3A_312 = arith.constant 131071 : i32
    %and3A_313 = vector.broadcast %and3A_312 : i32 to vector<16xi32>
    %and3A_314 = arith.andi %get3A_311, %and3A_313 : vector<16xi32>
    %swap3A_315 = arith.constant 2 : i32
    %swap3A_316 = arith.index_cast %swap3A_315 : i32 to index
    %swap3A_317 = arith.constant 64 : index
    %swap3A_318 = tpu.vector_load %arg6[%swap3A_316, %swap3A_317] {strides = array<i32>} : memref<4x128xi32, #tpu.memory_space<vmem>>, vector<1x16xi32>,
    %swap3A_319 = vector.shape_cast %swap3A_318 : vector<1x16xi32> to vector<16xi32>
    %swap3A_320 = vector.shape_cast %and3A_314 : vector<16xi32> to vector<1x16xi32>
    tpu.vector_store %arg6[%swap3A_316, %swap3A_317], %swap3A_320 {strides = array<i32>} : memref<4x128xi32, #tpu.memory_space<vmem>>, vector<1x16xi32>,
    %get3A_321 = arith.constant 2 : i32
    %get3A_322 = arith.index_cast %get3A_321 : i32 to index
    %get3A_323 = arith.constant 80 : index
    %get3A_324 = tpu.vector_load %arg5[%get3A_322, %get3A_323] {strides = array<i32>} : memref<200x128xi32, #tpu.memory_space<vmem>>, vector<1x16xi32>,
    %get3A_325 = vector.shape_cast %get3A_324 : vector<1x16xi32> to vector<16xi32>
    %and3A_326 = arith.constant 131071 : i32
    %and3A_327 = vector.broadcast %and3A_326 : i32 to vector<16xi32>
    %and3A_328 = arith.andi %get3A_325, %and3A_327 : vector<16xi32>
    %swap3A_329 = arith.constant 2 : i32
    %swap3A_330 = arith.index_cast %swap3A_329 : i32 to index
    %swap3A_331 = arith.constant 80 : index
    %swap3A_332 = tpu.vector_load %arg6[%swap3A_330, %swap3A_331] {strides = array<i32>} : memref<4x128xi32, #tpu.memory_space<vmem>>, vector<1x16xi32>,
    %swap3A_333 = vector.shape_cast %swap3A_332 : vector<1x16xi32> to vector<16xi32>
    %swap3A_334 = vector.shape_cast %and3A_328 : vector<16xi32> to vector<1x16xi32>
    tpu.vector_store %arg6[%swap3A_330, %swap3A_331], %swap3A_334 {strides = array<i32>} : memref<4x128xi32, #tpu.memory_space<vmem>>, vector<1x16xi32>,
    %get3A_335 = arith.constant 2 : i32
    %get3A_336 = arith.index_cast %get3A_335 : i32 to index
    %get3A_337 = arith.constant 96 : index
    %get3A_338 = tpu.vector_load %arg5[%get3A_336, %get3A_337] {strides = array<i32>} : memref<200x128xi32, #tpu.memory_space<vmem>>, vector<1x16xi32>,
    %get3A_339 = vector.shape_cast %get3A_338 : vector<1x16xi32> to vector<16xi32>
    %and3A_340 = arith.constant 131071 : i32
    %and3A_341 = vector.broadcast %and3A_340 : i32 to vector<16xi32>
    %and3A_342 = arith.andi %get3A_339, %and3A_341 : vector<16xi32>
    %swap3A_343 = arith.constant 2 : i32
    %swap3A_344 = arith.index_cast %swap3A_343 : i32 to index
    %swap3A_345 = arith.constant 96 : index
    %swap3A_346 = tpu.vector_load %arg6[%swap3A_344, %swap3A_345] {strides = array<i32>} : memref<4x128xi32, #tpu.memory_space<vmem>>, vector<1x16xi32>,
    %swap3A_347 = vector.shape_cast %swap3A_346 : vector<1x16xi32> to vector<16xi32>
    %swap3A_348 = vector.shape_cast %and3A_342 : vector<16xi32> to vector<1x16xi32>
    tpu.vector_store %arg6[%swap3A_344, %swap3A_345], %swap3A_348 {strides = array<i32>} : memref<4x128xi32, #tpu.memory_space<vmem>>, vector<1x16xi32>,
    %get3A_349 = arith.constant 2 : i32
    %get3A_350 = arith.index_cast %get3A_349 : i32 to index
    %get3A_351 = arith.constant 112 : index
    %get3A_352 = tpu.vector_load %arg5[%get3A_350, %get3A_351] {strides = array<i32>} : memref<200x128xi32, #tpu.memory_space<vmem>>, vector<1x16xi32>,
    %get3A_353 = vector.shape_cast %get3A_352 : vector<1x16xi32> to vector<16xi32>
    %and3A_354 = arith.constant 131071 : i32
    %and3A_355 = vector.broadcast %and3A_354 : i32 to vector<16xi32>
    %and3A_356 = arith.andi %get3A_353, %and3A_355 : vector<16xi32>
    %swap3A_357 = arith.constant 2 : i32
    %swap3A_358 = arith.index_cast %swap3A_357 : i32 to index
    %swap3A_359 = arith.constant 112 : index
    %swap3A_360 = tpu.vector_load %arg6[%swap3A_358, %swap3A_359] {strides = array<i32>} : memref<4x128xi32, #tpu.memory_space<vmem>>, vector<1x16xi32>,
    %swap3A_361 = vector.shape_cast %swap3A_360 : vector<1x16xi32> to vector<16xi32>
    %swap3A_362 = vector.shape_cast %and3A_356 : vector<16xi32> to vector<1x16xi32>
    tpu.vector_store %arg6[%swap3A_358, %swap3A_359], %swap3A_362 {strides = array<i32>} : memref<4x128xi32, #tpu.memory_space<vmem>>, vector<1x16xi32>,
    %dma_start3A_363 = arith.constant 2 : i32
    %dma_start3A_364 = arith.constant 2 : i32
    %dma_start3A_365 = arith.constant 0 : i32
    %dma_start3A_366 = arith.constant 0 : i32
    %dma_start3A_367 = tpu.memref_slice %arg7[%dma_start3A_364, %dma_start3A_365, %dma_start3A_366] : memref<4x128x128xf32, #tpu.memory_space<vmem>> -> memref<1x128x128xf32, #tpu.memory_space<vmem>>
    %dma_start3A_368 = tpu.memref_squeeze %dma_start3A_367 : memref<1x128x128xf32, #tpu.memory_space<vmem>> -> memref<128x128xf32, #tpu.memory_space<vmem>>
    %dma_start3A_369 = arith.constant 0 : i32
    %dma_start3A_370 = tpu.memref_slice %arg6[%dma_start3A_363, %dma_start3A_369] : memref<4x128xi32, #tpu.memory_space<vmem>> -> memref<1x128xi32, #tpu.memory_space<vmem>>
    %dma_start3A_371 = tpu.memref_squeeze %dma_start3A_370 : memref<1x128xi32, #tpu.memory_space<vmem>> -> memref<128xi32, #tpu.memory_space<vmem>>
    %dma_start3A_372 = arith.constant 0 : i32
    %dma_start3A_373 = arith.constant 0 : i32
    %dma_start3A_374 = tpu.memref_slice %arg2[%dma_start3A_372, %dma_start3A_373] : memref<131072x128xf32, #tpu.memory_space<hbm>> -> memref<131072x128xf32, #tpu.memory_space<hbm>>
    tpu.enqueue_indirect_dma source(%dma_start3A_374 : memref<131072x128xf32, #tpu.memory_space<hbm>>) target(%dma_start3A_368 : memref<128x128xf32, #tpu.memory_space<vmem>>) offsets(%dma_start3A_371 : memref<128xi32, #tpu.memory_space<vmem>>) semaphore(%arg11 : memref<!tpu.dma_semaphore, #tpu.memory_space<semaphore_mem>>)
    %scan3A = arith.constant 0 : i32
    %scan3A_375 = arith.constant 0 : i32
    %scan3A_376 = arith.constant 50 : i32
    %scan3A_377 = arith.addi %scan3A_375, %scan3A_376 : i32
    %scan3A_378 = arith.constant 1 : i32
    %scan3A_379 = scf.for %scan3A_381 = %scan3A_375 to %scan3A_377 step %scan3A_378 iter_args(%scan3A_382 = %scan3A) -> (i32)  : i32 {
      %mul3A_383 = arith.constant 4 : i32
      %mul3A_384 = arith.muli %scan3A_381, %mul3A_383 : i32
      %add3A_385 = arith.constant 0 : i32
      %add3A_386 = arith.addi %mul3A_384, %add3A_385 : i32
      %add3A_387 = arith.constant 3 : i32
      %add3A_388 = arith.addi %add3A_386, %add3A_387 : i32
      %lt3A = arith.constant 200 : i32
      %lt3A_389 = arith.cmpi slt, %add3A_388, %lt3A : i32
      %convert_element_type3A = arith.extui %lt3A_389 : i1 to i32
      %cond3A = arith.constant 0 : i32
      %cond3A_390 = arith.cmpi ne, %convert_element_type3A, %cond3A : i32
      scf.if %cond3A_390 {
        %get3A_514 = arith.index_cast %add3A_388 : i32 to index
        %get3A_515 = arith.constant 0 : index
        %get3A_516 = tpu.vector_load %arg5[%get3A_514, %get3A_515] {strides = array<i32>} : memref<200x128xi32, #tpu.memory_space<vmem>>, vector<1x16xi32>,
        %get3A_517 = vector.shape_cast %get3A_516 : vector<1x16xi32> to vector<16xi32>
        %and3A_518 = arith.constant 131071 : i32
        %and3A_519 = vector.broadcast %and3A_518 : i32 to vector<16xi32>
        %and3A_520 = arith.andi %get3A_517, %and3A_519 : vector<16xi32>
        %swap3A_521 = arith.constant 3 : i32
        %swap3A_522 = arith.index_cast %swap3A_521 : i32 to index
        %swap3A_523 = arith.constant 0 : index
        %swap3A_524 = tpu.vector_load %arg6[%swap3A_522, %swap3A_523] {strides = array<i32>} : memref<4x128xi32, #tpu.memory_space<vmem>>, vector<1x16xi32>,
        %swap3A_525 = vector.shape_cast %swap3A_524 : vector<1x16xi32> to vector<16xi32>
        %swap3A_526 = vector.shape_cast %and3A_520 : vector<16xi32> to vector<1x16xi32>
        tpu.vector_store %arg6[%swap3A_522, %swap3A_523], %swap3A_526 {strides = array<i32>} : memref<4x128xi32, #tpu.memory_space<vmem>>, vector<1x16xi32>,
        %get3A_527 = arith.index_cast %add3A_388 : i32 to index
        %get3A_528 = arith.constant 16 : index
        %get3A_529 = tpu.vector_load %arg5[%get3A_527, %get3A_528] {strides = array<i32>} : memref<200x128xi32, #tpu.memory_space<vmem>>, vector<1x16xi32>,
        %get3A_530 = vector.shape_cast %get3A_529 : vector<1x16xi32> to vector<16xi32>
        %and3A_531 = arith.constant 131071 : i32
        %and3A_532 = vector.broadcast %and3A_531 : i32 to vector<16xi32>
        %and3A_533 = arith.andi %get3A_530, %and3A_532 : vector<16xi32>
        %swap3A_534 = arith.constant 3 : i32
        %swap3A_535 = arith.index_cast %swap3A_534 : i32 to index
        %swap3A_536 = arith.constant 16 : index
        %swap3A_537 = tpu.vector_load %arg6[%swap3A_535, %swap3A_536] {strides = array<i32>} : memref<4x128xi32, #tpu.memory_space<vmem>>, vector<1x16xi32>,
        %swap3A_538 = vector.shape_cast %swap3A_537 : vector<1x16xi32> to vector<16xi32>
        %swap3A_539 = vector.shape_cast %and3A_533 : vector<16xi32> to vector<1x16xi32>
        tpu.vector_store %arg6[%swap3A_535, %swap3A_536], %swap3A_539 {strides = array<i32>} : memref<4x128xi32, #tpu.memory_space<vmem>>, vector<1x16xi32>,
        %get3A_540 = arith.index_cast %add3A_388 : i32 to index
        %get3A_541 = arith.constant 32 : index
        %get3A_542 = tpu.vector_load %arg5[%get3A_540, %get3A_541] {strides = array<i32>} : memref<200x128xi32, #tpu.memory_space<vmem>>, vector<1x16xi32>,
        %get3A_543 = vector.shape_cast %get3A_542 : vector<1x16xi32> to vector<16xi32>
        %and3A_544 = arith.constant 131071 : i32
        %and3A_545 = vector.broadcast %and3A_544 : i32 to vector<16xi32>
        %and3A_546 = arith.andi %get3A_543, %and3A_545 : vector<16xi32>
        %swap3A_547 = arith.constant 3 : i32
        %swap3A_548 = arith.index_cast %swap3A_547 : i32 to index
        %swap3A_549 = arith.constant 32 : index
        %swap3A_550 = tpu.vector_load %arg6[%swap3A_548, %swap3A_549] {strides = array<i32>} : memref<4x128xi32, #tpu.memory_space<vmem>>, vector<1x16xi32>,
        %swap3A_551 = vector.shape_cast %swap3A_550 : vector<1x16xi32> to vector<16xi32>
        %swap3A_552 = vector.shape_cast %and3A_546 : vector<16xi32> to vector<1x16xi32>
        tpu.vector_store %arg6[%swap3A_548, %swap3A_549], %swap3A_552 {strides = array<i32>} : memref<4x128xi32, #tpu.memory_space<vmem>>, vector<1x16xi32>,
        %get3A_553 = arith.index_cast %add3A_388 : i32 to index
        %get3A_554 = arith.constant 48 : index
        %get3A_555 = tpu.vector_load %arg5[%get3A_553, %get3A_554] {strides = array<i32>} : memref<200x128xi32, #tpu.memory_space<vmem>>, vector<1x16xi32>,
        %get3A_556 = vector.shape_cast %get3A_555 : vector<1x16xi32> to vector<16xi32>
        %and3A_557 = arith.constant 131071 : i32
        %and3A_558 = vector.broadcast %and3A_557 : i32 to vector<16xi32>
        %and3A_559 = arith.andi %get3A_556, %and3A_558 : vector<16xi32>
        %swap3A_560 = arith.constant 3 : i32
        %swap3A_561 = arith.index_cast %swap3A_560 : i32 to index
        %swap3A_562 = arith.constant 48 : index
        %swap3A_563 = tpu.vector_load %arg6[%swap3A_561, %swap3A_562] {strides = array<i32>} : memref<4x128xi32, #tpu.memory_space<vmem>>, vector<1x16xi32>,
        %swap3A_564 = vector.shape_cast %swap3A_563 : vector<1x16xi32> to vector<16xi32>
        %swap3A_565 = vector.shape_cast %and3A_559 : vector<16xi32> to vector<1x16xi32>
        tpu.vector_store %arg6[%swap3A_561, %swap3A_562], %swap3A_565 {strides = array<i32>} : memref<4x128xi32, #tpu.memory_space<vmem>>, vector<1x16xi32>,
        %get3A_566 = arith.index_cast %add3A_388 : i32 to index
        %get3A_567 = arith.constant 64 : index
        %get3A_568 = tpu.vector_load %arg5[%get3A_566, %get3A_567] {strides = array<i32>} : memref<200x128xi32, #tpu.memory_space<vmem>>, vector<1x16xi32>,
        %get3A_569 = vector.shape_cast %get3A_568 : vector<1x16xi32> to vector<16xi32>
        %and3A_570 = arith.constant 131071 : i32
        %and3A_571 = vector.broadcast %and3A_570 : i32 to vector<16xi32>
        %and3A_572 = arith.andi %get3A_569, %and3A_571 : vector<16xi32>
        %swap3A_573 = arith.constant 3 : i32
        %swap3A_574 = arith.index_cast %swap3A_573 : i32 to index
        %swap3A_575 = arith.constant 64 : index
        %swap3A_576 = tpu.vector_load %arg6[%swap3A_574, %swap3A_575] {strides = array<i32>} : memref<4x128xi32, #tpu.memory_space<vmem>>, vector<1x16xi32>,
        %swap3A_577 = vector.shape_cast %swap3A_576 : vector<1x16xi32> to vector<16xi32>
        %swap3A_578 = vector.shape_cast %and3A_572 : vector<16xi32> to vector<1x16xi32>
        tpu.vector_store %arg6[%swap3A_574, %swap3A_575], %swap3A_578 {strides = array<i32>} : memref<4x128xi32, #tpu.memory_space<vmem>>, vector<1x16xi32>,
        %get3A_579 = arith.index_cast %add3A_388 : i32 to index
        %get3A_580 = arith.constant 80 : index
        %get3A_581 = tpu.vector_load %arg5[%get3A_579, %get3A_580] {strides = array<i32>} : memref<200x128xi32, #tpu.memory_space<vmem>>, vector<1x16xi32>,
        %get3A_582 = vector.shape_cast %get3A_581 : vector<1x16xi32> to vector<16xi32>
        %and3A_583 = arith.constant 131071 : i32
        %and3A_584 = vector.broadcast %and3A_583 : i32 to vector<16xi32>
        %and3A_585 = arith.andi %get3A_582, %and3A_584 : vector<16xi32>
        %swap3A_586 = arith.constant 3 : i32
        %swap3A_587 = arith.index_cast %swap3A_586 : i32 to index
        %swap3A_588 = arith.constant 80 : index
        %swap3A_589 = tpu.vector_load %arg6[%swap3A_587, %swap3A_588] {strides = array<i32>} : memref<4x128xi32, #tpu.memory_space<vmem>>, vector<1x16xi32>,
        %swap3A_590 = vector.shape_cast %swap3A_589 : vector<1x16xi32> to vector<16xi32>
        %swap3A_591 = vector.shape_cast %and3A_585 : vector<16xi32> to vector<1x16xi32>
        tpu.vector_store %arg6[%swap3A_587, %swap3A_588], %swap3A_591 {strides = array<i32>} : memref<4x128xi32, #tpu.memory_space<vmem>>, vector<1x16xi32>,
        %get3A_592 = arith.index_cast %add3A_388 : i32 to index
        %get3A_593 = arith.constant 96 : index
        %get3A_594 = tpu.vector_load %arg5[%get3A_592, %get3A_593] {strides = array<i32>} : memref<200x128xi32, #tpu.memory_space<vmem>>, vector<1x16xi32>,
        %get3A_595 = vector.shape_cast %get3A_594 : vector<1x16xi32> to vector<16xi32>
        %and3A_596 = arith.constant 131071 : i32
        %and3A_597 = vector.broadcast %and3A_596 : i32 to vector<16xi32>
        %and3A_598 = arith.andi %get3A_595, %and3A_597 : vector<16xi32>
        %swap3A_599 = arith.constant 3 : i32
        %swap3A_600 = arith.index_cast %swap3A_599 : i32 to index
        %swap3A_601 = arith.constant 96 : index
        %swap3A_602 = tpu.vector_load %arg6[%swap3A_600, %swap3A_601] {strides = array<i32>} : memref<4x128xi32, #tpu.memory_space<vmem>>, vector<1x16xi32>,
        %swap3A_603 = vector.shape_cast %swap3A_602 : vector<1x16xi32> to vector<16xi32>
        %swap3A_604 = vector.shape_cast %and3A_598 : vector<16xi32> to vector<1x16xi32>
        tpu.vector_store %arg6[%swap3A_600, %swap3A_601], %swap3A_604 {strides = array<i32>} : memref<4x128xi32, #tpu.memory_space<vmem>>, vector<1x16xi32>,
        %get3A_605 = arith.index_cast %add3A_388 : i32 to index
        %get3A_606 = arith.constant 112 : index
        %get3A_607 = tpu.vector_load %arg5[%get3A_605, %get3A_606] {strides = array<i32>} : memref<200x128xi32, #tpu.memory_space<vmem>>, vector<1x16xi32>,
        %get3A_608 = vector.shape_cast %get3A_607 : vector<1x16xi32> to vector<16xi32>
        %and3A_609 = arith.constant 131071 : i32
        %and3A_610 = vector.broadcast %and3A_609 : i32 to vector<16xi32>
        %and3A_611 = arith.andi %get3A_608, %and3A_610 : vector<16xi32>
        %swap3A_612 = arith.constant 3 : i32
        %swap3A_613 = arith.index_cast %swap3A_612 : i32 to index
        %swap3A_614 = arith.constant 112 : index
        %swap3A_615 = tpu.vector_load %arg6[%swap3A_613, %swap3A_614] {strides = array<i32>} : memref<4x128xi32, #tpu.memory_space<vmem>>, vector<1x16xi32>,
        %swap3A_616 = vector.shape_cast %swap3A_615 : vector<1x16xi32> to vector<16xi32>
        %swap3A_617 = vector.shape_cast %and3A_611 : vector<16xi32> to vector<1x16xi32>
        tpu.vector_store %arg6[%swap3A_613, %swap3A_614], %swap3A_617 {strides = array<i32>} : memref<4x128xi32, #tpu.memory_space<vmem>>, vector<1x16xi32>,
        %dma_start3A_618 = arith.constant 3 : i32
        %dma_start3A_619 = arith.constant 3 : i32
        %dma_start3A_620 = arith.constant 0 : i32
        %dma_start3A_621 = arith.constant 0 : i32
        %dma_start3A_622 = tpu.memref_slice %arg7[%dma_start3A_619, %dma_start3A_620, %dma_start3A_621] : memref<4x128x128xf32, #tpu.memory_space<vmem>> -> memref<1x128x128xf32, #tpu.memory_space<vmem>>
        %dma_start3A_623 = tpu.memref_squeeze %dma_start3A_622 : memref<1x128x128xf32, #tpu.memory_space<vmem>> -> memref<128x128xf32, #tpu.memory_space<vmem>>
        %dma_start3A_624 = arith.constant 0 : i32
        %dma_start3A_625 = tpu.memref_slice %arg6[%dma_start3A_618, %dma_start3A_624] : memref<4x128xi32, #tpu.memory_space<vmem>> -> memref<1x128xi32, #tpu.memory_space<vmem>>
        %dma_start3A_626 = tpu.memref_squeeze %dma_start3A_625 : memref<1x128xi32, #tpu.memory_space<vmem>> -> memref<128xi32, #tpu.memory_space<vmem>>
        %dma_start3A_627 = arith.constant 0 : i32
        %dma_start3A_628 = arith.constant 0 : i32
        %dma_start3A_629 = tpu.memref_slice %arg2[%dma_start3A_627, %dma_start3A_628] : memref<131072x128xf32, #tpu.memory_space<hbm>> -> memref<131072x128xf32, #tpu.memory_space<hbm>>
        tpu.enqueue_indirect_dma source(%dma_start3A_629 : memref<131072x128xf32, #tpu.memory_space<hbm>>) target(%dma_start3A_623 : memref<128x128xf32, #tpu.memory_space<vmem>>) offsets(%dma_start3A_626 : memref<128xi32, #tpu.memory_space<vmem>>) semaphore(%arg12 : memref<!tpu.dma_semaphore, #tpu.memory_space<semaphore_mem>>)
      } else {
      }
      %add3A_391 = arith.constant 0 : i32
      %add3A_392 = arith.addi %mul3A_384, %add3A_391 : i32
      %dma_wait3A = arith.constant 0 : i32
      %dma_wait3A_393 = arith.constant 0 : i32
      %dma_wait3A_394 = arith.constant 0 : i32
      %dma_wait3A_395 = arith.constant 0 : i32
      %dma_wait3A_396 = tpu.memref_slice %arg7[%dma_wait3A_393, %dma_wait3A_394, %dma_wait3A_395] : memref<4x128x128xf32, #tpu.memory_space<vmem>> -> memref<1x128x128xf32, #tpu.memory_space<vmem>>
      %dma_wait3A_397 = tpu.memref_squeeze %dma_wait3A_396 : memref<1x128x128xf32, #tpu.memory_space<vmem>> -> memref<128x128xf32, #tpu.memory_space<vmem>>
      %dma_wait3A_398 = arith.constant 0 : i32
      %dma_wait3A_399 = tpu.memref_slice %arg6[%dma_wait3A, %dma_wait3A_398] : memref<4x128xi32, #tpu.memory_space<vmem>> -> memref<1x128xi32, #tpu.memory_space<vmem>>
      %dma_wait3A_400 = tpu.memref_squeeze %dma_wait3A_399 : memref<1x128xi32, #tpu.memory_space<vmem>> -> memref<128xi32, #tpu.memory_space<vmem>>
      %dma_wait3A_401 = arith.constant 0 : i32
      %dma_wait3A_402 = arith.constant 0 : i32
      %dma_wait3A_403 = tpu.memref_slice %arg2[%dma_wait3A_401, %dma_wait3A_402] : memref<131072x128xf32, #tpu.memory_space<hbm>> -> memref<131072x128xf32, #tpu.memory_space<hbm>>
      tpu.wait_indirect_dma semaphore(%arg9 : memref<!tpu.dma_semaphore, #tpu.memory_space<semaphore_mem>>) src(%dma_wait3A_403 : memref<131072x128xf32, #tpu.memory_space<hbm>>) dst(%dma_wait3A_397 : memref<128x128xf32, #tpu.memory_space<vmem>>)
      %scan3A_404 = arith.constant 0 : i32
      %scan3A_405 = arith.constant 0 : i32
      %scan3A_406 = arith.constant 8 : i32
      %scan3A_407 = arith.addi %scan3A_405, %scan3A_406 : i32
      %scan3A_408 = arith.constant 1 : i32
      %scan3A_409 = scf.for %scan3A_514 = %scan3A_405 to %scan3A_407 step %scan3A_408 iter_args(%scan3A_515 = %scan3A_404) -> (i32)  : i32 {
        %mul3A_516 = arith.constant 16 : i32
        %mul3A_517 = arith.muli %scan3A_514, %mul3A_516 : i32
        %get3A_518 = arith.index_cast %add3A_392 : i32 to index
        %get3A_519 = arith.index_cast %mul3A_517 : i32 to index
        %get3A_520 = tpu.vector_load %arg5[%get3A_518, %get3A_519] {strides = array<i32>} : memref<200x128xi32, #tpu.memory_space<vmem>>, vector<1x16xi32>,
        %get3A_521 = vector.shape_cast %get3A_520 : vector<1x16xi32> to vector<16xi32>
        %mul3A_522 = arith.constant 16 : i32
        %mul3A_523 = arith.muli %scan3A_514, %mul3A_522 : i32
        %add3A_524 = arith.constant 0 : i32
        %add3A_525 = arith.addi %mul3A_523, %add3A_524 : i32
        %slice3A = vector.extract_strided_slice %get3A_521 {offsets = [0], sizes = [1], strides = [1]} : vector<16xi32> to vector<1xi32>
        %squeeze3A = vector.extract %slice3A[0] : i32 from vector<1xi32>
        %shift_right_logical3A = arith.constant 17 : i32
        %shift_right_logical3A_526 = arith.shrui %squeeze3A, %shift_right_logical3A : i32
        %mul3A_527 = arith.constant 16 : i32
        %mul3A_528 = arith.muli %shift_right_logical3A_526, %mul3A_527 : i32
        %get3A_529 = arith.constant 0 : i32
        %get3A_530 = arith.index_cast %get3A_529 : i32 to index
        %get3A_531 = arith.index_cast %add3A_525 : i32 to index
        %get3A_532 = arith.index_cast %mul3A_528 : i32 to index
        %get3A_533 = tpu.vector_load %arg7[%get3A_530, %get3A_531, %get3A_532] {strides = array<i32>} : memref<4x128x128xf32, #tpu.memory_space<vmem>>, vector<1x1x16xf32>,
        %get3A_534 = vector.shape_cast %get3A_533 : vector<1x1x16xf32> to vector<16xf32>
        %jit3A = arith.constant 8 : i32
        %div3A = arith.divsi %add3A_525, %jit3A : i32
        %sign3A = arith.constant 0 : i32
        %sign3A_535 = arith.cmpi sgt, %add3A_525, %sign3A : i32
        %sign3A_536 = arith.extui %sign3A_535 : i1 to i32
        %sign3A_537 = arith.constant 0 : i32
        %sign3A_538 = arith.cmpi slt, %add3A_525, %sign3A_537 : i32
        %sign3A_539 = arith.extui %sign3A_538 : i1 to i32
        %sign3A_540 = arith.subi %sign3A_536, %sign3A_539 : i32
        %sign3A_541 = arith.constant 0 : i32
        %sign3A_542 = arith.cmpi sgt, %jit3A, %sign3A_541 : i32
        %sign3A_543 = arith.extui %sign3A_542 : i1 to i32
        %sign3A_544 = arith.constant 0 : i32
        %sign3A_545 = arith.cmpi slt, %jit3A, %sign3A_544 : i32
        %sign3A_546 = arith.extui %sign3A_545 : i1 to i32
        %sign3A_547 = arith.subi %sign3A_543, %sign3A_546 : i32
        %ne3A = arith.cmpi ne, %sign3A_540, %sign3A_547 : i32
        %rem3A = arith.remsi %add3A_525, %jit3A : i32
        %ne3A_548 = arith.constant 0 : i32
        %ne3A_549 = arith.cmpi ne, %rem3A, %ne3A_548 : i32
        %and3A_550 = arith.andi %ne3A, %ne3A_549 : i1
        %sub3A = arith.constant 1 : i32
        %sub3A_551 = arith.subi %div3A, %sub3A : i32
        %select_n3A = arith.select %and3A_550, %sub3A_551, %div3A : i32
        %jit3A_552 = arith.constant 8 : i32
        %eq3A = arith.constant 0 : i32
        %eq3A_553 = arith.cmpi eq, %jit3A_552, %eq3A : i32
        %jit3A_554 = arith.constant 1 : i32
        %select_n3A_555 = arith.select %eq3A_553, %jit3A_554, %jit3A_552 : i32
        %rem3A_556 = arith.remsi %add3A_525, %select_n3A_555 : i32
        %ne3A_557 = arith.constant 0 : i32
        %ne3A_558 = arith.cmpi ne, %rem3A_556, %ne3A_557 : i32
        %lt3A_559 = arith.constant 0 : i32
        %lt3A_560 = arith.cmpi slt, %rem3A_556, %lt3A_559 : i32
        %lt3A_561 = arith.constant 0 : i32
        %lt3A_562 = arith.cmpi slt, %select_n3A_555, %lt3A_561 : i32
        %ne3A_563 = arith.xori %lt3A_560, %lt3A_562 : i1
        %and3A_564 = arith.andi %ne3A_563, %ne3A_558 : i1
        %add3A_565 = arith.addi %rem3A_556, %select_n3A_555 : i32
        %select_n3A_566 = arith.select %and3A_564, %add3A_565, %rem3A_556 : i32
        %mul3A_567 = arith.constant 16 : i32
        %mul3A_568 = arith.muli %select_n3A_566, %mul3A_567 : i32
        %swap3A_569 = arith.index_cast %select_n3A : i32 to index
        %swap3A_570 = arith.index_cast %mul3A_568 : i32 to index
        %swap3A_571 = tpu.vector_load %arg8[%swap3A_569, %swap3A_570] {strides = array<i32>} : memref<16x128xf32, #tpu.memory_space<vmem>>, vector<1x16xf32>,
        %swap3A_572 = vector.shape_cast %swap3A_571 : vector<1x16xf32> to vector<16xf32>
        %swap3A_573 = vector.shape_cast %get3A_534 : vector<16xf32> to vector<1x16xf32>
        tpu.vector_store %arg8[%swap3A_569, %swap3A_570], %swap3A_573 {strides = array<i32>} : memref<16x128xf32, #tpu.memory_space<vmem>>, vector<1x16xf32>,
        %mul3A_574 = arith.constant 16 : i32
        %mul3A_575 = arith.muli %scan3A_514, %mul3A_574 : i32
        %add3A_576 = arith.constant 1 : i32
        %add3A_577 = arith.addi %mul3A_575, %add3A_576 : i32
        %slice3A_578 = vector.extract_strided_slice %get3A_521 {offsets = [1], sizes = [1], strides = [1]} : vector<16xi32> to vector<1xi32>
        %squeeze3A_579 = vector.extract %slice3A_578[0] : i32 from vector<1xi32>
        %shift_right_logical3A_580 = arith.constant 17 : i32
        %shift_right_logical3A_581 = arith.shrui %squeeze3A_579, %shift_right_logical3A_580 : i32
        %mul3A_582 = arith.constant 16 : i32
        %mul3A_583 = arith.muli %shift_right_logical3A_581, %mul3A_582 : i32
        %get3A_584 = arith.constant 0 : i32
        %get3A_585 = arith.index_cast %get3A_584 : i32 to index
        %get3A_586 = arith.index_cast %add3A_577 : i32 to index
        %get3A_587 = arith.index_cast %mul3A_583 : i32 to index
        %get3A_588 = tpu.vector_load %arg7[%get3A_585, %get3A_586, %get3A_587] {strides = array<i32>} : memref<4x128x128xf32, #tpu.memory_space<vmem>>, vector<1x1x16xf32>,
        %get3A_589 = vector.shape_cast %get3A_588 : vector<1x1x16xf32> to vector<16xf32>
        %jit3A_590 = arith.constant 8 : i32
        %div3A_591 = arith.divsi %add3A_577, %jit3A_590 : i32
        %sign3A_592 = arith.constant 0 : i32
        %sign3A_593 = arith.cmpi sgt, %add3A_577, %sign3A_592 : i32
        %sign3A_594 = arith.extui %sign3A_593 : i1 to i32
        %sign3A_595 = arith.constant 0 : i32
        %sign3A_596 = arith.cmpi slt, %add3A_577, %sign3A_595 : i32
        %sign3A_597 = arith.extui %sign3A_596 : i1 to i32
        %sign3A_598 = arith.subi %sign3A_594, %sign3A_597 : i32
        %sign3A_599 = arith.constant 0 : i32
        %sign3A_600 = arith.cmpi sgt, %jit3A_590, %sign3A_599 : i32
        %sign3A_601 = arith.extui %sign3A_600 : i1 to i32
        %sign3A_602 = arith.constant 0 : i32
        %sign3A_603 = arith.cmpi slt, %jit3A_590, %sign3A_602 : i32
        %sign3A_604 = arith.extui %sign3A_603 : i1 to i32
        %sign3A_605 = arith.subi %sign3A_601, %sign3A_604 : i32
        %ne3A_606 = arith.cmpi ne, %sign3A_598, %sign3A_605 : i32
        %rem3A_607 = arith.remsi %add3A_577, %jit3A_590 : i32
        %ne3A_608 = arith.constant 0 : i32
        %ne3A_609 = arith.cmpi ne, %rem3A_607, %ne3A_608 : i32
        %and3A_610 = arith.andi %ne3A_606, %ne3A_609 : i1
        %sub3A_611 = arith.constant 1 : i32
        %sub3A_612 = arith.subi %div3A_591, %sub3A_611 : i32
        %select_n3A_613 = arith.select %and3A_610, %sub3A_612, %div3A_591 : i32
        %jit3A_614 = arith.constant 8 : i32
        %eq3A_615 = arith.constant 0 : i32
        %eq3A_616 = arith.cmpi eq, %jit3A_614, %eq3A_615 : i32
        %jit3A_617 = arith.constant 1 : i32
        %select_n3A_618 = arith.select %eq3A_616, %jit3A_617, %jit3A_614 : i32
        %rem3A_619 = arith.remsi %add3A_577, %select_n3A_618 : i32
        %ne3A_620 = arith.constant 0 : i32
        %ne3A_621 = arith.cmpi ne, %rem3A_619, %ne3A_620 : i32
        %lt3A_622 = arith.constant 0 : i32
        %lt3A_623 = arith.cmpi slt, %rem3A_619, %lt3A_622 : i32
        %lt3A_624 = arith.constant 0 : i32
        %lt3A_625 = arith.cmpi slt, %select_n3A_618, %lt3A_624 : i32
        %ne3A_626 = arith.xori %lt3A_623, %lt3A_625 : i1
        %and3A_627 = arith.andi %ne3A_626, %ne3A_621 : i1
        %add3A_628 = arith.addi %rem3A_619, %select_n3A_618 : i32
        %select_n3A_629 = arith.select %and3A_627, %add3A_628, %rem3A_619 : i32
        %mul3A_630 = arith.constant 16 : i32
        %mul3A_631 = arith.muli %select_n3A_629, %mul3A_630 : i32
        %swap3A_632 = arith.index_cast %select_n3A_613 : i32 to index
        %swap3A_633 = arith.index_cast %mul3A_631 : i32 to index
        %swap3A_634 = tpu.vector_load %arg8[%swap3A_632, %swap3A_633] {strides = array<i32>} : memref<16x128xf32, #tpu.memory_space<vmem>>, vector<1x16xf32>,
        %swap3A_635 = vector.shape_cast %swap3A_634 : vector<1x16xf32> to vector<16xf32>
        %swap3A_636 = vector.shape_cast %get3A_589 : vector<16xf32> to vector<1x16xf32>
        tpu.vector_store %arg8[%swap3A_632, %swap3A_633], %swap3A_636 {strides = array<i32>} : memref<16x128xf32, #tpu.memory_space<vmem>>, vector<1x16xf32>,
        %mul3A_637 = arith.constant 16 : i32
        %mul3A_638 = arith.muli %scan3A_514, %mul3A_637 : i32
        %add3A_639 = arith.constant 2 : i32
        %add3A_640 = arith.addi %mul3A_638, %add3A_639 : i32
        %slice3A_641 = vector.extract_strided_slice %get3A_521 {offsets = [2], sizes = [1], strides = [1]} : vector<16xi32> to vector<1xi32>
        %squeeze3A_642 = vector.extract %slice3A_641[0] : i32 from vector<1xi32>
        %shift_right_logical3A_643 = arith.constant 17 : i32
        %shift_right_logical3A_644 = arith.shrui %squeeze3A_642, %shift_right_logical3A_643 : i32
        %mul3A_645 = arith.constant 16 : i32
        %mul3A_646 = arith.muli %shift_right_logical3A_644, %mul3A_645 : i32
        %get3A_647 = arith.constant 0 : i32
        %get3A_648 = arith.index_cast %get3A_647 : i32 to index
        %get3A_649 = arith.index_cast %add3A_640 : i32 to index
        %get3A_650 = arith.index_cast %mul3A_646 : i32 to index
        %get3A_651 = tpu.vector_load %arg7[%get3A_648, %get3A_649, %get3A_650] {strides = array<i32>} : memref<4x128x128xf32, #tpu.memory_space<vmem>>, vector<1x1x16xf32>,
        %get3A_652 = vector.shape_cast %get3A_651 : vector<1x1x16xf32> to vector<16xf32>
        %jit3A_653 = arith.constant 8 : i32
        %div3A_654 = arith.divsi %add3A_640, %jit3A_653 : i32
        %sign3A_655 = arith.constant 0 : i32
        %sign3A_656 = arith.cmpi sgt, %add3A_640, %sign3A_655 : i32
        %sign3A_657 = arith.extui %sign3A_656 : i1 to i32
        %sign3A_658 = arith.constant 0 : i32
        %sign3A_659 = arith.cmpi slt, %add3A_640, %sign3A_658 : i32
        %sign3A_660 = arith.extui %sign3A_659 : i1 to i32
        %sign3A_661 = arith.subi %sign3A_657, %sign3A_660 : i32
        %sign3A_662 = arith.constant 0 : i32
        %sign3A_663 = arith.cmpi sgt, %jit3A_653, %sign3A_662 : i32
        %sign3A_664 = arith.extui %sign3A_663 : i1 to i32
        %sign3A_665 = arith.constant 0 : i32
        %sign3A_666 = arith.cmpi slt, %jit3A_653, %sign3A_665 : i32
        %sign3A_667 = arith.extui %sign3A_666 : i1 to i32
        %sign3A_668 = arith.subi %sign3A_664, %sign3A_667 : i32
        %ne3A_669 = arith.cmpi ne, %sign3A_661, %sign3A_668 : i32
        %rem3A_670 = arith.remsi %add3A_640, %jit3A_653 : i32
        %ne3A_671 = arith.constant 0 : i32
        %ne3A_672 = arith.cmpi ne, %rem3A_670, %ne3A_671 : i32
        %and3A_673 = arith.andi %ne3A_669, %ne3A_672 : i1
        %sub3A_674 = arith.constant 1 : i32
        %sub3A_675 = arith.subi %div3A_654, %sub3A_674 : i32
        %select_n3A_676 = arith.select %and3A_673, %sub3A_675, %div3A_654 : i32
        %jit3A_677 = arith.constant 8 : i32
        %eq3A_678 = arith.constant 0 : i32
        %eq3A_679 = arith.cmpi eq, %jit3A_677, %eq3A_678 : i32
        %jit3A_680 = arith.constant 1 : i32
        %select_n3A_681 = arith.select %eq3A_679, %jit3A_680, %jit3A_677 : i32
        %rem3A_682 = arith.remsi %add3A_640, %select_n3A_681 : i32
        %ne3A_683 = arith.constant 0 : i32
        %ne3A_684 = arith.cmpi ne, %rem3A_682, %ne3A_683 : i32
        %lt3A_685 = arith.constant 0 : i32
        %lt3A_686 = arith.cmpi slt, %rem3A_682, %lt3A_685 : i32
        %lt3A_687 = arith.constant 0 : i32
        %lt3A_688 = arith.cmpi slt, %select_n3A_681, %lt3A_687 : i32
        %ne3A_689 = arith.xori %lt3A_686, %lt3A_688 : i1
        %and3A_690 = arith.andi %ne3A_689, %ne3A_684 : i1
        %add3A_691 = arith.addi %rem3A_682, %select_n3A_681 : i32
        %select_n3A_692 = arith.select %and3A_690, %add3A_691, %rem3A_682 : i32
        %mul3A_693 = arith.constant 16 : i32
        %mul3A_694 = arith.muli %select_n3A_692, %mul3A_693 : i32
        %swap3A_695 = arith.index_cast %select_n3A_676 : i32 to index
        %swap3A_696 = arith.index_cast %mul3A_694 : i32 to index
        %swap3A_697 = tpu.vector_load %arg8[%swap3A_695, %swap3A_696] {strides = array<i32>} : memref<16x128xf32, #tpu.memory_space<vmem>>, vector<1x16xf32>,
        %swap3A_698 = vector.shape_cast %swap3A_697 : vector<1x16xf32> to vector<16xf32>
        %swap3A_699 = vector.shape_cast %get3A_652 : vector<16xf32> to vector<1x16xf32>
        tpu.vector_store %arg8[%swap3A_695, %swap3A_696], %swap3A_699 {strides = array<i32>} : memref<16x128xf32, #tpu.memory_space<vmem>>, vector<1x16xf32>,
        %mul3A_700 = arith.constant 16 : i32
        %mul3A_701 = arith.muli %scan3A_514, %mul3A_700 : i32
        %add3A_702 = arith.constant 3 : i32
        %add3A_703 = arith.addi %mul3A_701, %add3A_702 : i32
        %slice3A_704 = vector.extract_strided_slice %get3A_521 {offsets = [3], sizes = [1], strides = [1]} : vector<16xi32> to vector<1xi32>
        %squeeze3A_705 = vector.extract %slice3A_704[0] : i32 from vector<1xi32>
        %shift_right_logical3A_706 = arith.constant 17 : i32
        %shift_right_logical3A_707 = arith.shrui %squeeze3A_705, %shift_right_logical3A_706 : i32
        %mul3A_708 = arith.constant 16 : i32
        %mul3A_709 = arith.muli %shift_right_logical3A_707, %mul3A_708 : i32
        %get3A_710 = arith.constant 0 : i32
        %get3A_711 = arith.index_cast %get3A_710 : i32 to index
        %get3A_712 = arith.index_cast %add3A_703 : i32 to index
        %get3A_713 = arith.index_cast %mul3A_709 : i32 to index
        %get3A_714 = tpu.vector_load %arg7[%get3A_711, %get3A_712, %get3A_713] {strides = array<i32>} : memref<4x128x128xf32, #tpu.memory_space<vmem>>, vector<1x1x16xf32>,
        %get3A_715 = vector.shape_cast %get3A_714 : vector<1x1x16xf32> to vector<16xf32>
        %jit3A_716 = arith.constant 8 : i32
        %div3A_717 = arith.divsi %add3A_703, %jit3A_716 : i32
        %sign3A_718 = arith.constant 0 : i32
        %sign3A_719 = arith.cmpi sgt, %add3A_703, %sign3A_718 : i32
        %sign3A_720 = arith.extui %sign3A_719 : i1 to i32
        %sign3A_721 = arith.constant 0 : i32
        %sign3A_722 = arith.cmpi slt, %add3A_703, %sign3A_721 : i32
        %sign3A_723 = arith.extui %sign3A_722 : i1 to i32
        %sign3A_724 = arith.subi %sign3A_720, %sign3A_723 : i32
        %sign3A_725 = arith.constant 0 : i32
        %sign3A_726 = arith.cmpi sgt, %jit3A_716, %sign3A_725 : i32
        %sign3A_727 = arith.extui %sign3A_726 : i1 to i32
        %sign3A_728 = arith.constant 0 : i32
        %sign3A_729 = arith.cmpi slt, %jit3A_716, %sign3A_728 : i32
        %sign3A_730 = arith.extui %sign3A_729 : i1 to i32
        %sign3A_731 = arith.subi %sign3A_727, %sign3A_730 : i32
        %ne3A_732 = arith.cmpi ne, %sign3A_724, %sign3A_731 : i32
        %rem3A_733 = arith.remsi %add3A_703, %jit3A_716 : i32
        %ne3A_734 = arith.constant 0 : i32
        %ne3A_735 = arith.cmpi ne, %rem3A_733, %ne3A_734 : i32
        %and3A_736 = arith.andi %ne3A_732, %ne3A_735 : i1
        %sub3A_737 = arith.constant 1 : i32
        %sub3A_738 = arith.subi %div3A_717, %sub3A_737 : i32
        %select_n3A_739 = arith.select %and3A_736, %sub3A_738, %div3A_717 : i32
        %jit3A_740 = arith.constant 8 : i32
        %eq3A_741 = arith.constant 0 : i32
        %eq3A_742 = arith.cmpi eq, %jit3A_740, %eq3A_741 : i32
        %jit3A_743 = arith.constant 1 : i32
        %select_n3A_744 = arith.select %eq3A_742, %jit3A_743, %jit3A_740 : i32
        %rem3A_745 = arith.remsi %add3A_703, %select_n3A_744 : i32
        %ne3A_746 = arith.constant 0 : i32
        %ne3A_747 = arith.cmpi ne, %rem3A_745, %ne3A_746 : i32
        %lt3A_748 = arith.constant 0 : i32
        %lt3A_749 = arith.cmpi slt, %rem3A_745, %lt3A_748 : i32
        %lt3A_750 = arith.constant 0 : i32
        %lt3A_751 = arith.cmpi slt, %select_n3A_744, %lt3A_750 : i32
        %ne3A_752 = arith.xori %lt3A_749, %lt3A_751 : i1
        %and3A_753 = arith.andi %ne3A_752, %ne3A_747 : i1
        %add3A_754 = arith.addi %rem3A_745, %select_n3A_744 : i32
        %select_n3A_755 = arith.select %and3A_753, %add3A_754, %rem3A_745 : i32
        %mul3A_756 = arith.constant 16 : i32
        %mul3A_757 = arith.muli %select_n3A_755, %mul3A_756 : i32
        %swap3A_758 = arith.index_cast %select_n3A_739 : i32 to index
        %swap3A_759 = arith.index_cast %mul3A_757 : i32 to index
        %swap3A_760 = tpu.vector_load %arg8[%swap3A_758, %swap3A_759] {strides = array<i32>} : memref<16x128xf32, #tpu.memory_space<vmem>>, vector<1x16xf32>,
        %swap3A_761 = vector.shape_cast %swap3A_760 : vector<1x16xf32> to vector<16xf32>
        %swap3A_762 = vector.shape_cast %get3A_715 : vector<16xf32> to vector<1x16xf32>
        tpu.vector_store %arg8[%swap3A_758, %swap3A_759], %swap3A_762 {strides = array<i32>} : memref<16x128xf32, #tpu.memory_space<vmem>>, vector<1x16xf32>,
        %mul3A_763 = arith.constant 16 : i32
        %mul3A_764 = arith.muli %scan3A_514, %mul3A_763 : i32
        %add3A_765 = arith.constant 4 : i32
        %add3A_766 = arith.addi %mul3A_764, %add3A_765 : i32
        %slice3A_767 = vector.extract_strided_slice %get3A_521 {offsets = [4], sizes = [1], strides = [1]} : vector<16xi32> to vector<1xi32>
        %squeeze3A_768 = vector.extract %slice3A_767[0] : i32 from vector<1xi32>
        %shift_right_logical3A_769 = arith.constant 17 : i32
        %shift_right_logical3A_770 = arith.shrui %squeeze3A_768, %shift_right_logical3A_769 : i32
        %mul3A_771 = arith.constant 16 : i32
        %mul3A_772 = arith.muli %shift_right_logical3A_770, %mul3A_771 : i32
        %get3A_773 = arith.constant 0 : i32
        %get3A_774 = arith.index_cast %get3A_773 : i32 to index
        %get3A_775 = arith.index_cast %add3A_766 : i32 to index
        %get3A_776 = arith.index_cast %mul3A_772 : i32 to index
        %get3A_777 = tpu.vector_load %arg7[%get3A_774, %get3A_775, %get3A_776] {strides = array<i32>} : memref<4x128x128xf32, #tpu.memory_space<vmem>>, vector<1x1x16xf32>,
        %get3A_778 = vector.shape_cast %get3A_777 : vector<1x1x16xf32> to vector<16xf32>
        %jit3A_779 = arith.constant 8 : i32
        %div3A_780 = arith.divsi %add3A_766, %jit3A_779 : i32
        %sign3A_781 = arith.constant 0 : i32
        %sign3A_782 = arith.cmpi sgt, %add3A_766, %sign3A_781 : i32
        %sign3A_783 = arith.extui %sign3A_782 : i1 to i32
        %sign3A_784 = arith.constant 0 : i32
        %sign3A_785 = arith.cmpi slt, %add3A_766, %sign3A_784 : i32
        %sign3A_786 = arith.extui %sign3A_785 : i1 to i32
        %sign3A_787 = arith.subi %sign3A_783, %sign3A_786 : i32
        %sign3A_788 = arith.constant 0 : i32
        %sign3A_789 = arith.cmpi sgt, %jit3A_779, %sign3A_788 : i32
        %sign3A_790 = arith.extui %sign3A_789 : i1 to i32
        %sign3A_791 = arith.constant 0 : i32
        %sign3A_792 = arith.cmpi slt, %jit3A_779, %sign3A_791 : i32
        %sign3A_793 = arith.extui %sign3A_792 : i1 to i32
        %sign3A_794 = arith.subi %sign3A_790, %sign3A_793 : i32
        %ne3A_795 = arith.cmpi ne, %sign3A_787, %sign3A_794 : i32
        %rem3A_796 = arith.remsi %add3A_766, %jit3A_779 : i32
        %ne3A_797 = arith.constant 0 : i32
        %ne3A_798 = arith.cmpi ne, %rem3A_796, %ne3A_797 : i32
        %and3A_799 = arith.andi %ne3A_795, %ne3A_798 : i1
        %sub3A_800 = arith.constant 1 : i32
        %sub3A_801 = arith.subi %div3A_780, %sub3A_800 : i32
        %select_n3A_802 = arith.select %and3A_799, %sub3A_801, %div3A_780 : i32
        %jit3A_803 = arith.constant 8 : i32
        %eq3A_804 = arith.constant 0 : i32
        %eq3A_805 = arith.cmpi eq, %jit3A_803, %eq3A_804 : i32
        %jit3A_806 = arith.constant 1 : i32
        %select_n3A_807 = arith.select %eq3A_805, %jit3A_806, %jit3A_803 : i32
        %rem3A_808 = arith.remsi %add3A_766, %select_n3A_807 : i32
        %ne3A_809 = arith.constant 0 : i32
        %ne3A_810 = arith.cmpi ne, %rem3A_808, %ne3A_809 : i32
        %lt3A_811 = arith.constant 0 : i32
        %lt3A_812 = arith.cmpi slt, %rem3A_808, %lt3A_811 : i32
        %lt3A_813 = arith.constant 0 : i32
        %lt3A_814 = arith.cmpi slt, %select_n3A_807, %lt3A_813 : i32
        %ne3A_815 = arith.xori %lt3A_812, %lt3A_814 : i1
        %and3A_816 = arith.andi %ne3A_815, %ne3A_810 : i1
        %add3A_817 = arith.addi %rem3A_808, %select_n3A_807 : i32
        %select_n3A_818 = arith.select %and3A_816, %add3A_817, %rem3A_808 : i32
        %mul3A_819 = arith.constant 16 : i32
        %mul3A_820 = arith.muli %select_n3A_818, %mul3A_819 : i32
        %swap3A_821 = arith.index_cast %select_n3A_802 : i32 to index
        %swap3A_822 = arith.index_cast %mul3A_820 : i32 to index
        %swap3A_823 = tpu.vector_load %arg8[%swap3A_821, %swap3A_822] {strides = array<i32>} : memref<16x128xf32, #tpu.memory_space<vmem>>, vector<1x16xf32>,
        %swap3A_824 = vector.shape_cast %swap3A_823 : vector<1x16xf32> to vector<16xf32>
        %swap3A_825 = vector.shape_cast %get3A_778 : vector<16xf32> to vector<1x16xf32>
        tpu.vector_store %arg8[%swap3A_821, %swap3A_822], %swap3A_825 {strides = array<i32>} : memref<16x128xf32, #tpu.memory_space<vmem>>, vector<1x16xf32>,
        %mul3A_826 = arith.constant 16 : i32
        %mul3A_827 = arith.muli %scan3A_514, %mul3A_826 : i32
        %add3A_828 = arith.constant 5 : i32
        %add3A_829 = arith.addi %mul3A_827, %add3A_828 : i32
        %slice3A_830 = vector.extract_strided_slice %get3A_521 {offsets = [5], sizes = [1], strides = [1]} : vector<16xi32> to vector<1xi32>
        %squeeze3A_831 = vector.extract %slice3A_830[0] : i32 from vector<1xi32>
        %shift_right_logical3A_832 = arith.constant 17 : i32
        %shift_right_logical3A_833 = arith.shrui %squeeze3A_831, %shift_right_logical3A_832 : i32
        %mul3A_834 = arith.constant 16 : i32
        %mul3A_835 = arith.muli %shift_right_logical3A_833, %mul3A_834 : i32
        %get3A_836 = arith.constant 0 : i32
        %get3A_837 = arith.index_cast %get3A_836 : i32 to index
        %get3A_838 = arith.index_cast %add3A_829 : i32 to index
        %get3A_839 = arith.index_cast %mul3A_835 : i32 to index
        %get3A_840 = tpu.vector_load %arg7[%get3A_837, %get3A_838, %get3A_839] {strides = array<i32>} : memref<4x128x128xf32, #tpu.memory_space<vmem>>, vector<1x1x16xf32>,
        %get3A_841 = vector.shape_cast %get3A_840 : vector<1x1x16xf32> to vector<16xf32>
        %jit3A_842 = arith.constant 8 : i32
        %div3A_843 = arith.divsi %add3A_829, %jit3A_842 : i32
        %sign3A_844 = arith.constant 0 : i32
        %sign3A_845 = arith.cmpi sgt, %add3A_829, %sign3A_844 : i32
        %sign3A_846 = arith.extui %sign3A_845 : i1 to i32
        %sign3A_847 = arith.constant 0 : i32
        %sign3A_848 = arith.cmpi slt, %add3A_829, %sign3A_847 : i32
        %sign3A_849 = arith.extui %sign3A_848 : i1 to i32
        %sign3A_850 = arith.subi %sign3A_846, %sign3A_849 : i32
        %sign3A_851 = arith.constant 0 : i32
        %sign3A_852 = arith.cmpi sgt, %jit3A_842, %sign3A_851 : i32
        %sign3A_853 = arith.extui %sign3A_852 : i1 to i32
        %sign3A_854 = arith.constant 0 : i32
        %sign3A_855 = arith.cmpi slt, %jit3A_842, %sign3A_854 : i32
        %sign3A_856 = arith.extui %sign3A_855 : i1 to i32
        %sign3A_857 = arith.subi %sign3A_853, %sign3A_856 : i32
        %ne3A_858 = arith.cmpi ne, %sign3A_850, %sign3A_857 : i32
        %rem3A_859 = arith.remsi %add3A_829, %jit3A_842 : i32
        %ne3A_860 = arith.constant 0 : i32
        %ne3A_861 = arith.cmpi ne, %rem3A_859, %ne3A_860 : i32
        %and3A_862 = arith.andi %ne3A_858, %ne3A_861 : i1
        %sub3A_863 = arith.constant 1 : i32
        %sub3A_864 = arith.subi %div3A_843, %sub3A_863 : i32
        %select_n3A_865 = arith.select %and3A_862, %sub3A_864, %div3A_843 : i32
        %jit3A_866 = arith.constant 8 : i32
        %eq3A_867 = arith.constant 0 : i32
        %eq3A_868 = arith.cmpi eq, %jit3A_866, %eq3A_867 : i32
        %jit3A_869 = arith.constant 1 : i32
        %select_n3A_870 = arith.select %eq3A_868, %jit3A_869, %jit3A_866 : i32
        %rem3A_871 = arith.remsi %add3A_829, %select_n3A_870 : i32
        %ne3A_872 = arith.constant 0 : i32
        %ne3A_873 = arith.cmpi ne, %rem3A_871, %ne3A_872 : i32
        %lt3A_874 = arith.constant 0 : i32
        %lt3A_875 = arith.cmpi slt, %rem3A_871, %lt3A_874 : i32
        %lt3A_876 = arith.constant 0 : i32
        %lt3A_877 = arith.cmpi slt, %select_n3A_870, %lt3A_876 : i32
        %ne3A_878 = arith.xori %lt3A_875, %lt3A_877 : i1
        %and3A_879 = arith.andi %ne3A_878, %ne3A_873 : i1
        %add3A_880 = arith.addi %rem3A_871, %select_n3A_870 : i32
        %select_n3A_881 = arith.select %and3A_879, %add3A_880, %rem3A_871 : i32
        %mul3A_882 = arith.constant 16 : i32
        %mul3A_883 = arith.muli %select_n3A_881, %mul3A_882 : i32
        %swap3A_884 = arith.index_cast %select_n3A_865 : i32 to index
        %swap3A_885 = arith.index_cast %mul3A_883 : i32 to index
        %swap3A_886 = tpu.vector_load %arg8[%swap3A_884, %swap3A_885] {strides = array<i32>} : memref<16x128xf32, #tpu.memory_space<vmem>>, vector<1x16xf32>,
        %swap3A_887 = vector.shape_cast %swap3A_886 : vector<1x16xf32> to vector<16xf32>
        %swap3A_888 = vector.shape_cast %get3A_841 : vector<16xf32> to vector<1x16xf32>
        tpu.vector_store %arg8[%swap3A_884, %swap3A_885], %swap3A_888 {strides = array<i32>} : memref<16x128xf32, #tpu.memory_space<vmem>>, vector<1x16xf32>,
        %mul3A_889 = arith.constant 16 : i32
        %mul3A_890 = arith.muli %scan3A_514, %mul3A_889 : i32
        %add3A_891 = arith.constant 6 : i32
        %add3A_892 = arith.addi %mul3A_890, %add3A_891 : i32
        %slice3A_893 = vector.extract_strided_slice %get3A_521 {offsets = [6], sizes = [1], strides = [1]} : vector<16xi32> to vector<1xi32>
        %squeeze3A_894 = vector.extract %slice3A_893[0] : i32 from vector<1xi32>
        %shift_right_logical3A_895 = arith.constant 17 : i32
        %shift_right_logical3A_896 = arith.shrui %squeeze3A_894, %shift_right_logical3A_895 : i32
        %mul3A_897 = arith.constant 16 : i32
        %mul3A_898 = arith.muli %shift_right_logical3A_896, %mul3A_897 : i32
        %get3A_899 = arith.constant 0 : i32
        %get3A_900 = arith.index_cast %get3A_899 : i32 to index
        %get3A_901 = arith.index_cast %add3A_892 : i32 to index
        %get3A_902 = arith.index_cast %mul3A_898 : i32 to index
        %get3A_903 = tpu.vector_load %arg7[%get3A_900, %get3A_901, %get3A_902] {strides = array<i32>} : memref<4x128x128xf32, #tpu.memory_space<vmem>>, vector<1x1x16xf32>,
        %get3A_904 = vector.shape_cast %get3A_903 : vector<1x1x16xf32> to vector<16xf32>
        %jit3A_905 = arith.constant 8 : i32
        %div3A_906 = arith.divsi %add3A_892, %jit3A_905 : i32
        %sign3A_907 = arith.constant 0 : i32
        %sign3A_908 = arith.cmpi sgt, %add3A_892, %sign3A_907 : i32
        %sign3A_909 = arith.extui %sign3A_908 : i1 to i32
        %sign3A_910 = arith.constant 0 : i32
        %sign3A_911 = arith.cmpi slt, %add3A_892, %sign3A_910 : i32
        %sign3A_912 = arith.extui %sign3A_911 : i1 to i32
        %sign3A_913 = arith.subi %sign3A_909, %sign3A_912 : i32
        %sign3A_914 = arith.constant 0 : i32
        %sign3A_915 = arith.cmpi sgt, %jit3A_905, %sign3A_914 : i32
        %sign3A_916 = arith.extui %sign3A_915 : i1 to i32
        %sign3A_917 = arith.constant 0 : i32
        %sign3A_918 = arith.cmpi slt, %jit3A_905, %sign3A_917 : i32
        %sign3A_919 = arith.extui %sign3A_918 : i1 to i32
        %sign3A_920 = arith.subi %sign3A_916, %sign3A_919 : i32
        %ne3A_921 = arith.cmpi ne, %sign3A_913, %sign3A_920 : i32
        %rem3A_922 = arith.remsi %add3A_892, %jit3A_905 : i32
        %ne3A_923 = arith.constant 0 : i32
        %ne3A_924 = arith.cmpi ne, %rem3A_922, %ne3A_923 : i32
        %and3A_925 = arith.andi %ne3A_921, %ne3A_924 : i1
        %sub3A_926 = arith.constant 1 : i32
        %sub3A_927 = arith.subi %div3A_906, %sub3A_926 : i32
        %select_n3A_928 = arith.select %and3A_925, %sub3A_927, %div3A_906 : i32
        %jit3A_929 = arith.constant 8 : i32
        %eq3A_930 = arith.constant 0 : i32
        %eq3A_931 = arith.cmpi eq, %jit3A_929, %eq3A_930 : i32
        %jit3A_932 = arith.constant 1 : i32
        %select_n3A_933 = arith.select %eq3A_931, %jit3A_932, %jit3A_929 : i32
        %rem3A_934 = arith.remsi %add3A_892, %select_n3A_933 : i32
        %ne3A_935 = arith.constant 0 : i32
        %ne3A_936 = arith.cmpi ne, %rem3A_934, %ne3A_935 : i32
        %lt3A_937 = arith.constant 0 : i32
        %lt3A_938 = arith.cmpi slt, %rem3A_934, %lt3A_937 : i32
        %lt3A_939 = arith.constant 0 : i32
        %lt3A_940 = arith.cmpi slt, %select_n3A_933, %lt3A_939 : i32
        %ne3A_941 = arith.xori %lt3A_938, %lt3A_940 : i1
        %and3A_942 = arith.andi %ne3A_941, %ne3A_936 : i1
        %add3A_943 = arith.addi %rem3A_934, %select_n3A_933 : i32
        %select_n3A_944 = arith.select %and3A_942, %add3A_943, %rem3A_934 : i32
        %mul3A_945 = arith.constant 16 : i32
        %mul3A_946 = arith.muli %select_n3A_944, %mul3A_945 : i32
        %swap3A_947 = arith.index_cast %select_n3A_928 : i32 to index
        %swap3A_948 = arith.index_cast %mul3A_946 : i32 to index
        %swap3A_949 = tpu.vector_load %arg8[%swap3A_947, %swap3A_948] {strides = array<i32>} : memref<16x128xf32, #tpu.memory_space<vmem>>, vector<1x16xf32>,
        %swap3A_950 = vector.shape_cast %swap3A_949 : vector<1x16xf32> to vector<16xf32>
        %swap3A_951 = vector.shape_cast %get3A_904 : vector<16xf32> to vector<1x16xf32>
        tpu.vector_store %arg8[%swap3A_947, %swap3A_948], %swap3A_951 {strides = array<i32>} : memref<16x128xf32, #tpu.memory_space<vmem>>, vector<1x16xf32>,
        %mul3A_952 = arith.constant 16 : i32
        %mul3A_953 = arith.muli %scan3A_514, %mul3A_952 : i32
        %add3A_954 = arith.constant 7 : i32
        %add3A_955 = arith.addi %mul3A_953, %add3A_954 : i32
        %slice3A_956 = vector.extract_strided_slice %get3A_521 {offsets = [7], sizes = [1], strides = [1]} : vector<16xi32> to vector<1xi32>
        %squeeze3A_957 = vector.extract %slice3A_956[0] : i32 from vector<1xi32>
        %shift_right_logical3A_958 = arith.constant 17 : i32
        %shift_right_logical3A_959 = arith.shrui %squeeze3A_957, %shift_right_logical3A_958 : i32
        %mul3A_960 = arith.constant 16 : i32
        %mul3A_961 = arith.muli %shift_right_logical3A_959, %mul3A_960 : i32
        %get3A_962 = arith.constant 0 : i32
        %get3A_963 = arith.index_cast %get3A_962 : i32 to index
        %get3A_964 = arith.index_cast %add3A_955 : i32 to index
        %get3A_965 = arith.index_cast %mul3A_961 : i32 to index
        %get3A_966 = tpu.vector_load %arg7[%get3A_963, %get3A_964, %get3A_965] {strides = array<i32>} : memref<4x128x128xf32, #tpu.memory_space<vmem>>, vector<1x1x16xf32>,
        %get3A_967 = vector.shape_cast %get3A_966 : vector<1x1x16xf32> to vector<16xf32>
        %jit3A_968 = arith.constant 8 : i32
        %div3A_969 = arith.divsi %add3A_955, %jit3A_968 : i32
        %sign3A_970 = arith.constant 0 : i32
        %sign3A_971 = arith.cmpi sgt, %add3A_955, %sign3A_970 : i32
        %sign3A_972 = arith.extui %sign3A_971 : i1 to i32
        %sign3A_973 = arith.constant 0 : i32
        %sign3A_974 = arith.cmpi slt, %add3A_955, %sign3A_973 : i32
        %sign3A_975 = arith.extui %sign3A_974 : i1 to i32
        %sign3A_976 = arith.subi %sign3A_972, %sign3A_975 : i32
        %sign3A_977 = arith.constant 0 : i32
        %sign3A_978 = arith.cmpi sgt, %jit3A_968, %sign3A_977 : i32
        %sign3A_979 = arith.extui %sign3A_978 : i1 to i32
        %sign3A_980 = arith.constant 0 : i32
        %sign3A_981 = arith.cmpi slt, %jit3A_968, %sign3A_980 : i32
        %sign3A_982 = arith.extui %sign3A_981 : i1 to i32
        %sign3A_983 = arith.subi %sign3A_979, %sign3A_982 : i32
        %ne3A_984 = arith.cmpi ne, %sign3A_976, %sign3A_983 : i32
        %rem3A_985 = arith.remsi %add3A_955, %jit3A_968 : i32
        %ne3A_986 = arith.constant 0 : i32
        %ne3A_987 = arith.cmpi ne, %rem3A_985, %ne3A_986 : i32
        %and3A_988 = arith.andi %ne3A_984, %ne3A_987 : i1
        %sub3A_989 = arith.constant 1 : i32
        %sub3A_990 = arith.subi %div3A_969, %sub3A_989 : i32
        %select_n3A_991 = arith.select %and3A_988, %sub3A_990, %div3A_969 : i32
        %jit3A_992 = arith.constant 8 : i32
        %eq3A_993 = arith.constant 0 : i32
        %eq3A_994 = arith.cmpi eq, %jit3A_992, %eq3A_993 : i32
        %jit3A_995 = arith.constant 1 : i32
        %select_n3A_996 = arith.select %eq3A_994, %jit3A_995, %jit3A_992 : i32
        %rem3A_997 = arith.remsi %add3A_955, %select_n3A_996 : i32
        %ne3A_998 = arith.constant 0 : i32
        %ne3A_999 = arith.cmpi ne, %rem3A_997, %ne3A_998 : i32
        %lt3A_1000 = arith.constant 0 : i32
        %lt3A_1001 = arith.cmpi slt, %rem3A_997, %lt3A_1000 : i32
        %lt3A_1002 = arith.constant 0 : i32
        %lt3A_1003 = arith.cmpi slt, %select_n3A_996, %lt3A_1002 : i32
        %ne3A_1004 = arith.xori %lt3A_1001, %lt3A_1003 : i1
        %and3A_1005 = arith.andi %ne3A_1004, %ne3A_999 : i1
        %add3A_1006 = arith.addi %rem3A_997, %select_n3A_996 : i32
        %select_n3A_1007 = arith.select %and3A_1005, %add3A_1006, %rem3A_997 : i32
        %mul3A_1008 = arith.constant 16 : i32
        %mul3A_1009 = arith.muli %select_n3A_1007, %mul3A_1008 : i32
        %swap3A_1010 = arith.index_cast %select_n3A_991 : i32 to index
        %swap3A_1011 = arith.index_cast %mul3A_1009 : i32 to index
        %swap3A_1012 = tpu.vector_load %arg8[%swap3A_1010, %swap3A_1011] {strides = array<i32>} : memref<16x128xf32, #tpu.memory_space<vmem>>, vector<1x16xf32>,
        %swap3A_1013 = vector.shape_cast %swap3A_1012 : vector<1x16xf32> to vector<16xf32>
        %swap3A_1014 = vector.shape_cast %get3A_967 : vector<16xf32> to vector<1x16xf32>
        tpu.vector_store %arg8[%swap3A_1010, %swap3A_1011], %swap3A_1014 {strides = array<i32>} : memref<16x128xf32, #tpu.memory_space<vmem>>, vector<1x16xf32>,
        %mul3A_1015 = arith.constant 16 : i32
        %mul3A_1016 = arith.muli %scan3A_514, %mul3A_1015 : i32
        %add3A_1017 = arith.constant 8 : i32
        %add3A_1018 = arith.addi %mul3A_1016, %add3A_1017 : i32
        %slice3A_1019 = vector.extract_strided_slice %get3A_521 {offsets = [8], sizes = [1], strides = [1]} : vector<16xi32> to vector<1xi32>
        %squeeze3A_1020 = vector.extract %slice3A_1019[0] : i32 from vector<1xi32>
        %shift_right_logical3A_1021 = arith.constant 17 : i32
        %shift_right_logical3A_1022 = arith.shrui %squeeze3A_1020, %shift_right_logical3A_1021 : i32
        %mul3A_1023 = arith.constant 16 : i32
        %mul3A_1024 = arith.muli %shift_right_logical3A_1022, %mul3A_1023 : i32
        %get3A_1025 = arith.constant 0 : i32
        %get3A_1026 = arith.index_cast %get3A_1025 : i32 to index
        %get3A_1027 = arith.index_cast %add3A_1018 : i32 to index
        %get3A_1028 = arith.index_cast %mul3A_1024 : i32 to index
        %get3A_1029 = tpu.vector_load %arg7[%get3A_1026, %get3A_1027, %get3A_1028] {strides = array<i32>} : memref<4x128x128xf32, #tpu.memory_space<vmem>>, vector<1x1x16xf32>,
        %get3A_1030 = vector.shape_cast %get3A_1029 : vector<1x1x16xf32> to vector<16xf32>
        %jit3A_1031 = arith.constant 8 : i32
        %div3A_1032 = arith.divsi %add3A_1018, %jit3A_1031 : i32
        %sign3A_1033 = arith.constant 0 : i32
        %sign3A_1034 = arith.cmpi sgt, %add3A_1018, %sign3A_1033 : i32
        %sign3A_1035 = arith.extui %sign3A_1034 : i1 to i32
        %sign3A_1036 = arith.constant 0 : i32
        %sign3A_1037 = arith.cmpi slt, %add3A_1018, %sign3A_1036 : i32
        %sign3A_1038 = arith.extui %sign3A_1037 : i1 to i32
        %sign3A_1039 = arith.subi %sign3A_1035, %sign3A_1038 : i32
        %sign3A_1040 = arith.constant 0 : i32
        %sign3A_1041 = arith.cmpi sgt, %jit3A_1031, %sign3A_1040 : i32
        %sign3A_1042 = arith.extui %sign3A_1041 : i1 to i32
        %sign3A_1043 = arith.constant 0 : i32
        %sign3A_1044 = arith.cmpi slt, %jit3A_1031, %sign3A_1043 : i32
        %sign3A_1045 = arith.extui %sign3A_1044 : i1 to i32
        %sign3A_1046 = arith.subi %sign3A_1042, %sign3A_1045 : i32
        %ne3A_1047 = arith.cmpi ne, %sign3A_1039, %sign3A_1046 : i32
        %rem3A_1048 = arith.remsi %add3A_1018, %jit3A_1031 : i32
        %ne3A_1049 = arith.constant 0 : i32
        %ne3A_1050 = arith.cmpi ne, %rem3A_1048, %ne3A_1049 : i32
        %and3A_1051 = arith.andi %ne3A_1047, %ne3A_1050 : i1
        %sub3A_1052 = arith.constant 1 : i32
        %sub3A_1053 = arith.subi %div3A_1032, %sub3A_1052 : i32
        %select_n3A_1054 = arith.select %and3A_1051, %sub3A_1053, %div3A_1032 : i32
        %jit3A_1055 = arith.constant 8 : i32
        %eq3A_1056 = arith.constant 0 : i32
        %eq3A_1057 = arith.cmpi eq, %jit3A_1055, %eq3A_1056 : i32
        %jit3A_1058 = arith.constant 1 : i32
        %select_n3A_1059 = arith.select %eq3A_1057, %jit3A_1058, %jit3A_1055 : i32
        %rem3A_1060 = arith.remsi %add3A_1018, %select_n3A_1059 : i32
        %ne3A_1061 = arith.constant 0 : i32
        %ne3A_1062 = arith.cmpi ne, %rem3A_1060, %ne3A_1061 : i32
        %lt3A_1063 = arith.constant 0 : i32
        %lt3A_1064 = arith.cmpi slt, %rem3A_1060, %lt3A_1063 : i32
        %lt3A_1065 = arith.constant 0 : i32
        %lt3A_1066 = arith.cmpi slt, %select_n3A_1059, %lt3A_1065 : i32
        %ne3A_1067 = arith.xori %lt3A_1064, %lt3A_1066 : i1
        %and3A_1068 = arith.andi %ne3A_1067, %ne3A_1062 : i1
        %add3A_1069 = arith.addi %rem3A_1060, %select_n3A_1059 : i32
        %select_n3A_1070 = arith.select %and3A_1068, %add3A_1069, %rem3A_1060 : i32
        %mul3A_1071 = arith.constant 16 : i32
        %mul3A_1072 = arith.muli %select_n3A_1070, %mul3A_1071 : i32
        %swap3A_1073 = arith.index_cast %select_n3A_1054 : i32 to index
        %swap3A_1074 = arith.index_cast %mul3A_1072 : i32 to index
        %swap3A_1075 = tpu.vector_load %arg8[%swap3A_1073, %swap3A_1074] {strides = array<i32>} : memref<16x128xf32, #tpu.memory_space<vmem>>, vector<1x16xf32>,
        %swap3A_1076 = vector.shape_cast %swap3A_1075 : vector<1x16xf32> to vector<16xf32>
        %swap3A_1077 = vector.shape_cast %get3A_1030 : vector<16xf32> to vector<1x16xf32>
        tpu.vector_store %arg8[%swap3A_1073, %swap3A_1074], %swap3A_1077 {strides = array<i32>} : memref<16x128xf32, #tpu.memory_space<vmem>>, vector<1x16xf32>,
        %mul3A_1078 = arith.constant 16 : i32
        %mul3A_1079 = arith.muli %scan3A_514, %mul3A_1078 : i32
        %add3A_1080 = arith.constant 9 : i32
        %add3A_1081 = arith.addi %mul3A_1079, %add3A_1080 : i32
        %slice3A_1082 = vector.extract_strided_slice %get3A_521 {offsets = [9], sizes = [1], strides = [1]} : vector<16xi32> to vector<1xi32>
        %squeeze3A_1083 = vector.extract %slice3A_1082[0] : i32 from vector<1xi32>
        %shift_right_logical3A_1084 = arith.constant 17 : i32
        %shift_right_logical3A_1085 = arith.shrui %squeeze3A_1083, %shift_right_logical3A_1084 : i32
        %mul3A_1086 = arith.constant 16 : i32
        %mul3A_1087 = arith.muli %shift_right_logical3A_1085, %mul3A_1086 : i32
        %get3A_1088 = arith.constant 0 : i32
        %get3A_1089 = arith.index_cast %get3A_1088 : i32 to index
        %get3A_1090 = arith.index_cast %add3A_1081 : i32 to index
        %get3A_1091 = arith.index_cast %mul3A_1087 : i32 to index
        %get3A_1092 = tpu.vector_load %arg7[%get3A_1089, %get3A_1090, %get3A_1091] {strides = array<i32>} : memref<4x128x128xf32, #tpu.memory_space<vmem>>, vector<1x1x16xf32>,
        %get3A_1093 = vector.shape_cast %get3A_1092 : vector<1x1x16xf32> to vector<16xf32>
        %jit3A_1094 = arith.constant 8 : i32
        %div3A_1095 = arith.divsi %add3A_1081, %jit3A_1094 : i32
        %sign3A_1096 = arith.constant 0 : i32
        %sign3A_1097 = arith.cmpi sgt, %add3A_1081, %sign3A_1096 : i32
        %sign3A_1098 = arith.extui %sign3A_1097 : i1 to i32
        %sign3A_1099 = arith.constant 0 : i32
        %sign3A_1100 = arith.cmpi slt, %add3A_1081, %sign3A_1099 : i32
        %sign3A_1101 = arith.extui %sign3A_1100 : i1 to i32
        %sign3A_1102 = arith.subi %sign3A_1098, %sign3A_1101 : i32
        %sign3A_1103 = arith.constant 0 : i32
        %sign3A_1104 = arith.cmpi sgt, %jit3A_1094, %sign3A_1103 : i32
        %sign3A_1105 = arith.extui %sign3A_1104 : i1 to i32
        %sign3A_1106 = arith.constant 0 : i32
        %sign3A_1107 = arith.cmpi slt, %jit3A_1094, %sign3A_1106 : i32
        %sign3A_1108 = arith.extui %sign3A_1107 : i1 to i32
        %sign3A_1109 = arith.subi %sign3A_1105, %sign3A_1108 : i32
        %ne3A_1110 = arith.cmpi ne, %sign3A_1102, %sign3A_1109 : i32
        %rem3A_1111 = arith.remsi %add3A_1081, %jit3A_1094 : i32
        %ne3A_1112 = arith.constant 0 : i32
        %ne3A_1113 = arith.cmpi ne, %rem3A_1111, %ne3A_1112 : i32
        %and3A_1114 = arith.andi %ne3A_1110, %ne3A_1113 : i1
        %sub3A_1115 = arith.constant 1 : i32
        %sub3A_1116 = arith.subi %div3A_1095, %sub3A_1115 : i32
        %select_n3A_1117 = arith.select %and3A_1114, %sub3A_1116, %div3A_1095 : i32
        %jit3A_1118 = arith.constant 8 : i32
        %eq3A_1119 = arith.constant 0 : i32
        %eq3A_1120 = arith.cmpi eq, %jit3A_1118, %eq3A_1119 : i32
        %jit3A_1121 = arith.constant 1 : i32
        %select_n3A_1122 = arith.select %eq3A_1120, %jit3A_1121, %jit3A_1118 : i32
        %rem3A_1123 = arith.remsi %add3A_1081, %select_n3A_1122 : i32
        %ne3A_1124 = arith.constant 0 : i32
        %ne3A_1125 = arith.cmpi ne, %rem3A_1123, %ne3A_1124 : i32
        %lt3A_1126 = arith.constant 0 : i32
        %lt3A_1127 = arith.cmpi slt, %rem3A_1123, %lt3A_1126 : i32
        %lt3A_1128 = arith.constant 0 : i32
        %lt3A_1129 = arith.cmpi slt, %select_n3A_1122, %lt3A_1128 : i32
        %ne3A_1130 = arith.xori %lt3A_1127, %lt3A_1129 : i1
        %and3A_1131 = arith.andi %ne3A_1130, %ne3A_1125 : i1
        %add3A_1132 = arith.addi %rem3A_1123, %select_n3A_1122 : i32
        %select_n3A_1133 = arith.select %and3A_1131, %add3A_1132, %rem3A_1123 : i32
        %mul3A_1134 = arith.constant 16 : i32
        %mul3A_1135 = arith.muli %select_n3A_1133, %mul3A_1134 : i32
        %swap3A_1136 = arith.index_cast %select_n3A_1117 : i32 to index
        %swap3A_1137 = arith.index_cast %mul3A_1135 : i32 to index
        %swap3A_1138 = tpu.vector_load %arg8[%swap3A_1136, %swap3A_1137] {strides = array<i32>} : memref<16x128xf32, #tpu.memory_space<vmem>>, vector<1x16xf32>,
        %swap3A_1139 = vector.shape_cast %swap3A_1138 : vector<1x16xf32> to vector<16xf32>
        %swap3A_1140 = vector.shape_cast %get3A_1093 : vector<16xf32> to vector<1x16xf32>
        tpu.vector_store %arg8[%swap3A_1136, %swap3A_1137], %swap3A_1140 {strides = array<i32>} : memref<16x128xf32, #tpu.memory_space<vmem>>, vector<1x16xf32>,
        %mul3A_1141 = arith.constant 16 : i32
        %mul3A_1142 = arith.muli %scan3A_514, %mul3A_1141 : i32
        %add3A_1143 = arith.constant 10 : i32
        %add3A_1144 = arith.addi %mul3A_1142, %add3A_1143 : i32
        %slice3A_1145 = vector.extract_strided_slice %get3A_521 {offsets = [10], sizes = [1], strides = [1]} : vector<16xi32> to vector<1xi32>
        %squeeze3A_1146 = vector.extract %slice3A_1145[0] : i32 from vector<1xi32>
        %shift_right_logical3A_1147 = arith.constant 17 : i32
        %shift_right_logical3A_1148 = arith.shrui %squeeze3A_1146, %shift_right_logical3A_1147 : i32
        %mul3A_1149 = arith.constant 16 : i32
        %mul3A_1150 = arith.muli %shift_right_logical3A_1148, %mul3A_1149 : i32
        %get3A_1151 = arith.constant 0 : i32
        %get3A_1152 = arith.index_cast %get3A_1151 : i32 to index
        %get3A_1153 = arith.index_cast %add3A_1144 : i32 to index
        %get3A_1154 = arith.index_cast %mul3A_1150 : i32 to index
        %get3A_1155 = tpu.vector_load %arg7[%get3A_1152, %get3A_1153, %get3A_1154] {strides = array<i32>} : memref<4x128x128xf32, #tpu.memory_space<vmem>>, vector<1x1x16xf32>,
        %get3A_1156 = vector.shape_cast %get3A_1155 : vector<1x1x16xf32> to vector<16xf32>
        %jit3A_1157 = arith.constant 8 : i32
        %div3A_1158 = arith.divsi %add3A_1144, %jit3A_1157 : i32
        %sign3A_1159 = arith.constant 0 : i32
        %sign3A_1160 = arith.cmpi sgt, %add3A_1144, %sign3A_1159 : i32
        %sign3A_1161 = arith.extui %sign3A_1160 : i1 to i32
        %sign3A_1162 = arith.constant 0 : i32
        %sign3A_1163 = arith.cmpi slt, %add3A_1144, %sign3A_1162 : i32
        %sign3A_1164 = arith.extui %sign3A_1163 : i1 to i32
        %sign3A_1165 = arith.subi %sign3A_1161, %sign3A_1164 : i32
        %sign3A_1166 = arith.constant 0 : i32
        %sign3A_1167 = arith.cmpi sgt, %jit3A_1157, %sign3A_1166 : i32
        %sign3A_1168 = arith.extui %sign3A_1167 : i1 to i32
        %sign3A_1169 = arith.constant 0 : i32
        %sign3A_1170 = arith.cmpi slt, %jit3A_1157, %sign3A_1169 : i32
        %sign3A_1171 = arith.extui %sign3A_1170 : i1 to i32
        %sign3A_1172 = arith.subi %sign3A_1168, %sign3A_1171 : i32
        %ne3A_1173 = arith.cmpi ne, %sign3A_1165, %sign3A_1172 : i32
        %rem3A_1174 = arith.remsi %add3A_1144, %jit3A_1157 : i32
        %ne3A_1175 = arith.constant 0 : i32
        %ne3A_1176 = arith.cmpi ne, %rem3A_1174, %ne3A_1175 : i32
        %and3A_1177 = arith.andi %ne3A_1173, %ne3A_1176 : i1
        %sub3A_1178 = arith.constant 1 : i32
        %sub3A_1179 = arith.subi %div3A_1158, %sub3A_1178 : i32
        %select_n3A_1180 = arith.select %and3A_1177, %sub3A_1179, %div3A_1158 : i32
        %jit3A_1181 = arith.constant 8 : i32
        %eq3A_1182 = arith.constant 0 : i32
        %eq3A_1183 = arith.cmpi eq, %jit3A_1181, %eq3A_1182 : i32
        %jit3A_1184 = arith.constant 1 : i32
        %select_n3A_1185 = arith.select %eq3A_1183, %jit3A_1184, %jit3A_1181 : i32
        %rem3A_1186 = arith.remsi %add3A_1144, %select_n3A_1185 : i32
        %ne3A_1187 = arith.constant 0 : i32
        %ne3A_1188 = arith.cmpi ne, %rem3A_1186, %ne3A_1187 : i32
        %lt3A_1189 = arith.constant 0 : i32
        %lt3A_1190 = arith.cmpi slt, %rem3A_1186, %lt3A_1189 : i32
        %lt3A_1191 = arith.constant 0 : i32
        %lt3A_1192 = arith.cmpi slt, %select_n3A_1185, %lt3A_1191 : i32
        %ne3A_1193 = arith.xori %lt3A_1190, %lt3A_1192 : i1
        %and3A_1194 = arith.andi %ne3A_1193, %ne3A_1188 : i1
        %add3A_1195 = arith.addi %rem3A_1186, %select_n3A_1185 : i32
        %select_n3A_1196 = arith.select %and3A_1194, %add3A_1195, %rem3A_1186 : i32
        %mul3A_1197 = arith.constant 16 : i32
        %mul3A_1198 = arith.muli %select_n3A_1196, %mul3A_1197 : i32
        %swap3A_1199 = arith.index_cast %select_n3A_1180 : i32 to index
        %swap3A_1200 = arith.index_cast %mul3A_1198 : i32 to index
        %swap3A_1201 = tpu.vector_load %arg8[%swap3A_1199, %swap3A_1200] {strides = array<i32>} : memref<16x128xf32, #tpu.memory_space<vmem>>, vector<1x16xf32>,
        %swap3A_1202 = vector.shape_cast %swap3A_1201 : vector<1x16xf32> to vector<16xf32>
        %swap3A_1203 = vector.shape_cast %get3A_1156 : vector<16xf32> to vector<1x16xf32>
        tpu.vector_store %arg8[%swap3A_1199, %swap3A_1200], %swap3A_1203 {strides = array<i32>} : memref<16x128xf32, #tpu.memory_space<vmem>>, vector<1x16xf32>,
        %mul3A_1204 = arith.constant 16 : i32
        %mul3A_1205 = arith.muli %scan3A_514, %mul3A_1204 : i32
        %add3A_1206 = arith.constant 11 : i32
        %add3A_1207 = arith.addi %mul3A_1205, %add3A_1206 : i32
        %slice3A_1208 = vector.extract_strided_slice %get3A_521 {offsets = [11], sizes = [1], strides = [1]} : vector<16xi32> to vector<1xi32>
        %squeeze3A_1209 = vector.extract %slice3A_1208[0] : i32 from vector<1xi32>
        %shift_right_logical3A_1210 = arith.constant 17 : i32
        %shift_right_logical3A_1211 = arith.shrui %squeeze3A_1209, %shift_right_logical3A_1210 : i32
        %mul3A_1212 = arith.constant 16 : i32
        %mul3A_1213 = arith.muli %shift_right_logical3A_1211, %mul3A_1212 : i32
        %get3A_1214 = arith.constant 0 : i32
        %get3A_1215 = arith.index_cast %get3A_1214 : i32 to index
        %get3A_1216 = arith.index_cast %add3A_1207 : i32 to index
        %get3A_1217 = arith.index_cast %mul3A_1213 : i32 to index
        %get3A_1218 = tpu.vector_load %arg7[%get3A_1215, %get3A_1216, %get3A_1217] {strides = array<i32>} : memref<4x128x128xf32, #tpu.memory_space<vmem>>, vector<1x1x16xf32>,
        %get3A_1219 = vector.shape_cast %get3A_1218 : vector<1x1x16xf32> to vector<16xf32>
        %jit3A_1220 = arith.constant 8 : i32
        %div3A_1221 = arith.divsi %add3A_1207, %jit3A_1220 : i32
        %sign3A_1222 = arith.constant 0 : i32
        %sign3A_1223 = arith.cmpi sgt, %add3A_1207, %sign3A_1222 : i32
        %sign3A_1224 = arith.extui %sign3A_1223 : i1 to i32
        %sign3A_1225 = arith.constant 0 : i32
        %sign3A_1226 = arith.cmpi slt, %add3A_1207, %sign3A_1225 : i32
        %sign3A_1227 = arith.extui %sign3A_1226 : i1 to i32
        %sign3A_1228 = arith.subi %sign3A_1224, %sign3A_1227 : i32
        %sign3A_1229 = arith.constant 0 : i32
        %sign3A_1230 = arith.cmpi sgt, %jit3A_1220, %sign3A_1229 : i32
        %sign3A_1231 = arith.extui %sign3A_1230 : i1 to i32
        %sign3A_1232 = arith.constant 0 : i32
        %sign3A_1233 = arith.cmpi slt, %jit3A_1220, %sign3A_1232 : i32
        %sign3A_1234 = arith.extui %sign3A_1233 : i1 to i32
        %sign3A_1235 = arith.subi %sign3A_1231, %sign3A_1234 : i32
        %ne3A_1236 = arith.cmpi ne, %sign3A_1228, %sign3A_1235 : i32
        %rem3A_1237 = arith.remsi %add3A_1207, %jit3A_1220 : i32
        %ne3A_1238 = arith.constant 0 : i32
        %ne3A_1239 = arith.cmpi ne, %rem3A_1237, %ne3A_1238 : i32
        %and3A_1240 = arith.andi %ne3A_1236, %ne3A_1239 : i1
        %sub3A_1241 = arith.constant 1 : i32
        %sub3A_1242 = arith.subi %div3A_1221, %sub3A_1241 : i32
        %select_n3A_1243 = arith.select %and3A_1240, %sub3A_1242, %div3A_1221 : i32
        %jit3A_1244 = arith.constant 8 : i32
        %eq3A_1245 = arith.constant 0 : i32
        %eq3A_1246 = arith.cmpi eq, %jit3A_1244, %eq3A_1245 : i32
        %jit3A_1247 = arith.constant 1 : i32
        %select_n3A_1248 = arith.select %eq3A_1246, %jit3A_1247, %jit3A_1244 : i32
        %rem3A_1249 = arith.remsi %add3A_1207, %select_n3A_1248 : i32
        %ne3A_1250 = arith.constant 0 : i32
        %ne3A_1251 = arith.cmpi ne, %rem3A_1249, %ne3A_1250 : i32
        %lt3A_1252 = arith.constant 0 : i32
        %lt3A_1253 = arith.cmpi slt, %rem3A_1249, %lt3A_1252 : i32
        %lt3A_1254 = arith.constant 0 : i32
        %lt3A_1255 = arith.cmpi slt, %select_n3A_1248, %lt3A_1254 : i32
        %ne3A_1256 = arith.xori %lt3A_1253, %lt3A_1255 : i1
        %and3A_1257 = arith.andi %ne3A_1256, %ne3A_1251 : i1
        %add3A_1258 = arith.addi %rem3A_1249, %select_n3A_1248 : i32
        %select_n3A_1259 = arith.select %and3A_1257, %add3A_1258, %rem3A_1249 : i32
        %mul3A_1260 = arith.constant 16 : i32
        %mul3A_1261 = arith.muli %select_n3A_1259, %mul3A_1260 : i32
        %swap3A_1262 = arith.index_cast %select_n3A_1243 : i32 to index
        %swap3A_1263 = arith.index_cast %mul3A_1261 : i32 to index
        %swap3A_1264 = tpu.vector_load %arg8[%swap3A_1262, %swap3A_1263] {strides = array<i32>} : memref<16x128xf32, #tpu.memory_space<vmem>>, vector<1x16xf32>,
        %swap3A_1265 = vector.shape_cast %swap3A_1264 : vector<1x16xf32> to vector<16xf32>
        %swap3A_1266 = vector.shape_cast %get3A_1219 : vector<16xf32> to vector<1x16xf32>
        tpu.vector_store %arg8[%swap3A_1262, %swap3A_1263], %swap3A_1266 {strides = array<i32>} : memref<16x128xf32, #tpu.memory_space<vmem>>, vector<1x16xf32>,
        %mul3A_1267 = arith.constant 16 : i32
        %mul3A_1268 = arith.muli %scan3A_514, %mul3A_1267 : i32
        %add3A_1269 = arith.constant 12 : i32
        %add3A_1270 = arith.addi %mul3A_1268, %add3A_1269 : i32
        %slice3A_1271 = vector.extract_strided_slice %get3A_521 {offsets = [12], sizes = [1], strides = [1]} : vector<16xi32> to vector<1xi32>
        %squeeze3A_1272 = vector.extract %slice3A_1271[0] : i32 from vector<1xi32>
        %shift_right_logical3A_1273 = arith.constant 17 : i32
        %shift_right_logical3A_1274 = arith.shrui %squeeze3A_1272, %shift_right_logical3A_1273 : i32
        %mul3A_1275 = arith.constant 16 : i32
        %mul3A_1276 = arith.muli %shift_right_logical3A_1274, %mul3A_1275 : i32
        %get3A_1277 = arith.constant 0 : i32
        %get3A_1278 = arith.index_cast %get3A_1277 : i32 to index
        %get3A_1279 = arith.index_cast %add3A_1270 : i32 to index
        %get3A_1280 = arith.index_cast %mul3A_1276 : i32 to index
        %get3A_1281 = tpu.vector_load %arg7[%get3A_1278, %get3A_1279, %get3A_1280] {strides = array<i32>} : memref<4x128x128xf32, #tpu.memory_space<vmem>>, vector<1x1x16xf32>,
        %get3A_1282 = vector.shape_cast %get3A_1281 : vector<1x1x16xf32> to vector<16xf32>
        %jit3A_1283 = arith.constant 8 : i32
        %div3A_1284 = arith.divsi %add3A_1270, %jit3A_1283 : i32
        %sign3A_1285 = arith.constant 0 : i32
        %sign3A_1286 = arith.cmpi sgt, %add3A_1270, %sign3A_1285 : i32
        %sign3A_1287 = arith.extui %sign3A_1286 : i1 to i32
        %sign3A_1288 = arith.constant 0 : i32
        %sign3A_1289 = arith.cmpi slt, %add3A_1270, %sign3A_1288 : i32
        %sign3A_1290 = arith.extui %sign3A_1289 : i1 to i32
        %sign3A_1291 = arith.subi %sign3A_1287, %sign3A_1290 : i32
        %sign3A_1292 = arith.constant 0 : i32
        %sign3A_1293 = arith.cmpi sgt, %jit3A_1283, %sign3A_1292 : i32
        %sign3A_1294 = arith.extui %sign3A_1293 : i1 to i32
        %sign3A_1295 = arith.constant 0 : i32
        %sign3A_1296 = arith.cmpi slt, %jit3A_1283, %sign3A_1295 : i32
        %sign3A_1297 = arith.extui %sign3A_1296 : i1 to i32
        %sign3A_1298 = arith.subi %sign3A_1294, %sign3A_1297 : i32
        %ne3A_1299 = arith.cmpi ne, %sign3A_1291, %sign3A_1298 : i32
        %rem3A_1300 = arith.remsi %add3A_1270, %jit3A_1283 : i32
        %ne3A_1301 = arith.constant 0 : i32
        %ne3A_1302 = arith.cmpi ne, %rem3A_1300, %ne3A_1301 : i32
        %and3A_1303 = arith.andi %ne3A_1299, %ne3A_1302 : i1
        %sub3A_1304 = arith.constant 1 : i32
        %sub3A_1305 = arith.subi %div3A_1284, %sub3A_1304 : i32
        %select_n3A_1306 = arith.select %and3A_1303, %sub3A_1305, %div3A_1284 : i32
        %jit3A_1307 = arith.constant 8 : i32
        %eq3A_1308 = arith.constant 0 : i32
        %eq3A_1309 = arith.cmpi eq, %jit3A_1307, %eq3A_1308 : i32
        %jit3A_1310 = arith.constant 1 : i32
        %select_n3A_1311 = arith.select %eq3A_1309, %jit3A_1310, %jit3A_1307 : i32
        %rem3A_1312 = arith.remsi %add3A_1270, %select_n3A_1311 : i32
        %ne3A_1313 = arith.constant 0 : i32
        %ne3A_1314 = arith.cmpi ne, %rem3A_1312, %ne3A_1313 : i32
        %lt3A_1315 = arith.constant 0 : i32
        %lt3A_1316 = arith.cmpi slt, %rem3A_1312, %lt3A_1315 : i32
        %lt3A_1317 = arith.constant 0 : i32
        %lt3A_1318 = arith.cmpi slt, %select_n3A_1311, %lt3A_1317 : i32
        %ne3A_1319 = arith.xori %lt3A_1316, %lt3A_1318 : i1
        %and3A_1320 = arith.andi %ne3A_1319, %ne3A_1314 : i1
        %add3A_1321 = arith.addi %rem3A_1312, %select_n3A_1311 : i32
        %select_n3A_1322 = arith.select %and3A_1320, %add3A_1321, %rem3A_1312 : i32
        %mul3A_1323 = arith.constant 16 : i32
        %mul3A_1324 = arith.muli %select_n3A_1322, %mul3A_1323 : i32
        %swap3A_1325 = arith.index_cast %select_n3A_1306 : i32 to index
        %swap3A_1326 = arith.index_cast %mul3A_1324 : i32 to index
        %swap3A_1327 = tpu.vector_load %arg8[%swap3A_1325, %swap3A_1326] {strides = array<i32>} : memref<16x128xf32, #tpu.memory_space<vmem>>, vector<1x16xf32>,
        %swap3A_1328 = vector.shape_cast %swap3A_1327 : vector<1x16xf32> to vector<16xf32>
        %swap3A_1329 = vector.shape_cast %get3A_1282 : vector<16xf32> to vector<1x16xf32>
        tpu.vector_store %arg8[%swap3A_1325, %swap3A_1326], %swap3A_1329 {strides = array<i32>} : memref<16x128xf32, #tpu.memory_space<vmem>>, vector<1x16xf32>,
        %mul3A_1330 = arith.constant 16 : i32
        %mul3A_1331 = arith.muli %scan3A_514, %mul3A_1330 : i32
        %add3A_1332 = arith.constant 13 : i32
        %add3A_1333 = arith.addi %mul3A_1331, %add3A_1332 : i32
        %slice3A_1334 = vector.extract_strided_slice %get3A_521 {offsets = [13], sizes = [1], strides = [1]} : vector<16xi32> to vector<1xi32>
        %squeeze3A_1335 = vector.extract %slice3A_1334[0] : i32 from vector<1xi32>
        %shift_right_logical3A_1336 = arith.constant 17 : i32
        %shift_right_logical3A_1337 = arith.shrui %squeeze3A_1335, %shift_right_logical3A_1336 : i32
        %mul3A_1338 = arith.constant 16 : i32
        %mul3A_1339 = arith.muli %shift_right_logical3A_1337, %mul3A_1338 : i32
        %get3A_1340 = arith.constant 0 : i32
        %get3A_1341 = arith.index_cast %get3A_1340 : i32 to index
        %get3A_1342 = arith.index_cast %add3A_1333 : i32 to index
        %get3A_1343 = arith.index_cast %mul3A_1339 : i32 to index
        %get3A_1344 = tpu.vector_load %arg7[%get3A_1341, %get3A_1342, %get3A_1343] {strides = array<i32>} : memref<4x128x128xf32, #tpu.memory_space<vmem>>, vector<1x1x16xf32>,
        %get3A_1345 = vector.shape_cast %get3A_1344 : vector<1x1x16xf32> to vector<16xf32>
        %jit3A_1346 = arith.constant 8 : i32
        %div3A_1347 = arith.divsi %add3A_1333, %jit3A_1346 : i32
        %sign3A_1348 = arith.constant 0 : i32
        %sign3A_1349 = arith.cmpi sgt, %add3A_1333, %sign3A_1348 : i32
        %sign3A_1350 = arith.extui %sign3A_1349 : i1 to i32
        %sign3A_1351 = arith.constant 0 : i32
        %sign3A_1352 = arith.cmpi slt, %add3A_1333, %sign3A_1351 : i32
        %sign3A_1353 = arith.extui %sign3A_1352 : i1 to i32
        %sign3A_1354 = arith.subi %sign3A_1350, %sign3A_1353 : i32
        %sign3A_1355 = arith.constant 0 : i32
        %sign3A_1356 = arith.cmpi sgt, %jit3A_1346, %sign3A_1355 : i32
        %sign3A_1357 = arith.extui %sign3A_1356 : i1 to i32
        %sign3A_1358 = arith.constant 0 : i32
        %sign3A_1359 = arith.cmpi slt, %jit3A_1346, %sign3A_1358 : i32
        %sign3A_1360 = arith.extui %sign3A_1359 : i1 to i32
        %sign3A_1361 = arith.subi %sign3A_1357, %sign3A_1360 : i32
        %ne3A_1362 = arith.cmpi ne, %sign3A_1354, %sign3A_1361 : i32
        %rem3A_1363 = arith.remsi %add3A_1333, %jit3A_1346 : i32
        %ne3A_1364 = arith.constant 0 : i32
        %ne3A_1365 = arith.cmpi ne, %rem3A_1363, %ne3A_1364 : i32
        %and3A_1366 = arith.andi %ne3A_1362, %ne3A_1365 : i1
        %sub3A_1367 = arith.constant 1 : i32
        %sub3A_1368 = arith.subi %div3A_1347, %sub3A_1367 : i32
        %select_n3A_1369 = arith.select %and3A_1366, %sub3A_1368, %div3A_1347 : i32
        %jit3A_1370 = arith.constant 8 : i32
        %eq3A_1371 = arith.constant 0 : i32
        %eq3A_1372 = arith.cmpi eq, %jit3A_1370, %eq3A_1371 : i32
        %jit3A_1373 = arith.constant 1 : i32
        %select_n3A_1374 = arith.select %eq3A_1372, %jit3A_1373, %jit3A_1370 : i32
        %rem3A_1375 = arith.remsi %add3A_1333, %select_n3A_1374 : i32
        %ne3A_1376 = arith.constant 0 : i32
        %ne3A_1377 = arith.cmpi ne, %rem3A_1375, %ne3A_1376 : i32
        %lt3A_1378 = arith.constant 0 : i32
        %lt3A_1379 = arith.cmpi slt, %rem3A_1375, %lt3A_1378 : i32
        %lt3A_1380 = arith.constant 0 : i32
        %lt3A_1381 = arith.cmpi slt, %select_n3A_1374, %lt3A_1380 : i32
        %ne3A_1382 = arith.xori %lt3A_1379, %lt3A_1381 : i1
        %and3A_1383 = arith.andi %ne3A_1382, %ne3A_1377 : i1
        %add3A_1384 = arith.addi %rem3A_1375, %select_n3A_1374 : i32
        %select_n3A_1385 = arith.select %and3A_1383, %add3A_1384, %rem3A_1375 : i32
        %mul3A_1386 = arith.constant 16 : i32
        %mul3A_1387 = arith.muli %select_n3A_1385, %mul3A_1386 : i32
        %swap3A_1388 = arith.index_cast %select_n3A_1369 : i32 to index
        %swap3A_1389 = arith.index_cast %mul3A_1387 : i32 to index
        %swap3A_1390 = tpu.vector_load %arg8[%swap3A_1388, %swap3A_1389] {strides = array<i32>} : memref<16x128xf32, #tpu.memory_space<vmem>>, vector<1x16xf32>,
        %swap3A_1391 = vector.shape_cast %swap3A_1390 : vector<1x16xf32> to vector<16xf32>
        %swap3A_1392 = vector.shape_cast %get3A_1345 : vector<16xf32> to vector<1x16xf32>
        tpu.vector_store %arg8[%swap3A_1388, %swap3A_1389], %swap3A_1392 {strides = array<i32>} : memref<16x128xf32, #tpu.memory_space<vmem>>, vector<1x16xf32>,
        %mul3A_1393 = arith.constant 16 : i32
        %mul3A_1394 = arith.muli %scan3A_514, %mul3A_1393 : i32
        %add3A_1395 = arith.constant 14 : i32
        %add3A_1396 = arith.addi %mul3A_1394, %add3A_1395 : i32
        %slice3A_1397 = vector.extract_strided_slice %get3A_521 {offsets = [14], sizes = [1], strides = [1]} : vector<16xi32> to vector<1xi32>
        %squeeze3A_1398 = vector.extract %slice3A_1397[0] : i32 from vector<1xi32>
        %shift_right_logical3A_1399 = arith.constant 17 : i32
        %shift_right_logical3A_1400 = arith.shrui %squeeze3A_1398, %shift_right_logical3A_1399 : i32
        %mul3A_1401 = arith.constant 16 : i32
        %mul3A_1402 = arith.muli %shift_right_logical3A_1400, %mul3A_1401 : i32
        %get3A_1403 = arith.constant 0 : i32
        %get3A_1404 = arith.index_cast %get3A_1403 : i32 to index
        %get3A_1405 = arith.index_cast %add3A_1396 : i32 to index
        %get3A_1406 = arith.index_cast %mul3A_1402 : i32 to index
        %get3A_1407 = tpu.vector_load %arg7[%get3A_1404, %get3A_1405, %get3A_1406] {strides = array<i32>} : memref<4x128x128xf32, #tpu.memory_space<vmem>>, vector<1x1x16xf32>,
        %get3A_1408 = vector.shape_cast %get3A_1407 : vector<1x1x16xf32> to vector<16xf32>
        %jit3A_1409 = arith.constant 8 : i32
        %div3A_1410 = arith.divsi %add3A_1396, %jit3A_1409 : i32
        %sign3A_1411 = arith.constant 0 : i32
        %sign3A_1412 = arith.cmpi sgt, %add3A_1396, %sign3A_1411 : i32
        %sign3A_1413 = arith.extui %sign3A_1412 : i1 to i32
        %sign3A_1414 = arith.constant 0 : i32
        %sign3A_1415 = arith.cmpi slt, %add3A_1396, %sign3A_1414 : i32
        %sign3A_1416 = arith.extui %sign3A_1415 : i1 to i32
        %sign3A_1417 = arith.subi %sign3A_1413, %sign3A_1416 : i32
        %sign3A_1418 = arith.constant 0 : i32
        %sign3A_1419 = arith.cmpi sgt, %jit3A_1409, %sign3A_1418 : i32
        %sign3A_1420 = arith.extui %sign3A_1419 : i1 to i32
        %sign3A_1421 = arith.constant 0 : i32
        %sign3A_1422 = arith.cmpi slt, %jit3A_1409, %sign3A_1421 : i32
        %sign3A_1423 = arith.extui %sign3A_1422 : i1 to i32
        %sign3A_1424 = arith.subi %sign3A_1420, %sign3A_1423 : i32
        %ne3A_1425 = arith.cmpi ne, %sign3A_1417, %sign3A_1424 : i32
        %rem3A_1426 = arith.remsi %add3A_1396, %jit3A_1409 : i32
        %ne3A_1427 = arith.constant 0 : i32
        %ne3A_1428 = arith.cmpi ne, %rem3A_1426, %ne3A_1427 : i32
        %and3A_1429 = arith.andi %ne3A_1425, %ne3A_1428 : i1
        %sub3A_1430 = arith.constant 1 : i32
        %sub3A_1431 = arith.subi %div3A_1410, %sub3A_1430 : i32
        %select_n3A_1432 = arith.select %and3A_1429, %sub3A_1431, %div3A_1410 : i32
        %jit3A_1433 = arith.constant 8 : i32
        %eq3A_1434 = arith.constant 0 : i32
        %eq3A_1435 = arith.cmpi eq, %jit3A_1433, %eq3A_1434 : i32
        %jit3A_1436 = arith.constant 1 : i32
        %select_n3A_1437 = arith.select %eq3A_1435, %jit3A_1436, %jit3A_1433 : i32
        %rem3A_1438 = arith.remsi %add3A_1396, %select_n3A_1437 : i32
        %ne3A_1439 = arith.constant 0 : i32
        %ne3A_1440 = arith.cmpi ne, %rem3A_1438, %ne3A_1439 : i32
        %lt3A_1441 = arith.constant 0 : i32
        %lt3A_1442 = arith.cmpi slt, %rem3A_1438, %lt3A_1441 : i32
        %lt3A_1443 = arith.constant 0 : i32
        %lt3A_1444 = arith.cmpi slt, %select_n3A_1437, %lt3A_1443 : i32
        %ne3A_1445 = arith.xori %lt3A_1442, %lt3A_1444 : i1
        %and3A_1446 = arith.andi %ne3A_1445, %ne3A_1440 : i1
        %add3A_1447 = arith.addi %rem3A_1438, %select_n3A_1437 : i32
        %select_n3A_1448 = arith.select %and3A_1446, %add3A_1447, %rem3A_1438 : i32
        %mul3A_1449 = arith.constant 16 : i32
        %mul3A_1450 = arith.muli %select_n3A_1448, %mul3A_1449 : i32
        %swap3A_1451 = arith.index_cast %select_n3A_1432 : i32 to index
        %swap3A_1452 = arith.index_cast %mul3A_1450 : i32 to index
        %swap3A_1453 = tpu.vector_load %arg8[%swap3A_1451, %swap3A_1452] {strides = array<i32>} : memref<16x128xf32, #tpu.memory_space<vmem>>, vector<1x16xf32>,
        %swap3A_1454 = vector.shape_cast %swap3A_1453 : vector<1x16xf32> to vector<16xf32>
        %swap3A_1455 = vector.shape_cast %get3A_1408 : vector<16xf32> to vector<1x16xf32>
        tpu.vector_store %arg8[%swap3A_1451, %swap3A_1452], %swap3A_1455 {strides = array<i32>} : memref<16x128xf32, #tpu.memory_space<vmem>>, vector<1x16xf32>,
        %mul3A_1456 = arith.constant 16 : i32
        %mul3A_1457 = arith.muli %scan3A_514, %mul3A_1456 : i32
        %add3A_1458 = arith.constant 15 : i32
        %add3A_1459 = arith.addi %mul3A_1457, %add3A_1458 : i32
        %slice3A_1460 = vector.extract_strided_slice %get3A_521 {offsets = [15], sizes = [1], strides = [1]} : vector<16xi32> to vector<1xi32>
        %squeeze3A_1461 = vector.extract %slice3A_1460[0] : i32 from vector<1xi32>
        %shift_right_logical3A_1462 = arith.constant 17 : i32
        %shift_right_logical3A_1463 = arith.shrui %squeeze3A_1461, %shift_right_logical3A_1462 : i32
        %mul3A_1464 = arith.constant 16 : i32
        %mul3A_1465 = arith.muli %shift_right_logical3A_1463, %mul3A_1464 : i32
        %get3A_1466 = arith.constant 0 : i32
        %get3A_1467 = arith.index_cast %get3A_1466 : i32 to index
        %get3A_1468 = arith.index_cast %add3A_1459 : i32 to index
        %get3A_1469 = arith.index_cast %mul3A_1465 : i32 to index
        %get3A_1470 = tpu.vector_load %arg7[%get3A_1467, %get3A_1468, %get3A_1469] {strides = array<i32>} : memref<4x128x128xf32, #tpu.memory_space<vmem>>, vector<1x1x16xf32>,
        %get3A_1471 = vector.shape_cast %get3A_1470 : vector<1x1x16xf32> to vector<16xf32>
        %jit3A_1472 = arith.constant 8 : i32
        %div3A_1473 = arith.divsi %add3A_1459, %jit3A_1472 : i32
        %sign3A_1474 = arith.constant 0 : i32
        %sign3A_1475 = arith.cmpi sgt, %add3A_1459, %sign3A_1474 : i32
        %sign3A_1476 = arith.extui %sign3A_1475 : i1 to i32
        %sign3A_1477 = arith.constant 0 : i32
        %sign3A_1478 = arith.cmpi slt, %add3A_1459, %sign3A_1477 : i32
        %sign3A_1479 = arith.extui %sign3A_1478 : i1 to i32
        %sign3A_1480 = arith.subi %sign3A_1476, %sign3A_1479 : i32
        %sign3A_1481 = arith.constant 0 : i32
        %sign3A_1482 = arith.cmpi sgt, %jit3A_1472, %sign3A_1481 : i32
        %sign3A_1483 = arith.extui %sign3A_1482 : i1 to i32
        %sign3A_1484 = arith.constant 0 : i32
        %sign3A_1485 = arith.cmpi slt, %jit3A_1472, %sign3A_1484 : i32
        %sign3A_1486 = arith.extui %sign3A_1485 : i1 to i32
        %sign3A_1487 = arith.subi %sign3A_1483, %sign3A_1486 : i32
        %ne3A_1488 = arith.cmpi ne, %sign3A_1480, %sign3A_1487 : i32
        %rem3A_1489 = arith.remsi %add3A_1459, %jit3A_1472 : i32
        %ne3A_1490 = arith.constant 0 : i32
        %ne3A_1491 = arith.cmpi ne, %rem3A_1489, %ne3A_1490 : i32
        %and3A_1492 = arith.andi %ne3A_1488, %ne3A_1491 : i1
        %sub3A_1493 = arith.constant 1 : i32
        %sub3A_1494 = arith.subi %div3A_1473, %sub3A_1493 : i32
        %select_n3A_1495 = arith.select %and3A_1492, %sub3A_1494, %div3A_1473 : i32
        %jit3A_1496 = arith.constant 8 : i32
        %eq3A_1497 = arith.constant 0 : i32
        %eq3A_1498 = arith.cmpi eq, %jit3A_1496, %eq3A_1497 : i32
        %jit3A_1499 = arith.constant 1 : i32
        %select_n3A_1500 = arith.select %eq3A_1498, %jit3A_1499, %jit3A_1496 : i32
        %rem3A_1501 = arith.remsi %add3A_1459, %select_n3A_1500 : i32
        %ne3A_1502 = arith.constant 0 : i32
        %ne3A_1503 = arith.cmpi ne, %rem3A_1501, %ne3A_1502 : i32
        %lt3A_1504 = arith.constant 0 : i32
        %lt3A_1505 = arith.cmpi slt, %rem3A_1501, %lt3A_1504 : i32
        %lt3A_1506 = arith.constant 0 : i32
        %lt3A_1507 = arith.cmpi slt, %select_n3A_1500, %lt3A_1506 : i32
        %ne3A_1508 = arith.xori %lt3A_1505, %lt3A_1507 : i1
        %and3A_1509 = arith.andi %ne3A_1508, %ne3A_1503 : i1
        %add3A_1510 = arith.addi %rem3A_1501, %select_n3A_1500 : i32
        %select_n3A_1511 = arith.select %and3A_1509, %add3A_1510, %rem3A_1501 : i32
        %mul3A_1512 = arith.constant 16 : i32
        %mul3A_1513 = arith.muli %select_n3A_1511, %mul3A_1512 : i32
        %swap3A_1514 = arith.index_cast %select_n3A_1495 : i32 to index
        %swap3A_1515 = arith.index_cast %mul3A_1513 : i32 to index
        %swap3A_1516 = tpu.vector_load %arg8[%swap3A_1514, %swap3A_1515] {strides = array<i32>} : memref<16x128xf32, #tpu.memory_space<vmem>>, vector<1x16xf32>,
        %swap3A_1517 = vector.shape_cast %swap3A_1516 : vector<1x16xf32> to vector<16xf32>
        %swap3A_1518 = vector.shape_cast %get3A_1471 : vector<16xf32> to vector<1x16xf32>
        tpu.vector_store %arg8[%swap3A_1514, %swap3A_1515], %swap3A_1518 {strides = array<i32>} : memref<16x128xf32, #tpu.memory_space<vmem>>, vector<1x16xf32>,
        %scan3A_1519 = arith.constant 0 : i32
        scf.yield %scan3A_1519 : i32
      }
      %scan3A_410 = arith.constant 8 : i32
      %mul3A_411 = arith.constant 16 : i32
      %mul3A_412 = arith.muli %add3A_392, %mul3A_411 : i32
      %add3A_413 = arith.addi %mul3A_4, %mul3A_412 : i32
      "tpu.region"() ({
        %run_scoped3A = tpu.sem_alloc : memref<!tpu.dma_semaphore, #tpu.memory_space<semaphore_mem>>
        %dma_start3A_514 = arith.constant 0 : i32
        %dma_start3A_515 = tpu.memref_slice %arg4[%add3A_413, %dma_start3A_514] : memref<102400x128xf32, #tpu.memory_space<hbm>> -> memref<16x128xf32, #tpu.memory_space<hbm>>
        %dma_start3A_516 = arith.constant 0 : i32
        %dma_start3A_517 = tpu.memref_slice %arg4[%add3A_413, %dma_start3A_516] : memref<102400x128xf32, #tpu.memory_space<hbm>> -> memref<16x128xf32, #tpu.memory_space<hbm>>
        tpu.enqueue_dma source(%arg8 : memref<16x128xf32, #tpu.memory_space<vmem>>) target(%dma_start3A_517 : memref<16x128xf32, #tpu.memory_space<hbm>>) target_semaphore(%run_scoped3A : memref<!tpu.dma_semaphore, #tpu.memory_space<semaphore_mem>>)
        %dma_wait3A_518 = arith.constant 0 : i32
        %dma_wait3A_519 = tpu.memref_slice %arg4[%add3A_413, %dma_wait3A_518] : memref<102400x128xf32, #tpu.memory_space<hbm>> -> memref<16x128xf32, #tpu.memory_space<hbm>>
        %dma_wait3A_520 = arith.constant 0 : i32
        %dma_wait3A_521 = tpu.memref_slice %arg4[%add3A_413, %dma_wait3A_520] : memref<102400x128xf32, #tpu.memory_space<hbm>> -> memref<16x128xf32, #tpu.memory_space<hbm>>
        tpu.wait_dma2 semaphore(%run_scoped3A : memref<!tpu.dma_semaphore, #tpu.memory_space<semaphore_mem>>) src(%arg8 : memref<16x128xf32, #tpu.memory_space<vmem>>) dst(%dma_wait3A_521 : memref<16x128xf32, #tpu.memory_space<hbm>>)
        tpu.yield
      }) : () -> ()
      %add3A_414 = arith.constant 1 : i32
      %add3A_415 = arith.addi %mul3A_384, %add3A_414 : i32
      %add3A_416 = arith.constant 3 : i32
      %add3A_417 = arith.addi %add3A_415, %add3A_416 : i32
      %lt3A_418 = arith.constant 200 : i32
      %lt3A_419 = arith.cmpi slt, %add3A_417, %lt3A_418 : i32
      %convert_element_type3A_420 = arith.extui %lt3A_419 : i1 to i32
      %cond3A_421 = arith.constant 0 : i32
      %cond3A_422 = arith.cmpi ne, %convert_element_type3A_420, %cond3A_421 : i32
      scf.if %cond3A_422 {
        %get3A_514 = arith.index_cast %add3A_417 : i32 to index
        %get3A_515 = arith.constant 0 : index
        %get3A_516 = tpu.vector_load %arg5[%get3A_514, %get3A_515] {strides = array<i32>} : memref<200x128xi32, #tpu.memory_space<vmem>>, vector<1x16xi32>,
        %get3A_517 = vector.shape_cast %get3A_516 : vector<1x16xi32> to vector<16xi32>
        %and3A_518 = arith.constant 131071 : i32
        %and3A_519 = vector.broadcast %and3A_518 : i32 to vector<16xi32>
        %and3A_520 = arith.andi %get3A_517, %and3A_519 : vector<16xi32>
        %swap3A_521 = arith.constant 0 : i32
        %swap3A_522 = arith.index_cast %swap3A_521 : i32 to index
        %swap3A_523 = arith.constant 0 : index
        %swap3A_524 = tpu.vector_load %arg6[%swap3A_522, %swap3A_523] {strides = array<i32>} : memref<4x128xi32, #tpu.memory_space<vmem>>, vector<1x16xi32>,
        %swap3A_525 = vector.shape_cast %swap3A_524 : vector<1x16xi32> to vector<16xi32>
        %swap3A_526 = vector.shape_cast %and3A_520 : vector<16xi32> to vector<1x16xi32>
        tpu.vector_store %arg6[%swap3A_522, %swap3A_523], %swap3A_526 {strides = array<i32>} : memref<4x128xi32, #tpu.memory_space<vmem>>, vector<1x16xi32>,
        %get3A_527 = arith.index_cast %add3A_417 : i32 to index
        %get3A_528 = arith.constant 16 : index
        %get3A_529 = tpu.vector_load %arg5[%get3A_527, %get3A_528] {strides = array<i32>} : memref<200x128xi32, #tpu.memory_space<vmem>>, vector<1x16xi32>,
        %get3A_530 = vector.shape_cast %get3A_529 : vector<1x16xi32> to vector<16xi32>
        %and3A_531 = arith.constant 131071 : i32
        %and3A_532 = vector.broadcast %and3A_531 : i32 to vector<16xi32>
        %and3A_533 = arith.andi %get3A_530, %and3A_532 : vector<16xi32>
        %swap3A_534 = arith.constant 0 : i32
        %swap3A_535 = arith.index_cast %swap3A_534 : i32 to index
        %swap3A_536 = arith.constant 16 : index
        %swap3A_537 = tpu.vector_load %arg6[%swap3A_535, %swap3A_536] {strides = array<i32>} : memref<4x128xi32, #tpu.memory_space<vmem>>, vector<1x16xi32>,
        %swap3A_538 = vector.shape_cast %swap3A_537 : vector<1x16xi32> to vector<16xi32>
        %swap3A_539 = vector.shape_cast %and3A_533 : vector<16xi32> to vector<1x16xi32>
        tpu.vector_store %arg6[%swap3A_535, %swap3A_536], %swap3A_539 {strides = array<i32>} : memref<4x128xi32, #tpu.memory_space<vmem>>, vector<1x16xi32>,
        %get3A_540 = arith.index_cast %add3A_417 : i32 to index
        %get3A_541 = arith.constant 32 : index
        %get3A_542 = tpu.vector_load %arg5[%get3A_540, %get3A_541] {strides = array<i32>} : memref<200x128xi32, #tpu.memory_space<vmem>>, vector<1x16xi32>,
        %get3A_543 = vector.shape_cast %get3A_542 : vector<1x16xi32> to vector<16xi32>
        %and3A_544 = arith.constant 131071 : i32
        %and3A_545 = vector.broadcast %and3A_544 : i32 to vector<16xi32>
        %and3A_546 = arith.andi %get3A_543, %and3A_545 : vector<16xi32>
        %swap3A_547 = arith.constant 0 : i32
        %swap3A_548 = arith.index_cast %swap3A_547 : i32 to index
        %swap3A_549 = arith.constant 32 : index
        %swap3A_550 = tpu.vector_load %arg6[%swap3A_548, %swap3A_549] {strides = array<i32>} : memref<4x128xi32, #tpu.memory_space<vmem>>, vector<1x16xi32>,
        %swap3A_551 = vector.shape_cast %swap3A_550 : vector<1x16xi32> to vector<16xi32>
        %swap3A_552 = vector.shape_cast %and3A_546 : vector<16xi32> to vector<1x16xi32>
        tpu.vector_store %arg6[%swap3A_548, %swap3A_549], %swap3A_552 {strides = array<i32>} : memref<4x128xi32, #tpu.memory_space<vmem>>, vector<1x16xi32>,
        %get3A_553 = arith.index_cast %add3A_417 : i32 to index
        %get3A_554 = arith.constant 48 : index
        %get3A_555 = tpu.vector_load %arg5[%get3A_553, %get3A_554] {strides = array<i32>} : memref<200x128xi32, #tpu.memory_space<vmem>>, vector<1x16xi32>,
        %get3A_556 = vector.shape_cast %get3A_555 : vector<1x16xi32> to vector<16xi32>
        %and3A_557 = arith.constant 131071 : i32
        %and3A_558 = vector.broadcast %and3A_557 : i32 to vector<16xi32>
        %and3A_559 = arith.andi %get3A_556, %and3A_558 : vector<16xi32>
        %swap3A_560 = arith.constant 0 : i32
        %swap3A_561 = arith.index_cast %swap3A_560 : i32 to index
        %swap3A_562 = arith.constant 48 : index
        %swap3A_563 = tpu.vector_load %arg6[%swap3A_561, %swap3A_562] {strides = array<i32>} : memref<4x128xi32, #tpu.memory_space<vmem>>, vector<1x16xi32>,
        %swap3A_564 = vector.shape_cast %swap3A_563 : vector<1x16xi32> to vector<16xi32>
        %swap3A_565 = vector.shape_cast %and3A_559 : vector<16xi32> to vector<1x16xi32>
        tpu.vector_store %arg6[%swap3A_561, %swap3A_562], %swap3A_565 {strides = array<i32>} : memref<4x128xi32, #tpu.memory_space<vmem>>, vector<1x16xi32>,
        %get3A_566 = arith.index_cast %add3A_417 : i32 to index
        %get3A_567 = arith.constant 64 : index
        %get3A_568 = tpu.vector_load %arg5[%get3A_566, %get3A_567] {strides = array<i32>} : memref<200x128xi32, #tpu.memory_space<vmem>>, vector<1x16xi32>,
        %get3A_569 = vector.shape_cast %get3A_568 : vector<1x16xi32> to vector<16xi32>
        %and3A_570 = arith.constant 131071 : i32
        %and3A_571 = vector.broadcast %and3A_570 : i32 to vector<16xi32>
        %and3A_572 = arith.andi %get3A_569, %and3A_571 : vector<16xi32>
        %swap3A_573 = arith.constant 0 : i32
        %swap3A_574 = arith.index_cast %swap3A_573 : i32 to index
        %swap3A_575 = arith.constant 64 : index
        %swap3A_576 = tpu.vector_load %arg6[%swap3A_574, %swap3A_575] {strides = array<i32>} : memref<4x128xi32, #tpu.memory_space<vmem>>, vector<1x16xi32>,
        %swap3A_577 = vector.shape_cast %swap3A_576 : vector<1x16xi32> to vector<16xi32>
        %swap3A_578 = vector.shape_cast %and3A_572 : vector<16xi32> to vector<1x16xi32>
        tpu.vector_store %arg6[%swap3A_574, %swap3A_575], %swap3A_578 {strides = array<i32>} : memref<4x128xi32, #tpu.memory_space<vmem>>, vector<1x16xi32>,
        %get3A_579 = arith.index_cast %add3A_417 : i32 to index
        %get3A_580 = arith.constant 80 : index
        %get3A_581 = tpu.vector_load %arg5[%get3A_579, %get3A_580] {strides = array<i32>} : memref<200x128xi32, #tpu.memory_space<vmem>>, vector<1x16xi32>,
        %get3A_582 = vector.shape_cast %get3A_581 : vector<1x16xi32> to vector<16xi32>
        %and3A_583 = arith.constant 131071 : i32
        %and3A_584 = vector.broadcast %and3A_583 : i32 to vector<16xi32>
        %and3A_585 = arith.andi %get3A_582, %and3A_584 : vector<16xi32>
        %swap3A_586 = arith.constant 0 : i32
        %swap3A_587 = arith.index_cast %swap3A_586 : i32 to index
        %swap3A_588 = arith.constant 80 : index
        %swap3A_589 = tpu.vector_load %arg6[%swap3A_587, %swap3A_588] {strides = array<i32>} : memref<4x128xi32, #tpu.memory_space<vmem>>, vector<1x16xi32>,
        %swap3A_590 = vector.shape_cast %swap3A_589 : vector<1x16xi32> to vector<16xi32>
        %swap3A_591 = vector.shape_cast %and3A_585 : vector<16xi32> to vector<1x16xi32>
        tpu.vector_store %arg6[%swap3A_587, %swap3A_588], %swap3A_591 {strides = array<i32>} : memref<4x128xi32, #tpu.memory_space<vmem>>, vector<1x16xi32>,
        %get3A_592 = arith.index_cast %add3A_417 : i32 to index
        %get3A_593 = arith.constant 96 : index
        %get3A_594 = tpu.vector_load %arg5[%get3A_592, %get3A_593] {strides = array<i32>} : memref<200x128xi32, #tpu.memory_space<vmem>>, vector<1x16xi32>,
        %get3A_595 = vector.shape_cast %get3A_594 : vector<1x16xi32> to vector<16xi32>
        %and3A_596 = arith.constant 131071 : i32
        %and3A_597 = vector.broadcast %and3A_596 : i32 to vector<16xi32>
        %and3A_598 = arith.andi %get3A_595, %and3A_597 : vector<16xi32>
        %swap3A_599 = arith.constant 0 : i32
        %swap3A_600 = arith.index_cast %swap3A_599 : i32 to index
        %swap3A_601 = arith.constant 96 : index
        %swap3A_602 = tpu.vector_load %arg6[%swap3A_600, %swap3A_601] {strides = array<i32>} : memref<4x128xi32, #tpu.memory_space<vmem>>, vector<1x16xi32>,
        %swap3A_603 = vector.shape_cast %swap3A_602 : vector<1x16xi32> to vector<16xi32>
        %swap3A_604 = vector.shape_cast %and3A_598 : vector<16xi32> to vector<1x16xi32>
        tpu.vector_store %arg6[%swap3A_600, %swap3A_601], %swap3A_604 {strides = array<i32>} : memref<4x128xi32, #tpu.memory_space<vmem>>, vector<1x16xi32>,
        %get3A_605 = arith.index_cast %add3A_417 : i32 to index
        %get3A_606 = arith.constant 112 : index
        %get3A_607 = tpu.vector_load %arg5[%get3A_605, %get3A_606] {strides = array<i32>} : memref<200x128xi32, #tpu.memory_space<vmem>>, vector<1x16xi32>,
        %get3A_608 = vector.shape_cast %get3A_607 : vector<1x16xi32> to vector<16xi32>
        %and3A_609 = arith.constant 131071 : i32
        %and3A_610 = vector.broadcast %and3A_609 : i32 to vector<16xi32>
        %and3A_611 = arith.andi %get3A_608, %and3A_610 : vector<16xi32>
        %swap3A_612 = arith.constant 0 : i32
        %swap3A_613 = arith.index_cast %swap3A_612 : i32 to index
        %swap3A_614 = arith.constant 112 : index
        %swap3A_615 = tpu.vector_load %arg6[%swap3A_613, %swap3A_614] {strides = array<i32>} : memref<4x128xi32, #tpu.memory_space<vmem>>, vector<1x16xi32>,
        %swap3A_616 = vector.shape_cast %swap3A_615 : vector<1x16xi32> to vector<16xi32>
        %swap3A_617 = vector.shape_cast %and3A_611 : vector<16xi32> to vector<1x16xi32>
        tpu.vector_store %arg6[%swap3A_613, %swap3A_614], %swap3A_617 {strides = array<i32>} : memref<4x128xi32, #tpu.memory_space<vmem>>, vector<1x16xi32>,
        %dma_start3A_618 = arith.constant 0 : i32
        %dma_start3A_619 = arith.constant 0 : i32
        %dma_start3A_620 = arith.constant 0 : i32
        %dma_start3A_621 = arith.constant 0 : i32
        %dma_start3A_622 = tpu.memref_slice %arg7[%dma_start3A_619, %dma_start3A_620, %dma_start3A_621] : memref<4x128x128xf32, #tpu.memory_space<vmem>> -> memref<1x128x128xf32, #tpu.memory_space<vmem>>
        %dma_start3A_623 = tpu.memref_squeeze %dma_start3A_622 : memref<1x128x128xf32, #tpu.memory_space<vmem>> -> memref<128x128xf32, #tpu.memory_space<vmem>>
        %dma_start3A_624 = arith.constant 0 : i32
        %dma_start3A_625 = tpu.memref_slice %arg6[%dma_start3A_618, %dma_start3A_624] : memref<4x128xi32, #tpu.memory_space<vmem>> -> memref<1x128xi32, #tpu.memory_space<vmem>>
        %dma_start3A_626 = tpu.memref_squeeze %dma_start3A_625 : memref<1x128xi32, #tpu.memory_space<vmem>> -> memref<128xi32, #tpu.memory_space<vmem>>
        %dma_start3A_627 = arith.constant 0 : i32
        %dma_start3A_628 = arith.constant 0 : i32
        %dma_start3A_629 = tpu.memref_slice %arg2[%dma_start3A_627, %dma_start3A_628] : memref<131072x128xf32, #tpu.memory_space<hbm>> -> memref<131072x128xf32, #tpu.memory_space<hbm>>
        tpu.enqueue_indirect_dma source(%dma_start3A_629 : memref<131072x128xf32, #tpu.memory_space<hbm>>) target(%dma_start3A_623 : memref<128x128xf32, #tpu.memory_space<vmem>>) offsets(%dma_start3A_626 : memref<128xi32, #tpu.memory_space<vmem>>) semaphore(%arg9 : memref<!tpu.dma_semaphore, #tpu.memory_space<semaphore_mem>>)
      } else {
      }
      %add3A_423 = arith.constant 1 : i32
      %add3A_424 = arith.addi %mul3A_384, %add3A_423 : i32
      %dma_wait3A_425 = arith.constant 1 : i32
      %dma_wait3A_426 = arith.constant 1 : i32
      %dma_wait3A_427 = arith.constant 0 : i32
      %dma_wait3A_428 = arith.constant 0 : i32
      %dma_wait3A_429 = tpu.memref_slice %arg7[%dma_wait3A_426, %dma_wait3A_427, %dma_wait3A_428] : memref<4x128x128xf32, #tpu.memory_space<vmem>> -> memref<1x128x128xf32, #tpu.memory_space<vmem>>
      %dma_wait3A_430 = tpu.memref_squeeze %dma_wait3A_429 : memref<1x128x128xf32, #tpu.memory_space<vmem>> -> memref<128x128xf32, #tpu.memory_space<vmem>>
      %dma_wait3A_431 = arith.constant 0 : i32
      %dma_wait3A_432 = tpu.memref_slice %arg6[%dma_wait3A_425, %dma_wait3A_431] : memref<4x128xi32, #tpu.memory_space<vmem>> -> memref<1x128xi32, #tpu.memory_space<vmem>>
      %dma_wait3A_433 = tpu.memref_squeeze %dma_wait3A_432 : memref<1x128xi32, #tpu.memory_space<vmem>> -> memref<128xi32, #tpu.memory_space<vmem>>
      %dma_wait3A_434 = arith.constant 0 : i32
      %dma_wait3A_435 = arith.constant 0 : i32
      %dma_wait3A_436 = tpu.memref_slice %arg2[%dma_wait3A_434, %dma_wait3A_435] : memref<131072x128xf32, #tpu.memory_space<hbm>> -> memref<131072x128xf32, #tpu.memory_space<hbm>>
      tpu.wait_indirect_dma semaphore(%arg10 : memref<!tpu.dma_semaphore, #tpu.memory_space<semaphore_mem>>) src(%dma_wait3A_436 : memref<131072x128xf32, #tpu.memory_space<hbm>>) dst(%dma_wait3A_430 : memref<128x128xf32, #tpu.memory_space<vmem>>)
      %scan3A_437 = arith.constant 0 : i32
      %scan3A_438 = arith.constant 0 : i32
      %scan3A_439 = arith.constant 8 : i32
      %scan3A_440 = arith.addi %scan3A_438, %scan3A_439 : i32
      %scan3A_441 = arith.constant 1 : i32
      %scan3A_442 = scf.for %scan3A_514 = %scan3A_438 to %scan3A_440 step %scan3A_441 iter_args(%scan3A_515 = %scan3A_437) -> (i32)  : i32 {
        %mul3A_516 = arith.constant 16 : i32
        %mul3A_517 = arith.muli %scan3A_514, %mul3A_516 : i32
        %get3A_518 = arith.index_cast %add3A_424 : i32 to index
        %get3A_519 = arith.index_cast %mul3A_517 : i32 to index
        %get3A_520 = tpu.vector_load %arg5[%get3A_518, %get3A_519] {strides = array<i32>} : memref<200x128xi32, #tpu.memory_space<vmem>>, vector<1x16xi32>,
        %get3A_521 = vector.shape_cast %get3A_520 : vector<1x16xi32> to vector<16xi32>
        %mul3A_522 = arith.constant 16 : i32
        %mul3A_523 = arith.muli %scan3A_514, %mul3A_522 : i32
        %add3A_524 = arith.constant 0 : i32
        %add3A_525 = arith.addi %mul3A_523, %add3A_524 : i32
        %slice3A = vector.extract_strided_slice %get3A_521 {offsets = [0], sizes = [1], strides = [1]} : vector<16xi32> to vector<1xi32>
        %squeeze3A = vector.extract %slice3A[0] : i32 from vector<1xi32>
        %shift_right_logical3A = arith.constant 17 : i32
        %shift_right_logical3A_526 = arith.shrui %squeeze3A, %shift_right_logical3A : i32
        %mul3A_527 = arith.constant 16 : i32
        %mul3A_528 = arith.muli %shift_right_logical3A_526, %mul3A_527 : i32
        %get3A_529 = arith.constant 1 : i32
        %get3A_530 = arith.index_cast %get3A_529 : i32 to index
        %get3A_531 = arith.index_cast %add3A_525 : i32 to index
        %get3A_532 = arith.index_cast %mul3A_528 : i32 to index
        %get3A_533 = tpu.vector_load %arg7[%get3A_530, %get3A_531, %get3A_532] {strides = array<i32>} : memref<4x128x128xf32, #tpu.memory_space<vmem>>, vector<1x1x16xf32>,
        %get3A_534 = vector.shape_cast %get3A_533 : vector<1x1x16xf32> to vector<16xf32>
        %jit3A = arith.constant 8 : i32
        %div3A = arith.divsi %add3A_525, %jit3A : i32
        %sign3A = arith.constant 0 : i32
        %sign3A_535 = arith.cmpi sgt, %add3A_525, %sign3A : i32
        %sign3A_536 = arith.extui %sign3A_535 : i1 to i32
        %sign3A_537 = arith.constant 0 : i32
        %sign3A_538 = arith.cmpi slt, %add3A_525, %sign3A_537 : i32
        %sign3A_539 = arith.extui %sign3A_538 : i1 to i32
        %sign3A_540 = arith.subi %sign3A_536, %sign3A_539 : i32
        %sign3A_541 = arith.constant 0 : i32
        %sign3A_542 = arith.cmpi sgt, %jit3A, %sign3A_541 : i32
        %sign3A_543 = arith.extui %sign3A_542 : i1 to i32
        %sign3A_544 = arith.constant 0 : i32
        %sign3A_545 = arith.cmpi slt, %jit3A, %sign3A_544 : i32
        %sign3A_546 = arith.extui %sign3A_545 : i1 to i32
        %sign3A_547 = arith.subi %sign3A_543, %sign3A_546 : i32
        %ne3A = arith.cmpi ne, %sign3A_540, %sign3A_547 : i32
        %rem3A = arith.remsi %add3A_525, %jit3A : i32
        %ne3A_548 = arith.constant 0 : i32
        %ne3A_549 = arith.cmpi ne, %rem3A, %ne3A_548 : i32
        %and3A_550 = arith.andi %ne3A, %ne3A_549 : i1
        %sub3A = arith.constant 1 : i32
        %sub3A_551 = arith.subi %div3A, %sub3A : i32
        %select_n3A = arith.select %and3A_550, %sub3A_551, %div3A : i32
        %jit3A_552 = arith.constant 8 : i32
        %eq3A = arith.constant 0 : i32
        %eq3A_553 = arith.cmpi eq, %jit3A_552, %eq3A : i32
        %jit3A_554 = arith.constant 1 : i32
        %select_n3A_555 = arith.select %eq3A_553, %jit3A_554, %jit3A_552 : i32
        %rem3A_556 = arith.remsi %add3A_525, %select_n3A_555 : i32
        %ne3A_557 = arith.constant 0 : i32
        %ne3A_558 = arith.cmpi ne, %rem3A_556, %ne3A_557 : i32
        %lt3A_559 = arith.constant 0 : i32
        %lt3A_560 = arith.cmpi slt, %rem3A_556, %lt3A_559 : i32
        %lt3A_561 = arith.constant 0 : i32
        %lt3A_562 = arith.cmpi slt, %select_n3A_555, %lt3A_561 : i32
        %ne3A_563 = arith.xori %lt3A_560, %lt3A_562 : i1
        %and3A_564 = arith.andi %ne3A_563, %ne3A_558 : i1
        %add3A_565 = arith.addi %rem3A_556, %select_n3A_555 : i32
        %select_n3A_566 = arith.select %and3A_564, %add3A_565, %rem3A_556 : i32
        %mul3A_567 = arith.constant 16 : i32
        %mul3A_568 = arith.muli %select_n3A_566, %mul3A_567 : i32
        %swap3A_569 = arith.index_cast %select_n3A : i32 to index
        %swap3A_570 = arith.index_cast %mul3A_568 : i32 to index
        %swap3A_571 = tpu.vector_load %arg8[%swap3A_569, %swap3A_570] {strides = array<i32>} : memref<16x128xf32, #tpu.memory_space<vmem>>, vector<1x16xf32>,
        %swap3A_572 = vector.shape_cast %swap3A_571 : vector<1x16xf32> to vector<16xf32>
        %swap3A_573 = vector.shape_cast %get3A_534 : vector<16xf32> to vector<1x16xf32>
        tpu.vector_store %arg8[%swap3A_569, %swap3A_570], %swap3A_573 {strides = array<i32>} : memref<16x128xf32, #tpu.memory_space<vmem>>, vector<1x16xf32>,
        %mul3A_574 = arith.constant 16 : i32
        %mul3A_575 = arith.muli %scan3A_514, %mul3A_574 : i32
        %add3A_576 = arith.constant 1 : i32
        %add3A_577 = arith.addi %mul3A_575, %add3A_576 : i32
        %slice3A_578 = vector.extract_strided_slice %get3A_521 {offsets = [1], sizes = [1], strides = [1]} : vector<16xi32> to vector<1xi32>
        %squeeze3A_579 = vector.extract %slice3A_578[0] : i32 from vector<1xi32>
        %shift_right_logical3A_580 = arith.constant 17 : i32
        %shift_right_logical3A_581 = arith.shrui %squeeze3A_579, %shift_right_logical3A_580 : i32
        %mul3A_582 = arith.constant 16 : i32
        %mul3A_583 = arith.muli %shift_right_logical3A_581, %mul3A_582 : i32
        %get3A_584 = arith.constant 1 : i32
        %get3A_585 = arith.index_cast %get3A_584 : i32 to index
        %get3A_586 = arith.index_cast %add3A_577 : i32 to index
        %get3A_587 = arith.index_cast %mul3A_583 : i32 to index
        %get3A_588 = tpu.vector_load %arg7[%get3A_585, %get3A_586, %get3A_587] {strides = array<i32>} : memref<4x128x128xf32, #tpu.memory_space<vmem>>, vector<1x1x16xf32>,
        %get3A_589 = vector.shape_cast %get3A_588 : vector<1x1x16xf32> to vector<16xf32>
        %jit3A_590 = arith.constant 8 : i32
        %div3A_591 = arith.divsi %add3A_577, %jit3A_590 : i32
        %sign3A_592 = arith.constant 0 : i32
        %sign3A_593 = arith.cmpi sgt, %add3A_577, %sign3A_592 : i32
        %sign3A_594 = arith.extui %sign3A_593 : i1 to i32
        %sign3A_595 = arith.constant 0 : i32
        %sign3A_596 = arith.cmpi slt, %add3A_577, %sign3A_595 : i32
        %sign3A_597 = arith.extui %sign3A_596 : i1 to i32
        %sign3A_598 = arith.subi %sign3A_594, %sign3A_597 : i32
        %sign3A_599 = arith.constant 0 : i32
        %sign3A_600 = arith.cmpi sgt, %jit3A_590, %sign3A_599 : i32
        %sign3A_601 = arith.extui %sign3A_600 : i1 to i32
        %sign3A_602 = arith.constant 0 : i32
        %sign3A_603 = arith.cmpi slt, %jit3A_590, %sign3A_602 : i32
        %sign3A_604 = arith.extui %sign3A_603 : i1 to i32
        %sign3A_605 = arith.subi %sign3A_601, %sign3A_604 : i32
        %ne3A_606 = arith.cmpi ne, %sign3A_598, %sign3A_605 : i32
        %rem3A_607 = arith.remsi %add3A_577, %jit3A_590 : i32
        %ne3A_608 = arith.constant 0 : i32
        %ne3A_609 = arith.cmpi ne, %rem3A_607, %ne3A_608 : i32
        %and3A_610 = arith.andi %ne3A_606, %ne3A_609 : i1
        %sub3A_611 = arith.constant 1 : i32
        %sub3A_612 = arith.subi %div3A_591, %sub3A_611 : i32
        %select_n3A_613 = arith.select %and3A_610, %sub3A_612, %div3A_591 : i32
        %jit3A_614 = arith.constant 8 : i32
        %eq3A_615 = arith.constant 0 : i32
        %eq3A_616 = arith.cmpi eq, %jit3A_614, %eq3A_615 : i32
        %jit3A_617 = arith.constant 1 : i32
        %select_n3A_618 = arith.select %eq3A_616, %jit3A_617, %jit3A_614 : i32
        %rem3A_619 = arith.remsi %add3A_577, %select_n3A_618 : i32
        %ne3A_620 = arith.constant 0 : i32
        %ne3A_621 = arith.cmpi ne, %rem3A_619, %ne3A_620 : i32
        %lt3A_622 = arith.constant 0 : i32
        %lt3A_623 = arith.cmpi slt, %rem3A_619, %lt3A_622 : i32
        %lt3A_624 = arith.constant 0 : i32
        %lt3A_625 = arith.cmpi slt, %select_n3A_618, %lt3A_624 : i32
        %ne3A_626 = arith.xori %lt3A_623, %lt3A_625 : i1
        %and3A_627 = arith.andi %ne3A_626, %ne3A_621 : i1
        %add3A_628 = arith.addi %rem3A_619, %select_n3A_618 : i32
        %select_n3A_629 = arith.select %and3A_627, %add3A_628, %rem3A_619 : i32
        %mul3A_630 = arith.constant 16 : i32
        %mul3A_631 = arith.muli %select_n3A_629, %mul3A_630 : i32
        %swap3A_632 = arith.index_cast %select_n3A_613 : i32 to index
        %swap3A_633 = arith.index_cast %mul3A_631 : i32 to index
        %swap3A_634 = tpu.vector_load %arg8[%swap3A_632, %swap3A_633] {strides = array<i32>} : memref<16x128xf32, #tpu.memory_space<vmem>>, vector<1x16xf32>,
        %swap3A_635 = vector.shape_cast %swap3A_634 : vector<1x16xf32> to vector<16xf32>
        %swap3A_636 = vector.shape_cast %get3A_589 : vector<16xf32> to vector<1x16xf32>
        tpu.vector_store %arg8[%swap3A_632, %swap3A_633], %swap3A_636 {strides = array<i32>} : memref<16x128xf32, #tpu.memory_space<vmem>>, vector<1x16xf32>,
        %mul3A_637 = arith.constant 16 : i32
        %mul3A_638 = arith.muli %scan3A_514, %mul3A_637 : i32
        %add3A_639 = arith.constant 2 : i32
        %add3A_640 = arith.addi %mul3A_638, %add3A_639 : i32
        %slice3A_641 = vector.extract_strided_slice %get3A_521 {offsets = [2], sizes = [1], strides = [1]} : vector<16xi32> to vector<1xi32>
        %squeeze3A_642 = vector.extract %slice3A_641[0] : i32 from vector<1xi32>
        %shift_right_logical3A_643 = arith.constant 17 : i32
        %shift_right_logical3A_644 = arith.shrui %squeeze3A_642, %shift_right_logical3A_643 : i32
        %mul3A_645 = arith.constant 16 : i32
        %mul3A_646 = arith.muli %shift_right_logical3A_644, %mul3A_645 : i32
        %get3A_647 = arith.constant 1 : i32
        %get3A_648 = arith.index_cast %get3A_647 : i32 to index
        %get3A_649 = arith.index_cast %add3A_640 : i32 to index
        %get3A_650 = arith.index_cast %mul3A_646 : i32 to index
        %get3A_651 = tpu.vector_load %arg7[%get3A_648, %get3A_649, %get3A_650] {strides = array<i32>} : memref<4x128x128xf32, #tpu.memory_space<vmem>>, vector<1x1x16xf32>,
        %get3A_652 = vector.shape_cast %get3A_651 : vector<1x1x16xf32> to vector<16xf32>
        %jit3A_653 = arith.constant 8 : i32
        %div3A_654 = arith.divsi %add3A_640, %jit3A_653 : i32
        %sign3A_655 = arith.constant 0 : i32
        %sign3A_656 = arith.cmpi sgt, %add3A_640, %sign3A_655 : i32
        %sign3A_657 = arith.extui %sign3A_656 : i1 to i32
        %sign3A_658 = arith.constant 0 : i32
        %sign3A_659 = arith.cmpi slt, %add3A_640, %sign3A_658 : i32
        %sign3A_660 = arith.extui %sign3A_659 : i1 to i32
        %sign3A_661 = arith.subi %sign3A_657, %sign3A_660 : i32
        %sign3A_662 = arith.constant 0 : i32
        %sign3A_663 = arith.cmpi sgt, %jit3A_653, %sign3A_662 : i32
        %sign3A_664 = arith.extui %sign3A_663 : i1 to i32
        %sign3A_665 = arith.constant 0 : i32
        %sign3A_666 = arith.cmpi slt, %jit3A_653, %sign3A_665 : i32
        %sign3A_667 = arith.extui %sign3A_666 : i1 to i32
        %sign3A_668 = arith.subi %sign3A_664, %sign3A_667 : i32
        %ne3A_669 = arith.cmpi ne, %sign3A_661, %sign3A_668 : i32
        %rem3A_670 = arith.remsi %add3A_640, %jit3A_653 : i32
        %ne3A_671 = arith.constant 0 : i32
        %ne3A_672 = arith.cmpi ne, %rem3A_670, %ne3A_671 : i32
        %and3A_673 = arith.andi %ne3A_669, %ne3A_672 : i1
        %sub3A_674 = arith.constant 1 : i32
        %sub3A_675 = arith.subi %div3A_654, %sub3A_674 : i32
        %select_n3A_676 = arith.select %and3A_673, %sub3A_675, %div3A_654 : i32
        %jit3A_677 = arith.constant 8 : i32
        %eq3A_678 = arith.constant 0 : i32
        %eq3A_679 = arith.cmpi eq, %jit3A_677, %eq3A_678 : i32
        %jit3A_680 = arith.constant 1 : i32
        %select_n3A_681 = arith.select %eq3A_679, %jit3A_680, %jit3A_677 : i32
        %rem3A_682 = arith.remsi %add3A_640, %select_n3A_681 : i32
        %ne3A_683 = arith.constant 0 : i32
        %ne3A_684 = arith.cmpi ne, %rem3A_682, %ne3A_683 : i32
        %lt3A_685 = arith.constant 0 : i32
        %lt3A_686 = arith.cmpi slt, %rem3A_682, %lt3A_685 : i32
        %lt3A_687 = arith.constant 0 : i32
        %lt3A_688 = arith.cmpi slt, %select_n3A_681, %lt3A_687 : i32
        %ne3A_689 = arith.xori %lt3A_686, %lt3A_688 : i1
        %and3A_690 = arith.andi %ne3A_689, %ne3A_684 : i1
        %add3A_691 = arith.addi %rem3A_682, %select_n3A_681 : i32
        %select_n3A_692 = arith.select %and3A_690, %add3A_691, %rem3A_682 : i32
        %mul3A_693 = arith.constant 16 : i32
        %mul3A_694 = arith.muli %select_n3A_692, %mul3A_693 : i32
        %swap3A_695 = arith.index_cast %select_n3A_676 : i32 to index
        %swap3A_696 = arith.index_cast %mul3A_694 : i32 to index
        %swap3A_697 = tpu.vector_load %arg8[%swap3A_695, %swap3A_696] {strides = array<i32>} : memref<16x128xf32, #tpu.memory_space<vmem>>, vector<1x16xf32>,
        %swap3A_698 = vector.shape_cast %swap3A_697 : vector<1x16xf32> to vector<16xf32>
        %swap3A_699 = vector.shape_cast %get3A_652 : vector<16xf32> to vector<1x16xf32>
        tpu.vector_store %arg8[%swap3A_695, %swap3A_696], %swap3A_699 {strides = array<i32>} : memref<16x128xf32, #tpu.memory_space<vmem>>, vector<1x16xf32>,
        %mul3A_700 = arith.constant 16 : i32
        %mul3A_701 = arith.muli %scan3A_514, %mul3A_700 : i32
        %add3A_702 = arith.constant 3 : i32
        %add3A_703 = arith.addi %mul3A_701, %add3A_702 : i32
        %slice3A_704 = vector.extract_strided_slice %get3A_521 {offsets = [3], sizes = [1], strides = [1]} : vector<16xi32> to vector<1xi32>
        %squeeze3A_705 = vector.extract %slice3A_704[0] : i32 from vector<1xi32>
        %shift_right_logical3A_706 = arith.constant 17 : i32
        %shift_right_logical3A_707 = arith.shrui %squeeze3A_705, %shift_right_logical3A_706 : i32
        %mul3A_708 = arith.constant 16 : i32
        %mul3A_709 = arith.muli %shift_right_logical3A_707, %mul3A_708 : i32
        %get3A_710 = arith.constant 1 : i32
        %get3A_711 = arith.index_cast %get3A_710 : i32 to index
        %get3A_712 = arith.index_cast %add3A_703 : i32 to index
        %get3A_713 = arith.index_cast %mul3A_709 : i32 to index
        %get3A_714 = tpu.vector_load %arg7[%get3A_711, %get3A_712, %get3A_713] {strides = array<i32>} : memref<4x128x128xf32, #tpu.memory_space<vmem>>, vector<1x1x16xf32>,
        %get3A_715 = vector.shape_cast %get3A_714 : vector<1x1x16xf32> to vector<16xf32>
        %jit3A_716 = arith.constant 8 : i32
        %div3A_717 = arith.divsi %add3A_703, %jit3A_716 : i32
        %sign3A_718 = arith.constant 0 : i32
        %sign3A_719 = arith.cmpi sgt, %add3A_703, %sign3A_718 : i32
        %sign3A_720 = arith.extui %sign3A_719 : i1 to i32
        %sign3A_721 = arith.constant 0 : i32
        %sign3A_722 = arith.cmpi slt, %add3A_703, %sign3A_721 : i32
        %sign3A_723 = arith.extui %sign3A_722 : i1 to i32
        %sign3A_724 = arith.subi %sign3A_720, %sign3A_723 : i32
        %sign3A_725 = arith.constant 0 : i32
        %sign3A_726 = arith.cmpi sgt, %jit3A_716, %sign3A_725 : i32
        %sign3A_727 = arith.extui %sign3A_726 : i1 to i32
        %sign3A_728 = arith.constant 0 : i32
        %sign3A_729 = arith.cmpi slt, %jit3A_716, %sign3A_728 : i32
        %sign3A_730 = arith.extui %sign3A_729 : i1 to i32
        %sign3A_731 = arith.subi %sign3A_727, %sign3A_730 : i32
        %ne3A_732 = arith.cmpi ne, %sign3A_724, %sign3A_731 : i32
        %rem3A_733 = arith.remsi %add3A_703, %jit3A_716 : i32
        %ne3A_734 = arith.constant 0 : i32
        %ne3A_735 = arith.cmpi ne, %rem3A_733, %ne3A_734 : i32
        %and3A_736 = arith.andi %ne3A_732, %ne3A_735 : i1
        %sub3A_737 = arith.constant 1 : i32
        %sub3A_738 = arith.subi %div3A_717, %sub3A_737 : i32
        %select_n3A_739 = arith.select %and3A_736, %sub3A_738, %div3A_717 : i32
        %jit3A_740 = arith.constant 8 : i32
        %eq3A_741 = arith.constant 0 : i32
        %eq3A_742 = arith.cmpi eq, %jit3A_740, %eq3A_741 : i32
        %jit3A_743 = arith.constant 1 : i32
        %select_n3A_744 = arith.select %eq3A_742, %jit3A_743, %jit3A_740 : i32
        %rem3A_745 = arith.remsi %add3A_703, %select_n3A_744 : i32
        %ne3A_746 = arith.constant 0 : i32
        %ne3A_747 = arith.cmpi ne, %rem3A_745, %ne3A_746 : i32
        %lt3A_748 = arith.constant 0 : i32
        %lt3A_749 = arith.cmpi slt, %rem3A_745, %lt3A_748 : i32
        %lt3A_750 = arith.constant 0 : i32
        %lt3A_751 = arith.cmpi slt, %select_n3A_744, %lt3A_750 : i32
        %ne3A_752 = arith.xori %lt3A_749, %lt3A_751 : i1
        %and3A_753 = arith.andi %ne3A_752, %ne3A_747 : i1
        %add3A_754 = arith.addi %rem3A_745, %select_n3A_744 : i32
        %select_n3A_755 = arith.select %and3A_753, %add3A_754, %rem3A_745 : i32
        %mul3A_756 = arith.constant 16 : i32
        %mul3A_757 = arith.muli %select_n3A_755, %mul3A_756 : i32
        %swap3A_758 = arith.index_cast %select_n3A_739 : i32 to index
        %swap3A_759 = arith.index_cast %mul3A_757 : i32 to index
        %swap3A_760 = tpu.vector_load %arg8[%swap3A_758, %swap3A_759] {strides = array<i32>} : memref<16x128xf32, #tpu.memory_space<vmem>>, vector<1x16xf32>,
        %swap3A_761 = vector.shape_cast %swap3A_760 : vector<1x16xf32> to vector<16xf32>
        %swap3A_762 = vector.shape_cast %get3A_715 : vector<16xf32> to vector<1x16xf32>
        tpu.vector_store %arg8[%swap3A_758, %swap3A_759], %swap3A_762 {strides = array<i32>} : memref<16x128xf32, #tpu.memory_space<vmem>>, vector<1x16xf32>,
        %mul3A_763 = arith.constant 16 : i32
        %mul3A_764 = arith.muli %scan3A_514, %mul3A_763 : i32
        %add3A_765 = arith.constant 4 : i32
        %add3A_766 = arith.addi %mul3A_764, %add3A_765 : i32
        %slice3A_767 = vector.extract_strided_slice %get3A_521 {offsets = [4], sizes = [1], strides = [1]} : vector<16xi32> to vector<1xi32>
        %squeeze3A_768 = vector.extract %slice3A_767[0] : i32 from vector<1xi32>
        %shift_right_logical3A_769 = arith.constant 17 : i32
        %shift_right_logical3A_770 = arith.shrui %squeeze3A_768, %shift_right_logical3A_769 : i32
        %mul3A_771 = arith.constant 16 : i32
        %mul3A_772 = arith.muli %shift_right_logical3A_770, %mul3A_771 : i32
        %get3A_773 = arith.constant 1 : i32
        %get3A_774 = arith.index_cast %get3A_773 : i32 to index
        %get3A_775 = arith.index_cast %add3A_766 : i32 to index
        %get3A_776 = arith.index_cast %mul3A_772 : i32 to index
        %get3A_777 = tpu.vector_load %arg7[%get3A_774, %get3A_775, %get3A_776] {strides = array<i32>} : memref<4x128x128xf32, #tpu.memory_space<vmem>>, vector<1x1x16xf32>,
        %get3A_778 = vector.shape_cast %get3A_777 : vector<1x1x16xf32> to vector<16xf32>
        %jit3A_779 = arith.constant 8 : i32
        %div3A_780 = arith.divsi %add3A_766, %jit3A_779 : i32
        %sign3A_781 = arith.constant 0 : i32
        %sign3A_782 = arith.cmpi sgt, %add3A_766, %sign3A_781 : i32
        %sign3A_783 = arith.extui %sign3A_782 : i1 to i32
        %sign3A_784 = arith.constant 0 : i32
        %sign3A_785 = arith.cmpi slt, %add3A_766, %sign3A_784 : i32
        %sign3A_786 = arith.extui %sign3A_785 : i1 to i32
        %sign3A_787 = arith.subi %sign3A_783, %sign3A_786 : i32
        %sign3A_788 = arith.constant 0 : i32
        %sign3A_789 = arith.cmpi sgt, %jit3A_779, %sign3A_788 : i32
        %sign3A_790 = arith.extui %sign3A_789 : i1 to i32
        %sign3A_791 = arith.constant 0 : i32
        %sign3A_792 = arith.cmpi slt, %jit3A_779, %sign3A_791 : i32
        %sign3A_793 = arith.extui %sign3A_792 : i1 to i32
        %sign3A_794 = arith.subi %sign3A_790, %sign3A_793 : i32
        %ne3A_795 = arith.cmpi ne, %sign3A_787, %sign3A_794 : i32
        %rem3A_796 = arith.remsi %add3A_766, %jit3A_779 : i32
        %ne3A_797 = arith.constant 0 : i32
        %ne3A_798 = arith.cmpi ne, %rem3A_796, %ne3A_797 : i32
        %and3A_799 = arith.andi %ne3A_795, %ne3A_798 : i1
        %sub3A_800 = arith.constant 1 : i32
        %sub3A_801 = arith.subi %div3A_780, %sub3A_800 : i32
        %select_n3A_802 = arith.select %and3A_799, %sub3A_801, %div3A_780 : i32
        %jit3A_803 = arith.constant 8 : i32
        %eq3A_804 = arith.constant 0 : i32
        %eq3A_805 = arith.cmpi eq, %jit3A_803, %eq3A_804 : i32
        %jit3A_806 = arith.constant 1 : i32
        %select_n3A_807 = arith.select %eq3A_805, %jit3A_806, %jit3A_803 : i32
        %rem3A_808 = arith.remsi %add3A_766, %select_n3A_807 : i32
        %ne3A_809 = arith.constant 0 : i32
        %ne3A_810 = arith.cmpi ne, %rem3A_808, %ne3A_809 : i32
        %lt3A_811 = arith.constant 0 : i32
        %lt3A_812 = arith.cmpi slt, %rem3A_808, %lt3A_811 : i32
        %lt3A_813 = arith.constant 0 : i32
        %lt3A_814 = arith.cmpi slt, %select_n3A_807, %lt3A_813 : i32
        %ne3A_815 = arith.xori %lt3A_812, %lt3A_814 : i1
        %and3A_816 = arith.andi %ne3A_815, %ne3A_810 : i1
        %add3A_817 = arith.addi %rem3A_808, %select_n3A_807 : i32
        %select_n3A_818 = arith.select %and3A_816, %add3A_817, %rem3A_808 : i32
        %mul3A_819 = arith.constant 16 : i32
        %mul3A_820 = arith.muli %select_n3A_818, %mul3A_819 : i32
        %swap3A_821 = arith.index_cast %select_n3A_802 : i32 to index
        %swap3A_822 = arith.index_cast %mul3A_820 : i32 to index
        %swap3A_823 = tpu.vector_load %arg8[%swap3A_821, %swap3A_822] {strides = array<i32>} : memref<16x128xf32, #tpu.memory_space<vmem>>, vector<1x16xf32>,
        %swap3A_824 = vector.shape_cast %swap3A_823 : vector<1x16xf32> to vector<16xf32>
        %swap3A_825 = vector.shape_cast %get3A_778 : vector<16xf32> to vector<1x16xf32>
        tpu.vector_store %arg8[%swap3A_821, %swap3A_822], %swap3A_825 {strides = array<i32>} : memref<16x128xf32, #tpu.memory_space<vmem>>, vector<1x16xf32>,
        %mul3A_826 = arith.constant 16 : i32
        %mul3A_827 = arith.muli %scan3A_514, %mul3A_826 : i32
        %add3A_828 = arith.constant 5 : i32
        %add3A_829 = arith.addi %mul3A_827, %add3A_828 : i32
        %slice3A_830 = vector.extract_strided_slice %get3A_521 {offsets = [5], sizes = [1], strides = [1]} : vector<16xi32> to vector<1xi32>
        %squeeze3A_831 = vector.extract %slice3A_830[0] : i32 from vector<1xi32>
        %shift_right_logical3A_832 = arith.constant 17 : i32
        %shift_right_logical3A_833 = arith.shrui %squeeze3A_831, %shift_right_logical3A_832 : i32
        %mul3A_834 = arith.constant 16 : i32
        %mul3A_835 = arith.muli %shift_right_logical3A_833, %mul3A_834 : i32
        %get3A_836 = arith.constant 1 : i32
        %get3A_837 = arith.index_cast %get3A_836 : i32 to index
        %get3A_838 = arith.index_cast %add3A_829 : i32 to index
        %get3A_839 = arith.index_cast %mul3A_835 : i32 to index
        %get3A_840 = tpu.vector_load %arg7[%get3A_837, %get3A_838, %get3A_839] {strides = array<i32>} : memref<4x128x128xf32, #tpu.memory_space<vmem>>, vector<1x1x16xf32>,
        %get3A_841 = vector.shape_cast %get3A_840 : vector<1x1x16xf32> to vector<16xf32>
        %jit3A_842 = arith.constant 8 : i32
        %div3A_843 = arith.divsi %add3A_829, %jit3A_842 : i32
        %sign3A_844 = arith.constant 0 : i32
        %sign3A_845 = arith.cmpi sgt, %add3A_829, %sign3A_844 : i32
        %sign3A_846 = arith.extui %sign3A_845 : i1 to i32
        %sign3A_847 = arith.constant 0 : i32
        %sign3A_848 = arith.cmpi slt, %add3A_829, %sign3A_847 : i32
        %sign3A_849 = arith.extui %sign3A_848 : i1 to i32
        %sign3A_850 = arith.subi %sign3A_846, %sign3A_849 : i32
        %sign3A_851 = arith.constant 0 : i32
        %sign3A_852 = arith.cmpi sgt, %jit3A_842, %sign3A_851 : i32
        %sign3A_853 = arith.extui %sign3A_852 : i1 to i32
        %sign3A_854 = arith.constant 0 : i32
        %sign3A_855 = arith.cmpi slt, %jit3A_842, %sign3A_854 : i32
        %sign3A_856 = arith.extui %sign3A_855 : i1 to i32
        %sign3A_857 = arith.subi %sign3A_853, %sign3A_856 : i32
        %ne3A_858 = arith.cmpi ne, %sign3A_850, %sign3A_857 : i32
        %rem3A_859 = arith.remsi %add3A_829, %jit3A_842 : i32
        %ne3A_860 = arith.constant 0 : i32
        %ne3A_861 = arith.cmpi ne, %rem3A_859, %ne3A_860 : i32
        %and3A_862 = arith.andi %ne3A_858, %ne3A_861 : i1
        %sub3A_863 = arith.constant 1 : i32
        %sub3A_864 = arith.subi %div3A_843, %sub3A_863 : i32
        %select_n3A_865 = arith.select %and3A_862, %sub3A_864, %div3A_843 : i32
        %jit3A_866 = arith.constant 8 : i32
        %eq3A_867 = arith.constant 0 : i32
        %eq3A_868 = arith.cmpi eq, %jit3A_866, %eq3A_867 : i32
        %jit3A_869 = arith.constant 1 : i32
        %select_n3A_870 = arith.select %eq3A_868, %jit3A_869, %jit3A_866 : i32
        %rem3A_871 = arith.remsi %add3A_829, %select_n3A_870 : i32
        %ne3A_872 = arith.constant 0 : i32
        %ne3A_873 = arith.cmpi ne, %rem3A_871, %ne3A_872 : i32
        %lt3A_874 = arith.constant 0 : i32
        %lt3A_875 = arith.cmpi slt, %rem3A_871, %lt3A_874 : i32
        %lt3A_876 = arith.constant 0 : i32
        %lt3A_877 = arith.cmpi slt, %select_n3A_870, %lt3A_876 : i32
        %ne3A_878 = arith.xori %lt3A_875, %lt3A_877 : i1
        %and3A_879 = arith.andi %ne3A_878, %ne3A_873 : i1
        %add3A_880 = arith.addi %rem3A_871, %select_n3A_870 : i32
        %select_n3A_881 = arith.select %and3A_879, %add3A_880, %rem3A_871 : i32
        %mul3A_882 = arith.constant 16 : i32
        %mul3A_883 = arith.muli %select_n3A_881, %mul3A_882 : i32
        %swap3A_884 = arith.index_cast %select_n3A_865 : i32 to index
        %swap3A_885 = arith.index_cast %mul3A_883 : i32 to index
        %swap3A_886 = tpu.vector_load %arg8[%swap3A_884, %swap3A_885] {strides = array<i32>} : memref<16x128xf32, #tpu.memory_space<vmem>>, vector<1x16xf32>,
        %swap3A_887 = vector.shape_cast %swap3A_886 : vector<1x16xf32> to vector<16xf32>
        %swap3A_888 = vector.shape_cast %get3A_841 : vector<16xf32> to vector<1x16xf32>
        tpu.vector_store %arg8[%swap3A_884, %swap3A_885], %swap3A_888 {strides = array<i32>} : memref<16x128xf32, #tpu.memory_space<vmem>>, vector<1x16xf32>,
        %mul3A_889 = arith.constant 16 : i32
        %mul3A_890 = arith.muli %scan3A_514, %mul3A_889 : i32
        %add3A_891 = arith.constant 6 : i32
        %add3A_892 = arith.addi %mul3A_890, %add3A_891 : i32
        %slice3A_893 = vector.extract_strided_slice %get3A_521 {offsets = [6], sizes = [1], strides = [1]} : vector<16xi32> to vector<1xi32>
        %squeeze3A_894 = vector.extract %slice3A_893[0] : i32 from vector<1xi32>
        %shift_right_logical3A_895 = arith.constant 17 : i32
        %shift_right_logical3A_896 = arith.shrui %squeeze3A_894, %shift_right_logical3A_895 : i32
        %mul3A_897 = arith.constant 16 : i32
        %mul3A_898 = arith.muli %shift_right_logical3A_896, %mul3A_897 : i32
        %get3A_899 = arith.constant 1 : i32
        %get3A_900 = arith.index_cast %get3A_899 : i32 to index
        %get3A_901 = arith.index_cast %add3A_892 : i32 to index
        %get3A_902 = arith.index_cast %mul3A_898 : i32 to index
        %get3A_903 = tpu.vector_load %arg7[%get3A_900, %get3A_901, %get3A_902] {strides = array<i32>} : memref<4x128x128xf32, #tpu.memory_space<vmem>>, vector<1x1x16xf32>,
        %get3A_904 = vector.shape_cast %get3A_903 : vector<1x1x16xf32> to vector<16xf32>
        %jit3A_905 = arith.constant 8 : i32
        %div3A_906 = arith.divsi %add3A_892, %jit3A_905 : i32
        %sign3A_907 = arith.constant 0 : i32
        %sign3A_908 = arith.cmpi sgt, %add3A_892, %sign3A_907 : i32
        %sign3A_909 = arith.extui %sign3A_908 : i1 to i32
        %sign3A_910 = arith.constant 0 : i32
        %sign3A_911 = arith.cmpi slt, %add3A_892, %sign3A_910 : i32
        %sign3A_912 = arith.extui %sign3A_911 : i1 to i32
        %sign3A_913 = arith.subi %sign3A_909, %sign3A_912 : i32
        %sign3A_914 = arith.constant 0 : i32
        %sign3A_915 = arith.cmpi sgt, %jit3A_905, %sign3A_914 : i32
        %sign3A_916 = arith.extui %sign3A_915 : i1 to i32
        %sign3A_917 = arith.constant 0 : i32
        %sign3A_918 = arith.cmpi slt, %jit3A_905, %sign3A_917 : i32
        %sign3A_919 = arith.extui %sign3A_918 : i1 to i32
        %sign3A_920 = arith.subi %sign3A_916, %sign3A_919 : i32
        %ne3A_921 = arith.cmpi ne, %sign3A_913, %sign3A_920 : i32
        %rem3A_922 = arith.remsi %add3A_892, %jit3A_905 : i32
        %ne3A_923 = arith.constant 0 : i32
        %ne3A_924 = arith.cmpi ne, %rem3A_922, %ne3A_923 : i32
        %and3A_925 = arith.andi %ne3A_921, %ne3A_924 : i1
        %sub3A_926 = arith.constant 1 : i32
        %sub3A_927 = arith.subi %div3A_906, %sub3A_926 : i32
        %select_n3A_928 = arith.select %and3A_925, %sub3A_927, %div3A_906 : i32
        %jit3A_929 = arith.constant 8 : i32
        %eq3A_930 = arith.constant 0 : i32
        %eq3A_931 = arith.cmpi eq, %jit3A_929, %eq3A_930 : i32
        %jit3A_932 = arith.constant 1 : i32
        %select_n3A_933 = arith.select %eq3A_931, %jit3A_932, %jit3A_929 : i32
        %rem3A_934 = arith.remsi %add3A_892, %select_n3A_933 : i32
        %ne3A_935 = arith.constant 0 : i32
        %ne3A_936 = arith.cmpi ne, %rem3A_934, %ne3A_935 : i32
        %lt3A_937 = arith.constant 0 : i32
        %lt3A_938 = arith.cmpi slt, %rem3A_934, %lt3A_937 : i32
        %lt3A_939 = arith.constant 0 : i32
        %lt3A_940 = arith.cmpi slt, %select_n3A_933, %lt3A_939 : i32
        %ne3A_941 = arith.xori %lt3A_938, %lt3A_940 : i1
        %and3A_942 = arith.andi %ne3A_941, %ne3A_936 : i1
        %add3A_943 = arith.addi %rem3A_934, %select_n3A_933 : i32
        %select_n3A_944 = arith.select %and3A_942, %add3A_943, %rem3A_934 : i32
        %mul3A_945 = arith.constant 16 : i32
        %mul3A_946 = arith.muli %select_n3A_944, %mul3A_945 : i32
        %swap3A_947 = arith.index_cast %select_n3A_928 : i32 to index
        %swap3A_948 = arith.index_cast %mul3A_946 : i32 to index
        %swap3A_949 = tpu.vector_load %arg8[%swap3A_947, %swap3A_948] {strides = array<i32>} : memref<16x128xf32, #tpu.memory_space<vmem>>, vector<1x16xf32>,
        %swap3A_950 = vector.shape_cast %swap3A_949 : vector<1x16xf32> to vector<16xf32>
        %swap3A_951 = vector.shape_cast %get3A_904 : vector<16xf32> to vector<1x16xf32>
        tpu.vector_store %arg8[%swap3A_947, %swap3A_948], %swap3A_951 {strides = array<i32>} : memref<16x128xf32, #tpu.memory_space<vmem>>, vector<1x16xf32>,
        %mul3A_952 = arith.constant 16 : i32
        %mul3A_953 = arith.muli %scan3A_514, %mul3A_952 : i32
        %add3A_954 = arith.constant 7 : i32
        %add3A_955 = arith.addi %mul3A_953, %add3A_954 : i32
        %slice3A_956 = vector.extract_strided_slice %get3A_521 {offsets = [7], sizes = [1], strides = [1]} : vector<16xi32> to vector<1xi32>
        %squeeze3A_957 = vector.extract %slice3A_956[0] : i32 from vector<1xi32>
        %shift_right_logical3A_958 = arith.constant 17 : i32
        %shift_right_logical3A_959 = arith.shrui %squeeze3A_957, %shift_right_logical3A_958 : i32
        %mul3A_960 = arith.constant 16 : i32
        %mul3A_961 = arith.muli %shift_right_logical3A_959, %mul3A_960 : i32
        %get3A_962 = arith.constant 1 : i32
        %get3A_963 = arith.index_cast %get3A_962 : i32 to index
        %get3A_964 = arith.index_cast %add3A_955 : i32 to index
        %get3A_965 = arith.index_cast %mul3A_961 : i32 to index
        %get3A_966 = tpu.vector_load %arg7[%get3A_963, %get3A_964, %get3A_965] {strides = array<i32>} : memref<4x128x128xf32, #tpu.memory_space<vmem>>, vector<1x1x16xf32>,
        %get3A_967 = vector.shape_cast %get3A_966 : vector<1x1x16xf32> to vector<16xf32>
        %jit3A_968 = arith.constant 8 : i32
        %div3A_969 = arith.divsi %add3A_955, %jit3A_968 : i32
        %sign3A_970 = arith.constant 0 : i32
        %sign3A_971 = arith.cmpi sgt, %add3A_955, %sign3A_970 : i32
        %sign3A_972 = arith.extui %sign3A_971 : i1 to i32
        %sign3A_973 = arith.constant 0 : i32
        %sign3A_974 = arith.cmpi slt, %add3A_955, %sign3A_973 : i32
        %sign3A_975 = arith.extui %sign3A_974 : i1 to i32
        %sign3A_976 = arith.subi %sign3A_972, %sign3A_975 : i32
        %sign3A_977 = arith.constant 0 : i32
        %sign3A_978 = arith.cmpi sgt, %jit3A_968, %sign3A_977 : i32
        %sign3A_979 = arith.extui %sign3A_978 : i1 to i32
        %sign3A_980 = arith.constant 0 : i32
        %sign3A_981 = arith.cmpi slt, %jit3A_968, %sign3A_980 : i32
        %sign3A_982 = arith.extui %sign3A_981 : i1 to i32
        %sign3A_983 = arith.subi %sign3A_979, %sign3A_982 : i32
        %ne3A_984 = arith.cmpi ne, %sign3A_976, %sign3A_983 : i32
        %rem3A_985 = arith.remsi %add3A_955, %jit3A_968 : i32
        %ne3A_986 = arith.constant 0 : i32
        %ne3A_987 = arith.cmpi ne, %rem3A_985, %ne3A_986 : i32
        %and3A_988 = arith.andi %ne3A_984, %ne3A_987 : i1
        %sub3A_989 = arith.constant 1 : i32
        %sub3A_990 = arith.subi %div3A_969, %sub3A_989 : i32
        %select_n3A_991 = arith.select %and3A_988, %sub3A_990, %div3A_969 : i32
        %jit3A_992 = arith.constant 8 : i32
        %eq3A_993 = arith.constant 0 : i32
        %eq3A_994 = arith.cmpi eq, %jit3A_992, %eq3A_993 : i32
        %jit3A_995 = arith.constant 1 : i32
        %select_n3A_996 = arith.select %eq3A_994, %jit3A_995, %jit3A_992 : i32
        %rem3A_997 = arith.remsi %add3A_955, %select_n3A_996 : i32
        %ne3A_998 = arith.constant 0 : i32
        %ne3A_999 = arith.cmpi ne, %rem3A_997, %ne3A_998 : i32
        %lt3A_1000 = arith.constant 0 : i32
        %lt3A_1001 = arith.cmpi slt, %rem3A_997, %lt3A_1000 : i32
        %lt3A_1002 = arith.constant 0 : i32
        %lt3A_1003 = arith.cmpi slt, %select_n3A_996, %lt3A_1002 : i32
        %ne3A_1004 = arith.xori %lt3A_1001, %lt3A_1003 : i1
        %and3A_1005 = arith.andi %ne3A_1004, %ne3A_999 : i1
        %add3A_1006 = arith.addi %rem3A_997, %select_n3A_996 : i32
        %select_n3A_1007 = arith.select %and3A_1005, %add3A_1006, %rem3A_997 : i32
        %mul3A_1008 = arith.constant 16 : i32
        %mul3A_1009 = arith.muli %select_n3A_1007, %mul3A_1008 : i32
        %swap3A_1010 = arith.index_cast %select_n3A_991 : i32 to index
        %swap3A_1011 = arith.index_cast %mul3A_1009 : i32 to index
        %swap3A_1012 = tpu.vector_load %arg8[%swap3A_1010, %swap3A_1011] {strides = array<i32>} : memref<16x128xf32, #tpu.memory_space<vmem>>, vector<1x16xf32>,
        %swap3A_1013 = vector.shape_cast %swap3A_1012 : vector<1x16xf32> to vector<16xf32>
        %swap3A_1014 = vector.shape_cast %get3A_967 : vector<16xf32> to vector<1x16xf32>
        tpu.vector_store %arg8[%swap3A_1010, %swap3A_1011], %swap3A_1014 {strides = array<i32>} : memref<16x128xf32, #tpu.memory_space<vmem>>, vector<1x16xf32>,
        %mul3A_1015 = arith.constant 16 : i32
        %mul3A_1016 = arith.muli %scan3A_514, %mul3A_1015 : i32
        %add3A_1017 = arith.constant 8 : i32
        %add3A_1018 = arith.addi %mul3A_1016, %add3A_1017 : i32
        %slice3A_1019 = vector.extract_strided_slice %get3A_521 {offsets = [8], sizes = [1], strides = [1]} : vector<16xi32> to vector<1xi32>
        %squeeze3A_1020 = vector.extract %slice3A_1019[0] : i32 from vector<1xi32>
        %shift_right_logical3A_1021 = arith.constant 17 : i32
        %shift_right_logical3A_1022 = arith.shrui %squeeze3A_1020, %shift_right_logical3A_1021 : i32
        %mul3A_1023 = arith.constant 16 : i32
        %mul3A_1024 = arith.muli %shift_right_logical3A_1022, %mul3A_1023 : i32
        %get3A_1025 = arith.constant 1 : i32
        %get3A_1026 = arith.index_cast %get3A_1025 : i32 to index
        %get3A_1027 = arith.index_cast %add3A_1018 : i32 to index
        %get3A_1028 = arith.index_cast %mul3A_1024 : i32 to index
        %get3A_1029 = tpu.vector_load %arg7[%get3A_1026, %get3A_1027, %get3A_1028] {strides = array<i32>} : memref<4x128x128xf32, #tpu.memory_space<vmem>>, vector<1x1x16xf32>,
        %get3A_1030 = vector.shape_cast %get3A_1029 : vector<1x1x16xf32> to vector<16xf32>
        %jit3A_1031 = arith.constant 8 : i32
        %div3A_1032 = arith.divsi %add3A_1018, %jit3A_1031 : i32
        %sign3A_1033 = arith.constant 0 : i32
        %sign3A_1034 = arith.cmpi sgt, %add3A_1018, %sign3A_1033 : i32
        %sign3A_1035 = arith.extui %sign3A_1034 : i1 to i32
        %sign3A_1036 = arith.constant 0 : i32
        %sign3A_1037 = arith.cmpi slt, %add3A_1018, %sign3A_1036 : i32
        %sign3A_1038 = arith.extui %sign3A_1037 : i1 to i32
        %sign3A_1039 = arith.subi %sign3A_1035, %sign3A_1038 : i32
        %sign3A_1040 = arith.constant 0 : i32
        %sign3A_1041 = arith.cmpi sgt, %jit3A_1031, %sign3A_1040 : i32
        %sign3A_1042 = arith.extui %sign3A_1041 : i1 to i32
        %sign3A_1043 = arith.constant 0 : i32
        %sign3A_1044 = arith.cmpi slt, %jit3A_1031, %sign3A_1043 : i32
        %sign3A_1045 = arith.extui %sign3A_1044 : i1 to i32
        %sign3A_1046 = arith.subi %sign3A_1042, %sign3A_1045 : i32
        %ne3A_1047 = arith.cmpi ne, %sign3A_1039, %sign3A_1046 : i32
        %rem3A_1048 = arith.remsi %add3A_1018, %jit3A_1031 : i32
        %ne3A_1049 = arith.constant 0 : i32
        %ne3A_1050 = arith.cmpi ne, %rem3A_1048, %ne3A_1049 : i32
        %and3A_1051 = arith.andi %ne3A_1047, %ne3A_1050 : i1
        %sub3A_1052 = arith.constant 1 : i32
        %sub3A_1053 = arith.subi %div3A_1032, %sub3A_1052 : i32
        %select_n3A_1054 = arith.select %and3A_1051, %sub3A_1053, %div3A_1032 : i32
        %jit3A_1055 = arith.constant 8 : i32
        %eq3A_1056 = arith.constant 0 : i32
        %eq3A_1057 = arith.cmpi eq, %jit3A_1055, %eq3A_1056 : i32
        %jit3A_1058 = arith.constant 1 : i32
        %select_n3A_1059 = arith.select %eq3A_1057, %jit3A_1058, %jit3A_1055 : i32
        %rem3A_1060 = arith.remsi %add3A_1018, %select_n3A_1059 : i32
        %ne3A_1061 = arith.constant 0 : i32
        %ne3A_1062 = arith.cmpi ne, %rem3A_1060, %ne3A_1061 : i32
        %lt3A_1063 = arith.constant 0 : i32
        %lt3A_1064 = arith.cmpi slt, %rem3A_1060, %lt3A_1063 : i32
        %lt3A_1065 = arith.constant 0 : i32
        %lt3A_1066 = arith.cmpi slt, %select_n3A_1059, %lt3A_1065 : i32
        %ne3A_1067 = arith.xori %lt3A_1064, %lt3A_1066 : i1
        %and3A_1068 = arith.andi %ne3A_1067, %ne3A_1062 : i1
        %add3A_1069 = arith.addi %rem3A_1060, %select_n3A_1059 : i32
        %select_n3A_1070 = arith.select %and3A_1068, %add3A_1069, %rem3A_1060 : i32
        %mul3A_1071 = arith.constant 16 : i32
        %mul3A_1072 = arith.muli %select_n3A_1070, %mul3A_1071 : i32
        %swap3A_1073 = arith.index_cast %select_n3A_1054 : i32 to index
        %swap3A_1074 = arith.index_cast %mul3A_1072 : i32 to index
        %swap3A_1075 = tpu.vector_load %arg8[%swap3A_1073, %swap3A_1074] {strides = array<i32>} : memref<16x128xf32, #tpu.memory_space<vmem>>, vector<1x16xf32>,
        %swap3A_1076 = vector.shape_cast %swap3A_1075 : vector<1x16xf32> to vector<16xf32>
        %swap3A_1077 = vector.shape_cast %get3A_1030 : vector<16xf32> to vector<1x16xf32>
        tpu.vector_store %arg8[%swap3A_1073, %swap3A_1074], %swap3A_1077 {strides = array<i32>} : memref<16x128xf32, #tpu.memory_space<vmem>>, vector<1x16xf32>,
        %mul3A_1078 = arith.constant 16 : i32
        %mul3A_1079 = arith.muli %scan3A_514, %mul3A_1078 : i32
        %add3A_1080 = arith.constant 9 : i32
        %add3A_1081 = arith.addi %mul3A_1079, %add3A_1080 : i32
        %slice3A_1082 = vector.extract_strided_slice %get3A_521 {offsets = [9], sizes = [1], strides = [1]} : vector<16xi32> to vector<1xi32>
        %squeeze3A_1083 = vector.extract %slice3A_1082[0] : i32 from vector<1xi32>
        %shift_right_logical3A_1084 = arith.constant 17 : i32
        %shift_right_logical3A_1085 = arith.shrui %squeeze3A_1083, %shift_right_logical3A_1084 : i32
        %mul3A_1086 = arith.constant 16 : i32
        %mul3A_1087 = arith.muli %shift_right_logical3A_1085, %mul3A_1086 : i32
        %get3A_1088 = arith.constant 1 : i32
        %get3A_1089 = arith.index_cast %get3A_1088 : i32 to index
        %get3A_1090 = arith.index_cast %add3A_1081 : i32 to index
        %get3A_1091 = arith.index_cast %mul3A_1087 : i32 to index
        %get3A_1092 = tpu.vector_load %arg7[%get3A_1089, %get3A_1090, %get3A_1091] {strides = array<i32>} : memref<4x128x128xf32, #tpu.memory_space<vmem>>, vector<1x1x16xf32>,
        %get3A_1093 = vector.shape_cast %get3A_1092 : vector<1x1x16xf32> to vector<16xf32>
        %jit3A_1094 = arith.constant 8 : i32
        %div3A_1095 = arith.divsi %add3A_1081, %jit3A_1094 : i32
        %sign3A_1096 = arith.constant 0 : i32
        %sign3A_1097 = arith.cmpi sgt, %add3A_1081, %sign3A_1096 : i32
        %sign3A_1098 = arith.extui %sign3A_1097 : i1 to i32
        %sign3A_1099 = arith.constant 0 : i32
        %sign3A_1100 = arith.cmpi slt, %add3A_1081, %sign3A_1099 : i32
        %sign3A_1101 = arith.extui %sign3A_1100 : i1 to i32
        %sign3A_1102 = arith.subi %sign3A_1098, %sign3A_1101 : i32
        %sign3A_1103 = arith.constant 0 : i32
        %sign3A_1104 = arith.cmpi sgt, %jit3A_1094, %sign3A_1103 : i32
        %sign3A_1105 = arith.extui %sign3A_1104 : i1 to i32
        %sign3A_1106 = arith.constant 0 : i32
        %sign3A_1107 = arith.cmpi slt, %jit3A_1094, %sign3A_1106 : i32
        %sign3A_1108 = arith.extui %sign3A_1107 : i1 to i32
        %sign3A_1109 = arith.subi %sign3A_1105, %sign3A_1108 : i32
        %ne3A_1110 = arith.cmpi ne, %sign3A_1102, %sign3A_1109 : i32
        %rem3A_1111 = arith.remsi %add3A_1081, %jit3A_1094 : i32
        %ne3A_1112 = arith.constant 0 : i32
        %ne3A_1113 = arith.cmpi ne, %rem3A_1111, %ne3A_1112 : i32
        %and3A_1114 = arith.andi %ne3A_1110, %ne3A_1113 : i1
        %sub3A_1115 = arith.constant 1 : i32
        %sub3A_1116 = arith.subi %div3A_1095, %sub3A_1115 : i32
        %select_n3A_1117 = arith.select %and3A_1114, %sub3A_1116, %div3A_1095 : i32
        %jit3A_1118 = arith.constant 8 : i32
        %eq3A_1119 = arith.constant 0 : i32
        %eq3A_1120 = arith.cmpi eq, %jit3A_1118, %eq3A_1119 : i32
        %jit3A_1121 = arith.constant 1 : i32
        %select_n3A_1122 = arith.select %eq3A_1120, %jit3A_1121, %jit3A_1118 : i32
        %rem3A_1123 = arith.remsi %add3A_1081, %select_n3A_1122 : i32
        %ne3A_1124 = arith.constant 0 : i32
        %ne3A_1125 = arith.cmpi ne, %rem3A_1123, %ne3A_1124 : i32
        %lt3A_1126 = arith.constant 0 : i32
        %lt3A_1127 = arith.cmpi slt, %rem3A_1123, %lt3A_1126 : i32
        %lt3A_1128 = arith.constant 0 : i32
        %lt3A_1129 = arith.cmpi slt, %select_n3A_1122, %lt3A_1128 : i32
        %ne3A_1130 = arith.xori %lt3A_1127, %lt3A_1129 : i1
        %and3A_1131 = arith.andi %ne3A_1130, %ne3A_1125 : i1
        %add3A_1132 = arith.addi %rem3A_1123, %select_n3A_1122 : i32
        %select_n3A_1133 = arith.select %and3A_1131, %add3A_1132, %rem3A_1123 : i32
        %mul3A_1134 = arith.constant 16 : i32
        %mul3A_1135 = arith.muli %select_n3A_1133, %mul3A_1134 : i32
        %swap3A_1136 = arith.index_cast %select_n3A_1117 : i32 to index
        %swap3A_1137 = arith.index_cast %mul3A_1135 : i32 to index
        %swap3A_1138 = tpu.vector_load %arg8[%swap3A_1136, %swap3A_1137] {strides = array<i32>} : memref<16x128xf32, #tpu.memory_space<vmem>>, vector<1x16xf32>,
        %swap3A_1139 = vector.shape_cast %swap3A_1138 : vector<1x16xf32> to vector<16xf32>
        %swap3A_1140 = vector.shape_cast %get3A_1093 : vector<16xf32> to vector<1x16xf32>
        tpu.vector_store %arg8[%swap3A_1136, %swap3A_1137], %swap3A_1140 {strides = array<i32>} : memref<16x128xf32, #tpu.memory_space<vmem>>, vector<1x16xf32>,
        %mul3A_1141 = arith.constant 16 : i32
        %mul3A_1142 = arith.muli %scan3A_514, %mul3A_1141 : i32
        %add3A_1143 = arith.constant 10 : i32
        %add3A_1144 = arith.addi %mul3A_1142, %add3A_1143 : i32
        %slice3A_1145 = vector.extract_strided_slice %get3A_521 {offsets = [10], sizes = [1], strides = [1]} : vector<16xi32> to vector<1xi32>
        %squeeze3A_1146 = vector.extract %slice3A_1145[0] : i32 from vector<1xi32>
        %shift_right_logical3A_1147 = arith.constant 17 : i32
        %shift_right_logical3A_1148 = arith.shrui %squeeze3A_1146, %shift_right_logical3A_1147 : i32
        %mul3A_1149 = arith.constant 16 : i32
        %mul3A_1150 = arith.muli %shift_right_logical3A_1148, %mul3A_1149 : i32
        %get3A_1151 = arith.constant 1 : i32
        %get3A_1152 = arith.index_cast %get3A_1151 : i32 to index
        %get3A_1153 = arith.index_cast %add3A_1144 : i32 to index
        %get3A_1154 = arith.index_cast %mul3A_1150 : i32 to index
        %get3A_1155 = tpu.vector_load %arg7[%get3A_1152, %get3A_1153, %get3A_1154] {strides = array<i32>} : memref<4x128x128xf32, #tpu.memory_space<vmem>>, vector<1x1x16xf32>,
        %get3A_1156 = vector.shape_cast %get3A_1155 : vector<1x1x16xf32> to vector<16xf32>
        %jit3A_1157 = arith.constant 8 : i32
        %div3A_1158 = arith.divsi %add3A_1144, %jit3A_1157 : i32
        %sign3A_1159 = arith.constant 0 : i32
        %sign3A_1160 = arith.cmpi sgt, %add3A_1144, %sign3A_1159 : i32
        %sign3A_1161 = arith.extui %sign3A_1160 : i1 to i32
        %sign3A_1162 = arith.constant 0 : i32
        %sign3A_1163 = arith.cmpi slt, %add3A_1144, %sign3A_1162 : i32
        %sign3A_1164 = arith.extui %sign3A_1163 : i1 to i32
        %sign3A_1165 = arith.subi %sign3A_1161, %sign3A_1164 : i32
        %sign3A_1166 = arith.constant 0 : i32
        %sign3A_1167 = arith.cmpi sgt, %jit3A_1157, %sign3A_1166 : i32
        %sign3A_1168 = arith.extui %sign3A_1167 : i1 to i32
        %sign3A_1169 = arith.constant 0 : i32
        %sign3A_1170 = arith.cmpi slt, %jit3A_1157, %sign3A_1169 : i32
        %sign3A_1171 = arith.extui %sign3A_1170 : i1 to i32
        %sign3A_1172 = arith.subi %sign3A_1168, %sign3A_1171 : i32
        %ne3A_1173 = arith.cmpi ne, %sign3A_1165, %sign3A_1172 : i32
        %rem3A_1174 = arith.remsi %add3A_1144, %jit3A_1157 : i32
        %ne3A_1175 = arith.constant 0 : i32
        %ne3A_1176 = arith.cmpi ne, %rem3A_1174, %ne3A_1175 : i32
        %and3A_1177 = arith.andi %ne3A_1173, %ne3A_1176 : i1
        %sub3A_1178 = arith.constant 1 : i32
        %sub3A_1179 = arith.subi %div3A_1158, %sub3A_1178 : i32
        %select_n3A_1180 = arith.select %and3A_1177, %sub3A_1179, %div3A_1158 : i32
        %jit3A_1181 = arith.constant 8 : i32
        %eq3A_1182 = arith.constant 0 : i32
        %eq3A_1183 = arith.cmpi eq, %jit3A_1181, %eq3A_1182 : i32
        %jit3A_1184 = arith.constant 1 : i32
        %select_n3A_1185 = arith.select %eq3A_1183, %jit3A_1184, %jit3A_1181 : i32
        %rem3A_1186 = arith.remsi %add3A_1144, %select_n3A_1185 : i32
        %ne3A_1187 = arith.constant 0 : i32
        %ne3A_1188 = arith.cmpi ne, %rem3A_1186, %ne3A_1187 : i32
        %lt3A_1189 = arith.constant 0 : i32
        %lt3A_1190 = arith.cmpi slt, %rem3A_1186, %lt3A_1189 : i32
        %lt3A_1191 = arith.constant 0 : i32
        %lt3A_1192 = arith.cmpi slt, %select_n3A_1185, %lt3A_1191 : i32
        %ne3A_1193 = arith.xori %lt3A_1190, %lt3A_1192 : i1
        %and3A_1194 = arith.andi %ne3A_1193, %ne3A_1188 : i1
        %add3A_1195 = arith.addi %rem3A_1186, %select_n3A_1185 : i32
        %select_n3A_1196 = arith.select %and3A_1194, %add3A_1195, %rem3A_1186 : i32
        %mul3A_1197 = arith.constant 16 : i32
        %mul3A_1198 = arith.muli %select_n3A_1196, %mul3A_1197 : i32
        %swap3A_1199 = arith.index_cast %select_n3A_1180 : i32 to index
        %swap3A_1200 = arith.index_cast %mul3A_1198 : i32 to index
        %swap3A_1201 = tpu.vector_load %arg8[%swap3A_1199, %swap3A_1200] {strides = array<i32>} : memref<16x128xf32, #tpu.memory_space<vmem>>, vector<1x16xf32>,
        %swap3A_1202 = vector.shape_cast %swap3A_1201 : vector<1x16xf32> to vector<16xf32>
        %swap3A_1203 = vector.shape_cast %get3A_1156 : vector<16xf32> to vector<1x16xf32>
        tpu.vector_store %arg8[%swap3A_1199, %swap3A_1200], %swap3A_1203 {strides = array<i32>} : memref<16x128xf32, #tpu.memory_space<vmem>>, vector<1x16xf32>,
        %mul3A_1204 = arith.constant 16 : i32
        %mul3A_1205 = arith.muli %scan3A_514, %mul3A_1204 : i32
        %add3A_1206 = arith.constant 11 : i32
        %add3A_1207 = arith.addi %mul3A_1205, %add3A_1206 : i32
        %slice3A_1208 = vector.extract_strided_slice %get3A_521 {offsets = [11], sizes = [1], strides = [1]} : vector<16xi32> to vector<1xi32>
        %squeeze3A_1209 = vector.extract %slice3A_1208[0] : i32 from vector<1xi32>
        %shift_right_logical3A_1210 = arith.constant 17 : i32
        %shift_right_logical3A_1211 = arith.shrui %squeeze3A_1209, %shift_right_logical3A_1210 : i32
        %mul3A_1212 = arith.constant 16 : i32
        %mul3A_1213 = arith.muli %shift_right_logical3A_1211, %mul3A_1212 : i32
        %get3A_1214 = arith.constant 1 : i32
        %get3A_1215 = arith.index_cast %get3A_1214 : i32 to index
        %get3A_1216 = arith.index_cast %add3A_1207 : i32 to index
        %get3A_1217 = arith.index_cast %mul3A_1213 : i32 to index
        %get3A_1218 = tpu.vector_load %arg7[%get3A_1215, %get3A_1216, %get3A_1217] {strides = array<i32>} : memref<4x128x128xf32, #tpu.memory_space<vmem>>, vector<1x1x16xf32>,
        %get3A_1219 = vector.shape_cast %get3A_1218 : vector<1x1x16xf32> to vector<16xf32>
        %jit3A_1220 = arith.constant 8 : i32
        %div3A_1221 = arith.divsi %add3A_1207, %jit3A_1220 : i32
        %sign3A_1222 = arith.constant 0 : i32
        %sign3A_1223 = arith.cmpi sgt, %add3A_1207, %sign3A_1222 : i32
        %sign3A_1224 = arith.extui %sign3A_1223 : i1 to i32
        %sign3A_1225 = arith.constant 0 : i32
        %sign3A_1226 = arith.cmpi slt, %add3A_1207, %sign3A_1225 : i32
        %sign3A_1227 = arith.extui %sign3A_1226 : i1 to i32
        %sign3A_1228 = arith.subi %sign3A_1224, %sign3A_1227 : i32
        %sign3A_1229 = arith.constant 0 : i32
        %sign3A_1230 = arith.cmpi sgt, %jit3A_1220, %sign3A_1229 : i32
        %sign3A_1231 = arith.extui %sign3A_1230 : i1 to i32
        %sign3A_1232 = arith.constant 0 : i32
        %sign3A_1233 = arith.cmpi slt, %jit3A_1220, %sign3A_1232 : i32
        %sign3A_1234 = arith.extui %sign3A_1233 : i1 to i32
        %sign3A_1235 = arith.subi %sign3A_1231, %sign3A_1234 : i32
        %ne3A_1236 = arith.cmpi ne, %sign3A_1228, %sign3A_1235 : i32
        %rem3A_1237 = arith.remsi %add3A_1207, %jit3A_1220 : i32
        %ne3A_1238 = arith.constant 0 : i32
        %ne3A_1239 = arith.cmpi ne, %rem3A_1237, %ne3A_1238 : i32
        %and3A_1240 = arith.andi %ne3A_1236, %ne3A_1239 : i1
        %sub3A_1241 = arith.constant 1 : i32
        %sub3A_1242 = arith.subi %div3A_1221, %sub3A_1241 : i32
        %select_n3A_1243 = arith.select %and3A_1240, %sub3A_1242, %div3A_1221 : i32
        %jit3A_1244 = arith.constant 8 : i32
        %eq3A_1245 = arith.constant 0 : i32
        %eq3A_1246 = arith.cmpi eq, %jit3A_1244, %eq3A_1245 : i32
        %jit3A_1247 = arith.constant 1 : i32
        %select_n3A_1248 = arith.select %eq3A_1246, %jit3A_1247, %jit3A_1244 : i32
        %rem3A_1249 = arith.remsi %add3A_1207, %select_n3A_1248 : i32
        %ne3A_1250 = arith.constant 0 : i32
        %ne3A_1251 = arith.cmpi ne, %rem3A_1249, %ne3A_1250 : i32
        %lt3A_1252 = arith.constant 0 : i32
        %lt3A_1253 = arith.cmpi slt, %rem3A_1249, %lt3A_1252 : i32
        %lt3A_1254 = arith.constant 0 : i32
        %lt3A_1255 = arith.cmpi slt, %select_n3A_1248, %lt3A_1254 : i32
        %ne3A_1256 = arith.xori %lt3A_1253, %lt3A_1255 : i1
        %and3A_1257 = arith.andi %ne3A_1256, %ne3A_1251 : i1
        %add3A_1258 = arith.addi %rem3A_1249, %select_n3A_1248 : i32
        %select_n3A_1259 = arith.select %and3A_1257, %add3A_1258, %rem3A_1249 : i32
        %mul3A_1260 = arith.constant 16 : i32
        %mul3A_1261 = arith.muli %select_n3A_1259, %mul3A_1260 : i32
        %swap3A_1262 = arith.index_cast %select_n3A_1243 : i32 to index
        %swap3A_1263 = arith.index_cast %mul3A_1261 : i32 to index
        %swap3A_1264 = tpu.vector_load %arg8[%swap3A_1262, %swap3A_1263] {strides = array<i32>} : memref<16x128xf32, #tpu.memory_space<vmem>>, vector<1x16xf32>,
        %swap3A_1265 = vector.shape_cast %swap3A_1264 : vector<1x16xf32> to vector<16xf32>
        %swap3A_1266 = vector.shape_cast %get3A_1219 : vector<16xf32> to vector<1x16xf32>
        tpu.vector_store %arg8[%swap3A_1262, %swap3A_1263], %swap3A_1266 {strides = array<i32>} : memref<16x128xf32, #tpu.memory_space<vmem>>, vector<1x16xf32>,
        %mul3A_1267 = arith.constant 16 : i32
        %mul3A_1268 = arith.muli %scan3A_514, %mul3A_1267 : i32
        %add3A_1269 = arith.constant 12 : i32
        %add3A_1270 = arith.addi %mul3A_1268, %add3A_1269 : i32
        %slice3A_1271 = vector.extract_strided_slice %get3A_521 {offsets = [12], sizes = [1], strides = [1]} : vector<16xi32> to vector<1xi32>
        %squeeze3A_1272 = vector.extract %slice3A_1271[0] : i32 from vector<1xi32>
        %shift_right_logical3A_1273 = arith.constant 17 : i32
        %shift_right_logical3A_1274 = arith.shrui %squeeze3A_1272, %shift_right_logical3A_1273 : i32
        %mul3A_1275 = arith.constant 16 : i32
        %mul3A_1276 = arith.muli %shift_right_logical3A_1274, %mul3A_1275 : i32
        %get3A_1277 = arith.constant 1 : i32
        %get3A_1278 = arith.index_cast %get3A_1277 : i32 to index
        %get3A_1279 = arith.index_cast %add3A_1270 : i32 to index
        %get3A_1280 = arith.index_cast %mul3A_1276 : i32 to index
        %get3A_1281 = tpu.vector_load %arg7[%get3A_1278, %get3A_1279, %get3A_1280] {strides = array<i32>} : memref<4x128x128xf32, #tpu.memory_space<vmem>>, vector<1x1x16xf32>,
        %get3A_1282 = vector.shape_cast %get3A_1281 : vector<1x1x16xf32> to vector<16xf32>
        %jit3A_1283 = arith.constant 8 : i32
        %div3A_1284 = arith.divsi %add3A_1270, %jit3A_1283 : i32
        %sign3A_1285 = arith.constant 0 : i32
        %sign3A_1286 = arith.cmpi sgt, %add3A_1270, %sign3A_1285 : i32
        %sign3A_1287 = arith.extui %sign3A_1286 : i1 to i32
        %sign3A_1288 = arith.constant 0 : i32
        %sign3A_1289 = arith.cmpi slt, %add3A_1270, %sign3A_1288 : i32
        %sign3A_1290 = arith.extui %sign3A_1289 : i1 to i32
        %sign3A_1291 = arith.subi %sign3A_1287, %sign3A_1290 : i32
        %sign3A_1292 = arith.constant 0 : i32
        %sign3A_1293 = arith.cmpi sgt, %jit3A_1283, %sign3A_1292 : i32
        %sign3A_1294 = arith.extui %sign3A_1293 : i1 to i32
        %sign3A_1295 = arith.constant 0 : i32
        %sign3A_1296 = arith.cmpi slt, %jit3A_1283, %sign3A_1295 : i32
        %sign3A_1297 = arith.extui %sign3A_1296 : i1 to i32
        %sign3A_1298 = arith.subi %sign3A_1294, %sign3A_1297 : i32
        %ne3A_1299 = arith.cmpi ne, %sign3A_1291, %sign3A_1298 : i32
        %rem3A_1300 = arith.remsi %add3A_1270, %jit3A_1283 : i32
        %ne3A_1301 = arith.constant 0 : i32
        %ne3A_1302 = arith.cmpi ne, %rem3A_1300, %ne3A_1301 : i32
        %and3A_1303 = arith.andi %ne3A_1299, %ne3A_1302 : i1
        %sub3A_1304 = arith.constant 1 : i32
        %sub3A_1305 = arith.subi %div3A_1284, %sub3A_1304 : i32
        %select_n3A_1306 = arith.select %and3A_1303, %sub3A_1305, %div3A_1284 : i32
        %jit3A_1307 = arith.constant 8 : i32
        %eq3A_1308 = arith.constant 0 : i32
        %eq3A_1309 = arith.cmpi eq, %jit3A_1307, %eq3A_1308 : i32
        %jit3A_1310 = arith.constant 1 : i32
        %select_n3A_1311 = arith.select %eq3A_1309, %jit3A_1310, %jit3A_1307 : i32
        %rem3A_1312 = arith.remsi %add3A_1270, %select_n3A_1311 : i32
        %ne3A_1313 = arith.constant 0 : i32
        %ne3A_1314 = arith.cmpi ne, %rem3A_1312, %ne3A_1313 : i32
        %lt3A_1315 = arith.constant 0 : i32
        %lt3A_1316 = arith.cmpi slt, %rem3A_1312, %lt3A_1315 : i32
        %lt3A_1317 = arith.constant 0 : i32
        %lt3A_1318 = arith.cmpi slt, %select_n3A_1311, %lt3A_1317 : i32
        %ne3A_1319 = arith.xori %lt3A_1316, %lt3A_1318 : i1
        %and3A_1320 = arith.andi %ne3A_1319, %ne3A_1314 : i1
        %add3A_1321 = arith.addi %rem3A_1312, %select_n3A_1311 : i32
        %select_n3A_1322 = arith.select %and3A_1320, %add3A_1321, %rem3A_1312 : i32
        %mul3A_1323 = arith.constant 16 : i32
        %mul3A_1324 = arith.muli %select_n3A_1322, %mul3A_1323 : i32
        %swap3A_1325 = arith.index_cast %select_n3A_1306 : i32 to index
        %swap3A_1326 = arith.index_cast %mul3A_1324 : i32 to index
        %swap3A_1327 = tpu.vector_load %arg8[%swap3A_1325, %swap3A_1326] {strides = array<i32>} : memref<16x128xf32, #tpu.memory_space<vmem>>, vector<1x16xf32>,
        %swap3A_1328 = vector.shape_cast %swap3A_1327 : vector<1x16xf32> to vector<16xf32>
        %swap3A_1329 = vector.shape_cast %get3A_1282 : vector<16xf32> to vector<1x16xf32>
        tpu.vector_store %arg8[%swap3A_1325, %swap3A_1326], %swap3A_1329 {strides = array<i32>} : memref<16x128xf32, #tpu.memory_space<vmem>>, vector<1x16xf32>,
        %mul3A_1330 = arith.constant 16 : i32
        %mul3A_1331 = arith.muli %scan3A_514, %mul3A_1330 : i32
        %add3A_1332 = arith.constant 13 : i32
        %add3A_1333 = arith.addi %mul3A_1331, %add3A_1332 : i32
        %slice3A_1334 = vector.extract_strided_slice %get3A_521 {offsets = [13], sizes = [1], strides = [1]} : vector<16xi32> to vector<1xi32>
        %squeeze3A_1335 = vector.extract %slice3A_1334[0] : i32 from vector<1xi32>
        %shift_right_logical3A_1336 = arith.constant 17 : i32
        %shift_right_logical3A_1337 = arith.shrui %squeeze3A_1335, %shift_right_logical3A_1336 : i32
        %mul3A_1338 = arith.constant 16 : i32
        %mul3A_1339 = arith.muli %shift_right_logical3A_1337, %mul3A_1338 : i32
        %get3A_1340 = arith.constant 1 : i32
        %get3A_1341 = arith.index_cast %get3A_1340 : i32 to index
        %get3A_1342 = arith.index_cast %add3A_1333 : i32 to index
        %get3A_1343 = arith.index_cast %mul3A_1339 : i32 to index
        %get3A_1344 = tpu.vector_load %arg7[%get3A_1341, %get3A_1342, %get3A_1343] {strides = array<i32>} : memref<4x128x128xf32, #tpu.memory_space<vmem>>, vector<1x1x16xf32>,
        %get3A_1345 = vector.shape_cast %get3A_1344 : vector<1x1x16xf32> to vector<16xf32>
        %jit3A_1346 = arith.constant 8 : i32
        %div3A_1347 = arith.divsi %add3A_1333, %jit3A_1346 : i32
        %sign3A_1348 = arith.constant 0 : i32
        %sign3A_1349 = arith.cmpi sgt, %add3A_1333, %sign3A_1348 : i32
        %sign3A_1350 = arith.extui %sign3A_1349 : i1 to i32
        %sign3A_1351 = arith.constant 0 : i32
        %sign3A_1352 = arith.cmpi slt, %add3A_1333, %sign3A_1351 : i32
        %sign3A_1353 = arith.extui %sign3A_1352 : i1 to i32
        %sign3A_1354 = arith.subi %sign3A_1350, %sign3A_1353 : i32
        %sign3A_1355 = arith.constant 0 : i32
        %sign3A_1356 = arith.cmpi sgt, %jit3A_1346, %sign3A_1355 : i32
        %sign3A_1357 = arith.extui %sign3A_1356 : i1 to i32
        %sign3A_1358 = arith.constant 0 : i32
        %sign3A_1359 = arith.cmpi slt, %jit3A_1346, %sign3A_1358 : i32
        %sign3A_1360 = arith.extui %sign3A_1359 : i1 to i32
        %sign3A_1361 = arith.subi %sign3A_1357, %sign3A_1360 : i32
        %ne3A_1362 = arith.cmpi ne, %sign3A_1354, %sign3A_1361 : i32
        %rem3A_1363 = arith.remsi %add3A_1333, %jit3A_1346 : i32
        %ne3A_1364 = arith.constant 0 : i32
        %ne3A_1365 = arith.cmpi ne, %rem3A_1363, %ne3A_1364 : i32
        %and3A_1366 = arith.andi %ne3A_1362, %ne3A_1365 : i1
        %sub3A_1367 = arith.constant 1 : i32
        %sub3A_1368 = arith.subi %div3A_1347, %sub3A_1367 : i32
        %select_n3A_1369 = arith.select %and3A_1366, %sub3A_1368, %div3A_1347 : i32
        %jit3A_1370 = arith.constant 8 : i32
        %eq3A_1371 = arith.constant 0 : i32
        %eq3A_1372 = arith.cmpi eq, %jit3A_1370, %eq3A_1371 : i32
        %jit3A_1373 = arith.constant 1 : i32
        %select_n3A_1374 = arith.select %eq3A_1372, %jit3A_1373, %jit3A_1370 : i32
        %rem3A_1375 = arith.remsi %add3A_1333, %select_n3A_1374 : i32
        %ne3A_1376 = arith.constant 0 : i32
        %ne3A_1377 = arith.cmpi ne, %rem3A_1375, %ne3A_1376 : i32
        %lt3A_1378 = arith.constant 0 : i32
        %lt3A_1379 = arith.cmpi slt, %rem3A_1375, %lt3A_1378 : i32
        %lt3A_1380 = arith.constant 0 : i32
        %lt3A_1381 = arith.cmpi slt, %select_n3A_1374, %lt3A_1380 : i32
        %ne3A_1382 = arith.xori %lt3A_1379, %lt3A_1381 : i1
        %and3A_1383 = arith.andi %ne3A_1382, %ne3A_1377 : i1
        %add3A_1384 = arith.addi %rem3A_1375, %select_n3A_1374 : i32
        %select_n3A_1385 = arith.select %and3A_1383, %add3A_1384, %rem3A_1375 : i32
        %mul3A_1386 = arith.constant 16 : i32
        %mul3A_1387 = arith.muli %select_n3A_1385, %mul3A_1386 : i32
        %swap3A_1388 = arith.index_cast %select_n3A_1369 : i32 to index
        %swap3A_1389 = arith.index_cast %mul3A_1387 : i32 to index
        %swap3A_1390 = tpu.vector_load %arg8[%swap3A_1388, %swap3A_1389] {strides = array<i32>} : memref<16x128xf32, #tpu.memory_space<vmem>>, vector<1x16xf32>,
        %swap3A_1391 = vector.shape_cast %swap3A_1390 : vector<1x16xf32> to vector<16xf32>
        %swap3A_1392 = vector.shape_cast %get3A_1345 : vector<16xf32> to vector<1x16xf32>
        tpu.vector_store %arg8[%swap3A_1388, %swap3A_1389], %swap3A_1392 {strides = array<i32>} : memref<16x128xf32, #tpu.memory_space<vmem>>, vector<1x16xf32>,
        %mul3A_1393 = arith.constant 16 : i32
        %mul3A_1394 = arith.muli %scan3A_514, %mul3A_1393 : i32
        %add3A_1395 = arith.constant 14 : i32
        %add3A_1396 = arith.addi %mul3A_1394, %add3A_1395 : i32
        %slice3A_1397 = vector.extract_strided_slice %get3A_521 {offsets = [14], sizes = [1], strides = [1]} : vector<16xi32> to vector<1xi32>
        %squeeze3A_1398 = vector.extract %slice3A_1397[0] : i32 from vector<1xi32>
        %shift_right_logical3A_1399 = arith.constant 17 : i32
        %shift_right_logical3A_1400 = arith.shrui %squeeze3A_1398, %shift_right_logical3A_1399 : i32
        %mul3A_1401 = arith.constant 16 : i32
        %mul3A_1402 = arith.muli %shift_right_logical3A_1400, %mul3A_1401 : i32
        %get3A_1403 = arith.constant 1 : i32
        %get3A_1404 = arith.index_cast %get3A_1403 : i32 to index
        %get3A_1405 = arith.index_cast %add3A_1396 : i32 to index
        %get3A_1406 = arith.index_cast %mul3A_1402 : i32 to index
        %get3A_1407 = tpu.vector_load %arg7[%get3A_1404, %get3A_1405, %get3A_1406] {strides = array<i32>} : memref<4x128x128xf32, #tpu.memory_space<vmem>>, vector<1x1x16xf32>,
        %get3A_1408 = vector.shape_cast %get3A_1407 : vector<1x1x16xf32> to vector<16xf32>
        %jit3A_1409 = arith.constant 8 : i32
        %div3A_1410 = arith.divsi %add3A_1396, %jit3A_1409 : i32
        %sign3A_1411 = arith.constant 0 : i32
        %sign3A_1412 = arith.cmpi sgt, %add3A_1396, %sign3A_1411 : i32
        %sign3A_1413 = arith.extui %sign3A_1412 : i1 to i32
        %sign3A_1414 = arith.constant 0 : i32
        %sign3A_1415 = arith.cmpi slt, %add3A_1396, %sign3A_1414 : i32
        %sign3A_1416 = arith.extui %sign3A_1415 : i1 to i32
        %sign3A_1417 = arith.subi %sign3A_1413, %sign3A_1416 : i32
        %sign3A_1418 = arith.constant 0 : i32
        %sign3A_1419 = arith.cmpi sgt, %jit3A_1409, %sign3A_1418 : i32
        %sign3A_1420 = arith.extui %sign3A_1419 : i1 to i32
        %sign3A_1421 = arith.constant 0 : i32
        %sign3A_1422 = arith.cmpi slt, %jit3A_1409, %sign3A_1421 : i32
        %sign3A_1423 = arith.extui %sign3A_1422 : i1 to i32
        %sign3A_1424 = arith.subi %sign3A_1420, %sign3A_1423 : i32
        %ne3A_1425 = arith.cmpi ne, %sign3A_1417, %sign3A_1424 : i32
        %rem3A_1426 = arith.remsi %add3A_1396, %jit3A_1409 : i32
        %ne3A_1427 = arith.constant 0 : i32
        %ne3A_1428 = arith.cmpi ne, %rem3A_1426, %ne3A_1427 : i32
        %and3A_1429 = arith.andi %ne3A_1425, %ne3A_1428 : i1
        %sub3A_1430 = arith.constant 1 : i32
        %sub3A_1431 = arith.subi %div3A_1410, %sub3A_1430 : i32
        %select_n3A_1432 = arith.select %and3A_1429, %sub3A_1431, %div3A_1410 : i32
        %jit3A_1433 = arith.constant 8 : i32
        %eq3A_1434 = arith.constant 0 : i32
        %eq3A_1435 = arith.cmpi eq, %jit3A_1433, %eq3A_1434 : i32
        %jit3A_1436 = arith.constant 1 : i32
        %select_n3A_1437 = arith.select %eq3A_1435, %jit3A_1436, %jit3A_1433 : i32
        %rem3A_1438 = arith.remsi %add3A_1396, %select_n3A_1437 : i32
        %ne3A_1439 = arith.constant 0 : i32
        %ne3A_1440 = arith.cmpi ne, %rem3A_1438, %ne3A_1439 : i32
        %lt3A_1441 = arith.constant 0 : i32
        %lt3A_1442 = arith.cmpi slt, %rem3A_1438, %lt3A_1441 : i32
        %lt3A_1443 = arith.constant 0 : i32
        %lt3A_1444 = arith.cmpi slt, %select_n3A_1437, %lt3A_1443 : i32
        %ne3A_1445 = arith.xori %lt3A_1442, %lt3A_1444 : i1
        %and3A_1446 = arith.andi %ne3A_1445, %ne3A_1440 : i1
        %add3A_1447 = arith.addi %rem3A_1438, %select_n3A_1437 : i32
        %select_n3A_1448 = arith.select %and3A_1446, %add3A_1447, %rem3A_1438 : i32
        %mul3A_1449 = arith.constant 16 : i32
        %mul3A_1450 = arith.muli %select_n3A_1448, %mul3A_1449 : i32
        %swap3A_1451 = arith.index_cast %select_n3A_1432 : i32 to index
        %swap3A_1452 = arith.index_cast %mul3A_1450 : i32 to index
        %swap3A_1453 = tpu.vector_load %arg8[%swap3A_1451, %swap3A_1452] {strides = array<i32>} : memref<16x128xf32, #tpu.memory_space<vmem>>, vector<1x16xf32>,
        %swap3A_1454 = vector.shape_cast %swap3A_1453 : vector<1x16xf32> to vector<16xf32>
        %swap3A_1455 = vector.shape_cast %get3A_1408 : vector<16xf32> to vector<1x16xf32>
        tpu.vector_store %arg8[%swap3A_1451, %swap3A_1452], %swap3A_1455 {strides = array<i32>} : memref<16x128xf32, #tpu.memory_space<vmem>>, vector<1x16xf32>,
        %mul3A_1456 = arith.constant 16 : i32
        %mul3A_1457 = arith.muli %scan3A_514, %mul3A_1456 : i32
        %add3A_1458 = arith.constant 15 : i32
        %add3A_1459 = arith.addi %mul3A_1457, %add3A_1458 : i32
        %slice3A_1460 = vector.extract_strided_slice %get3A_521 {offsets = [15], sizes = [1], strides = [1]} : vector<16xi32> to vector<1xi32>
        %squeeze3A_1461 = vector.extract %slice3A_1460[0] : i32 from vector<1xi32>
        %shift_right_logical3A_1462 = arith.constant 17 : i32
        %shift_right_logical3A_1463 = arith.shrui %squeeze3A_1461, %shift_right_logical3A_1462 : i32
        %mul3A_1464 = arith.constant 16 : i32
        %mul3A_1465 = arith.muli %shift_right_logical3A_1463, %mul3A_1464 : i32
        %get3A_1466 = arith.constant 1 : i32
        %get3A_1467 = arith.index_cast %get3A_1466 : i32 to index
        %get3A_1468 = arith.index_cast %add3A_1459 : i32 to index
        %get3A_1469 = arith.index_cast %mul3A_1465 : i32 to index
        %get3A_1470 = tpu.vector_load %arg7[%get3A_1467, %get3A_1468, %get3A_1469] {strides = array<i32>} : memref<4x128x128xf32, #tpu.memory_space<vmem>>, vector<1x1x16xf32>,
        %get3A_1471 = vector.shape_cast %get3A_1470 : vector<1x1x16xf32> to vector<16xf32>
        %jit3A_1472 = arith.constant 8 : i32
        %div3A_1473 = arith.divsi %add3A_1459, %jit3A_1472 : i32
        %sign3A_1474 = arith.constant 0 : i32
        %sign3A_1475 = arith.cmpi sgt, %add3A_1459, %sign3A_1474 : i32
        %sign3A_1476 = arith.extui %sign3A_1475 : i1 to i32
        %sign3A_1477 = arith.constant 0 : i32
        %sign3A_1478 = arith.cmpi slt, %add3A_1459, %sign3A_1477 : i32
        %sign3A_1479 = arith.extui %sign3A_1478 : i1 to i32
        %sign3A_1480 = arith.subi %sign3A_1476, %sign3A_1479 : i32
        %sign3A_1481 = arith.constant 0 : i32
        %sign3A_1482 = arith.cmpi sgt, %jit3A_1472, %sign3A_1481 : i32
        %sign3A_1483 = arith.extui %sign3A_1482 : i1 to i32
        %sign3A_1484 = arith.constant 0 : i32
        %sign3A_1485 = arith.cmpi slt, %jit3A_1472, %sign3A_1484 : i32
        %sign3A_1486 = arith.extui %sign3A_1485 : i1 to i32
        %sign3A_1487 = arith.subi %sign3A_1483, %sign3A_1486 : i32
        %ne3A_1488 = arith.cmpi ne, %sign3A_1480, %sign3A_1487 : i32
        %rem3A_1489 = arith.remsi %add3A_1459, %jit3A_1472 : i32
        %ne3A_1490 = arith.constant 0 : i32
        %ne3A_1491 = arith.cmpi ne, %rem3A_1489, %ne3A_1490 : i32
        %and3A_1492 = arith.andi %ne3A_1488, %ne3A_1491 : i1
        %sub3A_1493 = arith.constant 1 : i32
        %sub3A_1494 = arith.subi %div3A_1473, %sub3A_1493 : i32
        %select_n3A_1495 = arith.select %and3A_1492, %sub3A_1494, %div3A_1473 : i32
        %jit3A_1496 = arith.constant 8 : i32
        %eq3A_1497 = arith.constant 0 : i32
        %eq3A_1498 = arith.cmpi eq, %jit3A_1496, %eq3A_1497 : i32
        %jit3A_1499 = arith.constant 1 : i32
        %select_n3A_1500 = arith.select %eq3A_1498, %jit3A_1499, %jit3A_1496 : i32
        %rem3A_1501 = arith.remsi %add3A_1459, %select_n3A_1500 : i32
        %ne3A_1502 = arith.constant 0 : i32
        %ne3A_1503 = arith.cmpi ne, %rem3A_1501, %ne3A_1502 : i32
        %lt3A_1504 = arith.constant 0 : i32
        %lt3A_1505 = arith.cmpi slt, %rem3A_1501, %lt3A_1504 : i32
        %lt3A_1506 = arith.constant 0 : i32
        %lt3A_1507 = arith.cmpi slt, %select_n3A_1500, %lt3A_1506 : i32
        %ne3A_1508 = arith.xori %lt3A_1505, %lt3A_1507 : i1
        %and3A_1509 = arith.andi %ne3A_1508, %ne3A_1503 : i1
        %add3A_1510 = arith.addi %rem3A_1501, %select_n3A_1500 : i32
        %select_n3A_1511 = arith.select %and3A_1509, %add3A_1510, %rem3A_1501 : i32
        %mul3A_1512 = arith.constant 16 : i32
        %mul3A_1513 = arith.muli %select_n3A_1511, %mul3A_1512 : i32
        %swap3A_1514 = arith.index_cast %select_n3A_1495 : i32 to index
        %swap3A_1515 = arith.index_cast %mul3A_1513 : i32 to index
        %swap3A_1516 = tpu.vector_load %arg8[%swap3A_1514, %swap3A_1515] {strides = array<i32>} : memref<16x128xf32, #tpu.memory_space<vmem>>, vector<1x16xf32>,
        %swap3A_1517 = vector.shape_cast %swap3A_1516 : vector<1x16xf32> to vector<16xf32>
        %swap3A_1518 = vector.shape_cast %get3A_1471 : vector<16xf32> to vector<1x16xf32>
        tpu.vector_store %arg8[%swap3A_1514, %swap3A_1515], %swap3A_1518 {strides = array<i32>} : memref<16x128xf32, #tpu.memory_space<vmem>>, vector<1x16xf32>,
        %scan3A_1519 = arith.constant 0 : i32
        scf.yield %scan3A_1519 : i32
      }
      %scan3A_443 = arith.constant 8 : i32
      %mul3A_444 = arith.constant 16 : i32
      %mul3A_445 = arith.muli %add3A_424, %mul3A_444 : i32
      %add3A_446 = arith.addi %mul3A_4, %mul3A_445 : i32
      "tpu.region"() ({
        %run_scoped3A = tpu.sem_alloc : memref<!tpu.dma_semaphore, #tpu.memory_space<semaphore_mem>>
        %dma_start3A_514 = arith.constant 0 : i32
        %dma_start3A_515 = tpu.memref_slice %arg4[%add3A_446, %dma_start3A_514] : memref<102400x128xf32, #tpu.memory_space<hbm>> -> memref<16x128xf32, #tpu.memory_space<hbm>>
        %dma_start3A_516 = arith.constant 0 : i32
        %dma_start3A_517 = tpu.memref_slice %arg4[%add3A_446, %dma_start3A_516] : memref<102400x128xf32, #tpu.memory_space<hbm>> -> memref<16x128xf32, #tpu.memory_space<hbm>>
        tpu.enqueue_dma source(%arg8 : memref<16x128xf32, #tpu.memory_space<vmem>>) target(%dma_start3A_517 : memref<16x128xf32, #tpu.memory_space<hbm>>) target_semaphore(%run_scoped3A : memref<!tpu.dma_semaphore, #tpu.memory_space<semaphore_mem>>)
        %dma_wait3A_518 = arith.constant 0 : i32
        %dma_wait3A_519 = tpu.memref_slice %arg4[%add3A_446, %dma_wait3A_518] : memref<102400x128xf32, #tpu.memory_space<hbm>> -> memref<16x128xf32, #tpu.memory_space<hbm>>
        %dma_wait3A_520 = arith.constant 0 : i32
        %dma_wait3A_521 = tpu.memref_slice %arg4[%add3A_446, %dma_wait3A_520] : memref<102400x128xf32, #tpu.memory_space<hbm>> -> memref<16x128xf32, #tpu.memory_space<hbm>>
        tpu.wait_dma2 semaphore(%run_scoped3A : memref<!tpu.dma_semaphore, #tpu.memory_space<semaphore_mem>>) src(%arg8 : memref<16x128xf32, #tpu.memory_space<vmem>>) dst(%dma_wait3A_521 : memref<16x128xf32, #tpu.memory_space<hbm>>)
        tpu.yield
      }) : () -> ()
      %add3A_447 = arith.constant 2 : i32
      %add3A_448 = arith.addi %mul3A_384, %add3A_447 : i32
      %add3A_449 = arith.constant 3 : i32
      %add3A_450 = arith.addi %add3A_448, %add3A_449 : i32
      %lt3A_451 = arith.constant 200 : i32
      %lt3A_452 = arith.cmpi slt, %add3A_450, %lt3A_451 : i32
      %convert_element_type3A_453 = arith.extui %lt3A_452 : i1 to i32
      %cond3A_454 = arith.constant 0 : i32
      %cond3A_455 = arith.cmpi ne, %convert_element_type3A_453, %cond3A_454 : i32
      scf.if %cond3A_455 {
        %get3A_514 = arith.index_cast %add3A_450 : i32 to index
        %get3A_515 = arith.constant 0 : index
        %get3A_516 = tpu.vector_load %arg5[%get3A_514, %get3A_515] {strides = array<i32>} : memref<200x128xi32, #tpu.memory_space<vmem>>, vector<1x16xi32>,
        %get3A_517 = vector.shape_cast %get3A_516 : vector<1x16xi32> to vector<16xi32>
        %and3A_518 = arith.constant 131071 : i32
        %and3A_519 = vector.broadcast %and3A_518 : i32 to vector<16xi32>
        %and3A_520 = arith.andi %get3A_517, %and3A_519 : vector<16xi32>
        %swap3A_521 = arith.constant 1 : i32
        %swap3A_522 = arith.index_cast %swap3A_521 : i32 to index
        %swap3A_523 = arith.constant 0 : index
        %swap3A_524 = tpu.vector_load %arg6[%swap3A_522, %swap3A_523] {strides = array<i32>} : memref<4x128xi32, #tpu.memory_space<vmem>>, vector<1x16xi32>,
        %swap3A_525 = vector.shape_cast %swap3A_524 : vector<1x16xi32> to vector<16xi32>
        %swap3A_526 = vector.shape_cast %and3A_520 : vector<16xi32> to vector<1x16xi32>
        tpu.vector_store %arg6[%swap3A_522, %swap3A_523], %swap3A_526 {strides = array<i32>} : memref<4x128xi32, #tpu.memory_space<vmem>>, vector<1x16xi32>,
        %get3A_527 = arith.index_cast %add3A_450 : i32 to index
        %get3A_528 = arith.constant 16 : index
        %get3A_529 = tpu.vector_load %arg5[%get3A_527, %get3A_528] {strides = array<i32>} : memref<200x128xi32, #tpu.memory_space<vmem>>, vector<1x16xi32>,
        %get3A_530 = vector.shape_cast %get3A_529 : vector<1x16xi32> to vector<16xi32>
        %and3A_531 = arith.constant 131071 : i32
        %and3A_532 = vector.broadcast %and3A_531 : i32 to vector<16xi32>
        %and3A_533 = arith.andi %get3A_530, %and3A_532 : vector<16xi32>
        %swap3A_534 = arith.constant 1 : i32
        %swap3A_535 = arith.index_cast %swap3A_534 : i32 to index
        %swap3A_536 = arith.constant 16 : index
        %swap3A_537 = tpu.vector_load %arg6[%swap3A_535, %swap3A_536] {strides = array<i32>} : memref<4x128xi32, #tpu.memory_space<vmem>>, vector<1x16xi32>,
        %swap3A_538 = vector.shape_cast %swap3A_537 : vector<1x16xi32> to vector<16xi32>
        %swap3A_539 = vector.shape_cast %and3A_533 : vector<16xi32> to vector<1x16xi32>
        tpu.vector_store %arg6[%swap3A_535, %swap3A_536], %swap3A_539 {strides = array<i32>} : memref<4x128xi32, #tpu.memory_space<vmem>>, vector<1x16xi32>,
        %get3A_540 = arith.index_cast %add3A_450 : i32 to index
        %get3A_541 = arith.constant 32 : index
        %get3A_542 = tpu.vector_load %arg5[%get3A_540, %get3A_541] {strides = array<i32>} : memref<200x128xi32, #tpu.memory_space<vmem>>, vector<1x16xi32>,
        %get3A_543 = vector.shape_cast %get3A_542 : vector<1x16xi32> to vector<16xi32>
        %and3A_544 = arith.constant 131071 : i32
        %and3A_545 = vector.broadcast %and3A_544 : i32 to vector<16xi32>
        %and3A_546 = arith.andi %get3A_543, %and3A_545 : vector<16xi32>
        %swap3A_547 = arith.constant 1 : i32
        %swap3A_548 = arith.index_cast %swap3A_547 : i32 to index
        %swap3A_549 = arith.constant 32 : index
        %swap3A_550 = tpu.vector_load %arg6[%swap3A_548, %swap3A_549] {strides = array<i32>} : memref<4x128xi32, #tpu.memory_space<vmem>>, vector<1x16xi32>,
        %swap3A_551 = vector.shape_cast %swap3A_550 : vector<1x16xi32> to vector<16xi32>
        %swap3A_552 = vector.shape_cast %and3A_546 : vector<16xi32> to vector<1x16xi32>
        tpu.vector_store %arg6[%swap3A_548, %swap3A_549], %swap3A_552 {strides = array<i32>} : memref<4x128xi32, #tpu.memory_space<vmem>>, vector<1x16xi32>,
        %get3A_553 = arith.index_cast %add3A_450 : i32 to index
        %get3A_554 = arith.constant 48 : index
        %get3A_555 = tpu.vector_load %arg5[%get3A_553, %get3A_554] {strides = array<i32>} : memref<200x128xi32, #tpu.memory_space<vmem>>, vector<1x16xi32>,
        %get3A_556 = vector.shape_cast %get3A_555 : vector<1x16xi32> to vector<16xi32>
        %and3A_557 = arith.constant 131071 : i32
        %and3A_558 = vector.broadcast %and3A_557 : i32 to vector<16xi32>
        %and3A_559 = arith.andi %get3A_556, %and3A_558 : vector<16xi32>
        %swap3A_560 = arith.constant 1 : i32
        %swap3A_561 = arith.index_cast %swap3A_560 : i32 to index
        %swap3A_562 = arith.constant 48 : index
        %swap3A_563 = tpu.vector_load %arg6[%swap3A_561, %swap3A_562] {strides = array<i32>} : memref<4x128xi32, #tpu.memory_space<vmem>>, vector<1x16xi32>,
        %swap3A_564 = vector.shape_cast %swap3A_563 : vector<1x16xi32> to vector<16xi32>
        %swap3A_565 = vector.shape_cast %and3A_559 : vector<16xi32> to vector<1x16xi32>
        tpu.vector_store %arg6[%swap3A_561, %swap3A_562], %swap3A_565 {strides = array<i32>} : memref<4x128xi32, #tpu.memory_space<vmem>>, vector<1x16xi32>,
        %get3A_566 = arith.index_cast %add3A_450 : i32 to index
        %get3A_567 = arith.constant 64 : index
        %get3A_568 = tpu.vector_load %arg5[%get3A_566, %get3A_567] {strides = array<i32>} : memref<200x128xi32, #tpu.memory_space<vmem>>, vector<1x16xi32>,
        %get3A_569 = vector.shape_cast %get3A_568 : vector<1x16xi32> to vector<16xi32>
        %and3A_570 = arith.constant 131071 : i32
        %and3A_571 = vector.broadcast %and3A_570 : i32 to vector<16xi32>
        %and3A_572 = arith.andi %get3A_569, %and3A_571 : vector<16xi32>
        %swap3A_573 = arith.constant 1 : i32
        %swap3A_574 = arith.index_cast %swap3A_573 : i32 to index
        %swap3A_575 = arith.constant 64 : index
        %swap3A_576 = tpu.vector_load %arg6[%swap3A_574, %swap3A_575] {strides = array<i32>} : memref<4x128xi32, #tpu.memory_space<vmem>>, vector<1x16xi32>,
        %swap3A_577 = vector.shape_cast %swap3A_576 : vector<1x16xi32> to vector<16xi32>
        %swap3A_578 = vector.shape_cast %and3A_572 : vector<16xi32> to vector<1x16xi32>
        tpu.vector_store %arg6[%swap3A_574, %swap3A_575], %swap3A_578 {strides = array<i32>} : memref<4x128xi32, #tpu.memory_space<vmem>>, vector<1x16xi32>,
        %get3A_579 = arith.index_cast %add3A_450 : i32 to index
        %get3A_580 = arith.constant 80 : index
        %get3A_581 = tpu.vector_load %arg5[%get3A_579, %get3A_580] {strides = array<i32>} : memref<200x128xi32, #tpu.memory_space<vmem>>, vector<1x16xi32>,
        %get3A_582 = vector.shape_cast %get3A_581 : vector<1x16xi32> to vector<16xi32>
        %and3A_583 = arith.constant 131071 : i32
        %and3A_584 = vector.broadcast %and3A_583 : i32 to vector<16xi32>
        %and3A_585 = arith.andi %get3A_582, %and3A_584 : vector<16xi32>
        %swap3A_586 = arith.constant 1 : i32
        %swap3A_587 = arith.index_cast %swap3A_586 : i32 to index
        %swap3A_588 = arith.constant 80 : index
        %swap3A_589 = tpu.vector_load %arg6[%swap3A_587, %swap3A_588] {strides = array<i32>} : memref<4x128xi32, #tpu.memory_space<vmem>>, vector<1x16xi32>,
        %swap3A_590 = vector.shape_cast %swap3A_589 : vector<1x16xi32> to vector<16xi32>
        %swap3A_591 = vector.shape_cast %and3A_585 : vector<16xi32> to vector<1x16xi32>
        tpu.vector_store %arg6[%swap3A_587, %swap3A_588], %swap3A_591 {strides = array<i32>} : memref<4x128xi32, #tpu.memory_space<vmem>>, vector<1x16xi32>,
        %get3A_592 = arith.index_cast %add3A_450 : i32 to index
        %get3A_593 = arith.constant 96 : index
        %get3A_594 = tpu.vector_load %arg5[%get3A_592, %get3A_593] {strides = array<i32>} : memref<200x128xi32, #tpu.memory_space<vmem>>, vector<1x16xi32>,
        %get3A_595 = vector.shape_cast %get3A_594 : vector<1x16xi32> to vector<16xi32>
        %and3A_596 = arith.constant 131071 : i32
        %and3A_597 = vector.broadcast %and3A_596 : i32 to vector<16xi32>
        %and3A_598 = arith.andi %get3A_595, %and3A_597 : vector<16xi32>
        %swap3A_599 = arith.constant 1 : i32
        %swap3A_600 = arith.index_cast %swap3A_599 : i32 to index
        %swap3A_601 = arith.constant 96 : index
        %swap3A_602 = tpu.vector_load %arg6[%swap3A_600, %swap3A_601] {strides = array<i32>} : memref<4x128xi32, #tpu.memory_space<vmem>>, vector<1x16xi32>,
        %swap3A_603 = vector.shape_cast %swap3A_602 : vector<1x16xi32> to vector<16xi32>
        %swap3A_604 = vector.shape_cast %and3A_598 : vector<16xi32> to vector<1x16xi32>
        tpu.vector_store %arg6[%swap3A_600, %swap3A_601], %swap3A_604 {strides = array<i32>} : memref<4x128xi32, #tpu.memory_space<vmem>>, vector<1x16xi32>,
        %get3A_605 = arith.index_cast %add3A_450 : i32 to index
        %get3A_606 = arith.constant 112 : index
        %get3A_607 = tpu.vector_load %arg5[%get3A_605, %get3A_606] {strides = array<i32>} : memref<200x128xi32, #tpu.memory_space<vmem>>, vector<1x16xi32>,
        %get3A_608 = vector.shape_cast %get3A_607 : vector<1x16xi32> to vector<16xi32>
        %and3A_609 = arith.constant 131071 : i32
        %and3A_610 = vector.broadcast %and3A_609 : i32 to vector<16xi32>
        %and3A_611 = arith.andi %get3A_608, %and3A_610 : vector<16xi32>
        %swap3A_612 = arith.constant 1 : i32
        %swap3A_613 = arith.index_cast %swap3A_612 : i32 to index
        %swap3A_614 = arith.constant 112 : index
        %swap3A_615 = tpu.vector_load %arg6[%swap3A_613, %swap3A_614] {strides = array<i32>} : memref<4x128xi32, #tpu.memory_space<vmem>>, vector<1x16xi32>,
        %swap3A_616 = vector.shape_cast %swap3A_615 : vector<1x16xi32> to vector<16xi32>
        %swap3A_617 = vector.shape_cast %and3A_611 : vector<16xi32> to vector<1x16xi32>
        tpu.vector_store %arg6[%swap3A_613, %swap3A_614], %swap3A_617 {strides = array<i32>} : memref<4x128xi32, #tpu.memory_space<vmem>>, vector<1x16xi32>,
        %dma_start3A_618 = arith.constant 1 : i32
        %dma_start3A_619 = arith.constant 1 : i32
        %dma_start3A_620 = arith.constant 0 : i32
        %dma_start3A_621 = arith.constant 0 : i32
        %dma_start3A_622 = tpu.memref_slice %arg7[%dma_start3A_619, %dma_start3A_620, %dma_start3A_621] : memref<4x128x128xf32, #tpu.memory_space<vmem>> -> memref<1x128x128xf32, #tpu.memory_space<vmem>>
        %dma_start3A_623 = tpu.memref_squeeze %dma_start3A_622 : memref<1x128x128xf32, #tpu.memory_space<vmem>> -> memref<128x128xf32, #tpu.memory_space<vmem>>
        %dma_start3A_624 = arith.constant 0 : i32
        %dma_start3A_625 = tpu.memref_slice %arg6[%dma_start3A_618, %dma_start3A_624] : memref<4x128xi32, #tpu.memory_space<vmem>> -> memref<1x128xi32, #tpu.memory_space<vmem>>
        %dma_start3A_626 = tpu.memref_squeeze %dma_start3A_625 : memref<1x128xi32, #tpu.memory_space<vmem>> -> memref<128xi32, #tpu.memory_space<vmem>>
        %dma_start3A_627 = arith.constant 0 : i32
        %dma_start3A_628 = arith.constant 0 : i32
        %dma_start3A_629 = tpu.memref_slice %arg2[%dma_start3A_627, %dma_start3A_628] : memref<131072x128xf32, #tpu.memory_space<hbm>> -> memref<131072x128xf32, #tpu.memory_space<hbm>>
        tpu.enqueue_indirect_dma source(%dma_start3A_629 : memref<131072x128xf32, #tpu.memory_space<hbm>>) target(%dma_start3A_623 : memref<128x128xf32, #tpu.memory_space<vmem>>) offsets(%dma_start3A_626 : memref<128xi32, #tpu.memory_space<vmem>>) semaphore(%arg10 : memref<!tpu.dma_semaphore, #tpu.memory_space<semaphore_mem>>)
      } else {
      }
      %add3A_456 = arith.constant 2 : i32
      %add3A_457 = arith.addi %mul3A_384, %add3A_456 : i32
      %dma_wait3A_458 = arith.constant 2 : i32
      %dma_wait3A_459 = arith.constant 2 : i32
      %dma_wait3A_460 = arith.constant 0 : i32
      %dma_wait3A_461 = arith.constant 0 : i32
      %dma_wait3A_462 = tpu.memref_slice %arg7[%dma_wait3A_459, %dma_wait3A_460, %dma_wait3A_461] : memref<4x128x128xf32, #tpu.memory_space<vmem>> -> memref<1x128x128xf32, #tpu.memory_space<vmem>>
      %dma_wait3A_463 = tpu.memref_squeeze %dma_wait3A_462 : memref<1x128x128xf32, #tpu.memory_space<vmem>> -> memref<128x128xf32, #tpu.memory_space<vmem>>
      %dma_wait3A_464 = arith.constant 0 : i32
      %dma_wait3A_465 = tpu.memref_slice %arg6[%dma_wait3A_458, %dma_wait3A_464] : memref<4x128xi32, #tpu.memory_space<vmem>> -> memref<1x128xi32, #tpu.memory_space<vmem>>
      %dma_wait3A_466 = tpu.memref_squeeze %dma_wait3A_465 : memref<1x128xi32, #tpu.memory_space<vmem>> -> memref<128xi32, #tpu.memory_space<vmem>>
      %dma_wait3A_467 = arith.constant 0 : i32
      %dma_wait3A_468 = arith.constant 0 : i32
      %dma_wait3A_469 = tpu.memref_slice %arg2[%dma_wait3A_467, %dma_wait3A_468] : memref<131072x128xf32, #tpu.memory_space<hbm>> -> memref<131072x128xf32, #tpu.memory_space<hbm>>
      tpu.wait_indirect_dma semaphore(%arg11 : memref<!tpu.dma_semaphore, #tpu.memory_space<semaphore_mem>>) src(%dma_wait3A_469 : memref<131072x128xf32, #tpu.memory_space<hbm>>) dst(%dma_wait3A_463 : memref<128x128xf32, #tpu.memory_space<vmem>>)
      %scan3A_470 = arith.constant 0 : i32
      %scan3A_471 = arith.constant 0 : i32
      %scan3A_472 = arith.constant 8 : i32
      %scan3A_473 = arith.addi %scan3A_471, %scan3A_472 : i32
      %scan3A_474 = arith.constant 1 : i32
      %scan3A_475 = scf.for %scan3A_514 = %scan3A_471 to %scan3A_473 step %scan3A_474 iter_args(%scan3A_515 = %scan3A_470) -> (i32)  : i32 {
        %mul3A_516 = arith.constant 16 : i32
        %mul3A_517 = arith.muli %scan3A_514, %mul3A_516 : i32
        %get3A_518 = arith.index_cast %add3A_457 : i32 to index
        %get3A_519 = arith.index_cast %mul3A_517 : i32 to index
        %get3A_520 = tpu.vector_load %arg5[%get3A_518, %get3A_519] {strides = array<i32>} : memref<200x128xi32, #tpu.memory_space<vmem>>, vector<1x16xi32>,
        %get3A_521 = vector.shape_cast %get3A_520 : vector<1x16xi32> to vector<16xi32>
        %mul3A_522 = arith.constant 16 : i32
        %mul3A_523 = arith.muli %scan3A_514, %mul3A_522 : i32
        %add3A_524 = arith.constant 0 : i32
        %add3A_525 = arith.addi %mul3A_523, %add3A_524 : i32
        %slice3A = vector.extract_strided_slice %get3A_521 {offsets = [0], sizes = [1], strides = [1]} : vector<16xi32> to vector<1xi32>
        %squeeze3A = vector.extract %slice3A[0] : i32 from vector<1xi32>
        %shift_right_logical3A = arith.constant 17 : i32
        %shift_right_logical3A_526 = arith.shrui %squeeze3A, %shift_right_logical3A : i32
        %mul3A_527 = arith.constant 16 : i32
        %mul3A_528 = arith.muli %shift_right_logical3A_526, %mul3A_527 : i32
        %get3A_529 = arith.constant 2 : i32
        %get3A_530 = arith.index_cast %get3A_529 : i32 to index
        %get3A_531 = arith.index_cast %add3A_525 : i32 to index
        %get3A_532 = arith.index_cast %mul3A_528 : i32 to index
        %get3A_533 = tpu.vector_load %arg7[%get3A_530, %get3A_531, %get3A_532] {strides = array<i32>} : memref<4x128x128xf32, #tpu.memory_space<vmem>>, vector<1x1x16xf32>,
        %get3A_534 = vector.shape_cast %get3A_533 : vector<1x1x16xf32> to vector<16xf32>
        %jit3A = arith.constant 8 : i32
        %div3A = arith.divsi %add3A_525, %jit3A : i32
        %sign3A = arith.constant 0 : i32
        %sign3A_535 = arith.cmpi sgt, %add3A_525, %sign3A : i32
        %sign3A_536 = arith.extui %sign3A_535 : i1 to i32
        %sign3A_537 = arith.constant 0 : i32
        %sign3A_538 = arith.cmpi slt, %add3A_525, %sign3A_537 : i32
        %sign3A_539 = arith.extui %sign3A_538 : i1 to i32
        %sign3A_540 = arith.subi %sign3A_536, %sign3A_539 : i32
        %sign3A_541 = arith.constant 0 : i32
        %sign3A_542 = arith.cmpi sgt, %jit3A, %sign3A_541 : i32
        %sign3A_543 = arith.extui %sign3A_542 : i1 to i32
        %sign3A_544 = arith.constant 0 : i32
        %sign3A_545 = arith.cmpi slt, %jit3A, %sign3A_544 : i32
        %sign3A_546 = arith.extui %sign3A_545 : i1 to i32
        %sign3A_547 = arith.subi %sign3A_543, %sign3A_546 : i32
        %ne3A = arith.cmpi ne, %sign3A_540, %sign3A_547 : i32
        %rem3A = arith.remsi %add3A_525, %jit3A : i32
        %ne3A_548 = arith.constant 0 : i32
        %ne3A_549 = arith.cmpi ne, %rem3A, %ne3A_548 : i32
        %and3A_550 = arith.andi %ne3A, %ne3A_549 : i1
        %sub3A = arith.constant 1 : i32
        %sub3A_551 = arith.subi %div3A, %sub3A : i32
        %select_n3A = arith.select %and3A_550, %sub3A_551, %div3A : i32
        %jit3A_552 = arith.constant 8 : i32
        %eq3A = arith.constant 0 : i32
        %eq3A_553 = arith.cmpi eq, %jit3A_552, %eq3A : i32
        %jit3A_554 = arith.constant 1 : i32
        %select_n3A_555 = arith.select %eq3A_553, %jit3A_554, %jit3A_552 : i32
        %rem3A_556 = arith.remsi %add3A_525, %select_n3A_555 : i32
        %ne3A_557 = arith.constant 0 : i32
        %ne3A_558 = arith.cmpi ne, %rem3A_556, %ne3A_557 : i32
        %lt3A_559 = arith.constant 0 : i32
        %lt3A_560 = arith.cmpi slt, %rem3A_556, %lt3A_559 : i32
        %lt3A_561 = arith.constant 0 : i32
        %lt3A_562 = arith.cmpi slt, %select_n3A_555, %lt3A_561 : i32
        %ne3A_563 = arith.xori %lt3A_560, %lt3A_562 : i1
        %and3A_564 = arith.andi %ne3A_563, %ne3A_558 : i1
        %add3A_565 = arith.addi %rem3A_556, %select_n3A_555 : i32
        %select_n3A_566 = arith.select %and3A_564, %add3A_565, %rem3A_556 : i32
        %mul3A_567 = arith.constant 16 : i32
        %mul3A_568 = arith.muli %select_n3A_566, %mul3A_567 : i32
        %swap3A_569 = arith.index_cast %select_n3A : i32 to index
        %swap3A_570 = arith.index_cast %mul3A_568 : i32 to index
        %swap3A_571 = tpu.vector_load %arg8[%swap3A_569, %swap3A_570] {strides = array<i32>} : memref<16x128xf32, #tpu.memory_space<vmem>>, vector<1x16xf32>,
        %swap3A_572 = vector.shape_cast %swap3A_571 : vector<1x16xf32> to vector<16xf32>
        %swap3A_573 = vector.shape_cast %get3A_534 : vector<16xf32> to vector<1x16xf32>
        tpu.vector_store %arg8[%swap3A_569, %swap3A_570], %swap3A_573 {strides = array<i32>} : memref<16x128xf32, #tpu.memory_space<vmem>>, vector<1x16xf32>,
        %mul3A_574 = arith.constant 16 : i32
        %mul3A_575 = arith.muli %scan3A_514, %mul3A_574 : i32
        %add3A_576 = arith.constant 1 : i32
        %add3A_577 = arith.addi %mul3A_575, %add3A_576 : i32
        %slice3A_578 = vector.extract_strided_slice %get3A_521 {offsets = [1], sizes = [1], strides = [1]} : vector<16xi32> to vector<1xi32>
        %squeeze3A_579 = vector.extract %slice3A_578[0] : i32 from vector<1xi32>
        %shift_right_logical3A_580 = arith.constant 17 : i32
        %shift_right_logical3A_581 = arith.shrui %squeeze3A_579, %shift_right_logical3A_580 : i32
        %mul3A_582 = arith.constant 16 : i32
        %mul3A_583 = arith.muli %shift_right_logical3A_581, %mul3A_582 : i32
        %get3A_584 = arith.constant 2 : i32
        %get3A_585 = arith.index_cast %get3A_584 : i32 to index
        %get3A_586 = arith.index_cast %add3A_577 : i32 to index
        %get3A_587 = arith.index_cast %mul3A_583 : i32 to index
        %get3A_588 = tpu.vector_load %arg7[%get3A_585, %get3A_586, %get3A_587] {strides = array<i32>} : memref<4x128x128xf32, #tpu.memory_space<vmem>>, vector<1x1x16xf32>,
        %get3A_589 = vector.shape_cast %get3A_588 : vector<1x1x16xf32> to vector<16xf32>
        %jit3A_590 = arith.constant 8 : i32
        %div3A_591 = arith.divsi %add3A_577, %jit3A_590 : i32
        %sign3A_592 = arith.constant 0 : i32
        %sign3A_593 = arith.cmpi sgt, %add3A_577, %sign3A_592 : i32
        %sign3A_594 = arith.extui %sign3A_593 : i1 to i32
        %sign3A_595 = arith.constant 0 : i32
        %sign3A_596 = arith.cmpi slt, %add3A_577, %sign3A_595 : i32
        %sign3A_597 = arith.extui %sign3A_596 : i1 to i32
        %sign3A_598 = arith.subi %sign3A_594, %sign3A_597 : i32
        %sign3A_599 = arith.constant 0 : i32
        %sign3A_600 = arith.cmpi sgt, %jit3A_590, %sign3A_599 : i32
        %sign3A_601 = arith.extui %sign3A_600 : i1 to i32
        %sign3A_602 = arith.constant 0 : i32
        %sign3A_603 = arith.cmpi slt, %jit3A_590, %sign3A_602 : i32
        %sign3A_604 = arith.extui %sign3A_603 : i1 to i32
        %sign3A_605 = arith.subi %sign3A_601, %sign3A_604 : i32
        %ne3A_606 = arith.cmpi ne, %sign3A_598, %sign3A_605 : i32
        %rem3A_607 = arith.remsi %add3A_577, %jit3A_590 : i32
        %ne3A_608 = arith.constant 0 : i32
        %ne3A_609 = arith.cmpi ne, %rem3A_607, %ne3A_608 : i32
        %and3A_610 = arith.andi %ne3A_606, %ne3A_609 : i1
        %sub3A_611 = arith.constant 1 : i32
        %sub3A_612 = arith.subi %div3A_591, %sub3A_611 : i32
        %select_n3A_613 = arith.select %and3A_610, %sub3A_612, %div3A_591 : i32
        %jit3A_614 = arith.constant 8 : i32
        %eq3A_615 = arith.constant 0 : i32
        %eq3A_616 = arith.cmpi eq, %jit3A_614, %eq3A_615 : i32
        %jit3A_617 = arith.constant 1 : i32
        %select_n3A_618 = arith.select %eq3A_616, %jit3A_617, %jit3A_614 : i32
        %rem3A_619 = arith.remsi %add3A_577, %select_n3A_618 : i32
        %ne3A_620 = arith.constant 0 : i32
        %ne3A_621 = arith.cmpi ne, %rem3A_619, %ne3A_620 : i32
        %lt3A_622 = arith.constant 0 : i32
        %lt3A_623 = arith.cmpi slt, %rem3A_619, %lt3A_622 : i32
        %lt3A_624 = arith.constant 0 : i32
        %lt3A_625 = arith.cmpi slt, %select_n3A_618, %lt3A_624 : i32
        %ne3A_626 = arith.xori %lt3A_623, %lt3A_625 : i1
        %and3A_627 = arith.andi %ne3A_626, %ne3A_621 : i1
        %add3A_628 = arith.addi %rem3A_619, %select_n3A_618 : i32
        %select_n3A_629 = arith.select %and3A_627, %add3A_628, %rem3A_619 : i32
        %mul3A_630 = arith.constant 16 : i32
        %mul3A_631 = arith.muli %select_n3A_629, %mul3A_630 : i32
        %swap3A_632 = arith.index_cast %select_n3A_613 : i32 to index
        %swap3A_633 = arith.index_cast %mul3A_631 : i32 to index
        %swap3A_634 = tpu.vector_load %arg8[%swap3A_632, %swap3A_633] {strides = array<i32>} : memref<16x128xf32, #tpu.memory_space<vmem>>, vector<1x16xf32>,
        %swap3A_635 = vector.shape_cast %swap3A_634 : vector<1x16xf32> to vector<16xf32>
        %swap3A_636 = vector.shape_cast %get3A_589 : vector<16xf32> to vector<1x16xf32>
        tpu.vector_store %arg8[%swap3A_632, %swap3A_633], %swap3A_636 {strides = array<i32>} : memref<16x128xf32, #tpu.memory_space<vmem>>, vector<1x16xf32>,
        %mul3A_637 = arith.constant 16 : i32
        %mul3A_638 = arith.muli %scan3A_514, %mul3A_637 : i32
        %add3A_639 = arith.constant 2 : i32
        %add3A_640 = arith.addi %mul3A_638, %add3A_639 : i32
        %slice3A_641 = vector.extract_strided_slice %get3A_521 {offsets = [2], sizes = [1], strides = [1]} : vector<16xi32> to vector<1xi32>
        %squeeze3A_642 = vector.extract %slice3A_641[0] : i32 from vector<1xi32>
        %shift_right_logical3A_643 = arith.constant 17 : i32
        %shift_right_logical3A_644 = arith.shrui %squeeze3A_642, %shift_right_logical3A_643 : i32
        %mul3A_645 = arith.constant 16 : i32
        %mul3A_646 = arith.muli %shift_right_logical3A_644, %mul3A_645 : i32
        %get3A_647 = arith.constant 2 : i32
        %get3A_648 = arith.index_cast %get3A_647 : i32 to index
        %get3A_649 = arith.index_cast %add3A_640 : i32 to index
        %get3A_650 = arith.index_cast %mul3A_646 : i32 to index
        %get3A_651 = tpu.vector_load %arg7[%get3A_648, %get3A_649, %get3A_650] {strides = array<i32>} : memref<4x128x128xf32, #tpu.memory_space<vmem>>, vector<1x1x16xf32>,
        %get3A_652 = vector.shape_cast %get3A_651 : vector<1x1x16xf32> to vector<16xf32>
        %jit3A_653 = arith.constant 8 : i32
        %div3A_654 = arith.divsi %add3A_640, %jit3A_653 : i32
        %sign3A_655 = arith.constant 0 : i32
        %sign3A_656 = arith.cmpi sgt, %add3A_640, %sign3A_655 : i32
        %sign3A_657 = arith.extui %sign3A_656 : i1 to i32
        %sign3A_658 = arith.constant 0 : i32
        %sign3A_659 = arith.cmpi slt, %add3A_640, %sign3A_658 : i32
        %sign3A_660 = arith.extui %sign3A_659 : i1 to i32
        %sign3A_661 = arith.subi %sign3A_657, %sign3A_660 : i32
        %sign3A_662 = arith.constant 0 : i32
        %sign3A_663 = arith.cmpi sgt, %jit3A_653, %sign3A_662 : i32
        %sign3A_664 = arith.extui %sign3A_663 : i1 to i32
        %sign3A_665 = arith.constant 0 : i32
        %sign3A_666 = arith.cmpi slt, %jit3A_653, %sign3A_665 : i32
        %sign3A_667 = arith.extui %sign3A_666 : i1 to i32
        %sign3A_668 = arith.subi %sign3A_664, %sign3A_667 : i32
        %ne3A_669 = arith.cmpi ne, %sign3A_661, %sign3A_668 : i32
        %rem3A_670 = arith.remsi %add3A_640, %jit3A_653 : i32
        %ne3A_671 = arith.constant 0 : i32
        %ne3A_672 = arith.cmpi ne, %rem3A_670, %ne3A_671 : i32
        %and3A_673 = arith.andi %ne3A_669, %ne3A_672 : i1
        %sub3A_674 = arith.constant 1 : i32
        %sub3A_675 = arith.subi %div3A_654, %sub3A_674 : i32
        %select_n3A_676 = arith.select %and3A_673, %sub3A_675, %div3A_654 : i32
        %jit3A_677 = arith.constant 8 : i32
        %eq3A_678 = arith.constant 0 : i32
        %eq3A_679 = arith.cmpi eq, %jit3A_677, %eq3A_678 : i32
        %jit3A_680 = arith.constant 1 : i32
        %select_n3A_681 = arith.select %eq3A_679, %jit3A_680, %jit3A_677 : i32
        %rem3A_682 = arith.remsi %add3A_640, %select_n3A_681 : i32
        %ne3A_683 = arith.constant 0 : i32
        %ne3A_684 = arith.cmpi ne, %rem3A_682, %ne3A_683 : i32
        %lt3A_685 = arith.constant 0 : i32
        %lt3A_686 = arith.cmpi slt, %rem3A_682, %lt3A_685 : i32
        %lt3A_687 = arith.constant 0 : i32
        %lt3A_688 = arith.cmpi slt, %select_n3A_681, %lt3A_687 : i32
        %ne3A_689 = arith.xori %lt3A_686, %lt3A_688 : i1
        %and3A_690 = arith.andi %ne3A_689, %ne3A_684 : i1
        %add3A_691 = arith.addi %rem3A_682, %select_n3A_681 : i32
        %select_n3A_692 = arith.select %and3A_690, %add3A_691, %rem3A_682 : i32
        %mul3A_693 = arith.constant 16 : i32
        %mul3A_694 = arith.muli %select_n3A_692, %mul3A_693 : i32
        %swap3A_695 = arith.index_cast %select_n3A_676 : i32 to index
        %swap3A_696 = arith.index_cast %mul3A_694 : i32 to index
        %swap3A_697 = tpu.vector_load %arg8[%swap3A_695, %swap3A_696] {strides = array<i32>} : memref<16x128xf32, #tpu.memory_space<vmem>>, vector<1x16xf32>,
        %swap3A_698 = vector.shape_cast %swap3A_697 : vector<1x16xf32> to vector<16xf32>
        %swap3A_699 = vector.shape_cast %get3A_652 : vector<16xf32> to vector<1x16xf32>
        tpu.vector_store %arg8[%swap3A_695, %swap3A_696], %swap3A_699 {strides = array<i32>} : memref<16x128xf32, #tpu.memory_space<vmem>>, vector<1x16xf32>,
        %mul3A_700 = arith.constant 16 : i32
        %mul3A_701 = arith.muli %scan3A_514, %mul3A_700 : i32
        %add3A_702 = arith.constant 3 : i32
        %add3A_703 = arith.addi %mul3A_701, %add3A_702 : i32
        %slice3A_704 = vector.extract_strided_slice %get3A_521 {offsets = [3], sizes = [1], strides = [1]} : vector<16xi32> to vector<1xi32>
        %squeeze3A_705 = vector.extract %slice3A_704[0] : i32 from vector<1xi32>
        %shift_right_logical3A_706 = arith.constant 17 : i32
        %shift_right_logical3A_707 = arith.shrui %squeeze3A_705, %shift_right_logical3A_706 : i32
        %mul3A_708 = arith.constant 16 : i32
        %mul3A_709 = arith.muli %shift_right_logical3A_707, %mul3A_708 : i32
        %get3A_710 = arith.constant 2 : i32
        %get3A_711 = arith.index_cast %get3A_710 : i32 to index
        %get3A_712 = arith.index_cast %add3A_703 : i32 to index
        %get3A_713 = arith.index_cast %mul3A_709 : i32 to index
        %get3A_714 = tpu.vector_load %arg7[%get3A_711, %get3A_712, %get3A_713] {strides = array<i32>} : memref<4x128x128xf32, #tpu.memory_space<vmem>>, vector<1x1x16xf32>,
        %get3A_715 = vector.shape_cast %get3A_714 : vector<1x1x16xf32> to vector<16xf32>
        %jit3A_716 = arith.constant 8 : i32
        %div3A_717 = arith.divsi %add3A_703, %jit3A_716 : i32
        %sign3A_718 = arith.constant 0 : i32
        %sign3A_719 = arith.cmpi sgt, %add3A_703, %sign3A_718 : i32
        %sign3A_720 = arith.extui %sign3A_719 : i1 to i32
        %sign3A_721 = arith.constant 0 : i32
        %sign3A_722 = arith.cmpi slt, %add3A_703, %sign3A_721 : i32
        %sign3A_723 = arith.extui %sign3A_722 : i1 to i32
        %sign3A_724 = arith.subi %sign3A_720, %sign3A_723 : i32
        %sign3A_725 = arith.constant 0 : i32
        %sign3A_726 = arith.cmpi sgt, %jit3A_716, %sign3A_725 : i32
        %sign3A_727 = arith.extui %sign3A_726 : i1 to i32
        %sign3A_728 = arith.constant 0 : i32
        %sign3A_729 = arith.cmpi slt, %jit3A_716, %sign3A_728 : i32
        %sign3A_730 = arith.extui %sign3A_729 : i1 to i32
        %sign3A_731 = arith.subi %sign3A_727, %sign3A_730 : i32
        %ne3A_732 = arith.cmpi ne, %sign3A_724, %sign3A_731 : i32
        %rem3A_733 = arith.remsi %add3A_703, %jit3A_716 : i32
        %ne3A_734 = arith.constant 0 : i32
        %ne3A_735 = arith.cmpi ne, %rem3A_733, %ne3A_734 : i32
        %and3A_736 = arith.andi %ne3A_732, %ne3A_735 : i1
        %sub3A_737 = arith.constant 1 : i32
        %sub3A_738 = arith.subi %div3A_717, %sub3A_737 : i32
        %select_n3A_739 = arith.select %and3A_736, %sub3A_738, %div3A_717 : i32
        %jit3A_740 = arith.constant 8 : i32
        %eq3A_741 = arith.constant 0 : i32
        %eq3A_742 = arith.cmpi eq, %jit3A_740, %eq3A_741 : i32
        %jit3A_743 = arith.constant 1 : i32
        %select_n3A_744 = arith.select %eq3A_742, %jit3A_743, %jit3A_740 : i32
        %rem3A_745 = arith.remsi %add3A_703, %select_n3A_744 : i32
        %ne3A_746 = arith.constant 0 : i32
        %ne3A_747 = arith.cmpi ne, %rem3A_745, %ne3A_746 : i32
        %lt3A_748 = arith.constant 0 : i32
        %lt3A_749 = arith.cmpi slt, %rem3A_745, %lt3A_748 : i32
        %lt3A_750 = arith.constant 0 : i32
        %lt3A_751 = arith.cmpi slt, %select_n3A_744, %lt3A_750 : i32
        %ne3A_752 = arith.xori %lt3A_749, %lt3A_751 : i1
        %and3A_753 = arith.andi %ne3A_752, %ne3A_747 : i1
        %add3A_754 = arith.addi %rem3A_745, %select_n3A_744 : i32
        %select_n3A_755 = arith.select %and3A_753, %add3A_754, %rem3A_745 : i32
        %mul3A_756 = arith.constant 16 : i32
        %mul3A_757 = arith.muli %select_n3A_755, %mul3A_756 : i32
        %swap3A_758 = arith.index_cast %select_n3A_739 : i32 to index
        %swap3A_759 = arith.index_cast %mul3A_757 : i32 to index
        %swap3A_760 = tpu.vector_load %arg8[%swap3A_758, %swap3A_759] {strides = array<i32>} : memref<16x128xf32, #tpu.memory_space<vmem>>, vector<1x16xf32>,
        %swap3A_761 = vector.shape_cast %swap3A_760 : vector<1x16xf32> to vector<16xf32>
        %swap3A_762 = vector.shape_cast %get3A_715 : vector<16xf32> to vector<1x16xf32>
        tpu.vector_store %arg8[%swap3A_758, %swap3A_759], %swap3A_762 {strides = array<i32>} : memref<16x128xf32, #tpu.memory_space<vmem>>, vector<1x16xf32>,
        %mul3A_763 = arith.constant 16 : i32
        %mul3A_764 = arith.muli %scan3A_514, %mul3A_763 : i32
        %add3A_765 = arith.constant 4 : i32
        %add3A_766 = arith.addi %mul3A_764, %add3A_765 : i32
        %slice3A_767 = vector.extract_strided_slice %get3A_521 {offsets = [4], sizes = [1], strides = [1]} : vector<16xi32> to vector<1xi32>
        %squeeze3A_768 = vector.extract %slice3A_767[0] : i32 from vector<1xi32>
        %shift_right_logical3A_769 = arith.constant 17 : i32
        %shift_right_logical3A_770 = arith.shrui %squeeze3A_768, %shift_right_logical3A_769 : i32
        %mul3A_771 = arith.constant 16 : i32
        %mul3A_772 = arith.muli %shift_right_logical3A_770, %mul3A_771 : i32
        %get3A_773 = arith.constant 2 : i32
        %get3A_774 = arith.index_cast %get3A_773 : i32 to index
        %get3A_775 = arith.index_cast %add3A_766 : i32 to index
        %get3A_776 = arith.index_cast %mul3A_772 : i32 to index
        %get3A_777 = tpu.vector_load %arg7[%get3A_774, %get3A_775, %get3A_776] {strides = array<i32>} : memref<4x128x128xf32, #tpu.memory_space<vmem>>, vector<1x1x16xf32>,
        %get3A_778 = vector.shape_cast %get3A_777 : vector<1x1x16xf32> to vector<16xf32>
        %jit3A_779 = arith.constant 8 : i32
        %div3A_780 = arith.divsi %add3A_766, %jit3A_779 : i32
        %sign3A_781 = arith.constant 0 : i32
        %sign3A_782 = arith.cmpi sgt, %add3A_766, %sign3A_781 : i32
        %sign3A_783 = arith.extui %sign3A_782 : i1 to i32
        %sign3A_784 = arith.constant 0 : i32
        %sign3A_785 = arith.cmpi slt, %add3A_766, %sign3A_784 : i32
        %sign3A_786 = arith.extui %sign3A_785 : i1 to i32
        %sign3A_787 = arith.subi %sign3A_783, %sign3A_786 : i32
        %sign3A_788 = arith.constant 0 : i32
        %sign3A_789 = arith.cmpi sgt, %jit3A_779, %sign3A_788 : i32
        %sign3A_790 = arith.extui %sign3A_789 : i1 to i32
        %sign3A_791 = arith.constant 0 : i32
        %sign3A_792 = arith.cmpi slt, %jit3A_779, %sign3A_791 : i32
        %sign3A_793 = arith.extui %sign3A_792 : i1 to i32
        %sign3A_794 = arith.subi %sign3A_790, %sign3A_793 : i32
        %ne3A_795 = arith.cmpi ne, %sign3A_787, %sign3A_794 : i32
        %rem3A_796 = arith.remsi %add3A_766, %jit3A_779 : i32
        %ne3A_797 = arith.constant 0 : i32
        %ne3A_798 = arith.cmpi ne, %rem3A_796, %ne3A_797 : i32
        %and3A_799 = arith.andi %ne3A_795, %ne3A_798 : i1
        %sub3A_800 = arith.constant 1 : i32
        %sub3A_801 = arith.subi %div3A_780, %sub3A_800 : i32
        %select_n3A_802 = arith.select %and3A_799, %sub3A_801, %div3A_780 : i32
        %jit3A_803 = arith.constant 8 : i32
        %eq3A_804 = arith.constant 0 : i32
        %eq3A_805 = arith.cmpi eq, %jit3A_803, %eq3A_804 : i32
        %jit3A_806 = arith.constant 1 : i32
        %select_n3A_807 = arith.select %eq3A_805, %jit3A_806, %jit3A_803 : i32
        %rem3A_808 = arith.remsi %add3A_766, %select_n3A_807 : i32
        %ne3A_809 = arith.constant 0 : i32
        %ne3A_810 = arith.cmpi ne, %rem3A_808, %ne3A_809 : i32
        %lt3A_811 = arith.constant 0 : i32
        %lt3A_812 = arith.cmpi slt, %rem3A_808, %lt3A_811 : i32
        %lt3A_813 = arith.constant 0 : i32
        %lt3A_814 = arith.cmpi slt, %select_n3A_807, %lt3A_813 : i32
        %ne3A_815 = arith.xori %lt3A_812, %lt3A_814 : i1
        %and3A_816 = arith.andi %ne3A_815, %ne3A_810 : i1
        %add3A_817 = arith.addi %rem3A_808, %select_n3A_807 : i32
        %select_n3A_818 = arith.select %and3A_816, %add3A_817, %rem3A_808 : i32
        %mul3A_819 = arith.constant 16 : i32
        %mul3A_820 = arith.muli %select_n3A_818, %mul3A_819 : i32
        %swap3A_821 = arith.index_cast %select_n3A_802 : i32 to index
        %swap3A_822 = arith.index_cast %mul3A_820 : i32 to index
        %swap3A_823 = tpu.vector_load %arg8[%swap3A_821, %swap3A_822] {strides = array<i32>} : memref<16x128xf32, #tpu.memory_space<vmem>>, vector<1x16xf32>,
        %swap3A_824 = vector.shape_cast %swap3A_823 : vector<1x16xf32> to vector<16xf32>
        %swap3A_825 = vector.shape_cast %get3A_778 : vector<16xf32> to vector<1x16xf32>
        tpu.vector_store %arg8[%swap3A_821, %swap3A_822], %swap3A_825 {strides = array<i32>} : memref<16x128xf32, #tpu.memory_space<vmem>>, vector<1x16xf32>,
        %mul3A_826 = arith.constant 16 : i32
        %mul3A_827 = arith.muli %scan3A_514, %mul3A_826 : i32
        %add3A_828 = arith.constant 5 : i32
        %add3A_829 = arith.addi %mul3A_827, %add3A_828 : i32
        %slice3A_830 = vector.extract_strided_slice %get3A_521 {offsets = [5], sizes = [1], strides = [1]} : vector<16xi32> to vector<1xi32>
        %squeeze3A_831 = vector.extract %slice3A_830[0] : i32 from vector<1xi32>
        %shift_right_logical3A_832 = arith.constant 17 : i32
        %shift_right_logical3A_833 = arith.shrui %squeeze3A_831, %shift_right_logical3A_832 : i32
        %mul3A_834 = arith.constant 16 : i32
        %mul3A_835 = arith.muli %shift_right_logical3A_833, %mul3A_834 : i32
        %get3A_836 = arith.constant 2 : i32
        %get3A_837 = arith.index_cast %get3A_836 : i32 to index
        %get3A_838 = arith.index_cast %add3A_829 : i32 to index
        %get3A_839 = arith.index_cast %mul3A_835 : i32 to index
        %get3A_840 = tpu.vector_load %arg7[%get3A_837, %get3A_838, %get3A_839] {strides = array<i32>} : memref<4x128x128xf32, #tpu.memory_space<vmem>>, vector<1x1x16xf32>,
        %get3A_841 = vector.shape_cast %get3A_840 : vector<1x1x16xf32> to vector<16xf32>
        %jit3A_842 = arith.constant 8 : i32
        %div3A_843 = arith.divsi %add3A_829, %jit3A_842 : i32
        %sign3A_844 = arith.constant 0 : i32
        %sign3A_845 = arith.cmpi sgt, %add3A_829, %sign3A_844 : i32
        %sign3A_846 = arith.extui %sign3A_845 : i1 to i32
        %sign3A_847 = arith.constant 0 : i32
        %sign3A_848 = arith.cmpi slt, %add3A_829, %sign3A_847 : i32
        %sign3A_849 = arith.extui %sign3A_848 : i1 to i32
        %sign3A_850 = arith.subi %sign3A_846, %sign3A_849 : i32
        %sign3A_851 = arith.constant 0 : i32
        %sign3A_852 = arith.cmpi sgt, %jit3A_842, %sign3A_851 : i32
        %sign3A_853 = arith.extui %sign3A_852 : i1 to i32
        %sign3A_854 = arith.constant 0 : i32
        %sign3A_855 = arith.cmpi slt, %jit3A_842, %sign3A_854 : i32
        %sign3A_856 = arith.extui %sign3A_855 : i1 to i32
        %sign3A_857 = arith.subi %sign3A_853, %sign3A_856 : i32
        %ne3A_858 = arith.cmpi ne, %sign3A_850, %sign3A_857 : i32
        %rem3A_859 = arith.remsi %add3A_829, %jit3A_842 : i32
        %ne3A_860 = arith.constant 0 : i32
        %ne3A_861 = arith.cmpi ne, %rem3A_859, %ne3A_860 : i32
        %and3A_862 = arith.andi %ne3A_858, %ne3A_861 : i1
        %sub3A_863 = arith.constant 1 : i32
        %sub3A_864 = arith.subi %div3A_843, %sub3A_863 : i32
        %select_n3A_865 = arith.select %and3A_862, %sub3A_864, %div3A_843 : i32
        %jit3A_866 = arith.constant 8 : i32
        %eq3A_867 = arith.constant 0 : i32
        %eq3A_868 = arith.cmpi eq, %jit3A_866, %eq3A_867 : i32
        %jit3A_869 = arith.constant 1 : i32
        %select_n3A_870 = arith.select %eq3A_868, %jit3A_869, %jit3A_866 : i32
        %rem3A_871 = arith.remsi %add3A_829, %select_n3A_870 : i32
        %ne3A_872 = arith.constant 0 : i32
        %ne3A_873 = arith.cmpi ne, %rem3A_871, %ne3A_872 : i32
        %lt3A_874 = arith.constant 0 : i32
        %lt3A_875 = arith.cmpi slt, %rem3A_871, %lt3A_874 : i32
        %lt3A_876 = arith.constant 0 : i32
        %lt3A_877 = arith.cmpi slt, %select_n3A_870, %lt3A_876 : i32
        %ne3A_878 = arith.xori %lt3A_875, %lt3A_877 : i1
        %and3A_879 = arith.andi %ne3A_878, %ne3A_873 : i1
        %add3A_880 = arith.addi %rem3A_871, %select_n3A_870 : i32
        %select_n3A_881 = arith.select %and3A_879, %add3A_880, %rem3A_871 : i32
        %mul3A_882 = arith.constant 16 : i32
        %mul3A_883 = arith.muli %select_n3A_881, %mul3A_882 : i32
        %swap3A_884 = arith.index_cast %select_n3A_865 : i32 to index
        %swap3A_885 = arith.index_cast %mul3A_883 : i32 to index
        %swap3A_886 = tpu.vector_load %arg8[%swap3A_884, %swap3A_885] {strides = array<i32>} : memref<16x128xf32, #tpu.memory_space<vmem>>, vector<1x16xf32>,
        %swap3A_887 = vector.shape_cast %swap3A_886 : vector<1x16xf32> to vector<16xf32>
        %swap3A_888 = vector.shape_cast %get3A_841 : vector<16xf32> to vector<1x16xf32>
        tpu.vector_store %arg8[%swap3A_884, %swap3A_885], %swap3A_888 {strides = array<i32>} : memref<16x128xf32, #tpu.memory_space<vmem>>, vector<1x16xf32>,
        %mul3A_889 = arith.constant 16 : i32
        %mul3A_890 = arith.muli %scan3A_514, %mul3A_889 : i32
        %add3A_891 = arith.constant 6 : i32
        %add3A_892 = arith.addi %mul3A_890, %add3A_891 : i32
        %slice3A_893 = vector.extract_strided_slice %get3A_521 {offsets = [6], sizes = [1], strides = [1]} : vector<16xi32> to vector<1xi32>
        %squeeze3A_894 = vector.extract %slice3A_893[0] : i32 from vector<1xi32>
        %shift_right_logical3A_895 = arith.constant 17 : i32
        %shift_right_logical3A_896 = arith.shrui %squeeze3A_894, %shift_right_logical3A_895 : i32
        %mul3A_897 = arith.constant 16 : i32
        %mul3A_898 = arith.muli %shift_right_logical3A_896, %mul3A_897 : i32
        %get3A_899 = arith.constant 2 : i32
        %get3A_900 = arith.index_cast %get3A_899 : i32 to index
        %get3A_901 = arith.index_cast %add3A_892 : i32 to index
        %get3A_902 = arith.index_cast %mul3A_898 : i32 to index
        %get3A_903 = tpu.vector_load %arg7[%get3A_900, %get3A_901, %get3A_902] {strides = array<i32>} : memref<4x128x128xf32, #tpu.memory_space<vmem>>, vector<1x1x16xf32>,
        %get3A_904 = vector.shape_cast %get3A_903 : vector<1x1x16xf32> to vector<16xf32>
        %jit3A_905 = arith.constant 8 : i32
        %div3A_906 = arith.divsi %add3A_892, %jit3A_905 : i32
        %sign3A_907 = arith.constant 0 : i32
        %sign3A_908 = arith.cmpi sgt, %add3A_892, %sign3A_907 : i32
        %sign3A_909 = arith.extui %sign3A_908 : i1 to i32
        %sign3A_910 = arith.constant 0 : i32
        %sign3A_911 = arith.cmpi slt, %add3A_892, %sign3A_910 : i32
        %sign3A_912 = arith.extui %sign3A_911 : i1 to i32
        %sign3A_913 = arith.subi %sign3A_909, %sign3A_912 : i32
        %sign3A_914 = arith.constant 0 : i32
        %sign3A_915 = arith.cmpi sgt, %jit3A_905, %sign3A_914 : i32
        %sign3A_916 = arith.extui %sign3A_915 : i1 to i32
        %sign3A_917 = arith.constant 0 : i32
        %sign3A_918 = arith.cmpi slt, %jit3A_905, %sign3A_917 : i32
        %sign3A_919 = arith.extui %sign3A_918 : i1 to i32
        %sign3A_920 = arith.subi %sign3A_916, %sign3A_919 : i32
        %ne3A_921 = arith.cmpi ne, %sign3A_913, %sign3A_920 : i32
        %rem3A_922 = arith.remsi %add3A_892, %jit3A_905 : i32
        %ne3A_923 = arith.constant 0 : i32
        %ne3A_924 = arith.cmpi ne, %rem3A_922, %ne3A_923 : i32
        %and3A_925 = arith.andi %ne3A_921, %ne3A_924 : i1
        %sub3A_926 = arith.constant 1 : i32
        %sub3A_927 = arith.subi %div3A_906, %sub3A_926 : i32
        %select_n3A_928 = arith.select %and3A_925, %sub3A_927, %div3A_906 : i32
        %jit3A_929 = arith.constant 8 : i32
        %eq3A_930 = arith.constant 0 : i32
        %eq3A_931 = arith.cmpi eq, %jit3A_929, %eq3A_930 : i32
        %jit3A_932 = arith.constant 1 : i32
        %select_n3A_933 = arith.select %eq3A_931, %jit3A_932, %jit3A_929 : i32
        %rem3A_934 = arith.remsi %add3A_892, %select_n3A_933 : i32
        %ne3A_935 = arith.constant 0 : i32
        %ne3A_936 = arith.cmpi ne, %rem3A_934, %ne3A_935 : i32
        %lt3A_937 = arith.constant 0 : i32
        %lt3A_938 = arith.cmpi slt, %rem3A_934, %lt3A_937 : i32
        %lt3A_939 = arith.constant 0 : i32
        %lt3A_940 = arith.cmpi slt, %select_n3A_933, %lt3A_939 : i32
        %ne3A_941 = arith.xori %lt3A_938, %lt3A_940 : i1
        %and3A_942 = arith.andi %ne3A_941, %ne3A_936 : i1
        %add3A_943 = arith.addi %rem3A_934, %select_n3A_933 : i32
        %select_n3A_944 = arith.select %and3A_942, %add3A_943, %rem3A_934 : i32
        %mul3A_945 = arith.constant 16 : i32
        %mul3A_946 = arith.muli %select_n3A_944, %mul3A_945 : i32
        %swap3A_947 = arith.index_cast %select_n3A_928 : i32 to index
        %swap3A_948 = arith.index_cast %mul3A_946 : i32 to index
        %swap3A_949 = tpu.vector_load %arg8[%swap3A_947, %swap3A_948] {strides = array<i32>} : memref<16x128xf32, #tpu.memory_space<vmem>>, vector<1x16xf32>,
        %swap3A_950 = vector.shape_cast %swap3A_949 : vector<1x16xf32> to vector<16xf32>
        %swap3A_951 = vector.shape_cast %get3A_904 : vector<16xf32> to vector<1x16xf32>
        tpu.vector_store %arg8[%swap3A_947, %swap3A_948], %swap3A_951 {strides = array<i32>} : memref<16x128xf32, #tpu.memory_space<vmem>>, vector<1x16xf32>,
        %mul3A_952 = arith.constant 16 : i32
        %mul3A_953 = arith.muli %scan3A_514, %mul3A_952 : i32
        %add3A_954 = arith.constant 7 : i32
        %add3A_955 = arith.addi %mul3A_953, %add3A_954 : i32
        %slice3A_956 = vector.extract_strided_slice %get3A_521 {offsets = [7], sizes = [1], strides = [1]} : vector<16xi32> to vector<1xi32>
        %squeeze3A_957 = vector.extract %slice3A_956[0] : i32 from vector<1xi32>
        %shift_right_logical3A_958 = arith.constant 17 : i32
        %shift_right_logical3A_959 = arith.shrui %squeeze3A_957, %shift_right_logical3A_958 : i32
        %mul3A_960 = arith.constant 16 : i32
        %mul3A_961 = arith.muli %shift_right_logical3A_959, %mul3A_960 : i32
        %get3A_962 = arith.constant 2 : i32
        %get3A_963 = arith.index_cast %get3A_962 : i32 to index
        %get3A_964 = arith.index_cast %add3A_955 : i32 to index
        %get3A_965 = arith.index_cast %mul3A_961 : i32 to index
        %get3A_966 = tpu.vector_load %arg7[%get3A_963, %get3A_964, %get3A_965] {strides = array<i32>} : memref<4x128x128xf32, #tpu.memory_space<vmem>>, vector<1x1x16xf32>,
        %get3A_967 = vector.shape_cast %get3A_966 : vector<1x1x16xf32> to vector<16xf32>
        %jit3A_968 = arith.constant 8 : i32
        %div3A_969 = arith.divsi %add3A_955, %jit3A_968 : i32
        %sign3A_970 = arith.constant 0 : i32
        %sign3A_971 = arith.cmpi sgt, %add3A_955, %sign3A_970 : i32
        %sign3A_972 = arith.extui %sign3A_971 : i1 to i32
        %sign3A_973 = arith.constant 0 : i32
        %sign3A_974 = arith.cmpi slt, %add3A_955, %sign3A_973 : i32
        %sign3A_975 = arith.extui %sign3A_974 : i1 to i32
        %sign3A_976 = arith.subi %sign3A_972, %sign3A_975 : i32
        %sign3A_977 = arith.constant 0 : i32
        %sign3A_978 = arith.cmpi sgt, %jit3A_968, %sign3A_977 : i32
        %sign3A_979 = arith.extui %sign3A_978 : i1 to i32
        %sign3A_980 = arith.constant 0 : i32
        %sign3A_981 = arith.cmpi slt, %jit3A_968, %sign3A_980 : i32
        %sign3A_982 = arith.extui %sign3A_981 : i1 to i32
        %sign3A_983 = arith.subi %sign3A_979, %sign3A_982 : i32
        %ne3A_984 = arith.cmpi ne, %sign3A_976, %sign3A_983 : i32
        %rem3A_985 = arith.remsi %add3A_955, %jit3A_968 : i32
        %ne3A_986 = arith.constant 0 : i32
        %ne3A_987 = arith.cmpi ne, %rem3A_985, %ne3A_986 : i32
        %and3A_988 = arith.andi %ne3A_984, %ne3A_987 : i1
        %sub3A_989 = arith.constant 1 : i32
        %sub3A_990 = arith.subi %div3A_969, %sub3A_989 : i32
        %select_n3A_991 = arith.select %and3A_988, %sub3A_990, %div3A_969 : i32
        %jit3A_992 = arith.constant 8 : i32
        %eq3A_993 = arith.constant 0 : i32
        %eq3A_994 = arith.cmpi eq, %jit3A_992, %eq3A_993 : i32
        %jit3A_995 = arith.constant 1 : i32
        %select_n3A_996 = arith.select %eq3A_994, %jit3A_995, %jit3A_992 : i32
        %rem3A_997 = arith.remsi %add3A_955, %select_n3A_996 : i32
        %ne3A_998 = arith.constant 0 : i32
        %ne3A_999 = arith.cmpi ne, %rem3A_997, %ne3A_998 : i32
        %lt3A_1000 = arith.constant 0 : i32
        %lt3A_1001 = arith.cmpi slt, %rem3A_997, %lt3A_1000 : i32
        %lt3A_1002 = arith.constant 0 : i32
        %lt3A_1003 = arith.cmpi slt, %select_n3A_996, %lt3A_1002 : i32
        %ne3A_1004 = arith.xori %lt3A_1001, %lt3A_1003 : i1
        %and3A_1005 = arith.andi %ne3A_1004, %ne3A_999 : i1
        %add3A_1006 = arith.addi %rem3A_997, %select_n3A_996 : i32
        %select_n3A_1007 = arith.select %and3A_1005, %add3A_1006, %rem3A_997 : i32
        %mul3A_1008 = arith.constant 16 : i32
        %mul3A_1009 = arith.muli %select_n3A_1007, %mul3A_1008 : i32
        %swap3A_1010 = arith.index_cast %select_n3A_991 : i32 to index
        %swap3A_1011 = arith.index_cast %mul3A_1009 : i32 to index
        %swap3A_1012 = tpu.vector_load %arg8[%swap3A_1010, %swap3A_1011] {strides = array<i32>} : memref<16x128xf32, #tpu.memory_space<vmem>>, vector<1x16xf32>,
        %swap3A_1013 = vector.shape_cast %swap3A_1012 : vector<1x16xf32> to vector<16xf32>
        %swap3A_1014 = vector.shape_cast %get3A_967 : vector<16xf32> to vector<1x16xf32>
        tpu.vector_store %arg8[%swap3A_1010, %swap3A_1011], %swap3A_1014 {strides = array<i32>} : memref<16x128xf32, #tpu.memory_space<vmem>>, vector<1x16xf32>,
        %mul3A_1015 = arith.constant 16 : i32
        %mul3A_1016 = arith.muli %scan3A_514, %mul3A_1015 : i32
        %add3A_1017 = arith.constant 8 : i32
        %add3A_1018 = arith.addi %mul3A_1016, %add3A_1017 : i32
        %slice3A_1019 = vector.extract_strided_slice %get3A_521 {offsets = [8], sizes = [1], strides = [1]} : vector<16xi32> to vector<1xi32>
        %squeeze3A_1020 = vector.extract %slice3A_1019[0] : i32 from vector<1xi32>
        %shift_right_logical3A_1021 = arith.constant 17 : i32
        %shift_right_logical3A_1022 = arith.shrui %squeeze3A_1020, %shift_right_logical3A_1021 : i32
        %mul3A_1023 = arith.constant 16 : i32
        %mul3A_1024 = arith.muli %shift_right_logical3A_1022, %mul3A_1023 : i32
        %get3A_1025 = arith.constant 2 : i32
        %get3A_1026 = arith.index_cast %get3A_1025 : i32 to index
        %get3A_1027 = arith.index_cast %add3A_1018 : i32 to index
        %get3A_1028 = arith.index_cast %mul3A_1024 : i32 to index
        %get3A_1029 = tpu.vector_load %arg7[%get3A_1026, %get3A_1027, %get3A_1028] {strides = array<i32>} : memref<4x128x128xf32, #tpu.memory_space<vmem>>, vector<1x1x16xf32>,
        %get3A_1030 = vector.shape_cast %get3A_1029 : vector<1x1x16xf32> to vector<16xf32>
        %jit3A_1031 = arith.constant 8 : i32
        %div3A_1032 = arith.divsi %add3A_1018, %jit3A_1031 : i32
        %sign3A_1033 = arith.constant 0 : i32
        %sign3A_1034 = arith.cmpi sgt, %add3A_1018, %sign3A_1033 : i32
        %sign3A_1035 = arith.extui %sign3A_1034 : i1 to i32
        %sign3A_1036 = arith.constant 0 : i32
        %sign3A_1037 = arith.cmpi slt, %add3A_1018, %sign3A_1036 : i32
        %sign3A_1038 = arith.extui %sign3A_1037 : i1 to i32
        %sign3A_1039 = arith.subi %sign3A_1035, %sign3A_1038 : i32
        %sign3A_1040 = arith.constant 0 : i32
        %sign3A_1041 = arith.cmpi sgt, %jit3A_1031, %sign3A_1040 : i32
        %sign3A_1042 = arith.extui %sign3A_1041 : i1 to i32
        %sign3A_1043 = arith.constant 0 : i32
        %sign3A_1044 = arith.cmpi slt, %jit3A_1031, %sign3A_1043 : i32
        %sign3A_1045 = arith.extui %sign3A_1044 : i1 to i32
        %sign3A_1046 = arith.subi %sign3A_1042, %sign3A_1045 : i32
        %ne3A_1047 = arith.cmpi ne, %sign3A_1039, %sign3A_1046 : i32
        %rem3A_1048 = arith.remsi %add3A_1018, %jit3A_1031 : i32
        %ne3A_1049 = arith.constant 0 : i32
        %ne3A_1050 = arith.cmpi ne, %rem3A_1048, %ne3A_1049 : i32
        %and3A_1051 = arith.andi %ne3A_1047, %ne3A_1050 : i1
        %sub3A_1052 = arith.constant 1 : i32
        %sub3A_1053 = arith.subi %div3A_1032, %sub3A_1052 : i32
        %select_n3A_1054 = arith.select %and3A_1051, %sub3A_1053, %div3A_1032 : i32
        %jit3A_1055 = arith.constant 8 : i32
        %eq3A_1056 = arith.constant 0 : i32
        %eq3A_1057 = arith.cmpi eq, %jit3A_1055, %eq3A_1056 : i32
        %jit3A_1058 = arith.constant 1 : i32
        %select_n3A_1059 = arith.select %eq3A_1057, %jit3A_1058, %jit3A_1055 : i32
        %rem3A_1060 = arith.remsi %add3A_1018, %select_n3A_1059 : i32
        %ne3A_1061 = arith.constant 0 : i32
        %ne3A_1062 = arith.cmpi ne, %rem3A_1060, %ne3A_1061 : i32
        %lt3A_1063 = arith.constant 0 : i32
        %lt3A_1064 = arith.cmpi slt, %rem3A_1060, %lt3A_1063 : i32
        %lt3A_1065 = arith.constant 0 : i32
        %lt3A_1066 = arith.cmpi slt, %select_n3A_1059, %lt3A_1065 : i32
        %ne3A_1067 = arith.xori %lt3A_1064, %lt3A_1066 : i1
        %and3A_1068 = arith.andi %ne3A_1067, %ne3A_1062 : i1
        %add3A_1069 = arith.addi %rem3A_1060, %select_n3A_1059 : i32
        %select_n3A_1070 = arith.select %and3A_1068, %add3A_1069, %rem3A_1060 : i32
        %mul3A_1071 = arith.constant 16 : i32
        %mul3A_1072 = arith.muli %select_n3A_1070, %mul3A_1071 : i32
        %swap3A_1073 = arith.index_cast %select_n3A_1054 : i32 to index
        %swap3A_1074 = arith.index_cast %mul3A_1072 : i32 to index
        %swap3A_1075 = tpu.vector_load %arg8[%swap3A_1073, %swap3A_1074] {strides = array<i32>} : memref<16x128xf32, #tpu.memory_space<vmem>>, vector<1x16xf32>,
        %swap3A_1076 = vector.shape_cast %swap3A_1075 : vector<1x16xf32> to vector<16xf32>
        %swap3A_1077 = vector.shape_cast %get3A_1030 : vector<16xf32> to vector<1x16xf32>
        tpu.vector_store %arg8[%swap3A_1073, %swap3A_1074], %swap3A_1077 {strides = array<i32>} : memref<16x128xf32, #tpu.memory_space<vmem>>, vector<1x16xf32>,
        %mul3A_1078 = arith.constant 16 : i32
        %mul3A_1079 = arith.muli %scan3A_514, %mul3A_1078 : i32
        %add3A_1080 = arith.constant 9 : i32
        %add3A_1081 = arith.addi %mul3A_1079, %add3A_1080 : i32
        %slice3A_1082 = vector.extract_strided_slice %get3A_521 {offsets = [9], sizes = [1], strides = [1]} : vector<16xi32> to vector<1xi32>
        %squeeze3A_1083 = vector.extract %slice3A_1082[0] : i32 from vector<1xi32>
        %shift_right_logical3A_1084 = arith.constant 17 : i32
        %shift_right_logical3A_1085 = arith.shrui %squeeze3A_1083, %shift_right_logical3A_1084 : i32
        %mul3A_1086 = arith.constant 16 : i32
        %mul3A_1087 = arith.muli %shift_right_logical3A_1085, %mul3A_1086 : i32
        %get3A_1088 = arith.constant 2 : i32
        %get3A_1089 = arith.index_cast %get3A_1088 : i32 to index
        %get3A_1090 = arith.index_cast %add3A_1081 : i32 to index
        %get3A_1091 = arith.index_cast %mul3A_1087 : i32 to index
        %get3A_1092 = tpu.vector_load %arg7[%get3A_1089, %get3A_1090, %get3A_1091] {strides = array<i32>} : memref<4x128x128xf32, #tpu.memory_space<vmem>>, vector<1x1x16xf32>,
        %get3A_1093 = vector.shape_cast %get3A_1092 : vector<1x1x16xf32> to vector<16xf32>
        %jit3A_1094 = arith.constant 8 : i32
        %div3A_1095 = arith.divsi %add3A_1081, %jit3A_1094 : i32
        %sign3A_1096 = arith.constant 0 : i32
        %sign3A_1097 = arith.cmpi sgt, %add3A_1081, %sign3A_1096 : i32
        %sign3A_1098 = arith.extui %sign3A_1097 : i1 to i32
        %sign3A_1099 = arith.constant 0 : i32
        %sign3A_1100 = arith.cmpi slt, %add3A_1081, %sign3A_1099 : i32
        %sign3A_1101 = arith.extui %sign3A_1100 : i1 to i32
        %sign3A_1102 = arith.subi %sign3A_1098, %sign3A_1101 : i32
        %sign3A_1103 = arith.constant 0 : i32
        %sign3A_1104 = arith.cmpi sgt, %jit3A_1094, %sign3A_1103 : i32
        %sign3A_1105 = arith.extui %sign3A_1104 : i1 to i32
        %sign3A_1106 = arith.constant 0 : i32
        %sign3A_1107 = arith.cmpi slt, %jit3A_1094, %sign3A_1106 : i32
        %sign3A_1108 = arith.extui %sign3A_1107 : i1 to i32
        %sign3A_1109 = arith.subi %sign3A_1105, %sign3A_1108 : i32
        %ne3A_1110 = arith.cmpi ne, %sign3A_1102, %sign3A_1109 : i32
        %rem3A_1111 = arith.remsi %add3A_1081, %jit3A_1094 : i32
        %ne3A_1112 = arith.constant 0 : i32
        %ne3A_1113 = arith.cmpi ne, %rem3A_1111, %ne3A_1112 : i32
        %and3A_1114 = arith.andi %ne3A_1110, %ne3A_1113 : i1
        %sub3A_1115 = arith.constant 1 : i32
        %sub3A_1116 = arith.subi %div3A_1095, %sub3A_1115 : i32
        %select_n3A_1117 = arith.select %and3A_1114, %sub3A_1116, %div3A_1095 : i32
        %jit3A_1118 = arith.constant 8 : i32
        %eq3A_1119 = arith.constant 0 : i32
        %eq3A_1120 = arith.cmpi eq, %jit3A_1118, %eq3A_1119 : i32
        %jit3A_1121 = arith.constant 1 : i32
        %select_n3A_1122 = arith.select %eq3A_1120, %jit3A_1121, %jit3A_1118 : i32
        %rem3A_1123 = arith.remsi %add3A_1081, %select_n3A_1122 : i32
        %ne3A_1124 = arith.constant 0 : i32
        %ne3A_1125 = arith.cmpi ne, %rem3A_1123, %ne3A_1124 : i32
        %lt3A_1126 = arith.constant 0 : i32
        %lt3A_1127 = arith.cmpi slt, %rem3A_1123, %lt3A_1126 : i32
        %lt3A_1128 = arith.constant 0 : i32
        %lt3A_1129 = arith.cmpi slt, %select_n3A_1122, %lt3A_1128 : i32
        %ne3A_1130 = arith.xori %lt3A_1127, %lt3A_1129 : i1
        %and3A_1131 = arith.andi %ne3A_1130, %ne3A_1125 : i1
        %add3A_1132 = arith.addi %rem3A_1123, %select_n3A_1122 : i32
        %select_n3A_1133 = arith.select %and3A_1131, %add3A_1132, %rem3A_1123 : i32
        %mul3A_1134 = arith.constant 16 : i32
        %mul3A_1135 = arith.muli %select_n3A_1133, %mul3A_1134 : i32
        %swap3A_1136 = arith.index_cast %select_n3A_1117 : i32 to index
        %swap3A_1137 = arith.index_cast %mul3A_1135 : i32 to index
        %swap3A_1138 = tpu.vector_load %arg8[%swap3A_1136, %swap3A_1137] {strides = array<i32>} : memref<16x128xf32, #tpu.memory_space<vmem>>, vector<1x16xf32>,
        %swap3A_1139 = vector.shape_cast %swap3A_1138 : vector<1x16xf32> to vector<16xf32>
        %swap3A_1140 = vector.shape_cast %get3A_1093 : vector<16xf32> to vector<1x16xf32>
        tpu.vector_store %arg8[%swap3A_1136, %swap3A_1137], %swap3A_1140 {strides = array<i32>} : memref<16x128xf32, #tpu.memory_space<vmem>>, vector<1x16xf32>,
        %mul3A_1141 = arith.constant 16 : i32
        %mul3A_1142 = arith.muli %scan3A_514, %mul3A_1141 : i32
        %add3A_1143 = arith.constant 10 : i32
        %add3A_1144 = arith.addi %mul3A_1142, %add3A_1143 : i32
        %slice3A_1145 = vector.extract_strided_slice %get3A_521 {offsets = [10], sizes = [1], strides = [1]} : vector<16xi32> to vector<1xi32>
        %squeeze3A_1146 = vector.extract %slice3A_1145[0] : i32 from vector<1xi32>
        %shift_right_logical3A_1147 = arith.constant 17 : i32
        %shift_right_logical3A_1148 = arith.shrui %squeeze3A_1146, %shift_right_logical3A_1147 : i32
        %mul3A_1149 = arith.constant 16 : i32
        %mul3A_1150 = arith.muli %shift_right_logical3A_1148, %mul3A_1149 : i32
        %get3A_1151 = arith.constant 2 : i32
        %get3A_1152 = arith.index_cast %get3A_1151 : i32 to index
        %get3A_1153 = arith.index_cast %add3A_1144 : i32 to index
        %get3A_1154 = arith.index_cast %mul3A_1150 : i32 to index
        %get3A_1155 = tpu.vector_load %arg7[%get3A_1152, %get3A_1153, %get3A_1154] {strides = array<i32>} : memref<4x128x128xf32, #tpu.memory_space<vmem>>, vector<1x1x16xf32>,
        %get3A_1156 = vector.shape_cast %get3A_1155 : vector<1x1x16xf32> to vector<16xf32>
        %jit3A_1157 = arith.constant 8 : i32
        %div3A_1158 = arith.divsi %add3A_1144, %jit3A_1157 : i32
        %sign3A_1159 = arith.constant 0 : i32
        %sign3A_1160 = arith.cmpi sgt, %add3A_1144, %sign3A_1159 : i32
        %sign3A_1161 = arith.extui %sign3A_1160 : i1 to i32
        %sign3A_1162 = arith.constant 0 : i32
        %sign3A_1163 = arith.cmpi slt, %add3A_1144, %sign3A_1162 : i32
        %sign3A_1164 = arith.extui %sign3A_1163 : i1 to i32
        %sign3A_1165 = arith.subi %sign3A_1161, %sign3A_1164 : i32
        %sign3A_1166 = arith.constant 0 : i32
        %sign3A_1167 = arith.cmpi sgt, %jit3A_1157, %sign3A_1166 : i32
        %sign3A_1168 = arith.extui %sign3A_1167 : i1 to i32
        %sign3A_1169 = arith.constant 0 : i32
        %sign3A_1170 = arith.cmpi slt, %jit3A_1157, %sign3A_1169 : i32
        %sign3A_1171 = arith.extui %sign3A_1170 : i1 to i32
        %sign3A_1172 = arith.subi %sign3A_1168, %sign3A_1171 : i32
        %ne3A_1173 = arith.cmpi ne, %sign3A_1165, %sign3A_1172 : i32
        %rem3A_1174 = arith.remsi %add3A_1144, %jit3A_1157 : i32
        %ne3A_1175 = arith.constant 0 : i32
        %ne3A_1176 = arith.cmpi ne, %rem3A_1174, %ne3A_1175 : i32
        %and3A_1177 = arith.andi %ne3A_1173, %ne3A_1176 : i1
        %sub3A_1178 = arith.constant 1 : i32
        %sub3A_1179 = arith.subi %div3A_1158, %sub3A_1178 : i32
        %select_n3A_1180 = arith.select %and3A_1177, %sub3A_1179, %div3A_1158 : i32
        %jit3A_1181 = arith.constant 8 : i32
        %eq3A_1182 = arith.constant 0 : i32
        %eq3A_1183 = arith.cmpi eq, %jit3A_1181, %eq3A_1182 : i32
        %jit3A_1184 = arith.constant 1 : i32
        %select_n3A_1185 = arith.select %eq3A_1183, %jit3A_1184, %jit3A_1181 : i32
        %rem3A_1186 = arith.remsi %add3A_1144, %select_n3A_1185 : i32
        %ne3A_1187 = arith.constant 0 : i32
        %ne3A_1188 = arith.cmpi ne, %rem3A_1186, %ne3A_1187 : i32
        %lt3A_1189 = arith.constant 0 : i32
        %lt3A_1190 = arith.cmpi slt, %rem3A_1186, %lt3A_1189 : i32
        %lt3A_1191 = arith.constant 0 : i32
        %lt3A_1192 = arith.cmpi slt, %select_n3A_1185, %lt3A_1191 : i32
        %ne3A_1193 = arith.xori %lt3A_1190, %lt3A_1192 : i1
        %and3A_1194 = arith.andi %ne3A_1193, %ne3A_1188 : i1
        %add3A_1195 = arith.addi %rem3A_1186, %select_n3A_1185 : i32
        %select_n3A_1196 = arith.select %and3A_1194, %add3A_1195, %rem3A_1186 : i32
        %mul3A_1197 = arith.constant 16 : i32
        %mul3A_1198 = arith.muli %select_n3A_1196, %mul3A_1197 : i32
        %swap3A_1199 = arith.index_cast %select_n3A_1180 : i32 to index
        %swap3A_1200 = arith.index_cast %mul3A_1198 : i32 to index
        %swap3A_1201 = tpu.vector_load %arg8[%swap3A_1199, %swap3A_1200] {strides = array<i32>} : memref<16x128xf32, #tpu.memory_space<vmem>>, vector<1x16xf32>,
        %swap3A_1202 = vector.shape_cast %swap3A_1201 : vector<1x16xf32> to vector<16xf32>
        %swap3A_1203 = vector.shape_cast %get3A_1156 : vector<16xf32> to vector<1x16xf32>
        tpu.vector_store %arg8[%swap3A_1199, %swap3A_1200], %swap3A_1203 {strides = array<i32>} : memref<16x128xf32, #tpu.memory_space<vmem>>, vector<1x16xf32>,
        %mul3A_1204 = arith.constant 16 : i32
        %mul3A_1205 = arith.muli %scan3A_514, %mul3A_1204 : i32
        %add3A_1206 = arith.constant 11 : i32
        %add3A_1207 = arith.addi %mul3A_1205, %add3A_1206 : i32
        %slice3A_1208 = vector.extract_strided_slice %get3A_521 {offsets = [11], sizes = [1], strides = [1]} : vector<16xi32> to vector<1xi32>
        %squeeze3A_1209 = vector.extract %slice3A_1208[0] : i32 from vector<1xi32>
        %shift_right_logical3A_1210 = arith.constant 17 : i32
        %shift_right_logical3A_1211 = arith.shrui %squeeze3A_1209, %shift_right_logical3A_1210 : i32
        %mul3A_1212 = arith.constant 16 : i32
        %mul3A_1213 = arith.muli %shift_right_logical3A_1211, %mul3A_1212 : i32
        %get3A_1214 = arith.constant 2 : i32
        %get3A_1215 = arith.index_cast %get3A_1214 : i32 to index
        %get3A_1216 = arith.index_cast %add3A_1207 : i32 to index
        %get3A_1217 = arith.index_cast %mul3A_1213 : i32 to index
        %get3A_1218 = tpu.vector_load %arg7[%get3A_1215, %get3A_1216, %get3A_1217] {strides = array<i32>} : memref<4x128x128xf32, #tpu.memory_space<vmem>>, vector<1x1x16xf32>,
        %get3A_1219 = vector.shape_cast %get3A_1218 : vector<1x1x16xf32> to vector<16xf32>
        %jit3A_1220 = arith.constant 8 : i32
        %div3A_1221 = arith.divsi %add3A_1207, %jit3A_1220 : i32
        %sign3A_1222 = arith.constant 0 : i32
        %sign3A_1223 = arith.cmpi sgt, %add3A_1207, %sign3A_1222 : i32
        %sign3A_1224 = arith.extui %sign3A_1223 : i1 to i32
        %sign3A_1225 = arith.constant 0 : i32
        %sign3A_1226 = arith.cmpi slt, %add3A_1207, %sign3A_1225 : i32
        %sign3A_1227 = arith.extui %sign3A_1226 : i1 to i32
        %sign3A_1228 = arith.subi %sign3A_1224, %sign3A_1227 : i32
        %sign3A_1229 = arith.constant 0 : i32
        %sign3A_1230 = arith.cmpi sgt, %jit3A_1220, %sign3A_1229 : i32
        %sign3A_1231 = arith.extui %sign3A_1230 : i1 to i32
        %sign3A_1232 = arith.constant 0 : i32
        %sign3A_1233 = arith.cmpi slt, %jit3A_1220, %sign3A_1232 : i32
        %sign3A_1234 = arith.extui %sign3A_1233 : i1 to i32
        %sign3A_1235 = arith.subi %sign3A_1231, %sign3A_1234 : i32
        %ne3A_1236 = arith.cmpi ne, %sign3A_1228, %sign3A_1235 : i32
        %rem3A_1237 = arith.remsi %add3A_1207, %jit3A_1220 : i32
        %ne3A_1238 = arith.constant 0 : i32
        %ne3A_1239 = arith.cmpi ne, %rem3A_1237, %ne3A_1238 : i32
        %and3A_1240 = arith.andi %ne3A_1236, %ne3A_1239 : i1
        %sub3A_1241 = arith.constant 1 : i32
        %sub3A_1242 = arith.subi %div3A_1221, %sub3A_1241 : i32
        %select_n3A_1243 = arith.select %and3A_1240, %sub3A_1242, %div3A_1221 : i32
        %jit3A_1244 = arith.constant 8 : i32
        %eq3A_1245 = arith.constant 0 : i32
        %eq3A_1246 = arith.cmpi eq, %jit3A_1244, %eq3A_1245 : i32
        %jit3A_1247 = arith.constant 1 : i32
        %select_n3A_1248 = arith.select %eq3A_1246, %jit3A_1247, %jit3A_1244 : i32
        %rem3A_1249 = arith.remsi %add3A_1207, %select_n3A_1248 : i32
        %ne3A_1250 = arith.constant 0 : i32
        %ne3A_1251 = arith.cmpi ne, %rem3A_1249, %ne3A_1250 : i32
        %lt3A_1252 = arith.constant 0 : i32
        %lt3A_1253 = arith.cmpi slt, %rem3A_1249, %lt3A_1252 : i32
        %lt3A_1254 = arith.constant 0 : i32
        %lt3A_1255 = arith.cmpi slt, %select_n3A_1248, %lt3A_1254 : i32
        %ne3A_1256 = arith.xori %lt3A_1253, %lt3A_1255 : i1
        %and3A_1257 = arith.andi %ne3A_1256, %ne3A_1251 : i1
        %add3A_1258 = arith.addi %rem3A_1249, %select_n3A_1248 : i32
        %select_n3A_1259 = arith.select %and3A_1257, %add3A_1258, %rem3A_1249 : i32
        %mul3A_1260 = arith.constant 16 : i32
        %mul3A_1261 = arith.muli %select_n3A_1259, %mul3A_1260 : i32
        %swap3A_1262 = arith.index_cast %select_n3A_1243 : i32 to index
        %swap3A_1263 = arith.index_cast %mul3A_1261 : i32 to index
        %swap3A_1264 = tpu.vector_load %arg8[%swap3A_1262, %swap3A_1263] {strides = array<i32>} : memref<16x128xf32, #tpu.memory_space<vmem>>, vector<1x16xf32>,
        %swap3A_1265 = vector.shape_cast %swap3A_1264 : vector<1x16xf32> to vector<16xf32>
        %swap3A_1266 = vector.shape_cast %get3A_1219 : vector<16xf32> to vector<1x16xf32>
        tpu.vector_store %arg8[%swap3A_1262, %swap3A_1263], %swap3A_1266 {strides = array<i32>} : memref<16x128xf32, #tpu.memory_space<vmem>>, vector<1x16xf32>,
        %mul3A_1267 = arith.constant 16 : i32
        %mul3A_1268 = arith.muli %scan3A_514, %mul3A_1267 : i32
        %add3A_1269 = arith.constant 12 : i32
        %add3A_1270 = arith.addi %mul3A_1268, %add3A_1269 : i32
        %slice3A_1271 = vector.extract_strided_slice %get3A_521 {offsets = [12], sizes = [1], strides = [1]} : vector<16xi32> to vector<1xi32>
        %squeeze3A_1272 = vector.extract %slice3A_1271[0] : i32 from vector<1xi32>
        %shift_right_logical3A_1273 = arith.constant 17 : i32
        %shift_right_logical3A_1274 = arith.shrui %squeeze3A_1272, %shift_right_logical3A_1273 : i32
        %mul3A_1275 = arith.constant 16 : i32
        %mul3A_1276 = arith.muli %shift_right_logical3A_1274, %mul3A_1275 : i32
        %get3A_1277 = arith.constant 2 : i32
        %get3A_1278 = arith.index_cast %get3A_1277 : i32 to index
        %get3A_1279 = arith.index_cast %add3A_1270 : i32 to index
        %get3A_1280 = arith.index_cast %mul3A_1276 : i32 to index
        %get3A_1281 = tpu.vector_load %arg7[%get3A_1278, %get3A_1279, %get3A_1280] {strides = array<i32>} : memref<4x128x128xf32, #tpu.memory_space<vmem>>, vector<1x1x16xf32>,
        %get3A_1282 = vector.shape_cast %get3A_1281 : vector<1x1x16xf32> to vector<16xf32>
        %jit3A_1283 = arith.constant 8 : i32
        %div3A_1284 = arith.divsi %add3A_1270, %jit3A_1283 : i32
        %sign3A_1285 = arith.constant 0 : i32
        %sign3A_1286 = arith.cmpi sgt, %add3A_1270, %sign3A_1285 : i32
        %sign3A_1287 = arith.extui %sign3A_1286 : i1 to i32
        %sign3A_1288 = arith.constant 0 : i32
        %sign3A_1289 = arith.cmpi slt, %add3A_1270, %sign3A_1288 : i32
        %sign3A_1290 = arith.extui %sign3A_1289 : i1 to i32
        %sign3A_1291 = arith.subi %sign3A_1287, %sign3A_1290 : i32
        %sign3A_1292 = arith.constant 0 : i32
        %sign3A_1293 = arith.cmpi sgt, %jit3A_1283, %sign3A_1292 : i32
        %sign3A_1294 = arith.extui %sign3A_1293 : i1 to i32
        %sign3A_1295 = arith.constant 0 : i32
        %sign3A_1296 = arith.cmpi slt, %jit3A_1283, %sign3A_1295 : i32
        %sign3A_1297 = arith.extui %sign3A_1296 : i1 to i32
        %sign3A_1298 = arith.subi %sign3A_1294, %sign3A_1297 : i32
        %ne3A_1299 = arith.cmpi ne, %sign3A_1291, %sign3A_1298 : i32
        %rem3A_1300 = arith.remsi %add3A_1270, %jit3A_1283 : i32
        %ne3A_1301 = arith.constant 0 : i32
        %ne3A_1302 = arith.cmpi ne, %rem3A_1300, %ne3A_1301 : i32
        %and3A_1303 = arith.andi %ne3A_1299, %ne3A_1302 : i1
        %sub3A_1304 = arith.constant 1 : i32
        %sub3A_1305 = arith.subi %div3A_1284, %sub3A_1304 : i32
        %select_n3A_1306 = arith.select %and3A_1303, %sub3A_1305, %div3A_1284 : i32
        %jit3A_1307 = arith.constant 8 : i32
        %eq3A_1308 = arith.constant 0 : i32
        %eq3A_1309 = arith.cmpi eq, %jit3A_1307, %eq3A_1308 : i32
        %jit3A_1310 = arith.constant 1 : i32
        %select_n3A_1311 = arith.select %eq3A_1309, %jit3A_1310, %jit3A_1307 : i32
        %rem3A_1312 = arith.remsi %add3A_1270, %select_n3A_1311 : i32
        %ne3A_1313 = arith.constant 0 : i32
        %ne3A_1314 = arith.cmpi ne, %rem3A_1312, %ne3A_1313 : i32
        %lt3A_1315 = arith.constant 0 : i32
        %lt3A_1316 = arith.cmpi slt, %rem3A_1312, %lt3A_1315 : i32
        %lt3A_1317 = arith.constant 0 : i32
        %lt3A_1318 = arith.cmpi slt, %select_n3A_1311, %lt3A_1317 : i32
        %ne3A_1319 = arith.xori %lt3A_1316, %lt3A_1318 : i1
        %and3A_1320 = arith.andi %ne3A_1319, %ne3A_1314 : i1
        %add3A_1321 = arith.addi %rem3A_1312, %select_n3A_1311 : i32
        %select_n3A_1322 = arith.select %and3A_1320, %add3A_1321, %rem3A_1312 : i32
        %mul3A_1323 = arith.constant 16 : i32
        %mul3A_1324 = arith.muli %select_n3A_1322, %mul3A_1323 : i32
        %swap3A_1325 = arith.index_cast %select_n3A_1306 : i32 to index
        %swap3A_1326 = arith.index_cast %mul3A_1324 : i32 to index
        %swap3A_1327 = tpu.vector_load %arg8[%swap3A_1325, %swap3A_1326] {strides = array<i32>} : memref<16x128xf32, #tpu.memory_space<vmem>>, vector<1x16xf32>,
        %swap3A_1328 = vector.shape_cast %swap3A_1327 : vector<1x16xf32> to vector<16xf32>
        %swap3A_1329 = vector.shape_cast %get3A_1282 : vector<16xf32> to vector<1x16xf32>
        tpu.vector_store %arg8[%swap3A_1325, %swap3A_1326], %swap3A_1329 {strides = array<i32>} : memref<16x128xf32, #tpu.memory_space<vmem>>, vector<1x16xf32>,
        %mul3A_1330 = arith.constant 16 : i32
        %mul3A_1331 = arith.muli %scan3A_514, %mul3A_1330 : i32
        %add3A_1332 = arith.constant 13 : i32
        %add3A_1333 = arith.addi %mul3A_1331, %add3A_1332 : i32
        %slice3A_1334 = vector.extract_strided_slice %get3A_521 {offsets = [13], sizes = [1], strides = [1]} : vector<16xi32> to vector<1xi32>
        %squeeze3A_1335 = vector.extract %slice3A_1334[0] : i32 from vector<1xi32>
        %shift_right_logical3A_1336 = arith.constant 17 : i32
        %shift_right_logical3A_1337 = arith.shrui %squeeze3A_1335, %shift_right_logical3A_1336 : i32
        %mul3A_1338 = arith.constant 16 : i32
        %mul3A_1339 = arith.muli %shift_right_logical3A_1337, %mul3A_1338 : i32
        %get3A_1340 = arith.constant 2 : i32
        %get3A_1341 = arith.index_cast %get3A_1340 : i32 to index
        %get3A_1342 = arith.index_cast %add3A_1333 : i32 to index
        %get3A_1343 = arith.index_cast %mul3A_1339 : i32 to index
        %get3A_1344 = tpu.vector_load %arg7[%get3A_1341, %get3A_1342, %get3A_1343] {strides = array<i32>} : memref<4x128x128xf32, #tpu.memory_space<vmem>>, vector<1x1x16xf32>,
        %get3A_1345 = vector.shape_cast %get3A_1344 : vector<1x1x16xf32> to vector<16xf32>
        %jit3A_1346 = arith.constant 8 : i32
        %div3A_1347 = arith.divsi %add3A_1333, %jit3A_1346 : i32
        %sign3A_1348 = arith.constant 0 : i32
        %sign3A_1349 = arith.cmpi sgt, %add3A_1333, %sign3A_1348 : i32
        %sign3A_1350 = arith.extui %sign3A_1349 : i1 to i32
        %sign3A_1351 = arith.constant 0 : i32
        %sign3A_1352 = arith.cmpi slt, %add3A_1333, %sign3A_1351 : i32
        %sign3A_1353 = arith.extui %sign3A_1352 : i1 to i32
        %sign3A_1354 = arith.subi %sign3A_1350, %sign3A_1353 : i32
        %sign3A_1355 = arith.constant 0 : i32
        %sign3A_1356 = arith.cmpi sgt, %jit3A_1346, %sign3A_1355 : i32
        %sign3A_1357 = arith.extui %sign3A_1356 : i1 to i32
        %sign3A_1358 = arith.constant 0 : i32
        %sign3A_1359 = arith.cmpi slt, %jit3A_1346, %sign3A_1358 : i32
        %sign3A_1360 = arith.extui %sign3A_1359 : i1 to i32
        %sign3A_1361 = arith.subi %sign3A_1357, %sign3A_1360 : i32
        %ne3A_1362 = arith.cmpi ne, %sign3A_1354, %sign3A_1361 : i32
        %rem3A_1363 = arith.remsi %add3A_1333, %jit3A_1346 : i32
        %ne3A_1364 = arith.constant 0 : i32
        %ne3A_1365 = arith.cmpi ne, %rem3A_1363, %ne3A_1364 : i32
        %and3A_1366 = arith.andi %ne3A_1362, %ne3A_1365 : i1
        %sub3A_1367 = arith.constant 1 : i32
        %sub3A_1368 = arith.subi %div3A_1347, %sub3A_1367 : i32
        %select_n3A_1369 = arith.select %and3A_1366, %sub3A_1368, %div3A_1347 : i32
        %jit3A_1370 = arith.constant 8 : i32
        %eq3A_1371 = arith.constant 0 : i32
        %eq3A_1372 = arith.cmpi eq, %jit3A_1370, %eq3A_1371 : i32
        %jit3A_1373 = arith.constant 1 : i32
        %select_n3A_1374 = arith.select %eq3A_1372, %jit3A_1373, %jit3A_1370 : i32
        %rem3A_1375 = arith.remsi %add3A_1333, %select_n3A_1374 : i32
        %ne3A_1376 = arith.constant 0 : i32
        %ne3A_1377 = arith.cmpi ne, %rem3A_1375, %ne3A_1376 : i32
        %lt3A_1378 = arith.constant 0 : i32
        %lt3A_1379 = arith.cmpi slt, %rem3A_1375, %lt3A_1378 : i32
        %lt3A_1380 = arith.constant 0 : i32
        %lt3A_1381 = arith.cmpi slt, %select_n3A_1374, %lt3A_1380 : i32
        %ne3A_1382 = arith.xori %lt3A_1379, %lt3A_1381 : i1
        %and3A_1383 = arith.andi %ne3A_1382, %ne3A_1377 : i1
        %add3A_1384 = arith.addi %rem3A_1375, %select_n3A_1374 : i32
        %select_n3A_1385 = arith.select %and3A_1383, %add3A_1384, %rem3A_1375 : i32
        %mul3A_1386 = arith.constant 16 : i32
        %mul3A_1387 = arith.muli %select_n3A_1385, %mul3A_1386 : i32
        %swap3A_1388 = arith.index_cast %select_n3A_1369 : i32 to index
        %swap3A_1389 = arith.index_cast %mul3A_1387 : i32 to index
        %swap3A_1390 = tpu.vector_load %arg8[%swap3A_1388, %swap3A_1389] {strides = array<i32>} : memref<16x128xf32, #tpu.memory_space<vmem>>, vector<1x16xf32>,
        %swap3A_1391 = vector.shape_cast %swap3A_1390 : vector<1x16xf32> to vector<16xf32>
        %swap3A_1392 = vector.shape_cast %get3A_1345 : vector<16xf32> to vector<1x16xf32>
        tpu.vector_store %arg8[%swap3A_1388, %swap3A_1389], %swap3A_1392 {strides = array<i32>} : memref<16x128xf32, #tpu.memory_space<vmem>>, vector<1x16xf32>,
        %mul3A_1393 = arith.constant 16 : i32
        %mul3A_1394 = arith.muli %scan3A_514, %mul3A_1393 : i32
        %add3A_1395 = arith.constant 14 : i32
        %add3A_1396 = arith.addi %mul3A_1394, %add3A_1395 : i32
        %slice3A_1397 = vector.extract_strided_slice %get3A_521 {offsets = [14], sizes = [1], strides = [1]} : vector<16xi32> to vector<1xi32>
        %squeeze3A_1398 = vector.extract %slice3A_1397[0] : i32 from vector<1xi32>
        %shift_right_logical3A_1399 = arith.constant 17 : i32
        %shift_right_logical3A_1400 = arith.shrui %squeeze3A_1398, %shift_right_logical3A_1399 : i32
        %mul3A_1401 = arith.constant 16 : i32
        %mul3A_1402 = arith.muli %shift_right_logical3A_1400, %mul3A_1401 : i32
        %get3A_1403 = arith.constant 2 : i32
        %get3A_1404 = arith.index_cast %get3A_1403 : i32 to index
        %get3A_1405 = arith.index_cast %add3A_1396 : i32 to index
        %get3A_1406 = arith.index_cast %mul3A_1402 : i32 to index
        %get3A_1407 = tpu.vector_load %arg7[%get3A_1404, %get3A_1405, %get3A_1406] {strides = array<i32>} : memref<4x128x128xf32, #tpu.memory_space<vmem>>, vector<1x1x16xf32>,
        %get3A_1408 = vector.shape_cast %get3A_1407 : vector<1x1x16xf32> to vector<16xf32>
        %jit3A_1409 = arith.constant 8 : i32
        %div3A_1410 = arith.divsi %add3A_1396, %jit3A_1409 : i32
        %sign3A_1411 = arith.constant 0 : i32
        %sign3A_1412 = arith.cmpi sgt, %add3A_1396, %sign3A_1411 : i32
        %sign3A_1413 = arith.extui %sign3A_1412 : i1 to i32
        %sign3A_1414 = arith.constant 0 : i32
        %sign3A_1415 = arith.cmpi slt, %add3A_1396, %sign3A_1414 : i32
        %sign3A_1416 = arith.extui %sign3A_1415 : i1 to i32
        %sign3A_1417 = arith.subi %sign3A_1413, %sign3A_1416 : i32
        %sign3A_1418 = arith.constant 0 : i32
        %sign3A_1419 = arith.cmpi sgt, %jit3A_1409, %sign3A_1418 : i32
        %sign3A_1420 = arith.extui %sign3A_1419 : i1 to i32
        %sign3A_1421 = arith.constant 0 : i32
        %sign3A_1422 = arith.cmpi slt, %jit3A_1409, %sign3A_1421 : i32
        %sign3A_1423 = arith.extui %sign3A_1422 : i1 to i32
        %sign3A_1424 = arith.subi %sign3A_1420, %sign3A_1423 : i32
        %ne3A_1425 = arith.cmpi ne, %sign3A_1417, %sign3A_1424 : i32
        %rem3A_1426 = arith.remsi %add3A_1396, %jit3A_1409 : i32
        %ne3A_1427 = arith.constant 0 : i32
        %ne3A_1428 = arith.cmpi ne, %rem3A_1426, %ne3A_1427 : i32
        %and3A_1429 = arith.andi %ne3A_1425, %ne3A_1428 : i1
        %sub3A_1430 = arith.constant 1 : i32
        %sub3A_1431 = arith.subi %div3A_1410, %sub3A_1430 : i32
        %select_n3A_1432 = arith.select %and3A_1429, %sub3A_1431, %div3A_1410 : i32
        %jit3A_1433 = arith.constant 8 : i32
        %eq3A_1434 = arith.constant 0 : i32
        %eq3A_1435 = arith.cmpi eq, %jit3A_1433, %eq3A_1434 : i32
        %jit3A_1436 = arith.constant 1 : i32
        %select_n3A_1437 = arith.select %eq3A_1435, %jit3A_1436, %jit3A_1433 : i32
        %rem3A_1438 = arith.remsi %add3A_1396, %select_n3A_1437 : i32
        %ne3A_1439 = arith.constant 0 : i32
        %ne3A_1440 = arith.cmpi ne, %rem3A_1438, %ne3A_1439 : i32
        %lt3A_1441 = arith.constant 0 : i32
        %lt3A_1442 = arith.cmpi slt, %rem3A_1438, %lt3A_1441 : i32
        %lt3A_1443 = arith.constant 0 : i32
        %lt3A_1444 = arith.cmpi slt, %select_n3A_1437, %lt3A_1443 : i32
        %ne3A_1445 = arith.xori %lt3A_1442, %lt3A_1444 : i1
        %and3A_1446 = arith.andi %ne3A_1445, %ne3A_1440 : i1
        %add3A_1447 = arith.addi %rem3A_1438, %select_n3A_1437 : i32
        %select_n3A_1448 = arith.select %and3A_1446, %add3A_1447, %rem3A_1438 : i32
        %mul3A_1449 = arith.constant 16 : i32
        %mul3A_1450 = arith.muli %select_n3A_1448, %mul3A_1449 : i32
        %swap3A_1451 = arith.index_cast %select_n3A_1432 : i32 to index
        %swap3A_1452 = arith.index_cast %mul3A_1450 : i32 to index
        %swap3A_1453 = tpu.vector_load %arg8[%swap3A_1451, %swap3A_1452] {strides = array<i32>} : memref<16x128xf32, #tpu.memory_space<vmem>>, vector<1x16xf32>,
        %swap3A_1454 = vector.shape_cast %swap3A_1453 : vector<1x16xf32> to vector<16xf32>
        %swap3A_1455 = vector.shape_cast %get3A_1408 : vector<16xf32> to vector<1x16xf32>
        tpu.vector_store %arg8[%swap3A_1451, %swap3A_1452], %swap3A_1455 {strides = array<i32>} : memref<16x128xf32, #tpu.memory_space<vmem>>, vector<1x16xf32>,
        %mul3A_1456 = arith.constant 16 : i32
        %mul3A_1457 = arith.muli %scan3A_514, %mul3A_1456 : i32
        %add3A_1458 = arith.constant 15 : i32
        %add3A_1459 = arith.addi %mul3A_1457, %add3A_1458 : i32
        %slice3A_1460 = vector.extract_strided_slice %get3A_521 {offsets = [15], sizes = [1], strides = [1]} : vector<16xi32> to vector<1xi32>
        %squeeze3A_1461 = vector.extract %slice3A_1460[0] : i32 from vector<1xi32>
        %shift_right_logical3A_1462 = arith.constant 17 : i32
        %shift_right_logical3A_1463 = arith.shrui %squeeze3A_1461, %shift_right_logical3A_1462 : i32
        %mul3A_1464 = arith.constant 16 : i32
        %mul3A_1465 = arith.muli %shift_right_logical3A_1463, %mul3A_1464 : i32
        %get3A_1466 = arith.constant 2 : i32
        %get3A_1467 = arith.index_cast %get3A_1466 : i32 to index
        %get3A_1468 = arith.index_cast %add3A_1459 : i32 to index
        %get3A_1469 = arith.index_cast %mul3A_1465 : i32 to index
        %get3A_1470 = tpu.vector_load %arg7[%get3A_1467, %get3A_1468, %get3A_1469] {strides = array<i32>} : memref<4x128x128xf32, #tpu.memory_space<vmem>>, vector<1x1x16xf32>,
        %get3A_1471 = vector.shape_cast %get3A_1470 : vector<1x1x16xf32> to vector<16xf32>
        %jit3A_1472 = arith.constant 8 : i32
        %div3A_1473 = arith.divsi %add3A_1459, %jit3A_1472 : i32
        %sign3A_1474 = arith.constant 0 : i32
        %sign3A_1475 = arith.cmpi sgt, %add3A_1459, %sign3A_1474 : i32
        %sign3A_1476 = arith.extui %sign3A_1475 : i1 to i32
        %sign3A_1477 = arith.constant 0 : i32
        %sign3A_1478 = arith.cmpi slt, %add3A_1459, %sign3A_1477 : i32
        %sign3A_1479 = arith.extui %sign3A_1478 : i1 to i32
        %sign3A_1480 = arith.subi %sign3A_1476, %sign3A_1479 : i32
        %sign3A_1481 = arith.constant 0 : i32
        %sign3A_1482 = arith.cmpi sgt, %jit3A_1472, %sign3A_1481 : i32
        %sign3A_1483 = arith.extui %sign3A_1482 : i1 to i32
        %sign3A_1484 = arith.constant 0 : i32
        %sign3A_1485 = arith.cmpi slt, %jit3A_1472, %sign3A_1484 : i32
        %sign3A_1486 = arith.extui %sign3A_1485 : i1 to i32
        %sign3A_1487 = arith.subi %sign3A_1483, %sign3A_1486 : i32
        %ne3A_1488 = arith.cmpi ne, %sign3A_1480, %sign3A_1487 : i32
        %rem3A_1489 = arith.remsi %add3A_1459, %jit3A_1472 : i32
        %ne3A_1490 = arith.constant 0 : i32
        %ne3A_1491 = arith.cmpi ne, %rem3A_1489, %ne3A_1490 : i32
        %and3A_1492 = arith.andi %ne3A_1488, %ne3A_1491 : i1
        %sub3A_1493 = arith.constant 1 : i32
        %sub3A_1494 = arith.subi %div3A_1473, %sub3A_1493 : i32
        %select_n3A_1495 = arith.select %and3A_1492, %sub3A_1494, %div3A_1473 : i32
        %jit3A_1496 = arith.constant 8 : i32
        %eq3A_1497 = arith.constant 0 : i32
        %eq3A_1498 = arith.cmpi eq, %jit3A_1496, %eq3A_1497 : i32
        %jit3A_1499 = arith.constant 1 : i32
        %select_n3A_1500 = arith.select %eq3A_1498, %jit3A_1499, %jit3A_1496 : i32
        %rem3A_1501 = arith.remsi %add3A_1459, %select_n3A_1500 : i32
        %ne3A_1502 = arith.constant 0 : i32
        %ne3A_1503 = arith.cmpi ne, %rem3A_1501, %ne3A_1502 : i32
        %lt3A_1504 = arith.constant 0 : i32
        %lt3A_1505 = arith.cmpi slt, %rem3A_1501, %lt3A_1504 : i32
        %lt3A_1506 = arith.constant 0 : i32
        %lt3A_1507 = arith.cmpi slt, %select_n3A_1500, %lt3A_1506 : i32
        %ne3A_1508 = arith.xori %lt3A_1505, %lt3A_1507 : i1
        %and3A_1509 = arith.andi %ne3A_1508, %ne3A_1503 : i1
        %add3A_1510 = arith.addi %rem3A_1501, %select_n3A_1500 : i32
        %select_n3A_1511 = arith.select %and3A_1509, %add3A_1510, %rem3A_1501 : i32
        %mul3A_1512 = arith.constant 16 : i32
        %mul3A_1513 = arith.muli %select_n3A_1511, %mul3A_1512 : i32
        %swap3A_1514 = arith.index_cast %select_n3A_1495 : i32 to index
        %swap3A_1515 = arith.index_cast %mul3A_1513 : i32 to index
        %swap3A_1516 = tpu.vector_load %arg8[%swap3A_1514, %swap3A_1515] {strides = array<i32>} : memref<16x128xf32, #tpu.memory_space<vmem>>, vector<1x16xf32>,
        %swap3A_1517 = vector.shape_cast %swap3A_1516 : vector<1x16xf32> to vector<16xf32>
        %swap3A_1518 = vector.shape_cast %get3A_1471 : vector<16xf32> to vector<1x16xf32>
        tpu.vector_store %arg8[%swap3A_1514, %swap3A_1515], %swap3A_1518 {strides = array<i32>} : memref<16x128xf32, #tpu.memory_space<vmem>>, vector<1x16xf32>,
        %scan3A_1519 = arith.constant 0 : i32
        scf.yield %scan3A_1519 : i32
      }
      %scan3A_476 = arith.constant 8 : i32
      %mul3A_477 = arith.constant 16 : i32
      %mul3A_478 = arith.muli %add3A_457, %mul3A_477 : i32
      %add3A_479 = arith.addi %mul3A_4, %mul3A_478 : i32
      "tpu.region"() ({
        %run_scoped3A = tpu.sem_alloc : memref<!tpu.dma_semaphore, #tpu.memory_space<semaphore_mem>>
        %dma_start3A_514 = arith.constant 0 : i32
        %dma_start3A_515 = tpu.memref_slice %arg4[%add3A_479, %dma_start3A_514] : memref<102400x128xf32, #tpu.memory_space<hbm>> -> memref<16x128xf32, #tpu.memory_space<hbm>>
        %dma_start3A_516 = arith.constant 0 : i32
        %dma_start3A_517 = tpu.memref_slice %arg4[%add3A_479, %dma_start3A_516] : memref<102400x128xf32, #tpu.memory_space<hbm>> -> memref<16x128xf32, #tpu.memory_space<hbm>>
        tpu.enqueue_dma source(%arg8 : memref<16x128xf32, #tpu.memory_space<vmem>>) target(%dma_start3A_517 : memref<16x128xf32, #tpu.memory_space<hbm>>) target_semaphore(%run_scoped3A : memref<!tpu.dma_semaphore, #tpu.memory_space<semaphore_mem>>)
        %dma_wait3A_518 = arith.constant 0 : i32
        %dma_wait3A_519 = tpu.memref_slice %arg4[%add3A_479, %dma_wait3A_518] : memref<102400x128xf32, #tpu.memory_space<hbm>> -> memref<16x128xf32, #tpu.memory_space<hbm>>
        %dma_wait3A_520 = arith.constant 0 : i32
        %dma_wait3A_521 = tpu.memref_slice %arg4[%add3A_479, %dma_wait3A_520] : memref<102400x128xf32, #tpu.memory_space<hbm>> -> memref<16x128xf32, #tpu.memory_space<hbm>>
        tpu.wait_dma2 semaphore(%run_scoped3A : memref<!tpu.dma_semaphore, #tpu.memory_space<semaphore_mem>>) src(%arg8 : memref<16x128xf32, #tpu.memory_space<vmem>>) dst(%dma_wait3A_521 : memref<16x128xf32, #tpu.memory_space<hbm>>)
        tpu.yield
      }) : () -> ()
      %add3A_480 = arith.constant 3 : i32
      %add3A_481 = arith.addi %mul3A_384, %add3A_480 : i32
      %add3A_482 = arith.constant 3 : i32
      %add3A_483 = arith.addi %add3A_481, %add3A_482 : i32
      %lt3A_484 = arith.constant 200 : i32
      %lt3A_485 = arith.cmpi slt, %add3A_483, %lt3A_484 : i32
      %convert_element_type3A_486 = arith.extui %lt3A_485 : i1 to i32
      %cond3A_487 = arith.constant 0 : i32
      %cond3A_488 = arith.cmpi ne, %convert_element_type3A_486, %cond3A_487 : i32
      scf.if %cond3A_488 {
        %get3A_514 = arith.index_cast %add3A_483 : i32 to index
        %get3A_515 = arith.constant 0 : index
        %get3A_516 = tpu.vector_load %arg5[%get3A_514, %get3A_515] {strides = array<i32>} : memref<200x128xi32, #tpu.memory_space<vmem>>, vector<1x16xi32>,
        %get3A_517 = vector.shape_cast %get3A_516 : vector<1x16xi32> to vector<16xi32>
        %and3A_518 = arith.constant 131071 : i32
        %and3A_519 = vector.broadcast %and3A_518 : i32 to vector<16xi32>
        %and3A_520 = arith.andi %get3A_517, %and3A_519 : vector<16xi32>
        %swap3A_521 = arith.constant 2 : i32
        %swap3A_522 = arith.index_cast %swap3A_521 : i32 to index
        %swap3A_523 = arith.constant 0 : index
        %swap3A_524 = tpu.vector_load %arg6[%swap3A_522, %swap3A_523] {strides = array<i32>} : memref<4x128xi32, #tpu.memory_space<vmem>>, vector<1x16xi32>,
        %swap3A_525 = vector.shape_cast %swap3A_524 : vector<1x16xi32> to vector<16xi32>
        %swap3A_526 = vector.shape_cast %and3A_520 : vector<16xi32> to vector<1x16xi32>
        tpu.vector_store %arg6[%swap3A_522, %swap3A_523], %swap3A_526 {strides = array<i32>} : memref<4x128xi32, #tpu.memory_space<vmem>>, vector<1x16xi32>,
        %get3A_527 = arith.index_cast %add3A_483 : i32 to index
        %get3A_528 = arith.constant 16 : index
        %get3A_529 = tpu.vector_load %arg5[%get3A_527, %get3A_528] {strides = array<i32>} : memref<200x128xi32, #tpu.memory_space<vmem>>, vector<1x16xi32>,
        %get3A_530 = vector.shape_cast %get3A_529 : vector<1x16xi32> to vector<16xi32>
        %and3A_531 = arith.constant 131071 : i32
        %and3A_532 = vector.broadcast %and3A_531 : i32 to vector<16xi32>
        %and3A_533 = arith.andi %get3A_530, %and3A_532 : vector<16xi32>
        %swap3A_534 = arith.constant 2 : i32
        %swap3A_535 = arith.index_cast %swap3A_534 : i32 to index
        %swap3A_536 = arith.constant 16 : index
        %swap3A_537 = tpu.vector_load %arg6[%swap3A_535, %swap3A_536] {strides = array<i32>} : memref<4x128xi32, #tpu.memory_space<vmem>>, vector<1x16xi32>,
        %swap3A_538 = vector.shape_cast %swap3A_537 : vector<1x16xi32> to vector<16xi32>
        %swap3A_539 = vector.shape_cast %and3A_533 : vector<16xi32> to vector<1x16xi32>
        tpu.vector_store %arg6[%swap3A_535, %swap3A_536], %swap3A_539 {strides = array<i32>} : memref<4x128xi32, #tpu.memory_space<vmem>>, vector<1x16xi32>,
        %get3A_540 = arith.index_cast %add3A_483 : i32 to index
        %get3A_541 = arith.constant 32 : index
        %get3A_542 = tpu.vector_load %arg5[%get3A_540, %get3A_541] {strides = array<i32>} : memref<200x128xi32, #tpu.memory_space<vmem>>, vector<1x16xi32>,
        %get3A_543 = vector.shape_cast %get3A_542 : vector<1x16xi32> to vector<16xi32>
        %and3A_544 = arith.constant 131071 : i32
        %and3A_545 = vector.broadcast %and3A_544 : i32 to vector<16xi32>
        %and3A_546 = arith.andi %get3A_543, %and3A_545 : vector<16xi32>
        %swap3A_547 = arith.constant 2 : i32
        %swap3A_548 = arith.index_cast %swap3A_547 : i32 to index
        %swap3A_549 = arith.constant 32 : index
        %swap3A_550 = tpu.vector_load %arg6[%swap3A_548, %swap3A_549] {strides = array<i32>} : memref<4x128xi32, #tpu.memory_space<vmem>>, vector<1x16xi32>,
        %swap3A_551 = vector.shape_cast %swap3A_550 : vector<1x16xi32> to vector<16xi32>
        %swap3A_552 = vector.shape_cast %and3A_546 : vector<16xi32> to vector<1x16xi32>
        tpu.vector_store %arg6[%swap3A_548, %swap3A_549], %swap3A_552 {strides = array<i32>} : memref<4x128xi32, #tpu.memory_space<vmem>>, vector<1x16xi32>,
        %get3A_553 = arith.index_cast %add3A_483 : i32 to index
        %get3A_554 = arith.constant 48 : index
        %get3A_555 = tpu.vector_load %arg5[%get3A_553, %get3A_554] {strides = array<i32>} : memref<200x128xi32, #tpu.memory_space<vmem>>, vector<1x16xi32>,
        %get3A_556 = vector.shape_cast %get3A_555 : vector<1x16xi32> to vector<16xi32>
        %and3A_557 = arith.constant 131071 : i32
        %and3A_558 = vector.broadcast %and3A_557 : i32 to vector<16xi32>
        %and3A_559 = arith.andi %get3A_556, %and3A_558 : vector<16xi32>
        %swap3A_560 = arith.constant 2 : i32
        %swap3A_561 = arith.index_cast %swap3A_560 : i32 to index
        %swap3A_562 = arith.constant 48 : index
        %swap3A_563 = tpu.vector_load %arg6[%swap3A_561, %swap3A_562] {strides = array<i32>} : memref<4x128xi32, #tpu.memory_space<vmem>>, vector<1x16xi32>,
        %swap3A_564 = vector.shape_cast %swap3A_563 : vector<1x16xi32> to vector<16xi32>
        %swap3A_565 = vector.shape_cast %and3A_559 : vector<16xi32> to vector<1x16xi32>
        tpu.vector_store %arg6[%swap3A_561, %swap3A_562], %swap3A_565 {strides = array<i32>} : memref<4x128xi32, #tpu.memory_space<vmem>>, vector<1x16xi32>,
        %get3A_566 = arith.index_cast %add3A_483 : i32 to index
        %get3A_567 = arith.constant 64 : index
        %get3A_568 = tpu.vector_load %arg5[%get3A_566, %get3A_567] {strides = array<i32>} : memref<200x128xi32, #tpu.memory_space<vmem>>, vector<1x16xi32>,
        %get3A_569 = vector.shape_cast %get3A_568 : vector<1x16xi32> to vector<16xi32>
        %and3A_570 = arith.constant 131071 : i32
        %and3A_571 = vector.broadcast %and3A_570 : i32 to vector<16xi32>
        %and3A_572 = arith.andi %get3A_569, %and3A_571 : vector<16xi32>
        %swap3A_573 = arith.constant 2 : i32
        %swap3A_574 = arith.index_cast %swap3A_573 : i32 to index
        %swap3A_575 = arith.constant 64 : index
        %swap3A_576 = tpu.vector_load %arg6[%swap3A_574, %swap3A_575] {strides = array<i32>} : memref<4x128xi32, #tpu.memory_space<vmem>>, vector<1x16xi32>,
        %swap3A_577 = vector.shape_cast %swap3A_576 : vector<1x16xi32> to vector<16xi32>
        %swap3A_578 = vector.shape_cast %and3A_572 : vector<16xi32> to vector<1x16xi32>
        tpu.vector_store %arg6[%swap3A_574, %swap3A_575], %swap3A_578 {strides = array<i32>} : memref<4x128xi32, #tpu.memory_space<vmem>>, vector<1x16xi32>,
        %get3A_579 = arith.index_cast %add3A_483 : i32 to index
        %get3A_580 = arith.constant 80 : index
        %get3A_581 = tpu.vector_load %arg5[%get3A_579, %get3A_580] {strides = array<i32>} : memref<200x128xi32, #tpu.memory_space<vmem>>, vector<1x16xi32>,
        %get3A_582 = vector.shape_cast %get3A_581 : vector<1x16xi32> to vector<16xi32>
        %and3A_583 = arith.constant 131071 : i32
        %and3A_584 = vector.broadcast %and3A_583 : i32 to vector<16xi32>
        %and3A_585 = arith.andi %get3A_582, %and3A_584 : vector<16xi32>
        %swap3A_586 = arith.constant 2 : i32
        %swap3A_587 = arith.index_cast %swap3A_586 : i32 to index
        %swap3A_588 = arith.constant 80 : index
        %swap3A_589 = tpu.vector_load %arg6[%swap3A_587, %swap3A_588] {strides = array<i32>} : memref<4x128xi32, #tpu.memory_space<vmem>>, vector<1x16xi32>,
        %swap3A_590 = vector.shape_cast %swap3A_589 : vector<1x16xi32> to vector<16xi32>
        %swap3A_591 = vector.shape_cast %and3A_585 : vector<16xi32> to vector<1x16xi32>
        tpu.vector_store %arg6[%swap3A_587, %swap3A_588], %swap3A_591 {strides = array<i32>} : memref<4x128xi32, #tpu.memory_space<vmem>>, vector<1x16xi32>,
        %get3A_592 = arith.index_cast %add3A_483 : i32 to index
        %get3A_593 = arith.constant 96 : index
        %get3A_594 = tpu.vector_load %arg5[%get3A_592, %get3A_593] {strides = array<i32>} : memref<200x128xi32, #tpu.memory_space<vmem>>, vector<1x16xi32>,
        %get3A_595 = vector.shape_cast %get3A_594 : vector<1x16xi32> to vector<16xi32>
        %and3A_596 = arith.constant 131071 : i32
        %and3A_597 = vector.broadcast %and3A_596 : i32 to vector<16xi32>
        %and3A_598 = arith.andi %get3A_595, %and3A_597 : vector<16xi32>
        %swap3A_599 = arith.constant 2 : i32
        %swap3A_600 = arith.index_cast %swap3A_599 : i32 to index
        %swap3A_601 = arith.constant 96 : index
        %swap3A_602 = tpu.vector_load %arg6[%swap3A_600, %swap3A_601] {strides = array<i32>} : memref<4x128xi32, #tpu.memory_space<vmem>>, vector<1x16xi32>,
        %swap3A_603 = vector.shape_cast %swap3A_602 : vector<1x16xi32> to vector<16xi32>
        %swap3A_604 = vector.shape_cast %and3A_598 : vector<16xi32> to vector<1x16xi32>
        tpu.vector_store %arg6[%swap3A_600, %swap3A_601], %swap3A_604 {strides = array<i32>} : memref<4x128xi32, #tpu.memory_space<vmem>>, vector<1x16xi32>,
        %get3A_605 = arith.index_cast %add3A_483 : i32 to index
        %get3A_606 = arith.constant 112 : index
        %get3A_607 = tpu.vector_load %arg5[%get3A_605, %get3A_606] {strides = array<i32>} : memref<200x128xi32, #tpu.memory_space<vmem>>, vector<1x16xi32>,
        %get3A_608 = vector.shape_cast %get3A_607 : vector<1x16xi32> to vector<16xi32>
        %and3A_609 = arith.constant 131071 : i32
        %and3A_610 = vector.broadcast %and3A_609 : i32 to vector<16xi32>
        %and3A_611 = arith.andi %get3A_608, %and3A_610 : vector<16xi32>
        %swap3A_612 = arith.constant 2 : i32
        %swap3A_613 = arith.index_cast %swap3A_612 : i32 to index
        %swap3A_614 = arith.constant 112 : index
        %swap3A_615 = tpu.vector_load %arg6[%swap3A_613, %swap3A_614] {strides = array<i32>} : memref<4x128xi32, #tpu.memory_space<vmem>>, vector<1x16xi32>,
        %swap3A_616 = vector.shape_cast %swap3A_615 : vector<1x16xi32> to vector<16xi32>
        %swap3A_617 = vector.shape_cast %and3A_611 : vector<16xi32> to vector<1x16xi32>
        tpu.vector_store %arg6[%swap3A_613, %swap3A_614], %swap3A_617 {strides = array<i32>} : memref<4x128xi32, #tpu.memory_space<vmem>>, vector<1x16xi32>,
        %dma_start3A_618 = arith.constant 2 : i32
        %dma_start3A_619 = arith.constant 2 : i32
        %dma_start3A_620 = arith.constant 0 : i32
        %dma_start3A_621 = arith.constant 0 : i32
        %dma_start3A_622 = tpu.memref_slice %arg7[%dma_start3A_619, %dma_start3A_620, %dma_start3A_621] : memref<4x128x128xf32, #tpu.memory_space<vmem>> -> memref<1x128x128xf32, #tpu.memory_space<vmem>>
        %dma_start3A_623 = tpu.memref_squeeze %dma_start3A_622 : memref<1x128x128xf32, #tpu.memory_space<vmem>> -> memref<128x128xf32, #tpu.memory_space<vmem>>
        %dma_start3A_624 = arith.constant 0 : i32
        %dma_start3A_625 = tpu.memref_slice %arg6[%dma_start3A_618, %dma_start3A_624] : memref<4x128xi32, #tpu.memory_space<vmem>> -> memref<1x128xi32, #tpu.memory_space<vmem>>
        %dma_start3A_626 = tpu.memref_squeeze %dma_start3A_625 : memref<1x128xi32, #tpu.memory_space<vmem>> -> memref<128xi32, #tpu.memory_space<vmem>>
        %dma_start3A_627 = arith.constant 0 : i32
        %dma_start3A_628 = arith.constant 0 : i32
        %dma_start3A_629 = tpu.memref_slice %arg2[%dma_start3A_627, %dma_start3A_628] : memref<131072x128xf32, #tpu.memory_space<hbm>> -> memref<131072x128xf32, #tpu.memory_space<hbm>>
        tpu.enqueue_indirect_dma source(%dma_start3A_629 : memref<131072x128xf32, #tpu.memory_space<hbm>>) target(%dma_start3A_623 : memref<128x128xf32, #tpu.memory_space<vmem>>) offsets(%dma_start3A_626 : memref<128xi32, #tpu.memory_space<vmem>>) semaphore(%arg11 : memref<!tpu.dma_semaphore, #tpu.memory_space<semaphore_mem>>)
      } else {
      }
      %add3A_489 = arith.constant 3 : i32
      %add3A_490 = arith.addi %mul3A_384, %add3A_489 : i32
      %dma_wait3A_491 = arith.constant 3 : i32
      %dma_wait3A_492 = arith.constant 3 : i32
      %dma_wait3A_493 = arith.constant 0 : i32
      %dma_wait3A_494 = arith.constant 0 : i32
      %dma_wait3A_495 = tpu.memref_slice %arg7[%dma_wait3A_492, %dma_wait3A_493, %dma_wait3A_494] : memref<4x128x128xf32, #tpu.memory_space<vmem>> -> memref<1x128x128xf32, #tpu.memory_space<vmem>>
      %dma_wait3A_496 = tpu.memref_squeeze %dma_wait3A_495 : memref<1x128x128xf32, #tpu.memory_space<vmem>> -> memref<128x128xf32, #tpu.memory_space<vmem>>
      %dma_wait3A_497 = arith.constant 0 : i32
      %dma_wait3A_498 = tpu.memref_slice %arg6[%dma_wait3A_491, %dma_wait3A_497] : memref<4x128xi32, #tpu.memory_space<vmem>> -> memref<1x128xi32, #tpu.memory_space<vmem>>
      %dma_wait3A_499 = tpu.memref_squeeze %dma_wait3A_498 : memref<1x128xi32, #tpu.memory_space<vmem>> -> memref<128xi32, #tpu.memory_space<vmem>>
      %dma_wait3A_500 = arith.constant 0 : i32
      %dma_wait3A_501 = arith.constant 0 : i32
      %dma_wait3A_502 = tpu.memref_slice %arg2[%dma_wait3A_500, %dma_wait3A_501] : memref<131072x128xf32, #tpu.memory_space<hbm>> -> memref<131072x128xf32, #tpu.memory_space<hbm>>
      tpu.wait_indirect_dma semaphore(%arg12 : memref<!tpu.dma_semaphore, #tpu.memory_space<semaphore_mem>>) src(%dma_wait3A_502 : memref<131072x128xf32, #tpu.memory_space<hbm>>) dst(%dma_wait3A_496 : memref<128x128xf32, #tpu.memory_space<vmem>>)
      %scan3A_503 = arith.constant 0 : i32
      %scan3A_504 = arith.constant 0 : i32
      %scan3A_505 = arith.constant 8 : i32
      %scan3A_506 = arith.addi %scan3A_504, %scan3A_505 : i32
      %scan3A_507 = arith.constant 1 : i32
      %scan3A_508 = scf.for %scan3A_514 = %scan3A_504 to %scan3A_506 step %scan3A_507 iter_args(%scan3A_515 = %scan3A_503) -> (i32)  : i32 {
        %mul3A_516 = arith.constant 16 : i32
        %mul3A_517 = arith.muli %scan3A_514, %mul3A_516 : i32
        %get3A_518 = arith.index_cast %add3A_490 : i32 to index
        %get3A_519 = arith.index_cast %mul3A_517 : i32 to index
        %get3A_520 = tpu.vector_load %arg5[%get3A_518, %get3A_519] {strides = array<i32>} : memref<200x128xi32, #tpu.memory_space<vmem>>, vector<1x16xi32>,
        %get3A_521 = vector.shape_cast %get3A_520 : vector<1x16xi32> to vector<16xi32>
        %mul3A_522 = arith.constant 16 : i32
        %mul3A_523 = arith.muli %scan3A_514, %mul3A_522 : i32
        %add3A_524 = arith.constant 0 : i32
        %add3A_525 = arith.addi %mul3A_523, %add3A_524 : i32
        %slice3A = vector.extract_strided_slice %get3A_521 {offsets = [0], sizes = [1], strides = [1]} : vector<16xi32> to vector<1xi32>
        %squeeze3A = vector.extract %slice3A[0] : i32 from vector<1xi32>
        %shift_right_logical3A = arith.constant 17 : i32
        %shift_right_logical3A_526 = arith.shrui %squeeze3A, %shift_right_logical3A : i32
        %mul3A_527 = arith.constant 16 : i32
        %mul3A_528 = arith.muli %shift_right_logical3A_526, %mul3A_527 : i32
        %get3A_529 = arith.constant 3 : i32
        %get3A_530 = arith.index_cast %get3A_529 : i32 to index
        %get3A_531 = arith.index_cast %add3A_525 : i32 to index
        %get3A_532 = arith.index_cast %mul3A_528 : i32 to index
        %get3A_533 = tpu.vector_load %arg7[%get3A_530, %get3A_531, %get3A_532] {strides = array<i32>} : memref<4x128x128xf32, #tpu.memory_space<vmem>>, vector<1x1x16xf32>,
        %get3A_534 = vector.shape_cast %get3A_533 : vector<1x1x16xf32> to vector<16xf32>
        %jit3A = arith.constant 8 : i32
        %div3A = arith.divsi %add3A_525, %jit3A : i32
        %sign3A = arith.constant 0 : i32
        %sign3A_535 = arith.cmpi sgt, %add3A_525, %sign3A : i32
        %sign3A_536 = arith.extui %sign3A_535 : i1 to i32
        %sign3A_537 = arith.constant 0 : i32
        %sign3A_538 = arith.cmpi slt, %add3A_525, %sign3A_537 : i32
        %sign3A_539 = arith.extui %sign3A_538 : i1 to i32
        %sign3A_540 = arith.subi %sign3A_536, %sign3A_539 : i32
        %sign3A_541 = arith.constant 0 : i32
        %sign3A_542 = arith.cmpi sgt, %jit3A, %sign3A_541 : i32
        %sign3A_543 = arith.extui %sign3A_542 : i1 to i32
        %sign3A_544 = arith.constant 0 : i32
        %sign3A_545 = arith.cmpi slt, %jit3A, %sign3A_544 : i32
        %sign3A_546 = arith.extui %sign3A_545 : i1 to i32
        %sign3A_547 = arith.subi %sign3A_543, %sign3A_546 : i32
        %ne3A = arith.cmpi ne, %sign3A_540, %sign3A_547 : i32
        %rem3A = arith.remsi %add3A_525, %jit3A : i32
        %ne3A_548 = arith.constant 0 : i32
        %ne3A_549 = arith.cmpi ne, %rem3A, %ne3A_548 : i32
        %and3A_550 = arith.andi %ne3A, %ne3A_549 : i1
        %sub3A = arith.constant 1 : i32
        %sub3A_551 = arith.subi %div3A, %sub3A : i32
        %select_n3A = arith.select %and3A_550, %sub3A_551, %div3A : i32
        %jit3A_552 = arith.constant 8 : i32
        %eq3A = arith.constant 0 : i32
        %eq3A_553 = arith.cmpi eq, %jit3A_552, %eq3A : i32
        %jit3A_554 = arith.constant 1 : i32
        %select_n3A_555 = arith.select %eq3A_553, %jit3A_554, %jit3A_552 : i32
        %rem3A_556 = arith.remsi %add3A_525, %select_n3A_555 : i32
        %ne3A_557 = arith.constant 0 : i32
        %ne3A_558 = arith.cmpi ne, %rem3A_556, %ne3A_557 : i32
        %lt3A_559 = arith.constant 0 : i32
        %lt3A_560 = arith.cmpi slt, %rem3A_556, %lt3A_559 : i32
        %lt3A_561 = arith.constant 0 : i32
        %lt3A_562 = arith.cmpi slt, %select_n3A_555, %lt3A_561 : i32
        %ne3A_563 = arith.xori %lt3A_560, %lt3A_562 : i1
        %and3A_564 = arith.andi %ne3A_563, %ne3A_558 : i1
        %add3A_565 = arith.addi %rem3A_556, %select_n3A_555 : i32
        %select_n3A_566 = arith.select %and3A_564, %add3A_565, %rem3A_556 : i32
        %mul3A_567 = arith.constant 16 : i32
        %mul3A_568 = arith.muli %select_n3A_566, %mul3A_567 : i32
        %swap3A_569 = arith.index_cast %select_n3A : i32 to index
        %swap3A_570 = arith.index_cast %mul3A_568 : i32 to index
        %swap3A_571 = tpu.vector_load %arg8[%swap3A_569, %swap3A_570] {strides = array<i32>} : memref<16x128xf32, #tpu.memory_space<vmem>>, vector<1x16xf32>,
        %swap3A_572 = vector.shape_cast %swap3A_571 : vector<1x16xf32> to vector<16xf32>
        %swap3A_573 = vector.shape_cast %get3A_534 : vector<16xf32> to vector<1x16xf32>
        tpu.vector_store %arg8[%swap3A_569, %swap3A_570], %swap3A_573 {strides = array<i32>} : memref<16x128xf32, #tpu.memory_space<vmem>>, vector<1x16xf32>,
        %mul3A_574 = arith.constant 16 : i32
        %mul3A_575 = arith.muli %scan3A_514, %mul3A_574 : i32
        %add3A_576 = arith.constant 1 : i32
        %add3A_577 = arith.addi %mul3A_575, %add3A_576 : i32
        %slice3A_578 = vector.extract_strided_slice %get3A_521 {offsets = [1], sizes = [1], strides = [1]} : vector<16xi32> to vector<1xi32>
        %squeeze3A_579 = vector.extract %slice3A_578[0] : i32 from vector<1xi32>
        %shift_right_logical3A_580 = arith.constant 17 : i32
        %shift_right_logical3A_581 = arith.shrui %squeeze3A_579, %shift_right_logical3A_580 : i32
        %mul3A_582 = arith.constant 16 : i32
        %mul3A_583 = arith.muli %shift_right_logical3A_581, %mul3A_582 : i32
        %get3A_584 = arith.constant 3 : i32
        %get3A_585 = arith.index_cast %get3A_584 : i32 to index
        %get3A_586 = arith.index_cast %add3A_577 : i32 to index
        %get3A_587 = arith.index_cast %mul3A_583 : i32 to index
        %get3A_588 = tpu.vector_load %arg7[%get3A_585, %get3A_586, %get3A_587] {strides = array<i32>} : memref<4x128x128xf32, #tpu.memory_space<vmem>>, vector<1x1x16xf32>,
        %get3A_589 = vector.shape_cast %get3A_588 : vector<1x1x16xf32> to vector<16xf32>
        %jit3A_590 = arith.constant 8 : i32
        %div3A_591 = arith.divsi %add3A_577, %jit3A_590 : i32
        %sign3A_592 = arith.constant 0 : i32
        %sign3A_593 = arith.cmpi sgt, %add3A_577, %sign3A_592 : i32
        %sign3A_594 = arith.extui %sign3A_593 : i1 to i32
        %sign3A_595 = arith.constant 0 : i32
        %sign3A_596 = arith.cmpi slt, %add3A_577, %sign3A_595 : i32
        %sign3A_597 = arith.extui %sign3A_596 : i1 to i32
        %sign3A_598 = arith.subi %sign3A_594, %sign3A_597 : i32
        %sign3A_599 = arith.constant 0 : i32
        %sign3A_600 = arith.cmpi sgt, %jit3A_590, %sign3A_599 : i32
        %sign3A_601 = arith.extui %sign3A_600 : i1 to i32
        %sign3A_602 = arith.constant 0 : i32
        %sign3A_603 = arith.cmpi slt, %jit3A_590, %sign3A_602 : i32
        %sign3A_604 = arith.extui %sign3A_603 : i1 to i32
        %sign3A_605 = arith.subi %sign3A_601, %sign3A_604 : i32
        %ne3A_606 = arith.cmpi ne, %sign3A_598, %sign3A_605 : i32
        %rem3A_607 = arith.remsi %add3A_577, %jit3A_590 : i32
        %ne3A_608 = arith.constant 0 : i32
        %ne3A_609 = arith.cmpi ne, %rem3A_607, %ne3A_608 : i32
        %and3A_610 = arith.andi %ne3A_606, %ne3A_609 : i1
        %sub3A_611 = arith.constant 1 : i32
        %sub3A_612 = arith.subi %div3A_591, %sub3A_611 : i32
        %select_n3A_613 = arith.select %and3A_610, %sub3A_612, %div3A_591 : i32
        %jit3A_614 = arith.constant 8 : i32
        %eq3A_615 = arith.constant 0 : i32
        %eq3A_616 = arith.cmpi eq, %jit3A_614, %eq3A_615 : i32
        %jit3A_617 = arith.constant 1 : i32
        %select_n3A_618 = arith.select %eq3A_616, %jit3A_617, %jit3A_614 : i32
        %rem3A_619 = arith.remsi %add3A_577, %select_n3A_618 : i32
        %ne3A_620 = arith.constant 0 : i32
        %ne3A_621 = arith.cmpi ne, %rem3A_619, %ne3A_620 : i32
        %lt3A_622 = arith.constant 0 : i32
        %lt3A_623 = arith.cmpi slt, %rem3A_619, %lt3A_622 : i32
        %lt3A_624 = arith.constant 0 : i32
        %lt3A_625 = arith.cmpi slt, %select_n3A_618, %lt3A_624 : i32
        %ne3A_626 = arith.xori %lt3A_623, %lt3A_625 : i1
        %and3A_627 = arith.andi %ne3A_626, %ne3A_621 : i1
        %add3A_628 = arith.addi %rem3A_619, %select_n3A_618 : i32
        %select_n3A_629 = arith.select %and3A_627, %add3A_628, %rem3A_619 : i32
        %mul3A_630 = arith.constant 16 : i32
        %mul3A_631 = arith.muli %select_n3A_629, %mul3A_630 : i32
        %swap3A_632 = arith.index_cast %select_n3A_613 : i32 to index
        %swap3A_633 = arith.index_cast %mul3A_631 : i32 to index
        %swap3A_634 = tpu.vector_load %arg8[%swap3A_632, %swap3A_633] {strides = array<i32>} : memref<16x128xf32, #tpu.memory_space<vmem>>, vector<1x16xf32>,
        %swap3A_635 = vector.shape_cast %swap3A_634 : vector<1x16xf32> to vector<16xf32>
        %swap3A_636 = vector.shape_cast %get3A_589 : vector<16xf32> to vector<1x16xf32>
        tpu.vector_store %arg8[%swap3A_632, %swap3A_633], %swap3A_636 {strides = array<i32>} : memref<16x128xf32, #tpu.memory_space<vmem>>, vector<1x16xf32>,
        %mul3A_637 = arith.constant 16 : i32
        %mul3A_638 = arith.muli %scan3A_514, %mul3A_637 : i32
        %add3A_639 = arith.constant 2 : i32
        %add3A_640 = arith.addi %mul3A_638, %add3A_639 : i32
        %slice3A_641 = vector.extract_strided_slice %get3A_521 {offsets = [2], sizes = [1], strides = [1]} : vector<16xi32> to vector<1xi32>
        %squeeze3A_642 = vector.extract %slice3A_641[0] : i32 from vector<1xi32>
        %shift_right_logical3A_643 = arith.constant 17 : i32
        %shift_right_logical3A_644 = arith.shrui %squeeze3A_642, %shift_right_logical3A_643 : i32
        %mul3A_645 = arith.constant 16 : i32
        %mul3A_646 = arith.muli %shift_right_logical3A_644, %mul3A_645 : i32
        %get3A_647 = arith.constant 3 : i32
        %get3A_648 = arith.index_cast %get3A_647 : i32 to index
        %get3A_649 = arith.index_cast %add3A_640 : i32 to index
        %get3A_650 = arith.index_cast %mul3A_646 : i32 to index
        %get3A_651 = tpu.vector_load %arg7[%get3A_648, %get3A_649, %get3A_650] {strides = array<i32>} : memref<4x128x128xf32, #tpu.memory_space<vmem>>, vector<1x1x16xf32>,
        %get3A_652 = vector.shape_cast %get3A_651 : vector<1x1x16xf32> to vector<16xf32>
        %jit3A_653 = arith.constant 8 : i32
        %div3A_654 = arith.divsi %add3A_640, %jit3A_653 : i32
        %sign3A_655 = arith.constant 0 : i32
        %sign3A_656 = arith.cmpi sgt, %add3A_640, %sign3A_655 : i32
        %sign3A_657 = arith.extui %sign3A_656 : i1 to i32
        %sign3A_658 = arith.constant 0 : i32
        %sign3A_659 = arith.cmpi slt, %add3A_640, %sign3A_658 : i32
        %sign3A_660 = arith.extui %sign3A_659 : i1 to i32
        %sign3A_661 = arith.subi %sign3A_657, %sign3A_660 : i32
        %sign3A_662 = arith.constant 0 : i32
        %sign3A_663 = arith.cmpi sgt, %jit3A_653, %sign3A_662 : i32
        %sign3A_664 = arith.extui %sign3A_663 : i1 to i32
        %sign3A_665 = arith.constant 0 : i32
        %sign3A_666 = arith.cmpi slt, %jit3A_653, %sign3A_665 : i32
        %sign3A_667 = arith.extui %sign3A_666 : i1 to i32
        %sign3A_668 = arith.subi %sign3A_664, %sign3A_667 : i32
        %ne3A_669 = arith.cmpi ne, %sign3A_661, %sign3A_668 : i32
        %rem3A_670 = arith.remsi %add3A_640, %jit3A_653 : i32
        %ne3A_671 = arith.constant 0 : i32
        %ne3A_672 = arith.cmpi ne, %rem3A_670, %ne3A_671 : i32
        %and3A_673 = arith.andi %ne3A_669, %ne3A_672 : i1
        %sub3A_674 = arith.constant 1 : i32
        %sub3A_675 = arith.subi %div3A_654, %sub3A_674 : i32
        %select_n3A_676 = arith.select %and3A_673, %sub3A_675, %div3A_654 : i32
        %jit3A_677 = arith.constant 8 : i32
        %eq3A_678 = arith.constant 0 : i32
        %eq3A_679 = arith.cmpi eq, %jit3A_677, %eq3A_678 : i32
        %jit3A_680 = arith.constant 1 : i32
        %select_n3A_681 = arith.select %eq3A_679, %jit3A_680, %jit3A_677 : i32
        %rem3A_682 = arith.remsi %add3A_640, %select_n3A_681 : i32
        %ne3A_683 = arith.constant 0 : i32
        %ne3A_684 = arith.cmpi ne, %rem3A_682, %ne3A_683 : i32
        %lt3A_685 = arith.constant 0 : i32
        %lt3A_686 = arith.cmpi slt, %rem3A_682, %lt3A_685 : i32
        %lt3A_687 = arith.constant 0 : i32
        %lt3A_688 = arith.cmpi slt, %select_n3A_681, %lt3A_687 : i32
        %ne3A_689 = arith.xori %lt3A_686, %lt3A_688 : i1
        %and3A_690 = arith.andi %ne3A_689, %ne3A_684 : i1
        %add3A_691 = arith.addi %rem3A_682, %select_n3A_681 : i32
        %select_n3A_692 = arith.select %and3A_690, %add3A_691, %rem3A_682 : i32
        %mul3A_693 = arith.constant 16 : i32
        %mul3A_694 = arith.muli %select_n3A_692, %mul3A_693 : i32
        %swap3A_695 = arith.index_cast %select_n3A_676 : i32 to index
        %swap3A_696 = arith.index_cast %mul3A_694 : i32 to index
        %swap3A_697 = tpu.vector_load %arg8[%swap3A_695, %swap3A_696] {strides = array<i32>} : memref<16x128xf32, #tpu.memory_space<vmem>>, vector<1x16xf32>,
        %swap3A_698 = vector.shape_cast %swap3A_697 : vector<1x16xf32> to vector<16xf32>
        %swap3A_699 = vector.shape_cast %get3A_652 : vector<16xf32> to vector<1x16xf32>
        tpu.vector_store %arg8[%swap3A_695, %swap3A_696], %swap3A_699 {strides = array<i32>} : memref<16x128xf32, #tpu.memory_space<vmem>>, vector<1x16xf32>,
        %mul3A_700 = arith.constant 16 : i32
        %mul3A_701 = arith.muli %scan3A_514, %mul3A_700 : i32
        %add3A_702 = arith.constant 3 : i32
        %add3A_703 = arith.addi %mul3A_701, %add3A_702 : i32
        %slice3A_704 = vector.extract_strided_slice %get3A_521 {offsets = [3], sizes = [1], strides = [1]} : vector<16xi32> to vector<1xi32>
        %squeeze3A_705 = vector.extract %slice3A_704[0] : i32 from vector<1xi32>
        %shift_right_logical3A_706 = arith.constant 17 : i32
        %shift_right_logical3A_707 = arith.shrui %squeeze3A_705, %shift_right_logical3A_706 : i32
        %mul3A_708 = arith.constant 16 : i32
        %mul3A_709 = arith.muli %shift_right_logical3A_707, %mul3A_708 : i32
        %get3A_710 = arith.constant 3 : i32
        %get3A_711 = arith.index_cast %get3A_710 : i32 to index
        %get3A_712 = arith.index_cast %add3A_703 : i32 to index
        %get3A_713 = arith.index_cast %mul3A_709 : i32 to index
        %get3A_714 = tpu.vector_load %arg7[%get3A_711, %get3A_712, %get3A_713] {strides = array<i32>} : memref<4x128x128xf32, #tpu.memory_space<vmem>>, vector<1x1x16xf32>,
        %get3A_715 = vector.shape_cast %get3A_714 : vector<1x1x16xf32> to vector<16xf32>
        %jit3A_716 = arith.constant 8 : i32
        %div3A_717 = arith.divsi %add3A_703, %jit3A_716 : i32
        %sign3A_718 = arith.constant 0 : i32
        %sign3A_719 = arith.cmpi sgt, %add3A_703, %sign3A_718 : i32
        %sign3A_720 = arith.extui %sign3A_719 : i1 to i32
        %sign3A_721 = arith.constant 0 : i32
        %sign3A_722 = arith.cmpi slt, %add3A_703, %sign3A_721 : i32
        %sign3A_723 = arith.extui %sign3A_722 : i1 to i32
        %sign3A_724 = arith.subi %sign3A_720, %sign3A_723 : i32
        %sign3A_725 = arith.constant 0 : i32
        %sign3A_726 = arith.cmpi sgt, %jit3A_716, %sign3A_725 : i32
        %sign3A_727 = arith.extui %sign3A_726 : i1 to i32
        %sign3A_728 = arith.constant 0 : i32
        %sign3A_729 = arith.cmpi slt, %jit3A_716, %sign3A_728 : i32
        %sign3A_730 = arith.extui %sign3A_729 : i1 to i32
        %sign3A_731 = arith.subi %sign3A_727, %sign3A_730 : i32
        %ne3A_732 = arith.cmpi ne, %sign3A_724, %sign3A_731 : i32
        %rem3A_733 = arith.remsi %add3A_703, %jit3A_716 : i32
        %ne3A_734 = arith.constant 0 : i32
        %ne3A_735 = arith.cmpi ne, %rem3A_733, %ne3A_734 : i32
        %and3A_736 = arith.andi %ne3A_732, %ne3A_735 : i1
        %sub3A_737 = arith.constant 1 : i32
        %sub3A_738 = arith.subi %div3A_717, %sub3A_737 : i32
        %select_n3A_739 = arith.select %and3A_736, %sub3A_738, %div3A_717 : i32
        %jit3A_740 = arith.constant 8 : i32
        %eq3A_741 = arith.constant 0 : i32
        %eq3A_742 = arith.cmpi eq, %jit3A_740, %eq3A_741 : i32
        %jit3A_743 = arith.constant 1 : i32
        %select_n3A_744 = arith.select %eq3A_742, %jit3A_743, %jit3A_740 : i32
        %rem3A_745 = arith.remsi %add3A_703, %select_n3A_744 : i32
        %ne3A_746 = arith.constant 0 : i32
        %ne3A_747 = arith.cmpi ne, %rem3A_745, %ne3A_746 : i32
        %lt3A_748 = arith.constant 0 : i32
        %lt3A_749 = arith.cmpi slt, %rem3A_745, %lt3A_748 : i32
        %lt3A_750 = arith.constant 0 : i32
        %lt3A_751 = arith.cmpi slt, %select_n3A_744, %lt3A_750 : i32
        %ne3A_752 = arith.xori %lt3A_749, %lt3A_751 : i1
        %and3A_753 = arith.andi %ne3A_752, %ne3A_747 : i1
        %add3A_754 = arith.addi %rem3A_745, %select_n3A_744 : i32
        %select_n3A_755 = arith.select %and3A_753, %add3A_754, %rem3A_745 : i32
        %mul3A_756 = arith.constant 16 : i32
        %mul3A_757 = arith.muli %select_n3A_755, %mul3A_756 : i32
        %swap3A_758 = arith.index_cast %select_n3A_739 : i32 to index
        %swap3A_759 = arith.index_cast %mul3A_757 : i32 to index
        %swap3A_760 = tpu.vector_load %arg8[%swap3A_758, %swap3A_759] {strides = array<i32>} : memref<16x128xf32, #tpu.memory_space<vmem>>, vector<1x16xf32>,
        %swap3A_761 = vector.shape_cast %swap3A_760 : vector<1x16xf32> to vector<16xf32>
        %swap3A_762 = vector.shape_cast %get3A_715 : vector<16xf32> to vector<1x16xf32>
        tpu.vector_store %arg8[%swap3A_758, %swap3A_759], %swap3A_762 {strides = array<i32>} : memref<16x128xf32, #tpu.memory_space<vmem>>, vector<1x16xf32>,
        %mul3A_763 = arith.constant 16 : i32
        %mul3A_764 = arith.muli %scan3A_514, %mul3A_763 : i32
        %add3A_765 = arith.constant 4 : i32
        %add3A_766 = arith.addi %mul3A_764, %add3A_765 : i32
        %slice3A_767 = vector.extract_strided_slice %get3A_521 {offsets = [4], sizes = [1], strides = [1]} : vector<16xi32> to vector<1xi32>
        %squeeze3A_768 = vector.extract %slice3A_767[0] : i32 from vector<1xi32>
        %shift_right_logical3A_769 = arith.constant 17 : i32
        %shift_right_logical3A_770 = arith.shrui %squeeze3A_768, %shift_right_logical3A_769 : i32
        %mul3A_771 = arith.constant 16 : i32
        %mul3A_772 = arith.muli %shift_right_logical3A_770, %mul3A_771 : i32
        %get3A_773 = arith.constant 3 : i32
        %get3A_774 = arith.index_cast %get3A_773 : i32 to index
        %get3A_775 = arith.index_cast %add3A_766 : i32 to index
        %get3A_776 = arith.index_cast %mul3A_772 : i32 to index
        %get3A_777 = tpu.vector_load %arg7[%get3A_774, %get3A_775, %get3A_776] {strides = array<i32>} : memref<4x128x128xf32, #tpu.memory_space<vmem>>, vector<1x1x16xf32>,
        %get3A_778 = vector.shape_cast %get3A_777 : vector<1x1x16xf32> to vector<16xf32>
        %jit3A_779 = arith.constant 8 : i32
        %div3A_780 = arith.divsi %add3A_766, %jit3A_779 : i32
        %sign3A_781 = arith.constant 0 : i32
        %sign3A_782 = arith.cmpi sgt, %add3A_766, %sign3A_781 : i32
        %sign3A_783 = arith.extui %sign3A_782 : i1 to i32
        %sign3A_784 = arith.constant 0 : i32
        %sign3A_785 = arith.cmpi slt, %add3A_766, %sign3A_784 : i32
        %sign3A_786 = arith.extui %sign3A_785 : i1 to i32
        %sign3A_787 = arith.subi %sign3A_783, %sign3A_786 : i32
        %sign3A_788 = arith.constant 0 : i32
        %sign3A_789 = arith.cmpi sgt, %jit3A_779, %sign3A_788 : i32
        %sign3A_790 = arith.extui %sign3A_789 : i1 to i32
        %sign3A_791 = arith.constant 0 : i32
        %sign3A_792 = arith.cmpi slt, %jit3A_779, %sign3A_791 : i32
        %sign3A_793 = arith.extui %sign3A_792 : i1 to i32
        %sign3A_794 = arith.subi %sign3A_790, %sign3A_793 : i32
        %ne3A_795 = arith.cmpi ne, %sign3A_787, %sign3A_794 : i32
        %rem3A_796 = arith.remsi %add3A_766, %jit3A_779 : i32
        %ne3A_797 = arith.constant 0 : i32
        %ne3A_798 = arith.cmpi ne, %rem3A_796, %ne3A_797 : i32
        %and3A_799 = arith.andi %ne3A_795, %ne3A_798 : i1
        %sub3A_800 = arith.constant 1 : i32
        %sub3A_801 = arith.subi %div3A_780, %sub3A_800 : i32
        %select_n3A_802 = arith.select %and3A_799, %sub3A_801, %div3A_780 : i32
        %jit3A_803 = arith.constant 8 : i32
        %eq3A_804 = arith.constant 0 : i32
        %eq3A_805 = arith.cmpi eq, %jit3A_803, %eq3A_804 : i32
        %jit3A_806 = arith.constant 1 : i32
        %select_n3A_807 = arith.select %eq3A_805, %jit3A_806, %jit3A_803 : i32
        %rem3A_808 = arith.remsi %add3A_766, %select_n3A_807 : i32
        %ne3A_809 = arith.constant 0 : i32
        %ne3A_810 = arith.cmpi ne, %rem3A_808, %ne3A_809 : i32
        %lt3A_811 = arith.constant 0 : i32
        %lt3A_812 = arith.cmpi slt, %rem3A_808, %lt3A_811 : i32
        %lt3A_813 = arith.constant 0 : i32
        %lt3A_814 = arith.cmpi slt, %select_n3A_807, %lt3A_813 : i32
        %ne3A_815 = arith.xori %lt3A_812, %lt3A_814 : i1
        %and3A_816 = arith.andi %ne3A_815, %ne3A_810 : i1
        %add3A_817 = arith.addi %rem3A_808, %select_n3A_807 : i32
        %select_n3A_818 = arith.select %and3A_816, %add3A_817, %rem3A_808 : i32
        %mul3A_819 = arith.constant 16 : i32
        %mul3A_820 = arith.muli %select_n3A_818, %mul3A_819 : i32
        %swap3A_821 = arith.index_cast %select_n3A_802 : i32 to index
        %swap3A_822 = arith.index_cast %mul3A_820 : i32 to index
        %swap3A_823 = tpu.vector_load %arg8[%swap3A_821, %swap3A_822] {strides = array<i32>} : memref<16x128xf32, #tpu.memory_space<vmem>>, vector<1x16xf32>,
        %swap3A_824 = vector.shape_cast %swap3A_823 : vector<1x16xf32> to vector<16xf32>
        %swap3A_825 = vector.shape_cast %get3A_778 : vector<16xf32> to vector<1x16xf32>
        tpu.vector_store %arg8[%swap3A_821, %swap3A_822], %swap3A_825 {strides = array<i32>} : memref<16x128xf32, #tpu.memory_space<vmem>>, vector<1x16xf32>,
        %mul3A_826 = arith.constant 16 : i32
        %mul3A_827 = arith.muli %scan3A_514, %mul3A_826 : i32
        %add3A_828 = arith.constant 5 : i32
        %add3A_829 = arith.addi %mul3A_827, %add3A_828 : i32
        %slice3A_830 = vector.extract_strided_slice %get3A_521 {offsets = [5], sizes = [1], strides = [1]} : vector<16xi32> to vector<1xi32>
        %squeeze3A_831 = vector.extract %slice3A_830[0] : i32 from vector<1xi32>
        %shift_right_logical3A_832 = arith.constant 17 : i32
        %shift_right_logical3A_833 = arith.shrui %squeeze3A_831, %shift_right_logical3A_832 : i32
        %mul3A_834 = arith.constant 16 : i32
        %mul3A_835 = arith.muli %shift_right_logical3A_833, %mul3A_834 : i32
        %get3A_836 = arith.constant 3 : i32
        %get3A_837 = arith.index_cast %get3A_836 : i32 to index
        %get3A_838 = arith.index_cast %add3A_829 : i32 to index
        %get3A_839 = arith.index_cast %mul3A_835 : i32 to index
        %get3A_840 = tpu.vector_load %arg7[%get3A_837, %get3A_838, %get3A_839] {strides = array<i32>} : memref<4x128x128xf32, #tpu.memory_space<vmem>>, vector<1x1x16xf32>,
        %get3A_841 = vector.shape_cast %get3A_840 : vector<1x1x16xf32> to vector<16xf32>
        %jit3A_842 = arith.constant 8 : i32
        %div3A_843 = arith.divsi %add3A_829, %jit3A_842 : i32
        %sign3A_844 = arith.constant 0 : i32
        %sign3A_845 = arith.cmpi sgt, %add3A_829, %sign3A_844 : i32
        %sign3A_846 = arith.extui %sign3A_845 : i1 to i32
        %sign3A_847 = arith.constant 0 : i32
        %sign3A_848 = arith.cmpi slt, %add3A_829, %sign3A_847 : i32
        %sign3A_849 = arith.extui %sign3A_848 : i1 to i32
        %sign3A_850 = arith.subi %sign3A_846, %sign3A_849 : i32
        %sign3A_851 = arith.constant 0 : i32
        %sign3A_852 = arith.cmpi sgt, %jit3A_842, %sign3A_851 : i32
        %sign3A_853 = arith.extui %sign3A_852 : i1 to i32
        %sign3A_854 = arith.constant 0 : i32
        %sign3A_855 = arith.cmpi slt, %jit3A_842, %sign3A_854 : i32
        %sign3A_856 = arith.extui %sign3A_855 : i1 to i32
        %sign3A_857 = arith.subi %sign3A_853, %sign3A_856 : i32
        %ne3A_858 = arith.cmpi ne, %sign3A_850, %sign3A_857 : i32
        %rem3A_859 = arith.remsi %add3A_829, %jit3A_842 : i32
        %ne3A_860 = arith.constant 0 : i32
        %ne3A_861 = arith.cmpi ne, %rem3A_859, %ne3A_860 : i32
        %and3A_862 = arith.andi %ne3A_858, %ne3A_861 : i1
        %sub3A_863 = arith.constant 1 : i32
        %sub3A_864 = arith.subi %div3A_843, %sub3A_863 : i32
        %select_n3A_865 = arith.select %and3A_862, %sub3A_864, %div3A_843 : i32
        %jit3A_866 = arith.constant 8 : i32
        %eq3A_867 = arith.constant 0 : i32
        %eq3A_868 = arith.cmpi eq, %jit3A_866, %eq3A_867 : i32
        %jit3A_869 = arith.constant 1 : i32
        %select_n3A_870 = arith.select %eq3A_868, %jit3A_869, %jit3A_866 : i32
        %rem3A_871 = arith.remsi %add3A_829, %select_n3A_870 : i32
        %ne3A_872 = arith.constant 0 : i32
        %ne3A_873 = arith.cmpi ne, %rem3A_871, %ne3A_872 : i32
        %lt3A_874 = arith.constant 0 : i32
        %lt3A_875 = arith.cmpi slt, %rem3A_871, %lt3A_874 : i32
        %lt3A_876 = arith.constant 0 : i32
        %lt3A_877 = arith.cmpi slt, %select_n3A_870, %lt3A_876 : i32
        %ne3A_878 = arith.xori %lt3A_875, %lt3A_877 : i1
        %and3A_879 = arith.andi %ne3A_878, %ne3A_873 : i1
        %add3A_880 = arith.addi %rem3A_871, %select_n3A_870 : i32
        %select_n3A_881 = arith.select %and3A_879, %add3A_880, %rem3A_871 : i32
        %mul3A_882 = arith.constant 16 : i32
        %mul3A_883 = arith.muli %select_n3A_881, %mul3A_882 : i32
        %swap3A_884 = arith.index_cast %select_n3A_865 : i32 to index
        %swap3A_885 = arith.index_cast %mul3A_883 : i32 to index
        %swap3A_886 = tpu.vector_load %arg8[%swap3A_884, %swap3A_885] {strides = array<i32>} : memref<16x128xf32, #tpu.memory_space<vmem>>, vector<1x16xf32>,
        %swap3A_887 = vector.shape_cast %swap3A_886 : vector<1x16xf32> to vector<16xf32>
        %swap3A_888 = vector.shape_cast %get3A_841 : vector<16xf32> to vector<1x16xf32>
        tpu.vector_store %arg8[%swap3A_884, %swap3A_885], %swap3A_888 {strides = array<i32>} : memref<16x128xf32, #tpu.memory_space<vmem>>, vector<1x16xf32>,
        %mul3A_889 = arith.constant 16 : i32
        %mul3A_890 = arith.muli %scan3A_514, %mul3A_889 : i32
        %add3A_891 = arith.constant 6 : i32
        %add3A_892 = arith.addi %mul3A_890, %add3A_891 : i32
        %slice3A_893 = vector.extract_strided_slice %get3A_521 {offsets = [6], sizes = [1], strides = [1]} : vector<16xi32> to vector<1xi32>
        %squeeze3A_894 = vector.extract %slice3A_893[0] : i32 from vector<1xi32>
        %shift_right_logical3A_895 = arith.constant 17 : i32
        %shift_right_logical3A_896 = arith.shrui %squeeze3A_894, %shift_right_logical3A_895 : i32
        %mul3A_897 = arith.constant 16 : i32
        %mul3A_898 = arith.muli %shift_right_logical3A_896, %mul3A_897 : i32
        %get3A_899 = arith.constant 3 : i32
        %get3A_900 = arith.index_cast %get3A_899 : i32 to index
        %get3A_901 = arith.index_cast %add3A_892 : i32 to index
        %get3A_902 = arith.index_cast %mul3A_898 : i32 to index
        %get3A_903 = tpu.vector_load %arg7[%get3A_900, %get3A_901, %get3A_902] {strides = array<i32>} : memref<4x128x128xf32, #tpu.memory_space<vmem>>, vector<1x1x16xf32>,
        %get3A_904 = vector.shape_cast %get3A_903 : vector<1x1x16xf32> to vector<16xf32>
        %jit3A_905 = arith.constant 8 : i32
        %div3A_906 = arith.divsi %add3A_892, %jit3A_905 : i32
        %sign3A_907 = arith.constant 0 : i32
        %sign3A_908 = arith.cmpi sgt, %add3A_892, %sign3A_907 : i32
        %sign3A_909 = arith.extui %sign3A_908 : i1 to i32
        %sign3A_910 = arith.constant 0 : i32
        %sign3A_911 = arith.cmpi slt, %add3A_892, %sign3A_910 : i32
        %sign3A_912 = arith.extui %sign3A_911 : i1 to i32
        %sign3A_913 = arith.subi %sign3A_909, %sign3A_912 : i32
        %sign3A_914 = arith.constant 0 : i32
        %sign3A_915 = arith.cmpi sgt, %jit3A_905, %sign3A_914 : i32
        %sign3A_916 = arith.extui %sign3A_915 : i1 to i32
        %sign3A_917 = arith.constant 0 : i32
        %sign3A_918 = arith.cmpi slt, %jit3A_905, %sign3A_917 : i32
        %sign3A_919 = arith.extui %sign3A_918 : i1 to i32
        %sign3A_920 = arith.subi %sign3A_916, %sign3A_919 : i32
        %ne3A_921 = arith.cmpi ne, %sign3A_913, %sign3A_920 : i32
        %rem3A_922 = arith.remsi %add3A_892, %jit3A_905 : i32
        %ne3A_923 = arith.constant 0 : i32
        %ne3A_924 = arith.cmpi ne, %rem3A_922, %ne3A_923 : i32
        %and3A_925 = arith.andi %ne3A_921, %ne3A_924 : i1
        %sub3A_926 = arith.constant 1 : i32
        %sub3A_927 = arith.subi %div3A_906, %sub3A_926 : i32
        %select_n3A_928 = arith.select %and3A_925, %sub3A_927, %div3A_906 : i32
        %jit3A_929 = arith.constant 8 : i32
        %eq3A_930 = arith.constant 0 : i32
        %eq3A_931 = arith.cmpi eq, %jit3A_929, %eq3A_930 : i32
        %jit3A_932 = arith.constant 1 : i32
        %select_n3A_933 = arith.select %eq3A_931, %jit3A_932, %jit3A_929 : i32
        %rem3A_934 = arith.remsi %add3A_892, %select_n3A_933 : i32
        %ne3A_935 = arith.constant 0 : i32
        %ne3A_936 = arith.cmpi ne, %rem3A_934, %ne3A_935 : i32
        %lt3A_937 = arith.constant 0 : i32
        %lt3A_938 = arith.cmpi slt, %rem3A_934, %lt3A_937 : i32
        %lt3A_939 = arith.constant 0 : i32
        %lt3A_940 = arith.cmpi slt, %select_n3A_933, %lt3A_939 : i32
        %ne3A_941 = arith.xori %lt3A_938, %lt3A_940 : i1
        %and3A_942 = arith.andi %ne3A_941, %ne3A_936 : i1
        %add3A_943 = arith.addi %rem3A_934, %select_n3A_933 : i32
        %select_n3A_944 = arith.select %and3A_942, %add3A_943, %rem3A_934 : i32
        %mul3A_945 = arith.constant 16 : i32
        %mul3A_946 = arith.muli %select_n3A_944, %mul3A_945 : i32
        %swap3A_947 = arith.index_cast %select_n3A_928 : i32 to index
        %swap3A_948 = arith.index_cast %mul3A_946 : i32 to index
        %swap3A_949 = tpu.vector_load %arg8[%swap3A_947, %swap3A_948] {strides = array<i32>} : memref<16x128xf32, #tpu.memory_space<vmem>>, vector<1x16xf32>,
        %swap3A_950 = vector.shape_cast %swap3A_949 : vector<1x16xf32> to vector<16xf32>
        %swap3A_951 = vector.shape_cast %get3A_904 : vector<16xf32> to vector<1x16xf32>
        tpu.vector_store %arg8[%swap3A_947, %swap3A_948], %swap3A_951 {strides = array<i32>} : memref<16x128xf32, #tpu.memory_space<vmem>>, vector<1x16xf32>,
        %mul3A_952 = arith.constant 16 : i32
        %mul3A_953 = arith.muli %scan3A_514, %mul3A_952 : i32
        %add3A_954 = arith.constant 7 : i32
        %add3A_955 = arith.addi %mul3A_953, %add3A_954 : i32
        %slice3A_956 = vector.extract_strided_slice %get3A_521 {offsets = [7], sizes = [1], strides = [1]} : vector<16xi32> to vector<1xi32>
        %squeeze3A_957 = vector.extract %slice3A_956[0] : i32 from vector<1xi32>
        %shift_right_logical3A_958 = arith.constant 17 : i32
        %shift_right_logical3A_959 = arith.shrui %squeeze3A_957, %shift_right_logical3A_958 : i32
        %mul3A_960 = arith.constant 16 : i32
        %mul3A_961 = arith.muli %shift_right_logical3A_959, %mul3A_960 : i32
        %get3A_962 = arith.constant 3 : i32
        %get3A_963 = arith.index_cast %get3A_962 : i32 to index
        %get3A_964 = arith.index_cast %add3A_955 : i32 to index
        %get3A_965 = arith.index_cast %mul3A_961 : i32 to index
        %get3A_966 = tpu.vector_load %arg7[%get3A_963, %get3A_964, %get3A_965] {strides = array<i32>} : memref<4x128x128xf32, #tpu.memory_space<vmem>>, vector<1x1x16xf32>,
        %get3A_967 = vector.shape_cast %get3A_966 : vector<1x1x16xf32> to vector<16xf32>
        %jit3A_968 = arith.constant 8 : i32
        %div3A_969 = arith.divsi %add3A_955, %jit3A_968 : i32
        %sign3A_970 = arith.constant 0 : i32
        %sign3A_971 = arith.cmpi sgt, %add3A_955, %sign3A_970 : i32
        %sign3A_972 = arith.extui %sign3A_971 : i1 to i32
        %sign3A_973 = arith.constant 0 : i32
        %sign3A_974 = arith.cmpi slt, %add3A_955, %sign3A_973 : i32
        %sign3A_975 = arith.extui %sign3A_974 : i1 to i32
        %sign3A_976 = arith.subi %sign3A_972, %sign3A_975 : i32
        %sign3A_977 = arith.constant 0 : i32
        %sign3A_978 = arith.cmpi sgt, %jit3A_968, %sign3A_977 : i32
        %sign3A_979 = arith.extui %sign3A_978 : i1 to i32
        %sign3A_980 = arith.constant 0 : i32
        %sign3A_981 = arith.cmpi slt, %jit3A_968, %sign3A_980 : i32
        %sign3A_982 = arith.extui %sign3A_981 : i1 to i32
        %sign3A_983 = arith.subi %sign3A_979, %sign3A_982 : i32
        %ne3A_984 = arith.cmpi ne, %sign3A_976, %sign3A_983 : i32
        %rem3A_985 = arith.remsi %add3A_955, %jit3A_968 : i32
        %ne3A_986 = arith.constant 0 : i32
        %ne3A_987 = arith.cmpi ne, %rem3A_985, %ne3A_986 : i32
        %and3A_988 = arith.andi %ne3A_984, %ne3A_987 : i1
        %sub3A_989 = arith.constant 1 : i32
        %sub3A_990 = arith.subi %div3A_969, %sub3A_989 : i32
        %select_n3A_991 = arith.select %and3A_988, %sub3A_990, %div3A_969 : i32
        %jit3A_992 = arith.constant 8 : i32
        %eq3A_993 = arith.constant 0 : i32
        %eq3A_994 = arith.cmpi eq, %jit3A_992, %eq3A_993 : i32
        %jit3A_995 = arith.constant 1 : i32
        %select_n3A_996 = arith.select %eq3A_994, %jit3A_995, %jit3A_992 : i32
        %rem3A_997 = arith.remsi %add3A_955, %select_n3A_996 : i32
        %ne3A_998 = arith.constant 0 : i32
        %ne3A_999 = arith.cmpi ne, %rem3A_997, %ne3A_998 : i32
        %lt3A_1000 = arith.constant 0 : i32
        %lt3A_1001 = arith.cmpi slt, %rem3A_997, %lt3A_1000 : i32
        %lt3A_1002 = arith.constant 0 : i32
        %lt3A_1003 = arith.cmpi slt, %select_n3A_996, %lt3A_1002 : i32
        %ne3A_1004 = arith.xori %lt3A_1001, %lt3A_1003 : i1
        %and3A_1005 = arith.andi %ne3A_1004, %ne3A_999 : i1
        %add3A_1006 = arith.addi %rem3A_997, %select_n3A_996 : i32
        %select_n3A_1007 = arith.select %and3A_1005, %add3A_1006, %rem3A_997 : i32
        %mul3A_1008 = arith.constant 16 : i32
        %mul3A_1009 = arith.muli %select_n3A_1007, %mul3A_1008 : i32
        %swap3A_1010 = arith.index_cast %select_n3A_991 : i32 to index
        %swap3A_1011 = arith.index_cast %mul3A_1009 : i32 to index
        %swap3A_1012 = tpu.vector_load %arg8[%swap3A_1010, %swap3A_1011] {strides = array<i32>} : memref<16x128xf32, #tpu.memory_space<vmem>>, vector<1x16xf32>,
        %swap3A_1013 = vector.shape_cast %swap3A_1012 : vector<1x16xf32> to vector<16xf32>
        %swap3A_1014 = vector.shape_cast %get3A_967 : vector<16xf32> to vector<1x16xf32>
        tpu.vector_store %arg8[%swap3A_1010, %swap3A_1011], %swap3A_1014 {strides = array<i32>} : memref<16x128xf32, #tpu.memory_space<vmem>>, vector<1x16xf32>,
        %mul3A_1015 = arith.constant 16 : i32
        %mul3A_1016 = arith.muli %scan3A_514, %mul3A_1015 : i32
        %add3A_1017 = arith.constant 8 : i32
        %add3A_1018 = arith.addi %mul3A_1016, %add3A_1017 : i32
        %slice3A_1019 = vector.extract_strided_slice %get3A_521 {offsets = [8], sizes = [1], strides = [1]} : vector<16xi32> to vector<1xi32>
        %squeeze3A_1020 = vector.extract %slice3A_1019[0] : i32 from vector<1xi32>
        %shift_right_logical3A_1021 = arith.constant 17 : i32
        %shift_right_logical3A_1022 = arith.shrui %squeeze3A_1020, %shift_right_logical3A_1021 : i32
        %mul3A_1023 = arith.constant 16 : i32
        %mul3A_1024 = arith.muli %shift_right_logical3A_1022, %mul3A_1023 : i32
        %get3A_1025 = arith.constant 3 : i32
        %get3A_1026 = arith.index_cast %get3A_1025 : i32 to index
        %get3A_1027 = arith.index_cast %add3A_1018 : i32 to index
        %get3A_1028 = arith.index_cast %mul3A_1024 : i32 to index
        %get3A_1029 = tpu.vector_load %arg7[%get3A_1026, %get3A_1027, %get3A_1028] {strides = array<i32>} : memref<4x128x128xf32, #tpu.memory_space<vmem>>, vector<1x1x16xf32>,
        %get3A_1030 = vector.shape_cast %get3A_1029 : vector<1x1x16xf32> to vector<16xf32>
        %jit3A_1031 = arith.constant 8 : i32
        %div3A_1032 = arith.divsi %add3A_1018, %jit3A_1031 : i32
        %sign3A_1033 = arith.constant 0 : i32
        %sign3A_1034 = arith.cmpi sgt, %add3A_1018, %sign3A_1033 : i32
        %sign3A_1035 = arith.extui %sign3A_1034 : i1 to i32
        %sign3A_1036 = arith.constant 0 : i32
        %sign3A_1037 = arith.cmpi slt, %add3A_1018, %sign3A_1036 : i32
        %sign3A_1038 = arith.extui %sign3A_1037 : i1 to i32
        %sign3A_1039 = arith.subi %sign3A_1035, %sign3A_1038 : i32
        %sign3A_1040 = arith.constant 0 : i32
        %sign3A_1041 = arith.cmpi sgt, %jit3A_1031, %sign3A_1040 : i32
        %sign3A_1042 = arith.extui %sign3A_1041 : i1 to i32
        %sign3A_1043 = arith.constant 0 : i32
        %sign3A_1044 = arith.cmpi slt, %jit3A_1031, %sign3A_1043 : i32
        %sign3A_1045 = arith.extui %sign3A_1044 : i1 to i32
        %sign3A_1046 = arith.subi %sign3A_1042, %sign3A_1045 : i32
        %ne3A_1047 = arith.cmpi ne, %sign3A_1039, %sign3A_1046 : i32
        %rem3A_1048 = arith.remsi %add3A_1018, %jit3A_1031 : i32
        %ne3A_1049 = arith.constant 0 : i32
        %ne3A_1050 = arith.cmpi ne, %rem3A_1048, %ne3A_1049 : i32
        %and3A_1051 = arith.andi %ne3A_1047, %ne3A_1050 : i1
        %sub3A_1052 = arith.constant 1 : i32
        %sub3A_1053 = arith.subi %div3A_1032, %sub3A_1052 : i32
        %select_n3A_1054 = arith.select %and3A_1051, %sub3A_1053, %div3A_1032 : i32
        %jit3A_1055 = arith.constant 8 : i32
        %eq3A_1056 = arith.constant 0 : i32
        %eq3A_1057 = arith.cmpi eq, %jit3A_1055, %eq3A_1056 : i32
        %jit3A_1058 = arith.constant 1 : i32
        %select_n3A_1059 = arith.select %eq3A_1057, %jit3A_1058, %jit3A_1055 : i32
        %rem3A_1060 = arith.remsi %add3A_1018, %select_n3A_1059 : i32
        %ne3A_1061 = arith.constant 0 : i32
        %ne3A_1062 = arith.cmpi ne, %rem3A_1060, %ne3A_1061 : i32
        %lt3A_1063 = arith.constant 0 : i32
        %lt3A_1064 = arith.cmpi slt, %rem3A_1060, %lt3A_1063 : i32
        %lt3A_1065 = arith.constant 0 : i32
        %lt3A_1066 = arith.cmpi slt, %select_n3A_1059, %lt3A_1065 : i32
        %ne3A_1067 = arith.xori %lt3A_1064, %lt3A_1066 : i1
        %and3A_1068 = arith.andi %ne3A_1067, %ne3A_1062 : i1
        %add3A_1069 = arith.addi %rem3A_1060, %select_n3A_1059 : i32
        %select_n3A_1070 = arith.select %and3A_1068, %add3A_1069, %rem3A_1060 : i32
        %mul3A_1071 = arith.constant 16 : i32
        %mul3A_1072 = arith.muli %select_n3A_1070, %mul3A_1071 : i32
        %swap3A_1073 = arith.index_cast %select_n3A_1054 : i32 to index
        %swap3A_1074 = arith.index_cast %mul3A_1072 : i32 to index
        %swap3A_1075 = tpu.vector_load %arg8[%swap3A_1073, %swap3A_1074] {strides = array<i32>} : memref<16x128xf32, #tpu.memory_space<vmem>>, vector<1x16xf32>,
        %swap3A_1076 = vector.shape_cast %swap3A_1075 : vector<1x16xf32> to vector<16xf32>
        %swap3A_1077 = vector.shape_cast %get3A_1030 : vector<16xf32> to vector<1x16xf32>
        tpu.vector_store %arg8[%swap3A_1073, %swap3A_1074], %swap3A_1077 {strides = array<i32>} : memref<16x128xf32, #tpu.memory_space<vmem>>, vector<1x16xf32>,
        %mul3A_1078 = arith.constant 16 : i32
        %mul3A_1079 = arith.muli %scan3A_514, %mul3A_1078 : i32
        %add3A_1080 = arith.constant 9 : i32
        %add3A_1081 = arith.addi %mul3A_1079, %add3A_1080 : i32
        %slice3A_1082 = vector.extract_strided_slice %get3A_521 {offsets = [9], sizes = [1], strides = [1]} : vector<16xi32> to vector<1xi32>
        %squeeze3A_1083 = vector.extract %slice3A_1082[0] : i32 from vector<1xi32>
        %shift_right_logical3A_1084 = arith.constant 17 : i32
        %shift_right_logical3A_1085 = arith.shrui %squeeze3A_1083, %shift_right_logical3A_1084 : i32
        %mul3A_1086 = arith.constant 16 : i32
        %mul3A_1087 = arith.muli %shift_right_logical3A_1085, %mul3A_1086 : i32
        %get3A_1088 = arith.constant 3 : i32
        %get3A_1089 = arith.index_cast %get3A_1088 : i32 to index
        %get3A_1090 = arith.index_cast %add3A_1081 : i32 to index
        %get3A_1091 = arith.index_cast %mul3A_1087 : i32 to index
        %get3A_1092 = tpu.vector_load %arg7[%get3A_1089, %get3A_1090, %get3A_1091] {strides = array<i32>} : memref<4x128x128xf32, #tpu.memory_space<vmem>>, vector<1x1x16xf32>,
        %get3A_1093 = vector.shape_cast %get3A_1092 : vector<1x1x16xf32> to vector<16xf32>
        %jit3A_1094 = arith.constant 8 : i32
        %div3A_1095 = arith.divsi %add3A_1081, %jit3A_1094 : i32
        %sign3A_1096 = arith.constant 0 : i32
        %sign3A_1097 = arith.cmpi sgt, %add3A_1081, %sign3A_1096 : i32
        %sign3A_1098 = arith.extui %sign3A_1097 : i1 to i32
        %sign3A_1099 = arith.constant 0 : i32
        %sign3A_1100 = arith.cmpi slt, %add3A_1081, %sign3A_1099 : i32
        %sign3A_1101 = arith.extui %sign3A_1100 : i1 to i32
        %sign3A_1102 = arith.subi %sign3A_1098, %sign3A_1101 : i32
        %sign3A_1103 = arith.constant 0 : i32
        %sign3A_1104 = arith.cmpi sgt, %jit3A_1094, %sign3A_1103 : i32
        %sign3A_1105 = arith.extui %sign3A_1104 : i1 to i32
        %sign3A_1106 = arith.constant 0 : i32
        %sign3A_1107 = arith.cmpi slt, %jit3A_1094, %sign3A_1106 : i32
        %sign3A_1108 = arith.extui %sign3A_1107 : i1 to i32
        %sign3A_1109 = arith.subi %sign3A_1105, %sign3A_1108 : i32
        %ne3A_1110 = arith.cmpi ne, %sign3A_1102, %sign3A_1109 : i32
        %rem3A_1111 = arith.remsi %add3A_1081, %jit3A_1094 : i32
        %ne3A_1112 = arith.constant 0 : i32
        %ne3A_1113 = arith.cmpi ne, %rem3A_1111, %ne3A_1112 : i32
        %and3A_1114 = arith.andi %ne3A_1110, %ne3A_1113 : i1
        %sub3A_1115 = arith.constant 1 : i32
        %sub3A_1116 = arith.subi %div3A_1095, %sub3A_1115 : i32
        %select_n3A_1117 = arith.select %and3A_1114, %sub3A_1116, %div3A_1095 : i32
        %jit3A_1118 = arith.constant 8 : i32
        %eq3A_1119 = arith.constant 0 : i32
        %eq3A_1120 = arith.cmpi eq, %jit3A_1118, %eq3A_1119 : i32
        %jit3A_1121 = arith.constant 1 : i32
        %select_n3A_1122 = arith.select %eq3A_1120, %jit3A_1121, %jit3A_1118 : i32
        %rem3A_1123 = arith.remsi %add3A_1081, %select_n3A_1122 : i32
        %ne3A_1124 = arith.constant 0 : i32
        %ne3A_1125 = arith.cmpi ne, %rem3A_1123, %ne3A_1124 : i32
        %lt3A_1126 = arith.constant 0 : i32
        %lt3A_1127 = arith.cmpi slt, %rem3A_1123, %lt3A_1126 : i32
        %lt3A_1128 = arith.constant 0 : i32
        %lt3A_1129 = arith.cmpi slt, %select_n3A_1122, %lt3A_1128 : i32
        %ne3A_1130 = arith.xori %lt3A_1127, %lt3A_1129 : i1
        %and3A_1131 = arith.andi %ne3A_1130, %ne3A_1125 : i1
        %add3A_1132 = arith.addi %rem3A_1123, %select_n3A_1122 : i32
        %select_n3A_1133 = arith.select %and3A_1131, %add3A_1132, %rem3A_1123 : i32
        %mul3A_1134 = arith.constant 16 : i32
        %mul3A_1135 = arith.muli %select_n3A_1133, %mul3A_1134 : i32
        %swap3A_1136 = arith.index_cast %select_n3A_1117 : i32 to index
        %swap3A_1137 = arith.index_cast %mul3A_1135 : i32 to index
        %swap3A_1138 = tpu.vector_load %arg8[%swap3A_1136, %swap3A_1137] {strides = array<i32>} : memref<16x128xf32, #tpu.memory_space<vmem>>, vector<1x16xf32>,
        %swap3A_1139 = vector.shape_cast %swap3A_1138 : vector<1x16xf32> to vector<16xf32>
        %swap3A_1140 = vector.shape_cast %get3A_1093 : vector<16xf32> to vector<1x16xf32>
        tpu.vector_store %arg8[%swap3A_1136, %swap3A_1137], %swap3A_1140 {strides = array<i32>} : memref<16x128xf32, #tpu.memory_space<vmem>>, vector<1x16xf32>,
        %mul3A_1141 = arith.constant 16 : i32
        %mul3A_1142 = arith.muli %scan3A_514, %mul3A_1141 : i32
        %add3A_1143 = arith.constant 10 : i32
        %add3A_1144 = arith.addi %mul3A_1142, %add3A_1143 : i32
        %slice3A_1145 = vector.extract_strided_slice %get3A_521 {offsets = [10], sizes = [1], strides = [1]} : vector<16xi32> to vector<1xi32>
        %squeeze3A_1146 = vector.extract %slice3A_1145[0] : i32 from vector<1xi32>
        %shift_right_logical3A_1147 = arith.constant 17 : i32
        %shift_right_logical3A_1148 = arith.shrui %squeeze3A_1146, %shift_right_logical3A_1147 : i32
        %mul3A_1149 = arith.constant 16 : i32
        %mul3A_1150 = arith.muli %shift_right_logical3A_1148, %mul3A_1149 : i32
        %get3A_1151 = arith.constant 3 : i32
        %get3A_1152 = arith.index_cast %get3A_1151 : i32 to index
        %get3A_1153 = arith.index_cast %add3A_1144 : i32 to index
        %get3A_1154 = arith.index_cast %mul3A_1150 : i32 to index
        %get3A_1155 = tpu.vector_load %arg7[%get3A_1152, %get3A_1153, %get3A_1154] {strides = array<i32>} : memref<4x128x128xf32, #tpu.memory_space<vmem>>, vector<1x1x16xf32>,
        %get3A_1156 = vector.shape_cast %get3A_1155 : vector<1x1x16xf32> to vector<16xf32>
        %jit3A_1157 = arith.constant 8 : i32
        %div3A_1158 = arith.divsi %add3A_1144, %jit3A_1157 : i32
        %sign3A_1159 = arith.constant 0 : i32
        %sign3A_1160 = arith.cmpi sgt, %add3A_1144, %sign3A_1159 : i32
        %sign3A_1161 = arith.extui %sign3A_1160 : i1 to i32
        %sign3A_1162 = arith.constant 0 : i32
        %sign3A_1163 = arith.cmpi slt, %add3A_1144, %sign3A_1162 : i32
        %sign3A_1164 = arith.extui %sign3A_1163 : i1 to i32
        %sign3A_1165 = arith.subi %sign3A_1161, %sign3A_1164 : i32
        %sign3A_1166 = arith.constant 0 : i32
        %sign3A_1167 = arith.cmpi sgt, %jit3A_1157, %sign3A_1166 : i32
        %sign3A_1168 = arith.extui %sign3A_1167 : i1 to i32
        %sign3A_1169 = arith.constant 0 : i32
        %sign3A_1170 = arith.cmpi slt, %jit3A_1157, %sign3A_1169 : i32
        %sign3A_1171 = arith.extui %sign3A_1170 : i1 to i32
        %sign3A_1172 = arith.subi %sign3A_1168, %sign3A_1171 : i32
        %ne3A_1173 = arith.cmpi ne, %sign3A_1165, %sign3A_1172 : i32
        %rem3A_1174 = arith.remsi %add3A_1144, %jit3A_1157 : i32
        %ne3A_1175 = arith.constant 0 : i32
        %ne3A_1176 = arith.cmpi ne, %rem3A_1174, %ne3A_1175 : i32
        %and3A_1177 = arith.andi %ne3A_1173, %ne3A_1176 : i1
        %sub3A_1178 = arith.constant 1 : i32
        %sub3A_1179 = arith.subi %div3A_1158, %sub3A_1178 : i32
        %select_n3A_1180 = arith.select %and3A_1177, %sub3A_1179, %div3A_1158 : i32
        %jit3A_1181 = arith.constant 8 : i32
        %eq3A_1182 = arith.constant 0 : i32
        %eq3A_1183 = arith.cmpi eq, %jit3A_1181, %eq3A_1182 : i32
        %jit3A_1184 = arith.constant 1 : i32
        %select_n3A_1185 = arith.select %eq3A_1183, %jit3A_1184, %jit3A_1181 : i32
        %rem3A_1186 = arith.remsi %add3A_1144, %select_n3A_1185 : i32
        %ne3A_1187 = arith.constant 0 : i32
        %ne3A_1188 = arith.cmpi ne, %rem3A_1186, %ne3A_1187 : i32
        %lt3A_1189 = arith.constant 0 : i32
        %lt3A_1190 = arith.cmpi slt, %rem3A_1186, %lt3A_1189 : i32
        %lt3A_1191 = arith.constant 0 : i32
        %lt3A_1192 = arith.cmpi slt, %select_n3A_1185, %lt3A_1191 : i32
        %ne3A_1193 = arith.xori %lt3A_1190, %lt3A_1192 : i1
        %and3A_1194 = arith.andi %ne3A_1193, %ne3A_1188 : i1
        %add3A_1195 = arith.addi %rem3A_1186, %select_n3A_1185 : i32
        %select_n3A_1196 = arith.select %and3A_1194, %add3A_1195, %rem3A_1186 : i32
        %mul3A_1197 = arith.constant 16 : i32
        %mul3A_1198 = arith.muli %select_n3A_1196, %mul3A_1197 : i32
        %swap3A_1199 = arith.index_cast %select_n3A_1180 : i32 to index
        %swap3A_1200 = arith.index_cast %mul3A_1198 : i32 to index
        %swap3A_1201 = tpu.vector_load %arg8[%swap3A_1199, %swap3A_1200] {strides = array<i32>} : memref<16x128xf32, #tpu.memory_space<vmem>>, vector<1x16xf32>,
        %swap3A_1202 = vector.shape_cast %swap3A_1201 : vector<1x16xf32> to vector<16xf32>
        %swap3A_1203 = vector.shape_cast %get3A_1156 : vector<16xf32> to vector<1x16xf32>
        tpu.vector_store %arg8[%swap3A_1199, %swap3A_1200], %swap3A_1203 {strides = array<i32>} : memref<16x128xf32, #tpu.memory_space<vmem>>, vector<1x16xf32>,
        %mul3A_1204 = arith.constant 16 : i32
        %mul3A_1205 = arith.muli %scan3A_514, %mul3A_1204 : i32
        %add3A_1206 = arith.constant 11 : i32
        %add3A_1207 = arith.addi %mul3A_1205, %add3A_1206 : i32
        %slice3A_1208 = vector.extract_strided_slice %get3A_521 {offsets = [11], sizes = [1], strides = [1]} : vector<16xi32> to vector<1xi32>
        %squeeze3A_1209 = vector.extract %slice3A_1208[0] : i32 from vector<1xi32>
        %shift_right_logical3A_1210 = arith.constant 17 : i32
        %shift_right_logical3A_1211 = arith.shrui %squeeze3A_1209, %shift_right_logical3A_1210 : i32
        %mul3A_1212 = arith.constant 16 : i32
        %mul3A_1213 = arith.muli %shift_right_logical3A_1211, %mul3A_1212 : i32
        %get3A_1214 = arith.constant 3 : i32
        %get3A_1215 = arith.index_cast %get3A_1214 : i32 to index
        %get3A_1216 = arith.index_cast %add3A_1207 : i32 to index
        %get3A_1217 = arith.index_cast %mul3A_1213 : i32 to index
        %get3A_1218 = tpu.vector_load %arg7[%get3A_1215, %get3A_1216, %get3A_1217] {strides = array<i32>} : memref<4x128x128xf32, #tpu.memory_space<vmem>>, vector<1x1x16xf32>,
        %get3A_1219 = vector.shape_cast %get3A_1218 : vector<1x1x16xf32> to vector<16xf32>
        %jit3A_1220 = arith.constant 8 : i32
        %div3A_1221 = arith.divsi %add3A_1207, %jit3A_1220 : i32
        %sign3A_1222 = arith.constant 0 : i32
        %sign3A_1223 = arith.cmpi sgt, %add3A_1207, %sign3A_1222 : i32
        %sign3A_1224 = arith.extui %sign3A_1223 : i1 to i32
        %sign3A_1225 = arith.constant 0 : i32
        %sign3A_1226 = arith.cmpi slt, %add3A_1207, %sign3A_1225 : i32
        %sign3A_1227 = arith.extui %sign3A_1226 : i1 to i32
        %sign3A_1228 = arith.subi %sign3A_1224, %sign3A_1227 : i32
        %sign3A_1229 = arith.constant 0 : i32
        %sign3A_1230 = arith.cmpi sgt, %jit3A_1220, %sign3A_1229 : i32
        %sign3A_1231 = arith.extui %sign3A_1230 : i1 to i32
        %sign3A_1232 = arith.constant 0 : i32
        %sign3A_1233 = arith.cmpi slt, %jit3A_1220, %sign3A_1232 : i32
        %sign3A_1234 = arith.extui %sign3A_1233 : i1 to i32
        %sign3A_1235 = arith.subi %sign3A_1231, %sign3A_1234 : i32
        %ne3A_1236 = arith.cmpi ne, %sign3A_1228, %sign3A_1235 : i32
        %rem3A_1237 = arith.remsi %add3A_1207, %jit3A_1220 : i32
        %ne3A_1238 = arith.constant 0 : i32
        %ne3A_1239 = arith.cmpi ne, %rem3A_1237, %ne3A_1238 : i32
        %and3A_1240 = arith.andi %ne3A_1236, %ne3A_1239 : i1
        %sub3A_1241 = arith.constant 1 : i32
        %sub3A_1242 = arith.subi %div3A_1221, %sub3A_1241 : i32
        %select_n3A_1243 = arith.select %and3A_1240, %sub3A_1242, %div3A_1221 : i32
        %jit3A_1244 = arith.constant 8 : i32
        %eq3A_1245 = arith.constant 0 : i32
        %eq3A_1246 = arith.cmpi eq, %jit3A_1244, %eq3A_1245 : i32
        %jit3A_1247 = arith.constant 1 : i32
        %select_n3A_1248 = arith.select %eq3A_1246, %jit3A_1247, %jit3A_1244 : i32
        %rem3A_1249 = arith.remsi %add3A_1207, %select_n3A_1248 : i32
        %ne3A_1250 = arith.constant 0 : i32
        %ne3A_1251 = arith.cmpi ne, %rem3A_1249, %ne3A_1250 : i32
        %lt3A_1252 = arith.constant 0 : i32
        %lt3A_1253 = arith.cmpi slt, %rem3A_1249, %lt3A_1252 : i32
        %lt3A_1254 = arith.constant 0 : i32
        %lt3A_1255 = arith.cmpi slt, %select_n3A_1248, %lt3A_1254 : i32
        %ne3A_1256 = arith.xori %lt3A_1253, %lt3A_1255 : i1
        %and3A_1257 = arith.andi %ne3A_1256, %ne3A_1251 : i1
        %add3A_1258 = arith.addi %rem3A_1249, %select_n3A_1248 : i32
        %select_n3A_1259 = arith.select %and3A_1257, %add3A_1258, %rem3A_1249 : i32
        %mul3A_1260 = arith.constant 16 : i32
        %mul3A_1261 = arith.muli %select_n3A_1259, %mul3A_1260 : i32
        %swap3A_1262 = arith.index_cast %select_n3A_1243 : i32 to index
        %swap3A_1263 = arith.index_cast %mul3A_1261 : i32 to index
        %swap3A_1264 = tpu.vector_load %arg8[%swap3A_1262, %swap3A_1263] {strides = array<i32>} : memref<16x128xf32, #tpu.memory_space<vmem>>, vector<1x16xf32>,
        %swap3A_1265 = vector.shape_cast %swap3A_1264 : vector<1x16xf32> to vector<16xf32>
        %swap3A_1266 = vector.shape_cast %get3A_1219 : vector<16xf32> to vector<1x16xf32>
        tpu.vector_store %arg8[%swap3A_1262, %swap3A_1263], %swap3A_1266 {strides = array<i32>} : memref<16x128xf32, #tpu.memory_space<vmem>>, vector<1x16xf32>,
        %mul3A_1267 = arith.constant 16 : i32
        %mul3A_1268 = arith.muli %scan3A_514, %mul3A_1267 : i32
        %add3A_1269 = arith.constant 12 : i32
        %add3A_1270 = arith.addi %mul3A_1268, %add3A_1269 : i32
        %slice3A_1271 = vector.extract_strided_slice %get3A_521 {offsets = [12], sizes = [1], strides = [1]} : vector<16xi32> to vector<1xi32>
        %squeeze3A_1272 = vector.extract %slice3A_1271[0] : i32 from vector<1xi32>
        %shift_right_logical3A_1273 = arith.constant 17 : i32
        %shift_right_logical3A_1274 = arith.shrui %squeeze3A_1272, %shift_right_logical3A_1273 : i32
        %mul3A_1275 = arith.constant 16 : i32
        %mul3A_1276 = arith.muli %shift_right_logical3A_1274, %mul3A_1275 : i32
        %get3A_1277 = arith.constant 3 : i32
        %get3A_1278 = arith.index_cast %get3A_1277 : i32 to index
        %get3A_1279 = arith.index_cast %add3A_1270 : i32 to index
        %get3A_1280 = arith.index_cast %mul3A_1276 : i32 to index
        %get3A_1281 = tpu.vector_load %arg7[%get3A_1278, %get3A_1279, %get3A_1280] {strides = array<i32>} : memref<4x128x128xf32, #tpu.memory_space<vmem>>, vector<1x1x16xf32>,
        %get3A_1282 = vector.shape_cast %get3A_1281 : vector<1x1x16xf32> to vector<16xf32>
        %jit3A_1283 = arith.constant 8 : i32
        %div3A_1284 = arith.divsi %add3A_1270, %jit3A_1283 : i32
        %sign3A_1285 = arith.constant 0 : i32
        %sign3A_1286 = arith.cmpi sgt, %add3A_1270, %sign3A_1285 : i32
        %sign3A_1287 = arith.extui %sign3A_1286 : i1 to i32
        %sign3A_1288 = arith.constant 0 : i32
        %sign3A_1289 = arith.cmpi slt, %add3A_1270, %sign3A_1288 : i32
        %sign3A_1290 = arith.extui %sign3A_1289 : i1 to i32
        %sign3A_1291 = arith.subi %sign3A_1287, %sign3A_1290 : i32
        %sign3A_1292 = arith.constant 0 : i32
        %sign3A_1293 = arith.cmpi sgt, %jit3A_1283, %sign3A_1292 : i32
        %sign3A_1294 = arith.extui %sign3A_1293 : i1 to i32
        %sign3A_1295 = arith.constant 0 : i32
        %sign3A_1296 = arith.cmpi slt, %jit3A_1283, %sign3A_1295 : i32
        %sign3A_1297 = arith.extui %sign3A_1296 : i1 to i32
        %sign3A_1298 = arith.subi %sign3A_1294, %sign3A_1297 : i32
        %ne3A_1299 = arith.cmpi ne, %sign3A_1291, %sign3A_1298 : i32
        %rem3A_1300 = arith.remsi %add3A_1270, %jit3A_1283 : i32
        %ne3A_1301 = arith.constant 0 : i32
        %ne3A_1302 = arith.cmpi ne, %rem3A_1300, %ne3A_1301 : i32
        %and3A_1303 = arith.andi %ne3A_1299, %ne3A_1302 : i1
        %sub3A_1304 = arith.constant 1 : i32
        %sub3A_1305 = arith.subi %div3A_1284, %sub3A_1304 : i32
        %select_n3A_1306 = arith.select %and3A_1303, %sub3A_1305, %div3A_1284 : i32
        %jit3A_1307 = arith.constant 8 : i32
        %eq3A_1308 = arith.constant 0 : i32
        %eq3A_1309 = arith.cmpi eq, %jit3A_1307, %eq3A_1308 : i32
        %jit3A_1310 = arith.constant 1 : i32
        %select_n3A_1311 = arith.select %eq3A_1309, %jit3A_1310, %jit3A_1307 : i32
        %rem3A_1312 = arith.remsi %add3A_1270, %select_n3A_1311 : i32
        %ne3A_1313 = arith.constant 0 : i32
        %ne3A_1314 = arith.cmpi ne, %rem3A_1312, %ne3A_1313 : i32
        %lt3A_1315 = arith.constant 0 : i32
        %lt3A_1316 = arith.cmpi slt, %rem3A_1312, %lt3A_1315 : i32
        %lt3A_1317 = arith.constant 0 : i32
        %lt3A_1318 = arith.cmpi slt, %select_n3A_1311, %lt3A_1317 : i32
        %ne3A_1319 = arith.xori %lt3A_1316, %lt3A_1318 : i1
        %and3A_1320 = arith.andi %ne3A_1319, %ne3A_1314 : i1
        %add3A_1321 = arith.addi %rem3A_1312, %select_n3A_1311 : i32
        %select_n3A_1322 = arith.select %and3A_1320, %add3A_1321, %rem3A_1312 : i32
        %mul3A_1323 = arith.constant 16 : i32
        %mul3A_1324 = arith.muli %select_n3A_1322, %mul3A_1323 : i32
        %swap3A_1325 = arith.index_cast %select_n3A_1306 : i32 to index
        %swap3A_1326 = arith.index_cast %mul3A_1324 : i32 to index
        %swap3A_1327 = tpu.vector_load %arg8[%swap3A_1325, %swap3A_1326] {strides = array<i32>} : memref<16x128xf32, #tpu.memory_space<vmem>>, vector<1x16xf32>,
        %swap3A_1328 = vector.shape_cast %swap3A_1327 : vector<1x16xf32> to vector<16xf32>
        %swap3A_1329 = vector.shape_cast %get3A_1282 : vector<16xf32> to vector<1x16xf32>
        tpu.vector_store %arg8[%swap3A_1325, %swap3A_1326], %swap3A_1329 {strides = array<i32>} : memref<16x128xf32, #tpu.memory_space<vmem>>, vector<1x16xf32>,
        %mul3A_1330 = arith.constant 16 : i32
        %mul3A_1331 = arith.muli %scan3A_514, %mul3A_1330 : i32
        %add3A_1332 = arith.constant 13 : i32
        %add3A_1333 = arith.addi %mul3A_1331, %add3A_1332 : i32
        %slice3A_1334 = vector.extract_strided_slice %get3A_521 {offsets = [13], sizes = [1], strides = [1]} : vector<16xi32> to vector<1xi32>
        %squeeze3A_1335 = vector.extract %slice3A_1334[0] : i32 from vector<1xi32>
        %shift_right_logical3A_1336 = arith.constant 17 : i32
        %shift_right_logical3A_1337 = arith.shrui %squeeze3A_1335, %shift_right_logical3A_1336 : i32
        %mul3A_1338 = arith.constant 16 : i32
        %mul3A_1339 = arith.muli %shift_right_logical3A_1337, %mul3A_1338 : i32
        %get3A_1340 = arith.constant 3 : i32
        %get3A_1341 = arith.index_cast %get3A_1340 : i32 to index
        %get3A_1342 = arith.index_cast %add3A_1333 : i32 to index
        %get3A_1343 = arith.index_cast %mul3A_1339 : i32 to index
        %get3A_1344 = tpu.vector_load %arg7[%get3A_1341, %get3A_1342, %get3A_1343] {strides = array<i32>} : memref<4x128x128xf32, #tpu.memory_space<vmem>>, vector<1x1x16xf32>,
        %get3A_1345 = vector.shape_cast %get3A_1344 : vector<1x1x16xf32> to vector<16xf32>
        %jit3A_1346 = arith.constant 8 : i32
        %div3A_1347 = arith.divsi %add3A_1333, %jit3A_1346 : i32
        %sign3A_1348 = arith.constant 0 : i32
        %sign3A_1349 = arith.cmpi sgt, %add3A_1333, %sign3A_1348 : i32
        %sign3A_1350 = arith.extui %sign3A_1349 : i1 to i32
        %sign3A_1351 = arith.constant 0 : i32
        %sign3A_1352 = arith.cmpi slt, %add3A_1333, %sign3A_1351 : i32
        %sign3A_1353 = arith.extui %sign3A_1352 : i1 to i32
        %sign3A_1354 = arith.subi %sign3A_1350, %sign3A_1353 : i32
        %sign3A_1355 = arith.constant 0 : i32
        %sign3A_1356 = arith.cmpi sgt, %jit3A_1346, %sign3A_1355 : i32
        %sign3A_1357 = arith.extui %sign3A_1356 : i1 to i32
        %sign3A_1358 = arith.constant 0 : i32
        %sign3A_1359 = arith.cmpi slt, %jit3A_1346, %sign3A_1358 : i32
        %sign3A_1360 = arith.extui %sign3A_1359 : i1 to i32
        %sign3A_1361 = arith.subi %sign3A_1357, %sign3A_1360 : i32
        %ne3A_1362 = arith.cmpi ne, %sign3A_1354, %sign3A_1361 : i32
        %rem3A_1363 = arith.remsi %add3A_1333, %jit3A_1346 : i32
        %ne3A_1364 = arith.constant 0 : i32
        %ne3A_1365 = arith.cmpi ne, %rem3A_1363, %ne3A_1364 : i32
        %and3A_1366 = arith.andi %ne3A_1362, %ne3A_1365 : i1
        %sub3A_1367 = arith.constant 1 : i32
        %sub3A_1368 = arith.subi %div3A_1347, %sub3A_1367 : i32
        %select_n3A_1369 = arith.select %and3A_1366, %sub3A_1368, %div3A_1347 : i32
        %jit3A_1370 = arith.constant 8 : i32
        %eq3A_1371 = arith.constant 0 : i32
        %eq3A_1372 = arith.cmpi eq, %jit3A_1370, %eq3A_1371 : i32
        %jit3A_1373 = arith.constant 1 : i32
        %select_n3A_1374 = arith.select %eq3A_1372, %jit3A_1373, %jit3A_1370 : i32
        %rem3A_1375 = arith.remsi %add3A_1333, %select_n3A_1374 : i32
        %ne3A_1376 = arith.constant 0 : i32
        %ne3A_1377 = arith.cmpi ne, %rem3A_1375, %ne3A_1376 : i32
        %lt3A_1378 = arith.constant 0 : i32
        %lt3A_1379 = arith.cmpi slt, %rem3A_1375, %lt3A_1378 : i32
        %lt3A_1380 = arith.constant 0 : i32
        %lt3A_1381 = arith.cmpi slt, %select_n3A_1374, %lt3A_1380 : i32
        %ne3A_1382 = arith.xori %lt3A_1379, %lt3A_1381 : i1
        %and3A_1383 = arith.andi %ne3A_1382, %ne3A_1377 : i1
        %add3A_1384 = arith.addi %rem3A_1375, %select_n3A_1374 : i32
        %select_n3A_1385 = arith.select %and3A_1383, %add3A_1384, %rem3A_1375 : i32
        %mul3A_1386 = arith.constant 16 : i32
        %mul3A_1387 = arith.muli %select_n3A_1385, %mul3A_1386 : i32
        %swap3A_1388 = arith.index_cast %select_n3A_1369 : i32 to index
        %swap3A_1389 = arith.index_cast %mul3A_1387 : i32 to index
        %swap3A_1390 = tpu.vector_load %arg8[%swap3A_1388, %swap3A_1389] {strides = array<i32>} : memref<16x128xf32, #tpu.memory_space<vmem>>, vector<1x16xf32>,
        %swap3A_1391 = vector.shape_cast %swap3A_1390 : vector<1x16xf32> to vector<16xf32>
        %swap3A_1392 = vector.shape_cast %get3A_1345 : vector<16xf32> to vector<1x16xf32>
        tpu.vector_store %arg8[%swap3A_1388, %swap3A_1389], %swap3A_1392 {strides = array<i32>} : memref<16x128xf32, #tpu.memory_space<vmem>>, vector<1x16xf32>,
        %mul3A_1393 = arith.constant 16 : i32
        %mul3A_1394 = arith.muli %scan3A_514, %mul3A_1393 : i32
        %add3A_1395 = arith.constant 14 : i32
        %add3A_1396 = arith.addi %mul3A_1394, %add3A_1395 : i32
        %slice3A_1397 = vector.extract_strided_slice %get3A_521 {offsets = [14], sizes = [1], strides = [1]} : vector<16xi32> to vector<1xi32>
        %squeeze3A_1398 = vector.extract %slice3A_1397[0] : i32 from vector<1xi32>
        %shift_right_logical3A_1399 = arith.constant 17 : i32
        %shift_right_logical3A_1400 = arith.shrui %squeeze3A_1398, %shift_right_logical3A_1399 : i32
        %mul3A_1401 = arith.constant 16 : i32
        %mul3A_1402 = arith.muli %shift_right_logical3A_1400, %mul3A_1401 : i32
        %get3A_1403 = arith.constant 3 : i32
        %get3A_1404 = arith.index_cast %get3A_1403 : i32 to index
        %get3A_1405 = arith.index_cast %add3A_1396 : i32 to index
        %get3A_1406 = arith.index_cast %mul3A_1402 : i32 to index
        %get3A_1407 = tpu.vector_load %arg7[%get3A_1404, %get3A_1405, %get3A_1406] {strides = array<i32>} : memref<4x128x128xf32, #tpu.memory_space<vmem>>, vector<1x1x16xf32>,
        %get3A_1408 = vector.shape_cast %get3A_1407 : vector<1x1x16xf32> to vector<16xf32>
        %jit3A_1409 = arith.constant 8 : i32
        %div3A_1410 = arith.divsi %add3A_1396, %jit3A_1409 : i32
        %sign3A_1411 = arith.constant 0 : i32
        %sign3A_1412 = arith.cmpi sgt, %add3A_1396, %sign3A_1411 : i32
        %sign3A_1413 = arith.extui %sign3A_1412 : i1 to i32
        %sign3A_1414 = arith.constant 0 : i32
        %sign3A_1415 = arith.cmpi slt, %add3A_1396, %sign3A_1414 : i32
        %sign3A_1416 = arith.extui %sign3A_1415 : i1 to i32
        %sign3A_1417 = arith.subi %sign3A_1413, %sign3A_1416 : i32
        %sign3A_1418 = arith.constant 0 : i32
        %sign3A_1419 = arith.cmpi sgt, %jit3A_1409, %sign3A_1418 : i32
        %sign3A_1420 = arith.extui %sign3A_1419 : i1 to i32
        %sign3A_1421 = arith.constant 0 : i32
        %sign3A_1422 = arith.cmpi slt, %jit3A_1409, %sign3A_1421 : i32
        %sign3A_1423 = arith.extui %sign3A_1422 : i1 to i32
        %sign3A_1424 = arith.subi %sign3A_1420, %sign3A_1423 : i32
        %ne3A_1425 = arith.cmpi ne, %sign3A_1417, %sign3A_1424 : i32
        %rem3A_1426 = arith.remsi %add3A_1396, %jit3A_1409 : i32
        %ne3A_1427 = arith.constant 0 : i32
        %ne3A_1428 = arith.cmpi ne, %rem3A_1426, %ne3A_1427 : i32
        %and3A_1429 = arith.andi %ne3A_1425, %ne3A_1428 : i1
        %sub3A_1430 = arith.constant 1 : i32
        %sub3A_1431 = arith.subi %div3A_1410, %sub3A_1430 : i32
        %select_n3A_1432 = arith.select %and3A_1429, %sub3A_1431, %div3A_1410 : i32
        %jit3A_1433 = arith.constant 8 : i32
        %eq3A_1434 = arith.constant 0 : i32
        %eq3A_1435 = arith.cmpi eq, %jit3A_1433, %eq3A_1434 : i32
        %jit3A_1436 = arith.constant 1 : i32
        %select_n3A_1437 = arith.select %eq3A_1435, %jit3A_1436, %jit3A_1433 : i32
        %rem3A_1438 = arith.remsi %add3A_1396, %select_n3A_1437 : i32
        %ne3A_1439 = arith.constant 0 : i32
        %ne3A_1440 = arith.cmpi ne, %rem3A_1438, %ne3A_1439 : i32
        %lt3A_1441 = arith.constant 0 : i32
        %lt3A_1442 = arith.cmpi slt, %rem3A_1438, %lt3A_1441 : i32
        %lt3A_1443 = arith.constant 0 : i32
        %lt3A_1444 = arith.cmpi slt, %select_n3A_1437, %lt3A_1443 : i32
        %ne3A_1445 = arith.xori %lt3A_1442, %lt3A_1444 : i1
        %and3A_1446 = arith.andi %ne3A_1445, %ne3A_1440 : i1
        %add3A_1447 = arith.addi %rem3A_1438, %select_n3A_1437 : i32
        %select_n3A_1448 = arith.select %and3A_1446, %add3A_1447, %rem3A_1438 : i32
        %mul3A_1449 = arith.constant 16 : i32
        %mul3A_1450 = arith.muli %select_n3A_1448, %mul3A_1449 : i32
        %swap3A_1451 = arith.index_cast %select_n3A_1432 : i32 to index
        %swap3A_1452 = arith.index_cast %mul3A_1450 : i32 to index
        %swap3A_1453 = tpu.vector_load %arg8[%swap3A_1451, %swap3A_1452] {strides = array<i32>} : memref<16x128xf32, #tpu.memory_space<vmem>>, vector<1x16xf32>,
        %swap3A_1454 = vector.shape_cast %swap3A_1453 : vector<1x16xf32> to vector<16xf32>
        %swap3A_1455 = vector.shape_cast %get3A_1408 : vector<16xf32> to vector<1x16xf32>
        tpu.vector_store %arg8[%swap3A_1451, %swap3A_1452], %swap3A_1455 {strides = array<i32>} : memref<16x128xf32, #tpu.memory_space<vmem>>, vector<1x16xf32>,
        %mul3A_1456 = arith.constant 16 : i32
        %mul3A_1457 = arith.muli %scan3A_514, %mul3A_1456 : i32
        %add3A_1458 = arith.constant 15 : i32
        %add3A_1459 = arith.addi %mul3A_1457, %add3A_1458 : i32
        %slice3A_1460 = vector.extract_strided_slice %get3A_521 {offsets = [15], sizes = [1], strides = [1]} : vector<16xi32> to vector<1xi32>
        %squeeze3A_1461 = vector.extract %slice3A_1460[0] : i32 from vector<1xi32>
        %shift_right_logical3A_1462 = arith.constant 17 : i32
        %shift_right_logical3A_1463 = arith.shrui %squeeze3A_1461, %shift_right_logical3A_1462 : i32
        %mul3A_1464 = arith.constant 16 : i32
        %mul3A_1465 = arith.muli %shift_right_logical3A_1463, %mul3A_1464 : i32
        %get3A_1466 = arith.constant 3 : i32
        %get3A_1467 = arith.index_cast %get3A_1466 : i32 to index
        %get3A_1468 = arith.index_cast %add3A_1459 : i32 to index
        %get3A_1469 = arith.index_cast %mul3A_1465 : i32 to index
        %get3A_1470 = tpu.vector_load %arg7[%get3A_1467, %get3A_1468, %get3A_1469] {strides = array<i32>} : memref<4x128x128xf32, #tpu.memory_space<vmem>>, vector<1x1x16xf32>,
        %get3A_1471 = vector.shape_cast %get3A_1470 : vector<1x1x16xf32> to vector<16xf32>
        %jit3A_1472 = arith.constant 8 : i32
        %div3A_1473 = arith.divsi %add3A_1459, %jit3A_1472 : i32
        %sign3A_1474 = arith.constant 0 : i32
        %sign3A_1475 = arith.cmpi sgt, %add3A_1459, %sign3A_1474 : i32
        %sign3A_1476 = arith.extui %sign3A_1475 : i1 to i32
        %sign3A_1477 = arith.constant 0 : i32
        %sign3A_1478 = arith.cmpi slt, %add3A_1459, %sign3A_1477 : i32
        %sign3A_1479 = arith.extui %sign3A_1478 : i1 to i32
        %sign3A_1480 = arith.subi %sign3A_1476, %sign3A_1479 : i32
        %sign3A_1481 = arith.constant 0 : i32
        %sign3A_1482 = arith.cmpi sgt, %jit3A_1472, %sign3A_1481 : i32
        %sign3A_1483 = arith.extui %sign3A_1482 : i1 to i32
        %sign3A_1484 = arith.constant 0 : i32
        %sign3A_1485 = arith.cmpi slt, %jit3A_1472, %sign3A_1484 : i32
        %sign3A_1486 = arith.extui %sign3A_1485 : i1 to i32
        %sign3A_1487 = arith.subi %sign3A_1483, %sign3A_1486 : i32
        %ne3A_1488 = arith.cmpi ne, %sign3A_1480, %sign3A_1487 : i32
        %rem3A_1489 = arith.remsi %add3A_1459, %jit3A_1472 : i32
        %ne3A_1490 = arith.constant 0 : i32
        %ne3A_1491 = arith.cmpi ne, %rem3A_1489, %ne3A_1490 : i32
        %and3A_1492 = arith.andi %ne3A_1488, %ne3A_1491 : i1
        %sub3A_1493 = arith.constant 1 : i32
        %sub3A_1494 = arith.subi %div3A_1473, %sub3A_1493 : i32
        %select_n3A_1495 = arith.select %and3A_1492, %sub3A_1494, %div3A_1473 : i32
        %jit3A_1496 = arith.constant 8 : i32
        %eq3A_1497 = arith.constant 0 : i32
        %eq3A_1498 = arith.cmpi eq, %jit3A_1496, %eq3A_1497 : i32
        %jit3A_1499 = arith.constant 1 : i32
        %select_n3A_1500 = arith.select %eq3A_1498, %jit3A_1499, %jit3A_1496 : i32
        %rem3A_1501 = arith.remsi %add3A_1459, %select_n3A_1500 : i32
        %ne3A_1502 = arith.constant 0 : i32
        %ne3A_1503 = arith.cmpi ne, %rem3A_1501, %ne3A_1502 : i32
        %lt3A_1504 = arith.constant 0 : i32
        %lt3A_1505 = arith.cmpi slt, %rem3A_1501, %lt3A_1504 : i32
        %lt3A_1506 = arith.constant 0 : i32
        %lt3A_1507 = arith.cmpi slt, %select_n3A_1500, %lt3A_1506 : i32
        %ne3A_1508 = arith.xori %lt3A_1505, %lt3A_1507 : i1
        %and3A_1509 = arith.andi %ne3A_1508, %ne3A_1503 : i1
        %add3A_1510 = arith.addi %rem3A_1501, %select_n3A_1500 : i32
        %select_n3A_1511 = arith.select %and3A_1509, %add3A_1510, %rem3A_1501 : i32
        %mul3A_1512 = arith.constant 16 : i32
        %mul3A_1513 = arith.muli %select_n3A_1511, %mul3A_1512 : i32
        %swap3A_1514 = arith.index_cast %select_n3A_1495 : i32 to index
        %swap3A_1515 = arith.index_cast %mul3A_1513 : i32 to index
        %swap3A_1516 = tpu.vector_load %arg8[%swap3A_1514, %swap3A_1515] {strides = array<i32>} : memref<16x128xf32, #tpu.memory_space<vmem>>, vector<1x16xf32>,
        %swap3A_1517 = vector.shape_cast %swap3A_1516 : vector<1x16xf32> to vector<16xf32>
        %swap3A_1518 = vector.shape_cast %get3A_1471 : vector<16xf32> to vector<1x16xf32>
        tpu.vector_store %arg8[%swap3A_1514, %swap3A_1515], %swap3A_1518 {strides = array<i32>} : memref<16x128xf32, #tpu.memory_space<vmem>>, vector<1x16xf32>,
        %scan3A_1519 = arith.constant 0 : i32
        scf.yield %scan3A_1519 : i32
      }
      %scan3A_509 = arith.constant 8 : i32
      %mul3A_510 = arith.constant 16 : i32
      %mul3A_511 = arith.muli %add3A_490, %mul3A_510 : i32
      %add3A_512 = arith.addi %mul3A_4, %mul3A_511 : i32
      "tpu.region"() ({
        %run_scoped3A = tpu.sem_alloc : memref<!tpu.dma_semaphore, #tpu.memory_space<semaphore_mem>>
        %dma_start3A_514 = arith.constant 0 : i32
        %dma_start3A_515 = tpu.memref_slice %arg4[%add3A_512, %dma_start3A_514] : memref<102400x128xf32, #tpu.memory_space<hbm>> -> memref<16x128xf32, #tpu.memory_space<hbm>>
        %dma_start3A_516 = arith.constant 0 : i32
        %dma_start3A_517 = tpu.memref_slice %arg4[%add3A_512, %dma_start3A_516] : memref<102400x128xf32, #tpu.memory_space<hbm>> -> memref<16x128xf32, #tpu.memory_space<hbm>>
        tpu.enqueue_dma source(%arg8 : memref<16x128xf32, #tpu.memory_space<vmem>>) target(%dma_start3A_517 : memref<16x128xf32, #tpu.memory_space<hbm>>) target_semaphore(%run_scoped3A : memref<!tpu.dma_semaphore, #tpu.memory_space<semaphore_mem>>)
        %dma_wait3A_518 = arith.constant 0 : i32
        %dma_wait3A_519 = tpu.memref_slice %arg4[%add3A_512, %dma_wait3A_518] : memref<102400x128xf32, #tpu.memory_space<hbm>> -> memref<16x128xf32, #tpu.memory_space<hbm>>
        %dma_wait3A_520 = arith.constant 0 : i32
        %dma_wait3A_521 = tpu.memref_slice %arg4[%add3A_512, %dma_wait3A_520] : memref<102400x128xf32, #tpu.memory_space<hbm>> -> memref<16x128xf32, #tpu.memory_space<hbm>>
        tpu.wait_dma2 semaphore(%run_scoped3A : memref<!tpu.dma_semaphore, #tpu.memory_space<semaphore_mem>>) src(%arg8 : memref<16x128xf32, #tpu.memory_space<vmem>>) dst(%dma_wait3A_521 : memref<16x128xf32, #tpu.memory_space<hbm>>)
        tpu.yield
      }) : () -> ()
      %scan3A_513 = arith.constant 0 : i32
      scf.yield %scan3A_513 : i32
    }
    %scan3A_380 = arith.constant 50 : i32
    return
  }
}

module attributes {stable_mosaic.version = 14 : i64} {
  func.func @_project_body(%arg0: i32, %arg1: memref<64x4096xf32, #tpu.memory_space<vmem>>, %arg2: memref<64x4096xf32, #tpu.memory_space<vmem>>, %arg3: memref<64x4096xf32, #tpu.memory_space<vmem>>, %arg4: memref<64x4096xf32, #tpu.memory_space<vmem>>, %arg5: memref<64x4096xf32, #tpu.memory_space<vmem>>, %arg6: memref<64x4096xf32, #tpu.memory_space<vmem>>, %arg7: memref<64x4096xf32, #tpu.memory_space<vmem>>, %arg8: memref<64x4096xf32, #tpu.memory_space<vmem>>, %arg9: memref<16x64xf32, #tpu.memory_space<vmem>>, %arg10: memref<1x128xf32, #tpu.memory_space<vmem>>, %arg11: memref<4096x128xf32, #tpu.memory_space<vmem>>) attributes {dimension_semantics = [#tpu.dimension_semantics<arbitrary>], iteration_bounds = array<i64: 32>, scalar_prefetch = 0 : i64, scratch_operands = 0 : i64, tpu.core_type = #tpu.core_type<tc>, window_params = [{transform_indices = @transform_0, window_bounds = array<i64: 64, 4096>}, {transform_indices = @transform_1, window_bounds = array<i64: 64, 4096>}, {transform_indices = @transform_2, window_bounds = array<i64: 64, 4096>}, {transform_indices = @transform_3, window_bounds = array<i64: 64, 4096>}, {transform_indices = @transform_4, window_bounds = array<i64: 64, 4096>}, {transform_indices = @transform_5, window_bounds = array<i64: 64, 4096>}, {transform_indices = @transform_6, window_bounds = array<i64: 64, 4096>}, {transform_indices = @transform_7, window_bounds = array<i64: 64, 4096>}, {pipeline_mode = #tpu.pipeline_mode<synchronous>, transform_indices = @transform_8, window_bounds = array<i64: 16, 64>}, {pipeline_mode = #tpu.pipeline_mode<synchronous>, transform_indices = @transform_9, window_bounds = array<i64: 1, 128>}, {transform_indices = @transform_10, window_bounds = array<i64: 4096, 128>}]} {
    %get3A = arith.constant 0 : index
    %get3A_0 = arith.constant 0 : index
    %get3A_1 = vector.load %arg9[%get3A, %get3A_0] : memref<16x64xf32, #tpu.memory_space<vmem>>, vector<16x64xf32>
    %get3A_2 = arith.constant 0 : index
    %get3A_3 = arith.constant 0 : index
    %get3A_4 = vector.load %arg1[%get3A_2, %get3A_3] : memref<64x4096xf32, #tpu.memory_space<vmem>>, vector<64x4096xf32>
    %dot_general3A = arith.constant dense<0.000000e+00> : vector<16x4096xf32>
    %dot_general3A_5 = tpu.matmul %get3A_1, %get3A_4, %dot_general3A {dimension_numbers = #tpu.dot_dimension_numbers<[1], [0], [0], [1], [0, 0, 1, 1], [], []>, transpose_lhs_hint = false} : vector<16x64xf32>, vector<64x4096xf32>, vector<16x4096xf32> -> vector<16x4096xf32>
    %get3A_6 = arith.constant 0 : index
    %get3A_7 = arith.constant 0 : index
    %get3A_8 = vector.load %arg9[%get3A_6, %get3A_7] : memref<16x64xf32, #tpu.memory_space<vmem>>, vector<16x64xf32>
    %get3A_9 = arith.constant 0 : index
    %get3A_10 = arith.constant 0 : index
    %get3A_11 = vector.load %arg2[%get3A_9, %get3A_10] : memref<64x4096xf32, #tpu.memory_space<vmem>>, vector<64x4096xf32>
    %dot_general3A_12 = arith.constant dense<0.000000e+00> : vector<16x4096xf32>
    %dot_general3A_13 = tpu.matmul %get3A_8, %get3A_11, %dot_general3A_12 {dimension_numbers = #tpu.dot_dimension_numbers<[1], [0], [0], [1], [0, 0, 1, 1], [], []>, transpose_lhs_hint = false} : vector<16x64xf32>, vector<64x4096xf32>, vector<16x4096xf32> -> vector<16x4096xf32>
    %get3A_14 = arith.constant 0 : index
    %get3A_15 = arith.constant 0 : index
    %get3A_16 = vector.load %arg9[%get3A_14, %get3A_15] : memref<16x64xf32, #tpu.memory_space<vmem>>, vector<16x64xf32>
    %get3A_17 = arith.constant 0 : index
    %get3A_18 = arith.constant 0 : index
    %get3A_19 = vector.load %arg3[%get3A_17, %get3A_18] : memref<64x4096xf32, #tpu.memory_space<vmem>>, vector<64x4096xf32>
    %dot_general3A_20 = arith.constant dense<0.000000e+00> : vector<16x4096xf32>
    %dot_general3A_21 = tpu.matmul %get3A_16, %get3A_19, %dot_general3A_20 {dimension_numbers = #tpu.dot_dimension_numbers<[1], [0], [0], [1], [0, 0, 1, 1], [], []>, transpose_lhs_hint = false} : vector<16x64xf32>, vector<64x4096xf32>, vector<16x4096xf32> -> vector<16x4096xf32>
    %get3A_22 = arith.constant 0 : index
    %get3A_23 = arith.constant 0 : index
    %get3A_24 = vector.load %arg9[%get3A_22, %get3A_23] : memref<16x64xf32, #tpu.memory_space<vmem>>, vector<16x64xf32>
    %get3A_25 = arith.constant 0 : index
    %get3A_26 = arith.constant 0 : index
    %get3A_27 = vector.load %arg4[%get3A_25, %get3A_26] : memref<64x4096xf32, #tpu.memory_space<vmem>>, vector<64x4096xf32>
    %dot_general3A_28 = arith.constant dense<0.000000e+00> : vector<16x4096xf32>
    %dot_general3A_29 = tpu.matmul %get3A_24, %get3A_27, %dot_general3A_28 {dimension_numbers = #tpu.dot_dimension_numbers<[1], [0], [0], [1], [0, 0, 1, 1], [], []>, transpose_lhs_hint = false} : vector<16x64xf32>, vector<64x4096xf32>, vector<16x4096xf32> -> vector<16x4096xf32>
    %get3A_30 = arith.constant 0 : index
    %get3A_31 = arith.constant 0 : index
    %get3A_32 = vector.load %arg9[%get3A_30, %get3A_31] : memref<16x64xf32, #tpu.memory_space<vmem>>, vector<16x64xf32>
    %get3A_33 = arith.constant 0 : index
    %get3A_34 = arith.constant 0 : index
    %get3A_35 = vector.load %arg5[%get3A_33, %get3A_34] : memref<64x4096xf32, #tpu.memory_space<vmem>>, vector<64x4096xf32>
    %dot_general3A_36 = arith.constant dense<0.000000e+00> : vector<16x4096xf32>
    %dot_general3A_37 = tpu.matmul %get3A_32, %get3A_35, %dot_general3A_36 {dimension_numbers = #tpu.dot_dimension_numbers<[1], [0], [0], [1], [0, 0, 1, 1], [], []>, transpose_lhs_hint = false} : vector<16x64xf32>, vector<64x4096xf32>, vector<16x4096xf32> -> vector<16x4096xf32>
    %get3A_38 = arith.constant 0 : index
    %get3A_39 = arith.constant 0 : index
    %get3A_40 = vector.load %arg9[%get3A_38, %get3A_39] : memref<16x64xf32, #tpu.memory_space<vmem>>, vector<16x64xf32>
    %get3A_41 = arith.constant 0 : index
    %get3A_42 = arith.constant 0 : index
    %get3A_43 = vector.load %arg6[%get3A_41, %get3A_42] : memref<64x4096xf32, #tpu.memory_space<vmem>>, vector<64x4096xf32>
    %dot_general3A_44 = arith.constant dense<0.000000e+00> : vector<16x4096xf32>
    %dot_general3A_45 = tpu.matmul %get3A_40, %get3A_43, %dot_general3A_44 {dimension_numbers = #tpu.dot_dimension_numbers<[1], [0], [0], [1], [0, 0, 1, 1], [], []>, transpose_lhs_hint = false} : vector<16x64xf32>, vector<64x4096xf32>, vector<16x4096xf32> -> vector<16x4096xf32>
    %get3A_46 = arith.constant 0 : index
    %get3A_47 = arith.constant 0 : index
    %get3A_48 = vector.load %arg9[%get3A_46, %get3A_47] : memref<16x64xf32, #tpu.memory_space<vmem>>, vector<16x64xf32>
    %get3A_49 = arith.constant 0 : index
    %get3A_50 = arith.constant 0 : index
    %get3A_51 = vector.load %arg7[%get3A_49, %get3A_50] : memref<64x4096xf32, #tpu.memory_space<vmem>>, vector<64x4096xf32>
    %dot_general3A_52 = arith.constant dense<0.000000e+00> : vector<16x4096xf32>
    %dot_general3A_53 = tpu.matmul %get3A_48, %get3A_51, %dot_general3A_52 {dimension_numbers = #tpu.dot_dimension_numbers<[1], [0], [0], [1], [0, 0, 1, 1], [], []>, transpose_lhs_hint = false} : vector<16x64xf32>, vector<64x4096xf32>, vector<16x4096xf32> -> vector<16x4096xf32>
    %get3A_54 = arith.constant 0 : index
    %get3A_55 = arith.constant 0 : index
    %get3A_56 = vector.load %arg9[%get3A_54, %get3A_55] : memref<16x64xf32, #tpu.memory_space<vmem>>, vector<16x64xf32>
    %get3A_57 = arith.constant 0 : index
    %get3A_58 = arith.constant 0 : index
    %get3A_59 = vector.load %arg8[%get3A_57, %get3A_58] : memref<64x4096xf32, #tpu.memory_space<vmem>>, vector<64x4096xf32>
    %dot_general3A_60 = arith.constant dense<0.000000e+00> : vector<16x4096xf32>
    %dot_general3A_61 = tpu.matmul %get3A_56, %get3A_59, %dot_general3A_60 {dimension_numbers = #tpu.dot_dimension_numbers<[1], [0], [0], [1], [0, 0, 1, 1], [], []>, transpose_lhs_hint = false} : vector<16x64xf32>, vector<64x4096xf32>, vector<16x4096xf32> -> vector<16x4096xf32>
    %concatenate3A = tpu.concatenate %dot_general3A_5, %dot_general3A_13, %dot_general3A_21, %dot_general3A_29, %dot_general3A_37, %dot_general3A_45, %dot_general3A_53, %dot_general3A_61 in 0 : vector<16x4096xf32>, vector<16x4096xf32>, vector<16x4096xf32>, vector<16x4096xf32>, vector<16x4096xf32>, vector<16x4096xf32>, vector<16x4096xf32>, vector<16x4096xf32> -> vector<128x4096xf32>
    %transpose3A = tpu.transpose %concatenate3A, [1, 0] : vector<128x4096xf32> -> vector<4096x128xf32>
    %get3A_62 = arith.constant 0 : index
    %get3A_63 = arith.constant 0 : index
    %get3A_64 = vector.load %arg10[%get3A_62, %get3A_63] : memref<1x128xf32, #tpu.memory_space<vmem>>, vector<1x128xf32>
    %add3A = vector.broadcast %get3A_64 : vector<1x128xf32> to vector<4096x128xf32>
    %add3A_65 = arith.addf %transpose3A, %add3A : vector<4096x128xf32>
    %swap3A = arith.constant 0 : index
    %swap3A_66 = arith.constant 0 : index
    %swap3A_67 = vector.load %arg11[%swap3A, %swap3A_66] : memref<4096x128xf32, #tpu.memory_space<vmem>>, vector<4096x128xf32>
    tpu.vector_store %arg11[%swap3A, %swap3A_66], %add3A_65 {strides = array<i32>} : memref<4096x128xf32, #tpu.memory_space<vmem>>, vector<4096x128xf32>,
    return
  }
  func.func @transform_0(%arg0: i32) -> (i32, i32) {
    %add3A = arith.constant 0 : i32
    %add3A_0 = arith.addi %add3A, %arg0 : i32
    %min3A = arith.constant 244 : i32
    %min3A_1 = arith.minsi %add3A_0, %min3A : i32
    %c0_i32 = arith.constant 0 : i32
    %c0_i32_2 = arith.constant 0 : i32
    return %c0_i32, %min3A_1 : i32, i32
  }
  func.func @transform_1(%arg0: i32) -> (i32, i32) {
    %add3A = arith.constant 32 : i32
    %add3A_0 = arith.addi %add3A, %arg0 : i32
    %min3A = arith.constant 244 : i32
    %min3A_1 = arith.minsi %add3A_0, %min3A : i32
    %c0_i32 = arith.constant 0 : i32
    %c0_i32_2 = arith.constant 0 : i32
    return %c0_i32, %min3A_1 : i32, i32
  }
  func.func @transform_2(%arg0: i32) -> (i32, i32) {
    %add3A = arith.constant 64 : i32
    %add3A_0 = arith.addi %add3A, %arg0 : i32
    %min3A = arith.constant 244 : i32
    %min3A_1 = arith.minsi %add3A_0, %min3A : i32
    %c0_i32 = arith.constant 0 : i32
    %c0_i32_2 = arith.constant 0 : i32
    return %c0_i32, %min3A_1 : i32, i32
  }
  func.func @transform_3(%arg0: i32) -> (i32, i32) {
    %add3A = arith.constant 96 : i32
    %add3A_0 = arith.addi %add3A, %arg0 : i32
    %min3A = arith.constant 244 : i32
    %min3A_1 = arith.minsi %add3A_0, %min3A : i32
    %c0_i32 = arith.constant 0 : i32
    %c0_i32_2 = arith.constant 0 : i32
    return %c0_i32, %min3A_1 : i32, i32
  }
  func.func @transform_4(%arg0: i32) -> (i32, i32) {
    %add3A = arith.constant 128 : i32
    %add3A_0 = arith.addi %add3A, %arg0 : i32
    %min3A = arith.constant 244 : i32
    %min3A_1 = arith.minsi %add3A_0, %min3A : i32
    %c0_i32 = arith.constant 0 : i32
    %c0_i32_2 = arith.constant 0 : i32
    return %c0_i32, %min3A_1 : i32, i32
  }
  func.func @transform_5(%arg0: i32) -> (i32, i32) {
    %add3A = arith.constant 160 : i32
    %add3A_0 = arith.addi %add3A, %arg0 : i32
    %min3A = arith.constant 244 : i32
    %min3A_1 = arith.minsi %add3A_0, %min3A : i32
    %c0_i32 = arith.constant 0 : i32
    %c0_i32_2 = arith.constant 0 : i32
    return %c0_i32, %min3A_1 : i32, i32
  }
  func.func @transform_6(%arg0: i32) -> (i32, i32) {
    %add3A = arith.constant 192 : i32
    %add3A_0 = arith.addi %add3A, %arg0 : i32
    %min3A = arith.constant 244 : i32
    %min3A_1 = arith.minsi %add3A_0, %min3A : i32
    %c0_i32 = arith.constant 0 : i32
    %c0_i32_2 = arith.constant 0 : i32
    return %c0_i32, %min3A_1 : i32, i32
  }
  func.func @transform_7(%arg0: i32) -> (i32, i32) {
    %add3A = arith.constant 224 : i32
    %add3A_0 = arith.addi %add3A, %arg0 : i32
    %min3A = arith.constant 244 : i32
    %min3A_1 = arith.minsi %add3A_0, %min3A : i32
    %c0_i32 = arith.constant 0 : i32
    %c0_i32_2 = arith.constant 0 : i32
    return %c0_i32, %min3A_1 : i32, i32
  }
  func.func @transform_8(%arg0: i32) -> (i32, i32) {
    %c0_i32 = arith.constant 0 : i32
    %c0_i32_0 = arith.constant 0 : i32
    %c0_i32_1 = arith.constant 0 : i32
    return %c0_i32, %c0_i32_0 : i32, i32
  }
  func.func @transform_9(%arg0: i32) -> (i32, i32) {
    %c0_i32 = arith.constant 0 : i32
    %c0_i32_0 = arith.constant 0 : i32
    %c0_i32_1 = arith.constant 0 : i32
    return %c0_i32, %c0_i32_0 : i32, i32
  }
  func.func @transform_10(%arg0: i32) -> (i32, i32) {
    %c0_i32 = arith.constant 0 : i32
    %c0_i32_0 = arith.constant 0 : i32
    return %arg0, %c0_i32 : i32, i32
  }
}

module attributes {stable_mosaic.version = 14 : i64} {
  func.func @_xpose_body(%arg0: i32, %arg1: memref<512x3200xf32, #tpu.memory_space<vmem>>, %arg2: memref<3200x512xf32, #tpu.memory_space<vmem>>) attributes {dimension_semantics = [#tpu.dimension_semantics<arbitrary>], iteration_bounds = array<i64: 8>, scalar_prefetch = 0 : i64, scratch_operands = 0 : i64, tpu.core_type = #tpu.core_type<tc>, window_params = [{transform_indices = @transform_0, window_bounds = array<i64: 512, 3200>}, {transform_indices = @transform_1, window_bounds = array<i64: 3200, 512>}]} {
    %get3A = arith.constant 0 : index
    %get3A_0 = arith.constant 0 : index
    %get3A_1 = vector.load %arg1[%get3A, %get3A_0] : memref<512x3200xf32, #tpu.memory_space<vmem>>, vector<512x3200xf32>
    %transpose3A = tpu.transpose %get3A_1, [1, 0] : vector<512x3200xf32> -> vector<3200x512xf32>
    %swap3A = arith.constant 0 : index
    %swap3A_2 = arith.constant 0 : index
    %swap3A_3 = vector.load %arg2[%swap3A, %swap3A_2] : memref<3200x512xf32, #tpu.memory_space<vmem>>, vector<3200x512xf32>
    tpu.vector_store %arg2[%swap3A, %swap3A_2], %transpose3A {strides = array<i32>} : memref<3200x512xf32, #tpu.memory_space<vmem>>, vector<3200x512xf32>,
    return
  }
  func.func @transform_0(%arg0: i32) -> (i32, i32) {
    %c0_i32 = arith.constant 0 : i32
    %c0_i32_0 = arith.constant 0 : i32
    return %arg0, %c0_i32 : i32, i32
  }
  func.func @transform_1(%arg0: i32) -> (i32, i32) {
    %c0_i32 = arith.constant 0 : i32
    %c0_i32_0 = arith.constant 0 : i32
    return %c0_i32, %arg0 : i32, i32
  }
}

</mosaic_0001>

<sc_bundles>
// kernel: kernel.5.cloned.1.call-start
scs
__scs_entry_jumppad:
0x0: {  	(pc) =	sbr.rel $0x88, $3  }
0x1: {  	(tag) =	ssettag $0x0;
	lr =	simm.s32 $0x1  }
0x2: {  	[smem:$0x3F9D] =	sst lr;
	_ =	strace $0xD0000000  }
0x3: {  	_ = 	snop  }
0x4: {  	_ = 	snop  }
0x5: {  	_ = 	snop  }
0x6: {  	_ = 	snop  }
0x7: {  	_ = 	snop  }
__scs_overlays_trampoline_lowered:
0x8: {  	[smem:$0x3FAC] =	sst s0  }
0x9: {  	[smem:$0x3FAD] =	sst s1  }
0xa: {  	[smem:$0x3FAE] =	sst s2  }
0xb: {  	[smem:$0x3FAF] =	sst s3  }
0xc: {  	[smem:$0x3FB0] =	sst s4  }
0xd: {  	[smem:$0x3FB1] =	sst s5  }
0xe: {  	[smem:$0x3FB2] =	sst s6  }
0xf: {  	[smem:$0x3FB3] =	sst s7  }
0x10: {  	[smem:$0x3FB4] =	sst s8  }
0x11: {  	[smem:$0x3FB5] =	sst s9;
	s0 =	simm.s32 @!p0 $0x0  }
0x12: {  	s1 =	sld [smem:$0x3F9B];
	s0 =	simm.s32 @p0 $0x1  }
0x13: {  	[smem:$0x3FB6] =	sst s0;
	s0 =	simm.s32 @!p1 $0x0  }
0x14: {  	s2 =	sld [smem:$0x3F9A];
	s0 =	simm.s32 @p1 $0x1  }
0x15: {  	[smem:$0x3FB7] =	sst s0;
	s0 =	simm.s32 @!p2 $0x0  }
0x16: {  	s3 =	sld [smem:$0x3FDB];
	s0 =	simm.s32 @p2 $0x1  }
0x17: {  	s4 =	simm.s32 $0x1BF5;
	[smem:$0x3FB9] =	sst s0  }
0x18: {  	s0 =	sld [smem:$0x3F9C];
	_ =	swait.ge [sflag:s4], $0x0  }
0x19: {  	s7 =	sld [smem:$0x3F9D]  }
0x1a: {  	s8 =	sadd.s32 $0xFFFFE003, lr  }
0x1b: {  	s9 =	sadd.s32 $0xFFFFFEF7, lr;
	s5 =	simm.s32 $0xFFFFFFFF;
	p2 =	slt.u32 s8, $0xFFFFF086  }
0x1c: {  	p1 =	slt.u32 s9, $0xF7A;
	s5 =	simm.s32 @!p2 $0x0  }
0x1d: {  	s5 =	simm.s32 @p1 $0x1;
	p0 =	seq.s32 s7, s2  }
0x1e: {  	s7 =	smul.u32 @!p0 $0xF7A, s2;
	p2 =	seq.s32 @!p0 s5, $0x0  }
0x1f: {  	s9 =	smul.u32 $0xF7A, s1;
	s8 =	simm.s32 @!p0 $0x1BF5;
	p2 =	por !p2, p0  }
0x20: {  	[sflag:s8] =	ssyncset.s32 @!p0 $0xFFFFF086;
	s6 =	sadd.s32 @!p0 s3, s7;
	s7 =	simm.s32 @!p0 $0x108  }
0x21: {  	s3 =	sadd.s32 s3, s9;
	s6 =	sadd.s32 @!p0 $0x88, s6;
	s7 =	simm.s32 @p2 $0x1082  }
0x22: {  	[simem:s7], [sflag:s8] =	dma.local @!p0 [hbm:s6], $0xF7A  }
0x23: {  	s9 =	sor.u32 $0xD0000000, s2;
	s6 =	simm.s32 $0x108;
	_ =	swait.ge @!p0 [sflag:s8], $0x0  }
0x24: {  	s3 =	sadd.s32 $0x88, s3;
	s6 =	simm.s32 @!p1 $0x1082;
	[sflag:s4] =	ssyncset.s32 $0xFFFFF086  }
0x25: {  	[simem:s6], [sflag:s4] =	dma.local [hbm:s3], $0xF7A  }
0x26: {  	[smem:$0x3F9D] =	sst s1;
	(tag) =	ssettag s2;
	_ =	strace s9  }
0x27: {  	s1 =	sld [smem:$0x3FAD]  }
0x28: {  	s2 =	sld [smem:$0x3FAE]  }
0x29: {  	s4 =	sld [smem:$0x3FB0]  }
0x2a: {  	p0 =	seq.s32 s5, $0x0;
	s5 =	sld [smem:$0x3FB1]  }
0x2b: {  	s6 =	sld [smem:$0x3FB2]  }
0x2c: {  	s7 =	sld [smem:$0x3FB3]  }
0x2d: {  	s3 =	simm.s32 $0x108;
	s8 =	sld [smem:$0x3FB4]  }
0x2e: {  	s3 =	simm.s32 @!p0 $0x1082;
	s9 =	sld [smem:$0x3FB5]  }
0x2f: {  	lr =	sadd.s32 s0, s3;
	s0 =	sld [smem:$0x3FAC]  }
0x30: {  	s3 =	sld [smem:$0x3FAF]  }
0x31: {  	[smem:$0x3FB8] =	sst s10  }
0x32: {  	s10 =	sld [smem:$0x3FB6];
	_ =	sdelay $0x3  }
0x33: {  	p0 =	seq.s32 s10, $0x1;
	s10 =	sld [smem:$0x3FB8];
	_ =	sdelay $0x3  }
0x34: {  	[smem:$0x3FB8] =	sst s10  }
0x35: {  	s10 =	sld [smem:$0x3FB7];
	_ =	sdelay $0x3  }
0x36: {  	p1 =	seq.s32 s10, $0x1;
	s10 =	sld [smem:$0x3FB8];
	_ =	sdelay $0x3  }
0x37: {  	[smem:$0x3FB8] =	sst s10  }
0x38: {  	s10 =	sld [smem:$0x3FB9]  }
0x39: {  	_ = 	snop;
	(pc) =	sbr.ind lr, $3  }
0x3a: {  	_ = 	snop  }
0x3b: {  	_ = 	snop  }
0x3c: {  	p2 =	seq.s32 s10, $0x1;
	s10 =	sld [smem:$0x3FB8]  }
0x3d: {  	_ =	shalt  }
0x3e: {  	_ =	shalt  }
0x3f: {  	_ =	shalt  }
0x40: {  	_ =	shalt  }
0x41: {  	_ =	shalt  }
0x42: {  	_ =	shalt  }
0x43: {  	_ =	shalt  }
0x44: {  	_ =	shalt  }
0x45: {  	_ =	shalt  }
0x46: {  	_ =	shalt  }
0x47: {  	_ =	shalt  }
0x48: {  	_ =	shalt  }
0x49: {  	_ =	shalt  }
0x4a: {  	_ =	shalt  }
0x4b: {  	_ =	shalt  }
0x4c: {  	_ =	shalt  }
0x4d: {  	_ =	shalt  }
0x4e: {  	_ =	shalt  }
0x4f: {  	_ =	shalt  }
0x50: {  	_ =	shalt  }
0x51: {  	_ =	shalt  }
0x52: {  	_ =	shalt  }
0x53: {  	_ =	shalt  }
0x54: {  	_ =	shalt  }
0x55: {  	_ =	shalt  }
0x56: {  	_ =	shalt  }
0x57: {  	_ =	shalt  }
0x58: {  	_ =	shalt  }
0x59: {  	_ =	shalt  }
0x5a: {  	_ =	shalt  }
0x5b: {  	_ =	shalt  }
0x5c: {  	_ =	shalt  }
0x5d: {  	_ =	shalt  }
0x5e: {  	_ =	shalt  }
0x5f: {  	_ =	shalt  }
0x60: {  	_ =	shalt  }
0x61: {  	_ =	shalt  }
0x62: {  	_ =	shalt  }
0x63: {  	_ =	shalt  }
0x64: {  	_ =	shalt  }
0x65: {  	_ =	shalt  }
0x66: {  	_ =	shalt  }
0x67: {  	_ =	shalt  }
0x68: {  	_ =	shalt  }
0x69: {  	_ =	shalt  }
0x6a: {  	_ =	shalt  }
0x6b: {  	_ =	shalt  }
0x6c: {  	_ =	shalt  }
0x6d: {  	_ =	shalt  }
0x6e: {  	_ =	shalt  }
0x6f: {  	_ =	shalt  }
0x70: {  	_ =	shalt  }
0x71: {  	_ =	shalt  }
0x72: {  	_ =	shalt  }
0x73: {  	_ =	shalt  }
0x74: {  	_ =	shalt  }
0x75: {  	_ =	shalt  }
0x76: {  	_ =	shalt  }
0x77: {  	_ =	shalt  }
0x78: {  	_ =	shalt  }
0x79: {  	_ =	shalt  }
0x7a: {  	_ =	shalt  }
0x7b: {  	_ =	shalt  }
0x7c: {  	_ =	shalt  }
0x7d: {  	_ =	shalt  }
0x7e: {  	_ =	shalt  }
0x7f: {  	_ =	shalt  }
0x80: {  	_ =	shalt  }
0x81: {  	_ =	shalt  }
0x82: {  	_ =	shalt  }
0x83: {  	_ =	shalt  }
0x84: {  	_ =	shalt  }
0x85: {  	_ =	shalt  }
0x86: {  	_ =	shalt  }
0x87: {  	_ =	shalt  }
.Lfunc_end0:
.L_simem_size_0:
called_computation_lowered:
.L_overlay_start_0:
0x88: {  	s2 =	sld [smem:$0x3FD9]  }
0x89: {  	s3 =	sld [smem:$0x3FFE];
	_ =	sdelay $0x1  }
0x8a: {  	s1 =	srdreg.scid  }
0x8b: {  	s0 =	sand.u32 $0x1, s1  }
0x8c: {  	s17 =	sshll.u32 s0, $0xA;
	s2 =	sadd.s32 s3, s2  }
0x8d: {  	s2 =	sadd.s32 s2, s17  }
0x8e: {  	[smem:$0x3FC4] =	sst s2  }
0x8f: {  	_ = 	snop  }
0x90: {  	s2 =	sld [smem:$0x3FD0];
	(tm) =	ssettm $0x1  }
0x91: {  	s18 =	sld [smem:$0x3FFB];
	_ =	sdelay $0x3  }
0x92: {  	_ =	strace s18  }
0x93: {  	s3 =	sld [smem:$0x3FFC];
	_ =	sdelay $0x3  }
0x94: {  	_ =	strace s3  }
0x95: {  	s3 =	sld [smem:$0x3FFD];
	_ =	sdelay $0x3  }
0x96: {  	_ =	strace s3  }
0x97: {  	_ =	strace $0x8FFFFFFF  }
0x98: {  	s19 =	sld [smem:$0x3FDB];
	_ =	sdelay $0x1  }
0x99: {  	s4 =	simm.s32 $_scs_section_size  }
0x9a: {  	s5 =	simm.s32 $_size__tile_overlayer_lowered;
	s6 =	simm.s32 $_tile_overlayer_lowered  }
0x9b: {  	s22 =	simm.s32 $0x1BFF;
	s21 =	sshll.u32 s6, $0x1;
	s3 =	sadd.s32 s4, s19  }
0x9c: {  	s7 =	simm.s32 $0x0;
	s20 =	sshll.u32 s5, $0x1;
	s5 =	sadd.s32 s21, s3  }
0x9d: {  	[timem:s7], [sflag:s22] =	dma.local [hbm:s5], s20  }
0x9e: {  	_ =	swait.ge [sflag:s22], s20  }
0x9f: {  	s4 =	ssub.s32 $0x0, s20;
	[sflag:s22] =	ssyncset.done $0x0  }
0xa0: {  	[sflag:s22] =	ssyncadd.s32 s4;
	_ =	sdelay $0x1  }
0xa1: {  	s23 =	simm.s32 $0x1B8B  }
0xa2: {  	_ =	swait.ge [sflag:s23], $0x1  }
0xa3: {  	[sflag:s23] =	ssyncset.done $0x0  }
0xa4: {  	s25 =	simm.s32 $0x1B8E;
	s24 =	sld [smem:$0x3FFE];
	[sflag:s23] =	ssyncadd.s32 $0xFFFFFFFF  }
0xa5: {  	s26 =	simm.s32 $execute0_lowered;
	[smem:$0x3FD2] =	sst s25  }
0xa6: {  	s5 =	sshll.u32 s26, $0x1;
	_ =	strace $0x80000046;
	[dreg:$0x1] =	wrdreg $0xFFFFFFFF  }
0xa7: {  	s28 =	simm.s32 $_size_execute0_lowered;
	s3 =	sadd.s32 s3, s5;
	[dreg:$0x0] =	wrdreg $0x0  }
0xa8: {  	s5 =	sshll.u32 s28, $0x1;
	[dreg:$0x2] =	wrdreg s3  }
0xa9: {  	[dreg:$0x3] =	wrdreg s5  }
0xaa: {  	[dreg:$0x4] =	wrdreg $0xC0  }
0xab: {  	_ =	task [dreg:s7], $0x5FFFF  }
0xac: {  	[dreg:$0x1] =	wrdreg $0xFFFFFFFF  }
0xad: {  	[dreg:$0x0] =	wrdreg $0x60  }
0xae: {  	[dreg:$0x2] =	wrdreg s24  }
0xaf: {  	[dreg:$0x3] =	wrdreg s2  }
0xb0: {  	[dreg:$0x4] =	wrdreg $0x9  }
0xb1: {  	_ =	task.clear_ibuf [dreg:s7], $0x5FFFF;
	_ =	strace $0x90000046  }
0xb2: {  	s29 =	simm.s32 $0x9;
	_ =	strace $0x80000048  }
0xb3: {  	_ =	swait.ge [sflag:s29], $0x1  }
0xb4: {  	[sflag:s29] =	ssyncadd.s32 $0xFFFFFFFF  }
0xb5: {  	_ =	strace $0x90000048  }
0xb6: {  	_ =	sfence  }
0xb7: {  	s30 =	sld [smem:$0x0];
	_ =	sdelay $0x2  }
0xb8: {  	s31 =	sshll.u32 s1, $0xD;
	s1 =	sshrl.u32 s1, $0x2  }
0xb9: {  	s3 =	sand.u32 $0x4000, s31;
	s1 =	sadd.s32 s1, s30  }
0xba: {  	s0 =	sor.u32 s3, s0;
	s1 =	sshll.u32 s1, $0x11  }
0xbb: {  	s0 =	sor.u32 s1, s0  }
0xbc: {  	s0 =	sadd.s32 $0x8F2B, s0  }
0xbd: {  	[sflag:s0] =	ssyncadd.remote.s32 $0x1  }
0xbe: {  	_ =	sfence.sel $0xFFFF  }
0xbf: {  	[dreg:$0x0] =	wrdreg $0xFFFFFFFF;
	(pc) =	sbr.abs _section_cstart, $3  }
0xc0: {  	[dreg:$0x1] =	wrdreg $0xFFFFFFFF  }
0xc1: {  	_ =	task.clear_ibuf [dreg:s7], $0x2FFFF;
	_ =	strace $0x9FFFFFFF  }
0xc2: {  	(tm) =	ssettm $0x7FFFFFFF  }
0xc3: {  	_ =	shalt  }
tec
execute0_lowered:
.L_overlay_start_1:
0x0: {  	(tag) =	ssettag $0x1  }
0x1: {  	s0 =	srdreg.scid;
	s2 =	stileid.u32  }
0x2: {  	s1 =	rddreg [dreg:$0x0];
	s0 =	sand.u32 $0x1, s0;
	s3 =	sshll.u32 s2, $0x1  }
0x3: {  	s30 =	simm.s32 $0x0;
	s5 =	sor.u32 s0, s3;
	s0 =	ssub.s32 $0x2, s0  }
0x4: {  	s8 =	simm.s32 $0x5;
	s4 =	smul.u32 $0xC80, s5;
	s7 =	sshrl.u32 s0, $0x1  }
0x5: {  	s19 =	simm.s32 $0x16600;
	[smem:$0x7FF] =	sst s30;
	s0 =	ssub.s32 s0, s7  }
0x6: {  	_ =	strace $0x80000047;
	s6 =	sadd.s32 s4, s1;
	s0 =	smax.u32 s0, $0x1  }
0x7: {  	s4 =	sadd.s32 $0x19600, s1;
	s31 =	sadd.s32 $0x600, s6;
	[dreg:$0x4] =	wrdreg s0  }
0x8: {  	s1 =	simm.s32 $0x0;
	s6 =	smul.u32 $0x64000, s5;
	[dreg:$0x3] =	wrdreg s31  }
.LBB2_1:
0x9: {  	[dreg:$0x5] =	wrdreg s1  }
0xa: {  	s0 =	simm.s32 $0x0;
	s22 =	rddreg [dreg:$0x3]  }
0xb: {  	[tilespmem:s0], [sflag:$0x5] =	stream.linear.gather [hbm4b:s22+s0], $0x6400, $0x38;
	[tilespmem:$0x16E00] =	vst v63  }
0xc: {  	_ =	swait.ge [sflag:s8], $0x6400  }
0xd: {  	[sflag:s8] =	ssyncset.done $0x0  }
0xe: {  	[sflag:s8] =	ssyncadd.s32 $0xFFFF9C00  }
0xf: {  	v0 =	vld [tilespmem:$0x0]  }
0x10: {  	v1 =	vld [tilespmem:$0x10]  }
0x11: {  	v2 =	vld [tilespmem:$0x20]  }
0x12: {  	v3 =	vld [tilespmem:$0x30]  }
0x13: {  	v4 =	vld [tilespmem:$0x40]  }
0x14: {  	v5 =	vld [tilespmem:$0x50];
	v0 =	vand.u32 $0x1FFFF, v0  }
0x15: {  	v26 =	vld [tilespmem:$0x60];
	v25 =	vand.u32 $0x1FFFF, v1;
	[tilespmem:$0x6400] =	vst v0  }
0x16: {  	v28 =	vld [tilespmem:$0x70];
	v27 =	vand.u32 $0x1FFFF, v2;
	[tilespmem:$0x6410] =	vst v25  }
0x17: {  	v29 =	vand.u32 $0x1FFFF, v3;
	[tilespmem:$0x6420] =	vst v27  }
0x18: {  	v30 =	vand.u32 $0x1FFFF, v4;
	[tilespmem:$0x6430] =	vst v29  }
0x19: {  	v31 =	vand.u32 $0x1FFFF, v5;
	[tilespmem:$0x6440] =	vst v30  }
0x1a: {  	v32 =	vand.u32 $0x1FFFF, v26;
	[tilespmem:$0x6450] =	vst v31  }
0x1b: {  	v33 =	vand.u32 $0x1FFFF, v28;
	[tilespmem:$0x6460] =	vst v32  }
0x1c: {  	s23 =	simm.s32 $0x6400;
	s24 =	simm.s32 $0x6600;
	s2 =	simm.s32 $0x80;
	[tilespmem:$0x6470] =	vst v33  }
0x1d: {  	[tilespmem:s24], [sflag:$0x1] =	stream.indirect.gather [hbm4b:s4+s2], $0x80, s23, s2, $0xb8;
	[tilespmem:$0x16E00] =	vst v63  }
0x1e: {  	v34 =	vld [tilespmem:$0x80]  }
0x1f: {  	v35 =	vld [tilespmem:$0x90]  }
0x20: {  	v36 =	vld [tilespmem:$0xA0]  }
0x21: {  	v37 =	vld [tilespmem:$0xB0]  }
0x22: {  	v38 =	vld [tilespmem:$0xC0]  }
0x23: {  	v39 =	vld [tilespmem:$0xD0];
	v0 =	vand.u32 $0x1FFFF, v34  }
0x24: {  	v41 =	vld [tilespmem:$0xE0];
	v40 =	vand.u32 $0x1FFFF, v35;
	[tilespmem:$0x6480] =	vst v0  }
0x25: {  	v43 =	vld [tilespmem:$0xF0];
	v42 =	vand.u32 $0x1FFFF, v36;
	[tilespmem:$0x6490] =	vst v40  }
0x26: {  	v44 =	vand.u32 $0x1FFFF, v37;
	[tilespmem:$0x64A0] =	vst v42  }
0x27: {  	v45 =	vand.u32 $0x1FFFF, v38;
	[tilespmem:$0x64B0] =	vst v44  }
0x28: {  	v46 =	vand.u32 $0x1FFFF, v39;
	[tilespmem:$0x64C0] =	vst v45  }
0x29: {  	v47 =	vand.u32 $0x1FFFF, v41;
	[tilespmem:$0x64D0] =	vst v46  }
0x2a: {  	v48 =	vand.u32 $0x1FFFF, v43;
	[tilespmem:$0x64E0] =	vst v47  }
0x2b: {  	s25 =	simm.s32 $0x6480;
	s26 =	simm.s32 $0xA600;
	[tilespmem:$0x64F0] =	vst v48  }
0x2c: {  	[tilespmem:s26], [sflag:$0x2] =	stream.indirect.gather [hbm4b:s4+s2], $0x80, s25, s2, $0xb8;
	[tilespmem:$0x16E00] =	vst v63  }
0x2d: {  	v49 =	vld [tilespmem:$0x100]  }
0x2e: {  	v50 =	vld [tilespmem:$0x110]  }
0x2f: {  	v51 =	vld [tilespmem:$0x120]  }
0x30: {  	v52 =	vld [tilespmem:$0x130]  }
0x31: {  	v53 =	vld [tilespmem:$0x140]  }
0x32: {  	v54 =	vld [tilespmem:$0x150];
	v0 =	vand.u32 $0x1FFFF, v49  }
0x33: {  	v56 =	vld [tilespmem:$0x160];
	v55 =	vand.u32 $0x1FFFF, v50;
	[tilespmem:$0x6500] =	vst v0  }
0x34: {  	v58 =	vld [tilespmem:$0x170];
	v57 =	vand.u32 $0x1FFFF, v51;
	[tilespmem:$0x6510] =	vst v55  }
0x35: {  	v59 =	vand.u32 $0x1FFFF, v52;
	[tilespmem:$0x6520] =	vst v57  }
0x36: {  	v60 =	vand.u32 $0x1FFFF, v53;
	[tilespmem:$0x6530] =	vst v59  }
0x37: {  	v61 =	vand.u32 $0x1FFFF, v54;
	[tilespmem:$0x6540] =	vst v60  }
0x38: {  	s30 =	simm.s32 $0x6500;
	v62 =	vand.u32 $0x1FFFF, v56;
	[tilespmem:$0x6550] =	vst v61  }
0x39: {  	s31 =	simm.s32 $0xE600;
	s11 =	simm.s32 $0x80;
	s28 =	simm.s32 $0x0;
	v63 =	vand.u32 $0x1FFFF, v58;
	[tilespmem:$0x6560] =	vst v62  }
0x3a: {  	s29 =	simm.s32 $0x0;
	s24 =	simm.s32 $0x100;
	s25 =	simm.s32 $0x180;
	[tilespmem:$0x6570] =	vst v63  }
0x3b: {  	[tilespmem:s31], [sflag:$0x3] =	stream.indirect.gather [hbm4b:s4+s2], $0x80, s30, s2, $0xb8;
	[tilespmem:$0x16E00] =	vst v63  }
.LBB2_2:
0x3c: {  	s30 =	sshllo.u32 s29, $0x2  }
0x3d: {  	s0 =	sshll.u32 s30, $0x7  }
0x3e: {  	s0 =	sand.u32 $0x3FFFFF80, s0  }
0x3f: {  	v0 =	vld [tilespmem:s0+$0x0];
	_ =	sdelay $0x4  }
0x40: {  	v0 =	vand.u32 $0x1FFFF, v0  }
0x41: {  	[tilespmem:$0x6580] =	vst v0  }
0x42: {  	v0 =	vld [tilespmem:s0+$0x10];
	_ =	sdelay $0x4  }
0x43: {  	v0 =	vand.u32 $0x1FFFF, v0  }
0x44: {  	[tilespmem:$0x6590] =	vst v0  }
0x45: {  	v0 =	vld [tilespmem:s0+$0x20];
	_ =	sdelay $0x4  }
0x46: {  	v0 =	vand.u32 $0x1FFFF, v0  }
0x47: {  	[tilespmem:$0x65A0] =	vst v0  }
0x48: {  	v0 =	vld [tilespmem:s0+$0x30];
	_ =	sdelay $0x4  }
0x49: {  	v0 =	vand.u32 $0x1FFFF, v0  }
0x4a: {  	[tilespmem:$0x65B0] =	vst v0  }
0x4b: {  	v0 =	vld [tilespmem:s0+$0x40];
	_ =	sdelay $0x4  }
0x4c: {  	v0 =	vand.u32 $0x1FFFF, v0  }
0x4d: {  	[tilespmem:$0x65C0] =	vst v0  }
0x4e: {  	v0 =	vld [tilespmem:s0+$0x50];
	_ =	sdelay $0x4  }
0x4f: {  	v0 =	vand.u32 $0x1FFFF, v0  }
0x50: {  	[tilespmem:$0x65D0] =	vst v0  }
0x51: {  	v0 =	vld [tilespmem:s0+$0x60];
	_ =	sdelay $0x4  }
0x52: {  	v0 =	vand.u32 $0x1FFFF, v0  }
0x53: {  	[tilespmem:$0x65E0] =	vst v0  }
0x54: {  	v0 =	vld [tilespmem:s0+$0x70];
	_ =	sdelay $0x4  }
0x55: {  	s26 =	simm.s32 $0x80;
	v0 =	vand.u32 $0x1FFFF, v0  }
0x56: {  	s1 =	simm.s32 $0x6580;
	s2 =	simm.s32 $0x12600;
	s3 =	simm.s32 $0x1;
	[tilespmem:$0x65F0] =	vst v0  }
0x57: {  	[tilespmem:s2], [sflag:$0x4] =	stream.indirect.gather [hbm4b:s4+s26], $0x80, s1, s26, $0xb8;
	[tilespmem:$0x16E00] =	vst v63  }
0x58: {  	_ =	swait.ge [sflag:s3], $0x4000  }
0x59: {  	[sflag:s3] =	ssyncset.done $0x0  }
0x5a: {  	[sflag:s3] =	ssyncadd.s32 $0xFFFFC000  }
0x5b: {  	v0 =	vld [tilespmem:s28+$0x0];
	_ =	sdelay $0x4  }
0x5c: {  	v0 =	vshrl.u32 v0, $0xD  }
0x5d: {  	(v2sf) =	vpush v0, $0x0;
	_ =	sdelay $0x5  }
0x5e: {  	(v2sf) =	vpush v0, $0x1;
	_ =	sdelay $0x5  }
0x5f: {  	(v2sf) =	vpush v0, $0x2;
	_ =	sdelay $0x2  }
0x60: {  	s5 =	spop (v2sf)  }
0x61: {  	s0 =	sand.u32 $0x7FFF0, s5  }
0x62: {  	s0 =	sadd.s32 $0x0, s0  }
0x63: {  	(v2sf) =	vpush v0, $0x3;
	v1 =	vld [tilespmem:s0+$0x6600];
	_ =	sdelay $0x2  }
0x64: {  	s7 =	spop (v2sf)  }
0x65: {  	s1 =	sand.u32 $0x7FFF0, s7;
	s0 =	simm.s32 $0x16680  }
0x66: {  	s1 =	sadd.s32 $0x0, s1;
	[tilespmem:s0+$0xFFFFFF80] =	vst v1  }
0x67: {  	(v2sf) =	vpush v0, $0x4;
	v1 =	vld [tilespmem:s1+$0x6680];
	_ =	sdelay $0x2  }
0x68: {  	s9 =	spop (v2sf)  }
0x69: {  	s1 =	sand.u32 $0x7FFF0, s9  }
0x6a: {  	s1 =	sadd.s32 $0x0, s1;
	[tilespmem:s0+$0xFFFFFF90] =	vst v1  }
0x6b: {  	(v2sf) =	vpush v0, $0x5;
	v1 =	vld [tilespmem:s1+$0x6700];
	_ =	sdelay $0x2  }
0x6c: {  	s10 =	spop (v2sf)  }
0x6d: {  	s1 =	sand.u32 $0x7FFF0, s10  }
0x6e: {  	s1 =	sadd.s32 $0x0, s1;
	[tilespmem:s0+$0xFFFFFFA0] =	vst v1  }
0x6f: {  	(v2sf) =	vpush v0, $0x6;
	v1 =	vld [tilespmem:s1+$0x6780];
	_ =	sdelay $0x2  }
0x70: {  	s12 =	spop (v2sf)  }
0x71: {  	s1 =	sand.u32 $0x7FFF0, s12  }
0x72: {  	s1 =	sadd.s32 $0x0, s1;
	[tilespmem:s0+$0xFFFFFFB0] =	vst v1  }
0x73: {  	(v2sf) =	vpush v0, $0x7;
	v1 =	vld [tilespmem:s1+$0x6800];
	_ =	sdelay $0x2  }
0x74: {  	s13 =	spop (v2sf)  }
0x75: {  	s1 =	sand.u32 $0x7FFF0, s13  }
0x76: {  	s1 =	sadd.s32 $0x0, s1;
	[tilespmem:s0+$0xFFFFFFC0] =	vst v1  }
0x77: {  	(v2sf) =	vpush v0, $0x8;
	v1 =	vld [tilespmem:s1+$0x6880];
	_ =	sdelay $0x2  }
0x78: {  	s14 =	spop (v2sf)  }
0x79: {  	s1 =	sand.u32 $0x7FFF0, s14  }
0x7a: {  	s1 =	sadd.s32 $0x0, s1;
	[tilespmem:s0+$0xFFFFFFD0] =	vst v1  }
0x7b: {  	(v2sf) =	vpush v0, $0x9;
	v1 =	vld [tilespmem:s1+$0x6900];
	_ =	sdelay $0x2  }
0x7c: {  	s15 =	spop (v2sf)  }
0x7d: {  	s1 =	sand.u32 $0x7FFF0, s15  }
0x7e: {  	s1 =	sadd.s32 $0x0, s1;
	[tilespmem:s0+$0xFFFFFFE0] =	vst v1  }
0x7f: {  	(v2sf) =	vpush v0, $0xA;
	v1 =	vld [tilespmem:s1+$0x6980];
	_ =	sdelay $0x2  }
0x80: {  	s16 =	spop (v2sf)  }
0x81: {  	s1 =	sand.u32 $0x7FFF0, s16  }
0x82: {  	s1 =	sadd.s32 $0x0, s1;
	[tilespmem:s0+$0xFFFFFFF0] =	vst v1  }
0x83: {  	(v2sf) =	vpush v0, $0xB;
	v1 =	vld [tilespmem:s1+$0x6A00];
	_ =	sdelay $0x2  }
0x84: {  	s17 =	spop (v2sf)  }
0x85: {  	s1 =	sand.u32 $0x7FFF0, s17  }
0x86: {  	s1 =	sadd.s32 $0x0, s1;
	[tilespmem:s0+$0x0] =	vst v1  }
0x87: {  	(v2sf) =	vpush v0, $0xC;
	v1 =	vld [tilespmem:s1+$0x6A80];
	_ =	sdelay $0x2  }
0x88: {  	s18 =	spop (v2sf)  }
0x89: {  	s1 =	sand.u32 $0x7FFF0, s18  }
0x8a: {  	s1 =	sadd.s32 $0x0, s1;
	[tilespmem:s0+$0x10] =	vst v1  }
0x8b: {  	(v2sf) =	vpush v0, $0xD;
	v1 =	vld [tilespmem:s1+$0x6B00];
	_ =	sdelay $0x2  }
0x8c: {  	s20 =	spop (v2sf)  }
0x8d: {  	s1 =	sand.u32 $0x7FFF0, s20  }
0x8e: {  	s1 =	sadd.s32 $0x0, s1;
	[tilespmem:s0+$0x20] =	vst v1  }
0x8f: {  	(v2sf) =	vpush v0, $0xE;
	v1 =	vld [tilespmem:s1+$0x6B80];
	_ =	sdelay $0x2  }
0x90: {  	s21 =	spop (v2sf)  }
0x91: {  	s1 =	sand.u32 $0x7FFF0, s21  }
0x92: {  	s1 =	sadd.s32 $0x0, s1;
	[tilespmem:s0+$0x30] =	vst v1  }
0x93: {  	(v2sf) =	vpush v0, $0xF;
	v0 =	vld [tilespmem:s1+$0x6C00];
	_ =	sdelay $0x2  }
0x94: {  	s22 =	spop (v2sf)  }
0x95: {  	s1 =	sand.u32 $0x7FFF0, s22  }
0x96: {  	s1 =	sadd.s32 $0x0, s1;
	[tilespmem:s0+$0x40] =	vst v0  }
0x97: {  	v0 =	vld [tilespmem:s1+$0x6C80];
	_ =	sdelay $0x2  }
0x98: {  	s23 =	spop (v2sf)  }
0x99: {  	s1 =	sand.u32 $0x7FFF0, s23  }
0x9a: {  	s1 =	sadd.s32 $0x0, s1;
	[tilespmem:s0+$0x50] =	vst v0  }
0x9b: {  	v0 =	vld [tilespmem:s1+$0x6D00];
	_ =	sdelay $0x2  }
0x9c: {  	s26 =	spop (v2sf)  }
0x9d: {  	s5 =	sshll.u32 s29, $0x9;
	s1 =	sand.u32 $0x7FFF0, s26  }
0x9e: {  	s31 =	sand.u32 $0x3FFFFE00, s5;
	s7 =	sadd.s32 $0x0, s1;
	[tilespmem:s0+$0x60] =	vst v0  }
0x9f: {  	s9 =	simm.s32 $0x2000;
	s10 =	smov.u32 s28;
	s1 =	sshll.u32 s29, $0x2;
	v0 =	vld [tilespmem:s7+$0x6D80]  }
.LBB2_3:
0xa0: {  	_ =	sdelay $0x3  }
0xa1: {  	p0 =	sne.s32 s9, $0xE000;
	s10 =	sadd.s32 $0x10, s10;
	[tilespmem:s0+$0x70] =	vst v0;
	s0 =	sadd.s32 $0x100, s0  }
0xa2: {  	s5 =	smov.u32 s9;
	s9 =	sadd.s32 $0x2000, s9;
	v0 =	vld [tilespmem:s10+$0x0];
	_ =	sdelay $0x4  }
0xa3: {  	v0 =	vshrl.u32 v0, $0xD  }
0xa4: {  	(v2sf) =	vpush v0, $0x0  }
0xa5: {  	(v2sf) =	vpush v0, $0x1  }
0xa6: {  	(v2sf) =	vpush v0, $0x2  }
0xa7: {  	(v2sf) =	vpush v0, $0x3  }
0xa8: {  	(v2sf) =	vpush v0, $0x4  }
0xa9: {  	(v2sf) =	vpush v0, $0x5  }
0xaa: {  	(v2sf) =	vpush v0, $0x6  }
0xab: {  	(v2sf) =	vpush v0, $0x7;
	_ =	sdelay $0x1  }
0xac: {  	(v2sf) =	vpush v0, $0x8  }
0xad: {  	(v2sf) =	vpush v0, $0x9  }
0xae: {  	(v2sf) =	vpush v0, $0xA  }
0xaf: {  	(v2sf) =	vpush v0, $0xB  }
0xb0: {  	(v2sf) =	vpush v0, $0xC;
	_ =	sdelay $0x1  }
0xb1: {  	s7 =	spop (v2sf);
	(v2sf) =	vpush v0, $0xD  }
0xb2: {  	s15 =	sshra.s32 s5, $0x2;
	s7 =	sand.u32 $0x7FFF0, s7;
	s5 =	spop (v2sf);
	(v2sf) =	vpush v0, $0xE  }
0xb3: {  	s7 =	sadd.s32 s15, s7;
	s5 =	sand.u32 $0x7FFF0, s5;
	s12 =	spop (v2sf);
	(v2sf) =	vpush v0, $0xF  }
0xb4: {  	v0 =	vld [tilespmem:s7+$0x6600];
	s12 =	sand.u32 $0x7FFF0, s12;
	s7 =	spop (v2sf)  }
0xb5: {  	s22 =	sand.u32 $0x7FFF0, s7;
	s7 =	spop (v2sf)  }
0xb6: {  	s7 =	sand.u32 $0x7FFF0, s7;
	s13 =	spop (v2sf)  }
0xb7: {  	s21 =	sadd.s32 s15, s7;
	s7 =	sand.u32 $0x7FFF0, s13;
	s13 =	spop (v2sf)  }
0xb8: {  	s20 =	sadd.s32 s15, s7;
	s7 =	sand.u32 $0x7FFF0, s13;
	s13 =	spop (v2sf)  }
0xb9: {  	s5 =	sadd.s32 s15, s5;
	[tilespmem:s0+$0xFFFFFF80] =	vst v0;
	s18 =	sadd.s32 s15, s7;
	s7 =	sand.u32 $0x7FFF0, s13  }
0xba: {  	v0 =	vld [tilespmem:s5+$0x6680];
	s17 =	sadd.s32 s15, s7;
	s5 =	spop (v2sf)  }
0xbb: {  	s5 =	sand.u32 $0x7FFF0, s5;
	s7 =	spop (v2sf)  }
0xbc: {  	s16 =	sadd.s32 s15, s5;
	s5 =	sand.u32 $0x7FFF0, s7;
	s7 =	spop (v2sf)  }
0xbd: {  	s23 =	sadd.s32 s15, s5;
	s5 =	sand.u32 $0x7FFF0, s7;
	s13 =	spop (v2sf)  }
0xbe: {  	s7 =	sadd.s32 s15, s5;
	s5 =	sand.u32 $0x7FFF0, s13;
	s13 =	spop (v2sf)  }
0xbf: {  	s12 =	sadd.s32 s15, s12;
	[tilespmem:s0+$0xFFFFFF90] =	vst v0;
	s5 =	sadd.s32 s15, s5;
	s13 =	sand.u32 $0x7FFF0, s13  }
0xc0: {  	v0 =	vld [tilespmem:s12+$0x6700];
	s14 =	sadd.s32 s15, s13;
	s12 =	spop (v2sf)  }
0xc1: {  	s12 =	sand.u32 $0x7FFF0, s12;
	s26 =	spop (v2sf)  }
0xc2: {  	s13 =	sadd.s32 s15, s12;
	s12 =	sand.u32 $0x7FFF0, s26;
	s26 =	spop (v2sf)  }
0xc3: {  	s12 =	sadd.s32 s15, s12;
	s26 =	sand.u32 $0x7FFF0, s26  }
0xc4: {  	s26 =	sadd.s32 s15, s26  }
0xc5: {  	s15 =	sadd.s32 s15, s22;
	[tilespmem:s0+$0xFFFFFFA0] =	vst v0  }
0xc6: {  	v0 =	vld [tilespmem:s15+$0x6780];
	_ =	sdelay $0x4  }
0xc7: {  	[tilespmem:s0+$0xFFFFFFB0] =	vst v0  }
0xc8: {  	v0 =	vld [tilespmem:s21+$0x6800];
	_ =	sdelay $0x4  }
0xc9: {  	[tilespmem:s0+$0xFFFFFFC0] =	vst v0  }
0xca: {  	v0 =	vld [tilespmem:s20+$0x6880];
	_ =	sdelay $0x4  }
0xcb: {  	[tilespmem:s0+$0xFFFFFFD0] =	vst v0  }
0xcc: {  	v0 =	vld [tilespmem:s18+$0x6900];
	_ =	sdelay $0x4  }
0xcd: {  	[tilespmem:s0+$0xFFFFFFE0] =	vst v0  }
0xce: {  	v0 =	vld [tilespmem:s17+$0x6980];
	_ =	sdelay $0x4  }
0xcf: {  	[tilespmem:s0+$0xFFFFFFF0] =	vst v0  }
0xd0: {  	v0 =	vld [tilespmem:s16+$0x6A00];
	_ =	sdelay $0x4  }
0xd1: {  	[tilespmem:s0+$0x0] =	vst v0  }
0xd2: {  	v0 =	vld [tilespmem:s23+$0x6A80];
	_ =	sdelay $0x4  }
0xd3: {  	[tilespmem:s0+$0x10] =	vst v0  }
0xd4: {  	v0 =	vld [tilespmem:s7+$0x6B00];
	_ =	sdelay $0x4  }
0xd5: {  	[tilespmem:s0+$0x20] =	vst v0  }
0xd6: {  	v0 =	vld [tilespmem:s5+$0x6B80];
	_ =	sdelay $0x4  }
0xd7: {  	[tilespmem:s0+$0x30] =	vst v0  }
0xd8: {  	v0 =	vld [tilespmem:s14+$0x6C00];
	_ =	sdelay $0x4  }
0xd9: {  	[tilespmem:s0+$0x40] =	vst v0  }
0xda: {  	v0 =	vld [tilespmem:s13+$0x6C80];
	_ =	sdelay $0x4  }
0xdb: {  	[tilespmem:s0+$0x50] =	vst v0  }
0xdc: {  	v0 =	vld [tilespmem:s12+$0x6D00];
	_ =	sdelay $0x1  }
.Ltmp0:
0xdd: {  	(pc) =	sbr.rel @p0 .LBB2_3-.Ltmp0, $3  }
0xde: {  	_ =	sdelay $0x1  }
0xdf: {  	[tilespmem:s0+$0x60] =	vst v0  }
0xe0: {  	v0 =	vld [tilespmem:s26+$0x6D80]  }
0xe1: {  	_ = 	snop  }
0xe2: {  	s5 =	sshll.u32 s29, $0xD  }
0xe3: {  	s5 =	sadd.s32 s6, s5  }
0xe4: {  	s2 =	rddreg [dreg:$0x1];
	s5 =	sshrl.u32 s5, $0x3  }
0xe5: {  	[tilespmem:s0+$0x70] =	vst v0;
	s0 =	sadd.s32 s2, s5;
	s2 =	simm.s32 $0x0  }
0xe6: {  	[hbm4b:s0+s2] =	stream.linear.scatter [tilespmem:s19], [sflag:$0x5], $0x800, $0x38;
	[tilespmem:$0x16E00] =	vst v63  }
0xe7: {  	_ =	swait.ge [sflag:s8], $0x800  }
0xe8: {  	[sflag:s8] =	ssyncset.done $0x0  }
0xe9: {  	p0 =	seq.s32 s29, $0x31;
	[sflag:s8] =	ssyncadd.s32 $0xFFFFF800  }
0xea: {  	v0 =	vld @!p0 [tilespmem:s31+$0x200];
	_ =	sdelay $0x4  }
0xeb: {  	v0 =	vand.u32 @!p0 $0x1FFFF, v0  }
0xec: {  	[tilespmem:$0x6400] =	vst @!p0 v0  }
0xed: {  	v0 =	vld @!p0 [tilespmem:s31+$0x210];
	_ =	sdelay $0x4  }
0xee: {  	v0 =	vand.u32 @!p0 $0x1FFFF, v0  }
0xef: {  	[tilespmem:$0x6410] =	vst @!p0 v0  }
0xf0: {  	v0 =	vld @!p0 [tilespmem:s31+$0x220];
	_ =	sdelay $0x4  }
0xf1: {  	v0 =	vand.u32 @!p0 $0x1FFFF, v0  }
0xf2: {  	[tilespmem:$0x6420] =	vst @!p0 v0  }
0xf3: {  	v0 =	vld @!p0 [tilespmem:s31+$0x230];
	_ =	sdelay $0x4  }
0xf4: {  	v0 =	vand.u32 @!p0 $0x1FFFF, v0  }
0xf5: {  	[tilespmem:$0x6430] =	vst @!p0 v0  }
0xf6: {  	v0 =	vld @!p0 [tilespmem:s31+$0x240];
	_ =	sdelay $0x4  }
0xf7: {  	v0 =	vand.u32 @!p0 $0x1FFFF, v0  }
0xf8: {  	[tilespmem:$0x6440] =	vst @!p0 v0  }
0xf9: {  	v0 =	vld @!p0 [tilespmem:s31+$0x250];
	_ =	sdelay $0x4  }
0xfa: {  	v0 =	vand.u32 @!p0 $0x1FFFF, v0  }
0xfb: {  	[tilespmem:$0x6450] =	vst @!p0 v0  }
0xfc: {  	v0 =	vld @!p0 [tilespmem:s31+$0x260];
	_ =	sdelay $0x4  }
0xfd: {  	v0 =	vand.u32 @!p0 $0x1FFFF, v0  }
0xfe: {  	[tilespmem:$0x6460] =	vst @!p0 v0  }
0xff: {  	v0 =	vld @!p0 [tilespmem:s31+$0x270];
	_ =	sdelay $0x4  }
0x100: {  	s3 =	simm.s32 $0x2;
	v0 =	vand.u32 @!p0 $0x1FFFF, v0  }
0x101: {  	s7 =	simm.s32 @!p0 $0x6600;
	s5 =	simm.s32 @!p0 $0x6400;
	s0 =	simm.s32 @!p0 $0x80;
	[tilespmem:$0x6470] =	vst @!p0 v0  }
0x102: {  	[tilespmem:s7], [sflag:$0x1] =	stream.indirect.gather @!p0 [hbm4b:s4+s0], $0x80, s5, s0, $0xb8;
	[tilespmem:$0x16E00] =	vst v63  }
0x103: {  	_ =	swait.ge [sflag:s3], $0x4000  }
0x104: {  	[sflag:s3] =	ssyncset.done $0x0  }
0x105: {  	[sflag:s3] =	ssyncadd.s32 $0xFFFFC000  }
0x106: {  	v0 =	vld [tilespmem:s11+$0x0];
	_ =	sdelay $0x4  }
0x107: {  	v0 =	vshrl.u32 v0, $0xD  }
0x108: {  	(v2sf) =	vpush v0, $0x0;
	_ =	sdelay $0x5  }
0x109: {  	(v2sf) =	vpush v0, $0x1;
	_ =	sdelay $0x5  }
0x10a: {  	(v2sf) =	vpush v0, $0x2;
	_ =	sdelay $0x2  }
0x10b: {  	s5 =	spop (v2sf)  }
0x10c: {  	s0 =	sand.u32 $0x7FFF0, s5  }
0x10d: {  	s0 =	sadd.s32 $0x0, s0  }
0x10e: {  	(v2sf) =	vpush v0, $0x3;
	v1 =	vld [tilespmem:s0+$0xA600];
	_ =	sdelay $0x2  }
0x10f: {  	s7 =	spop (v2sf)  }
0x110: {  	s5 =	sand.u32 $0x7FFF0, s7;
	s0 =	simm.s32 $0x16680  }
0x111: {  	s5 =	sadd.s32 $0x0, s5;
	[tilespmem:s0+$0xFFFFFF80] =	vst v1  }
0x112: {  	(v2sf) =	vpush v0, $0x4;
	v1 =	vld [tilespmem:s5+$0xA680];
	_ =	sdelay $0x2  }
0x113: {  	s9 =	spop (v2sf)  }
0x114: {  	s5 =	sand.u32 $0x7FFF0, s9  }
0x115: {  	s5 =	sadd.s32 $0x0, s5;
	[tilespmem:s0+$0xFFFFFF90] =	vst v1  }
0x116: {  	(v2sf) =	vpush v0, $0x5;
	v1 =	vld [tilespmem:s5+$0xA700];
	_ =	sdelay $0x2  }
0x117: {  	s10 =	spop (v2sf)  }
0x118: {  	s5 =	sand.u32 $0x7FFF0, s10  }
0x119: {  	s5 =	sadd.s32 $0x0, s5;
	[tilespmem:s0+$0xFFFFFFA0] =	vst v1  }
0x11a: {  	(v2sf) =	vpush v0, $0x6;
	v1 =	vld [tilespmem:s5+$0xA780];
	_ =	sdelay $0x2  }
0x11b: {  	s12 =	spop (v2sf)  }
0x11c: {  	s5 =	sand.u32 $0x7FFF0, s12  }
0x11d: {  	s5 =	sadd.s32 $0x0, s5;
	[tilespmem:s0+$0xFFFFFFB0] =	vst v1  }
0x11e: {  	(v2sf) =	vpush v0, $0x7;
	v1 =	vld [tilespmem:s5+$0xA800];
	_ =	sdelay $0x2  }
0x11f: {  	s13 =	spop (v2sf)  }
0x120: {  	s5 =	sand.u32 $0x7FFF0, s13  }
0x121: {  	s5 =	sadd.s32 $0x0, s5;
	[tilespmem:s0+$0xFFFFFFC0] =	vst v1  }
0x122: {  	(v2sf) =	vpush v0, $0x8;
	v1 =	vld [tilespmem:s5+$0xA880];
	_ =	sdelay $0x2  }
0x123: {  	s14 =	spop (v2sf)  }
0x124: {  	s5 =	sand.u32 $0x7FFF0, s14  }
0x125: {  	s5 =	sadd.s32 $0x0, s5;
	[tilespmem:s0+$0xFFFFFFD0] =	vst v1  }
0x126: {  	(v2sf) =	vpush v0, $0x9;
	v1 =	vld [tilespmem:s5+$0xA900];
	_ =	sdelay $0x2  }
0x127: {  	s15 =	spop (v2sf)  }
0x128: {  	s5 =	sand.u32 $0x7FFF0, s15  }
0x129: {  	s5 =	sadd.s32 $0x0, s5;
	[tilespmem:s0+$0xFFFFFFE0] =	vst v1  }
0x12a: {  	(v2sf) =	vpush v0, $0xA;
	v1 =	vld [tilespmem:s5+$0xA980];
	_ =	sdelay $0x2  }
0x12b: {  	s16 =	spop (v2sf)  }
0x12c: {  	s5 =	sand.u32 $0x7FFF0, s16  }
0x12d: {  	s5 =	sadd.s32 $0x0, s5;
	[tilespmem:s0+$0xFFFFFFF0] =	vst v1  }
0x12e: {  	(v2sf) =	vpush v0, $0xB;
	v1 =	vld [tilespmem:s5+$0xAA00];
	_ =	sdelay $0x2  }
0x12f: {  	s17 =	spop (v2sf)  }
0x130: {  	s5 =	sand.u32 $0x7FFF0, s17  }
0x131: {  	s5 =	sadd.s32 $0x0, s5;
	[tilespmem:s0+$0x0] =	vst v1  }
0x132: {  	(v2sf) =	vpush v0, $0xC;
	v1 =	vld [tilespmem:s5+$0xAA80];
	_ =	sdelay $0x2  }
0x133: {  	s18 =	spop (v2sf)  }
0x134: {  	s5 =	sand.u32 $0x7FFF0, s18  }
0x135: {  	s5 =	sadd.s32 $0x0, s5;
	[tilespmem:s0+$0x10] =	vst v1  }
0x136: {  	(v2sf) =	vpush v0, $0xD;
	v1 =	vld [tilespmem:s5+$0xAB00];
	_ =	sdelay $0x2  }
0x137: {  	s20 =	spop (v2sf)  }
0x138: {  	s5 =	sand.u32 $0x7FFF0, s20  }
0x139: {  	s5 =	sadd.s32 $0x0, s5;
	[tilespmem:s0+$0x20] =	vst v1  }
0x13a: {  	(v2sf) =	vpush v0, $0xE;
	v1 =	vld [tilespmem:s5+$0xAB80];
	_ =	sdelay $0x2  }
0x13b: {  	s21 =	spop (v2sf)  }
0x13c: {  	s5 =	sand.u32 $0x7FFF0, s21  }
0x13d: {  	s5 =	sadd.s32 $0x0, s5;
	[tilespmem:s0+$0x30] =	vst v1  }
0x13e: {  	(v2sf) =	vpush v0, $0xF;
	v0 =	vld [tilespmem:s5+$0xAC00];
	_ =	sdelay $0x2  }
0x13f: {  	s22 =	spop (v2sf)  }
0x140: {  	s5 =	sand.u32 $0x7FFF0, s22  }
0x141: {  	s5 =	sadd.s32 $0x0, s5;
	[tilespmem:s0+$0x40] =	vst v0  }
0x142: {  	v0 =	vld [tilespmem:s5+$0xAC80];
	_ =	sdelay $0x2  }
0x143: {  	s23 =	spop (v2sf)  }
0x144: {  	s5 =	sand.u32 $0x7FFF0, s23  }
0x145: {  	s5 =	sadd.s32 $0x0, s5;
	[tilespmem:s0+$0x50] =	vst v0  }
0x146: {  	v0 =	vld [tilespmem:s5+$0xAD00];
	_ =	sdelay $0x2  }
0x147: {  	s26 =	spop (v2sf)  }
0x148: {  	s5 =	sand.u32 $0x7FFF0, s26  }
0x149: {  	s5 =	sadd.s32 $0x0, s5;
	[tilespmem:s0+$0x60] =	vst v0  }
0x14a: {  	s9 =	sor.u32 $0x1, s1;
	s10 =	simm.s32 $0x2000;
	s26 =	smov.u32 s11;
	v0 =	vld [tilespmem:s5+$0xAD80]  }
.LBB2_5:
0x14b: {  	_ =	sdelay $0x3  }
0x14c: {  	p1 =	sne.s32 s10, $0xE000;
	s26 =	sadd.s32 $0x10, s26;
	[tilespmem:s0+$0x70] =	vst v0;
	s0 =	sadd.s32 $0x100, s0  }
0x14d: {  	s5 =	smov.u32 s10;
	s10 =	sadd.s32 $0x2000, s10;
	v0 =	vld [tilespmem:s26+$0x0];
	_ =	sdelay $0x4  }
0x14e: {  	v0 =	vshrl.u32 v0, $0xD  }
0x14f: {  	(v2sf) =	vpush v0, $0x0  }
0x150: {  	(v2sf) =	vpush v0, $0x1  }
0x151: {  	(v2sf) =	vpush v0, $0x2  }
0x152: {  	(v2sf) =	vpush v0, $0x3  }
0x153: {  	(v2sf) =	vpush v0, $0x4  }
0x154: {  	(v2sf) =	vpush v0, $0x5  }
0x155: {  	(v2sf) =	vpush v0, $0x6  }
0x156: {  	(v2sf) =	vpush v0, $0x7;
	_ =	sdelay $0x1  }
0x157: {  	(v2sf) =	vpush v0, $0x8  }
0x158: {  	(v2sf) =	vpush v0, $0x9  }
0x159: {  	(v2sf) =	vpush v0, $0xA  }
0x15a: {  	(v2sf) =	vpush v0, $0xB  }
0x15b: {  	(v2sf) =	vpush v0, $0xC;
	_ =	sdelay $0x1  }
0x15c: {  	s7 =	spop (v2sf);
	(v2sf) =	vpush v0, $0xD  }
0x15d: {  	s18 =	sshra.s32 s5, $0x2;
	s7 =	sand.u32 $0x7FFF0, s7;
	s5 =	spop (v2sf);
	(v2sf) =	vpush v0, $0xE  }
0x15e: {  	s7 =	sadd.s32 s18, s7;
	s5 =	sand.u32 $0x7FFF0, s5;
	s12 =	spop (v2sf);
	(v2sf) =	vpush v0, $0xF  }
0x15f: {  	v0 =	vld [tilespmem:s7+$0xA600];
	s7 =	sand.u32 $0x7FFF0, s12;
	s12 =	spop (v2sf)  }
0x160: {  	s2 =	sand.u32 $0x7FFF0, s12;
	s12 =	spop (v2sf)  }
0x161: {  	s12 =	sand.u32 $0x7FFF0, s12;
	s13 =	spop (v2sf)  }
0x162: {  	s22 =	sadd.s32 s18, s12;
	s12 =	sand.u32 $0x7FFF0, s13;
	s13 =	spop (v2sf)  }
0x163: {  	s21 =	sadd.s32 s18, s12;
	s12 =	sand.u32 $0x7FFF0, s13;
	s13 =	spop (v2sf)  }
0x164: {  	s5 =	sadd.s32 s18, s5;
	[tilespmem:s0+$0xFFFFFF80] =	vst v0;
	s20 =	sadd.s32 s18, s12;
	s12 =	sand.u32 $0x7FFF0, s13  }
0x165: {  	v0 =	vld [tilespmem:s5+$0xA680];
	s15 =	sadd.s32 s18, s12;
	s5 =	spop (v2sf)  }
0x166: {  	s5 =	sand.u32 $0x7FFF0, s5;
	s12 =	spop (v2sf)  }
0x167: {  	s17 =	sadd.s32 s18, s5;
	s5 =	sand.u32 $0x7FFF0, s12;
	s12 =	spop (v2sf)  }
0x168: {  	s16 =	sadd.s32 s18, s5;
	s5 =	sand.u32 $0x7FFF0, s12;
	s12 =	spop (v2sf)  }
0x169: {  	s23 =	sadd.s32 s18, s5;
	s5 =	sand.u32 $0x7FFF0, s12;
	s12 =	spop (v2sf)  }
0x16a: {  	s13 =	sadd.s32 s18, s7;
	[tilespmem:s0+$0xFFFFFF90] =	vst v0;
	s7 =	sadd.s32 s18, s5;
	s5 =	sand.u32 $0x7FFF0, s12  }
0x16b: {  	v0 =	vld [tilespmem:s13+$0xA700];
	s5 =	sadd.s32 s18, s5;
	s12 =	spop (v2sf)  }
0x16c: {  	s12 =	sand.u32 $0x7FFF0, s12;
	s13 =	spop (v2sf)  }
0x16d: {  	s14 =	sadd.s32 s18, s12;
	s12 =	sand.u32 $0x7FFF0, s13;
	s3 =	spop (v2sf)  }
0x16e: {  	s13 =	sadd.s32 s18, s12;
	s3 =	sand.u32 $0x7FFF0, s3  }
0x16f: {  	s12 =	sadd.s32 s18, s3  }
0x170: {  	s2 =	sadd.s32 s18, s2;
	[tilespmem:s0+$0xFFFFFFA0] =	vst v0  }
0x171: {  	v0 =	vld [tilespmem:s2+$0xA780];
	_ =	sdelay $0x4  }
0x172: {  	[tilespmem:s0+$0xFFFFFFB0] =	vst v0  }
0x173: {  	v0 =	vld [tilespmem:s22+$0xA800];
	_ =	sdelay $0x4  }
0x174: {  	[tilespmem:s0+$0xFFFFFFC0] =	vst v0  }
0x175: {  	v0 =	vld [tilespmem:s21+$0xA880];
	_ =	sdelay $0x4  }
0x176: {  	[tilespmem:s0+$0xFFFFFFD0] =	vst v0  }
0x177: {  	v0 =	vld [tilespmem:s20+$0xA900];
	_ =	sdelay $0x4  }
0x178: {  	[tilespmem:s0+$0xFFFFFFE0] =	vst v0  }
0x179: {  	v0 =	vld [tilespmem:s15+$0xA980];
	_ =	sdelay $0x4  }
0x17a: {  	[tilespmem:s0+$0xFFFFFFF0] =	vst v0  }
0x17b: {  	v0 =	vld [tilespmem:s17+$0xAA00];
	_ =	sdelay $0x4  }
0x17c: {  	[tilespmem:s0+$0x0] =	vst v0  }
0x17d: {  	v0 =	vld [tilespmem:s16+$0xAA80];
	_ =	sdelay $0x4  }
0x17e: {  	[tilespmem:s0+$0x10] =	vst v0  }
0x17f: {  	v0 =	vld [tilespmem:s23+$0xAB00];
	_ =	sdelay $0x4  }
0x180: {  	[tilespmem:s0+$0x20] =	vst v0  }
0x181: {  	v0 =	vld [tilespmem:s7+$0xAB80];
	_ =	sdelay $0x4  }
0x182: {  	[tilespmem:s0+$0x30] =	vst v0  }
0x183: {  	v0 =	vld [tilespmem:s5+$0xAC00];
	_ =	sdelay $0x4  }
0x184: {  	[tilespmem:s0+$0x40] =	vst v0  }
0x185: {  	v0 =	vld [tilespmem:s14+$0xAC80];
	_ =	sdelay $0x4  }
0x186: {  	[tilespmem:s0+$0x50] =	vst v0  }
0x187: {  	v0 =	vld [tilespmem:s13+$0xAD00];
	_ =	sdelay $0x1  }
.Ltmp1:
0x188: {  	(pc) =	sbr.rel @p1 .LBB2_5-.Ltmp1, $3  }
0x189: {  	_ =	sdelay $0x1  }
0x18a: {  	[tilespmem:s0+$0x60] =	vst v0  }
0x18b: {  	v0 =	vld [tilespmem:s12+$0xAD80]  }
0x18c: {  	_ = 	snop  }
0x18d: {  	s2 =	sshll.u32 s9, $0xB  }
0x18e: {  	s2 =	sadd.s32 s6, s2  }
0x18f: {  	s23 =	rddreg [dreg:$0x1];
	s2 =	sshrl.u32 s2, $0x3  }
0x190: {  	s26 =	simm.s32 $0x0;
	[tilespmem:s0+$0x70] =	vst v0;
	s0 =	sadd.s32 s23, s2  }
0x191: {  	[hbm4b:s0+s26] =	stream.linear.scatter [tilespmem:s19], [sflag:$0x5], $0x800, $0x38;
	[tilespmem:$0x16E00] =	vst v63  }
0x192: {  	_ =	swait.ge [sflag:s8], $0x800  }
0x193: {  	[sflag:s8] =	ssyncset.done $0x0  }
0x194: {  	[sflag:s8] =	ssyncadd.s32 $0xFFFFF800  }
0x195: {  	v0 =	vld @!p0 [tilespmem:s31+$0x280];
	_ =	sdelay $0x4  }
0x196: {  	v0 =	vand.u32 @!p0 $0x1FFFF, v0  }
0x197: {  	[tilespmem:$0x6480] =	vst @!p0 v0  }
0x198: {  	v0 =	vld @!p0 [tilespmem:s31+$0x290];
	_ =	sdelay $0x4  }
0x199: {  	v0 =	vand.u32 @!p0 $0x1FFFF, v0  }
0x19a: {  	[tilespmem:$0x6490] =	vst @!p0 v0  }
0x19b: {  	v0 =	vld @!p0 [tilespmem:s31+$0x2A0];
	_ =	sdelay $0x4  }
0x19c: {  	v0 =	vand.u32 @!p0 $0x1FFFF, v0  }
0x19d: {  	[tilespmem:$0x64A0] =	vst @!p0 v0  }
0x19e: {  	v0 =	vld @!p0 [tilespmem:s31+$0x2B0];
	_ =	sdelay $0x4  }
0x19f: {  	v0 =	vand.u32 @!p0 $0x1FFFF, v0  }
0x1a0: {  	[tilespmem:$0x64B0] =	vst @!p0 v0  }
0x1a1: {  	v0 =	vld @!p0 [tilespmem:s31+$0x2C0];
	_ =	sdelay $0x4  }
0x1a2: {  	v0 =	vand.u32 @!p0 $0x1FFFF, v0  }
0x1a3: {  	[tilespmem:$0x64C0] =	vst @!p0 v0  }
0x1a4: {  	v0 =	vld @!p0 [tilespmem:s31+$0x2D0];
	_ =	sdelay $0x4  }
0x1a5: {  	v0 =	vand.u32 @!p0 $0x1FFFF, v0  }
0x1a6: {  	[tilespmem:$0x64D0] =	vst @!p0 v0  }
0x1a7: {  	v0 =	vld @!p0 [tilespmem:s31+$0x2E0];
	_ =	sdelay $0x4  }
0x1a8: {  	v0 =	vand.u32 @!p0 $0x1FFFF, v0  }
0x1a9: {  	[tilespmem:$0x64E0] =	vst @!p0 v0  }
0x1aa: {  	v0 =	vld @!p0 [tilespmem:s31+$0x2F0];
	_ =	sdelay $0x4  }
0x1ab: {  	v0 =	vand.u32 @!p0 $0x1FFFF, v0  }
0x1ac: {  	s3 =	simm.s32 @!p0 $0xA600;
	s2 =	simm.s32 @!p0 $0x6480;
	s0 =	simm.s32 @!p0 $0x80;
	[tilespmem:$0x64F0] =	vst @!p0 v0  }
0x1ad: {  	[tilespmem:s3], [sflag:$0x2] =	stream.indirect.gather @!p0 [hbm4b:s4+s0], $0x80, s2, s0, $0xb8;
	[tilespmem:$0x16E00] =	vst v63  }
0x1ae: {  	s3 =	simm.s32 $0x3  }
0x1af: {  	_ =	swait.ge [sflag:s3], $0x4000  }
0x1b0: {  	[sflag:s3] =	ssyncset.done $0x0  }
0x1b1: {  	[sflag:s3] =	ssyncadd.s32 $0xFFFFC000  }
0x1b2: {  	v0 =	vld [tilespmem:s24+$0x0];
	_ =	sdelay $0x4  }
0x1b3: {  	v0 =	vshrl.u32 v0, $0xD  }
0x1b4: {  	(v2sf) =	vpush v0, $0x0;
	_ =	sdelay $0x5  }
0x1b5: {  	(v2sf) =	vpush v0, $0x1;
	_ =	sdelay $0x5  }
0x1b6: {  	(v2sf) =	vpush v0, $0x2;
	_ =	sdelay $0x2  }
0x1b7: {  	s5 =	spop (v2sf)  }
0x1b8: {  	s0 =	sand.u32 $0x7FFF0, s5  }
0x1b9: {  	s0 =	sadd.s32 $0x0, s0  }
0x1ba: {  	(v2sf) =	vpush v0, $0x3;
	v1 =	vld [tilespmem:s0+$0xE600];
	_ =	sdelay $0x2  }
0x1bb: {  	s7 =	spop (v2sf)  }
0x1bc: {  	s2 =	sand.u32 $0x7FFF0, s7;
	s0 =	simm.s32 $0x16680  }
0x1bd: {  	s2 =	sadd.s32 $0x0, s2;
	[tilespmem:s0+$0xFFFFFF80] =	vst v1  }
0x1be: {  	(v2sf) =	vpush v0, $0x4;
	v1 =	vld [tilespmem:s2+$0xE680];
	_ =	sdelay $0x2  }
0x1bf: {  	s9 =	spop (v2sf)  }
0x1c0: {  	s2 =	sand.u32 $0x7FFF0, s9  }
0x1c1: {  	s2 =	sadd.s32 $0x0, s2;
	[tilespmem:s0+$0xFFFFFF90] =	vst v1  }
0x1c2: {  	(v2sf) =	vpush v0, $0x5;
	v1 =	vld [tilespmem:s2+$0xE700];
	_ =	sdelay $0x2  }
0x1c3: {  	s10 =	spop (v2sf)  }
0x1c4: {  	s2 =	sand.u32 $0x7FFF0, s10  }
0x1c5: {  	s2 =	sadd.s32 $0x0, s2;
	[tilespmem:s0+$0xFFFFFFA0] =	vst v1  }
0x1c6: {  	(v2sf) =	vpush v0, $0x6;
	v1 =	vld [tilespmem:s2+$0xE780];
	_ =	sdelay $0x2  }
0x1c7: {  	s12 =	spop (v2sf)  }
0x1c8: {  	s2 =	sand.u32 $0x7FFF0, s12  }
0x1c9: {  	s2 =	sadd.s32 $0x0, s2;
	[tilespmem:s0+$0xFFFFFFB0] =	vst v1  }
0x1ca: {  	(v2sf) =	vpush v0, $0x7;
	v1 =	vld [tilespmem:s2+$0xE800];
	_ =	sdelay $0x2  }
0x1cb: {  	s13 =	spop (v2sf)  }
0x1cc: {  	s2 =	sand.u32 $0x7FFF0, s13  }
0x1cd: {  	s2 =	sadd.s32 $0x0, s2;
	[tilespmem:s0+$0xFFFFFFC0] =	vst v1  }
0x1ce: {  	(v2sf) =	vpush v0, $0x8;
	v1 =	vld [tilespmem:s2+$0xE880];
	_ =	sdelay $0x2  }
0x1cf: {  	s14 =	spop (v2sf)  }
0x1d0: {  	s2 =	sand.u32 $0x7FFF0, s14  }
0x1d1: {  	s2 =	sadd.s32 $0x0, s2;
	[tilespmem:s0+$0xFFFFFFD0] =	vst v1  }
0x1d2: {  	(v2sf) =	vpush v0, $0x9;
	v1 =	vld [tilespmem:s2+$0xE900];
	_ =	sdelay $0x2  }
0x1d3: {  	s15 =	spop (v2sf)  }
0x1d4: {  	s2 =	sand.u32 $0x7FFF0, s15  }
0x1d5: {  	s2 =	sadd.s32 $0x0, s2;
	[tilespmem:s0+$0xFFFFFFE0] =	vst v1  }
0x1d6: {  	(v2sf) =	vpush v0, $0xA;
	v1 =	vld [tilespmem:s2+$0xE980];
	_ =	sdelay $0x2  }
0x1d7: {  	s16 =	spop (v2sf)  }
0x1d8: {  	s2 =	sand.u32 $0x7FFF0, s16  }
0x1d9: {  	s2 =	sadd.s32 $0x0, s2;
	[tilespmem:s0+$0xFFFFFFF0] =	vst v1  }
0x1da: {  	(v2sf) =	vpush v0, $0xB;
	v1 =	vld [tilespmem:s2+$0xEA00];
	_ =	sdelay $0x2  }
0x1db: {  	s17 =	spop (v2sf)  }
0x1dc: {  	s2 =	sand.u32 $0x7FFF0, s17  }
0x1dd: {  	s2 =	sadd.s32 $0x0, s2;
	[tilespmem:s0+$0x0] =	vst v1  }
0x1de: {  	(v2sf) =	vpush v0, $0xC;
	v1 =	vld [tilespmem:s2+$0xEA80];
	_ =	sdelay $0x2  }
0x1df: {  	s18 =	spop (v2sf)  }
0x1e0: {  	s2 =	sand.u32 $0x7FFF0, s18  }
0x1e1: {  	s2 =	sadd.s32 $0x0, s2;
	[tilespmem:s0+$0x10] =	vst v1  }
0x1e2: {  	(v2sf) =	vpush v0, $0xD;
	v1 =	vld [tilespmem:s2+$0xEB00];
	_ =	sdelay $0x2  }
0x1e3: {  	s20 =	spop (v2sf)  }
0x1e4: {  	s2 =	sand.u32 $0x7FFF0, s20  }
0x1e5: {  	s2 =	sadd.s32 $0x0, s2;
	[tilespmem:s0+$0x20] =	vst v1  }
0x1e6: {  	(v2sf) =	vpush v0, $0xE;
	v1 =	vld [tilespmem:s2+$0xEB80];
	_ =	sdelay $0x2  }
0x1e7: {  	s21 =	spop (v2sf)  }
0x1e8: {  	s2 =	sand.u32 $0x7FFF0, s21  }
0x1e9: {  	s2 =	sadd.s32 $0x0, s2;
	[tilespmem:s0+$0x30] =	vst v1  }
0x1ea: {  	(v2sf) =	vpush v0, $0xF;
	v0 =	vld [tilespmem:s2+$0xEC00];
	_ =	sdelay $0x2  }
0x1eb: {  	s22 =	spop (v2sf)  }
0x1ec: {  	s2 =	sand.u32 $0x7FFF0, s22  }
0x1ed: {  	s2 =	sadd.s32 $0x0, s2;
	[tilespmem:s0+$0x40] =	vst v0  }
0x1ee: {  	v0 =	vld [tilespmem:s2+$0xEC80];
	_ =	sdelay $0x2  }
0x1ef: {  	s23 =	spop (v2sf)  }
0x1f0: {  	s2 =	sand.u32 $0x7FFF0, s23  }
0x1f1: {  	s2 =	sadd.s32 $0x0, s2;
	[tilespmem:s0+$0x50] =	vst v0  }
0x1f2: {  	v0 =	vld [tilespmem:s2+$0xED00];
	_ =	sdelay $0x2  }
0x1f3: {  	s26 =	spop (v2sf)  }
0x1f4: {  	s2 =	sand.u32 $0x7FFF0, s26  }
0x1f5: {  	s2 =	sadd.s32 $0x0, s2;
	[tilespmem:s0+$0x60] =	vst v0  }
0x1f6: {  	s1 =	sor.u32 $0x2, s1;
	s9 =	simm.s32 $0x2000;
	s10 =	smov.u32 s24;
	v0 =	vld [tilespmem:s2+$0xED80]  }
.LBB2_7:
0x1f7: {  	_ =	sdelay $0x3  }
0x1f8: {  	p1 =	sne.s32 s9, $0xE000;
	s10 =	sadd.s32 $0x10, s10;
	[tilespmem:s0+$0x70] =	vst v0;
	s0 =	sadd.s32 $0x100, s0  }
0x1f9: {  	s2 =	smov.u32 s9;
	s9 =	sadd.s32 $0x2000, s9;
	v0 =	vld [tilespmem:s10+$0x0];
	_ =	sdelay $0x4  }
0x1fa: {  	v0 =	vshrl.u32 v0, $0xD  }
0x1fb: {  	(v2sf) =	vpush v0, $0x0  }
0x1fc: {  	(v2sf) =	vpush v0, $0x1  }
0x1fd: {  	(v2sf) =	vpush v0, $0x2  }
0x1fe: {  	(v2sf) =	vpush v0, $0x3  }
0x1ff: {  	(v2sf) =	vpush v0, $0x4  }
0x200: {  	(v2sf) =	vpush v0, $0x5  }
0x201: {  	(v2sf) =	vpush v0, $0x6  }
0x202: {  	(v2sf) =	vpush v0, $0x7;
	_ =	sdelay $0x1  }
0x203: {  	(v2sf) =	vpush v0, $0x8  }
0x204: {  	(v2sf) =	vpush v0, $0x9  }
0x205: {  	(v2sf) =	vpush v0, $0xA  }
0x206: {  	(v2sf) =	vpush v0, $0xB  }
0x207: {  	(v2sf) =	vpush v0, $0xC;
	_ =	sdelay $0x1  }
0x208: {  	s3 =	spop (v2sf);
	(v2sf) =	vpush v0, $0xD  }
0x209: {  	s18 =	sshra.s32 s2, $0x2;
	s3 =	sand.u32 $0x7FFF0, s3;
	s2 =	spop (v2sf);
	(v2sf) =	vpush v0, $0xE  }
0x20a: {  	s3 =	sadd.s32 s18, s3;
	s2 =	sand.u32 $0x7FFF0, s2;
	s5 =	spop (v2sf);
	(v2sf) =	vpush v0, $0xF  }
0x20b: {  	v0 =	vld [tilespmem:s3+$0xE600];
	s3 =	sand.u32 $0x7FFF0, s5;
	s5 =	spop (v2sf)  }
0x20c: {  	s26 =	sand.u32 $0x7FFF0, s5;
	s5 =	spop (v2sf)  }
0x20d: {  	s5 =	sand.u32 $0x7FFF0, s5;
	s7 =	spop (v2sf)  }
0x20e: {  	s22 =	sadd.s32 s18, s5;
	s5 =	sand.u32 $0x7FFF0, s7;
	s7 =	spop (v2sf)  }
0x20f: {  	s21 =	sadd.s32 s18, s5;
	s5 =	sand.u32 $0x7FFF0, s7;
	s7 =	spop (v2sf)  }
0x210: {  	s2 =	sadd.s32 s18, s2;
	[tilespmem:s0+$0xFFFFFF80] =	vst v0;
	s20 =	sadd.s32 s18, s5;
	s5 =	sand.u32 $0x7FFF0, s7  }
0x211: {  	v0 =	vld [tilespmem:s2+$0xE680];
	s15 =	sadd.s32 s18, s5;
	s2 =	spop (v2sf)  }
0x212: {  	s2 =	sand.u32 $0x7FFF0, s2;
	s5 =	spop (v2sf)  }
0x213: {  	s17 =	sadd.s32 s18, s2;
	s2 =	sand.u32 $0x7FFF0, s5;
	s5 =	spop (v2sf)  }
0x214: {  	s16 =	sadd.s32 s18, s2;
	s2 =	sand.u32 $0x7FFF0, s5;
	s5 =	spop (v2sf)  }
0x215: {  	s23 =	sadd.s32 s18, s2;
	s2 =	sand.u32 $0x7FFF0, s5;
	s5 =	spop (v2sf)  }
0x216: {  	s3 =	sadd.s32 s18, s3;
	[tilespmem:s0+$0xFFFFFF90] =	vst v0;
	s7 =	sadd.s32 s18, s2;
	s2 =	sand.u32 $0x7FFF0, s5  }
0x217: {  	v0 =	vld [tilespmem:s3+$0xE700];
	s5 =	sadd.s32 s18, s2;
	s2 =	spop (v2sf)  }
0x218: {  	s2 =	sand.u32 $0x7FFF0, s2;
	s3 =	spop (v2sf)  }
0x219: {  	s14 =	sadd.s32 s18, s2;
	s2 =	sand.u32 $0x7FFF0, s3;
	s3 =	spop (v2sf)  }
0x21a: {  	s13 =	sadd.s32 s18, s2;
	s2 =	sand.u32 $0x7FFF0, s3  }
0x21b: {  	s12 =	sadd.s32 s18, s2  }
0x21c: {  	s2 =	sadd.s32 s18, s26;
	[tilespmem:s0+$0xFFFFFFA0] =	vst v0  }
0x21d: {  	v0 =	vld [tilespmem:s2+$0xE780];
	_ =	sdelay $0x4  }
0x21e: {  	[tilespmem:s0+$0xFFFFFFB0] =	vst v0  }
0x21f: {  	v0 =	vld [tilespmem:s22+$0xE800];
	_ =	sdelay $0x4  }
0x220: {  	[tilespmem:s0+$0xFFFFFFC0] =	vst v0  }
0x221: {  	v0 =	vld [tilespmem:s21+$0xE880];
	_ =	sdelay $0x4  }
0x222: {  	[tilespmem:s0+$0xFFFFFFD0] =	vst v0  }
0x223: {  	v0 =	vld [tilespmem:s20+$0xE900];
	_ =	sdelay $0x4  }
0x224: {  	[tilespmem:s0+$0xFFFFFFE0] =	vst v0  }
0x225: {  	v0 =	vld [tilespmem:s15+$0xE980];
	_ =	sdelay $0x4  }
0x226: {  	[tilespmem:s0+$0xFFFFFFF0] =	vst v0  }
0x227: {  	v0 =	vld [tilespmem:s17+$0xEA00];
	_ =	sdelay $0x4  }
0x228: {  	[tilespmem:s0+$0x0] =	vst v0  }
0x229: {  	v0 =	vld [tilespmem:s16+$0xEA80];
	_ =	sdelay $0x4  }
0x22a: {  	[tilespmem:s0+$0x10] =	vst v0  }
0x22b: {  	v0 =	vld [tilespmem:s23+$0xEB00];
	_ =	sdelay $0x4  }
0x22c: {  	[tilespmem:s0+$0x20] =	vst v0  }
0x22d: {  	v0 =	vld [tilespmem:s7+$0xEB80];
	_ =	sdelay $0x4  }
0x22e: {  	[tilespmem:s0+$0x30] =	vst v0  }
0x22f: {  	v0 =	vld [tilespmem:s5+$0xEC00];
	_ =	sdelay $0x4  }
0x230: {  	[tilespmem:s0+$0x40] =	vst v0  }
0x231: {  	v0 =	vld [tilespmem:s14+$0xEC80];
	_ =	sdelay $0x4  }
0x232: {  	[tilespmem:s0+$0x50] =	vst v0  }
0x233: {  	v0 =	vld [tilespmem:s13+$0xED00];
	_ =	sdelay $0x1  }
.Ltmp2:
0x234: {  	(pc) =	sbr.rel @p1 .LBB2_7-.Ltmp2, $3  }
0x235: {  	_ =	sdelay $0x1  }
0x236: {  	[tilespmem:s0+$0x60] =	vst v0  }
0x237: {  	v0 =	vld [tilespmem:s12+$0xED80]  }
0x238: {  	_ = 	snop  }
0x239: {  	s1 =	sshll.u32 s1, $0xB  }
0x23a: {  	s1 =	sadd.s32 s6, s1  }
0x23b: {  	s26 =	rddreg [dreg:$0x1];
	s1 =	sshrl.u32 s1, $0x3  }
0x23c: {  	s2 =	simm.s32 $0x0;
	[tilespmem:s0+$0x70] =	vst v0;
	s0 =	sadd.s32 s26, s1  }
0x23d: {  	[hbm4b:s0+s2] =	stream.linear.scatter [tilespmem:s19], [sflag:$0x5], $0x800, $0x38;
	[tilespmem:$0x16E00] =	vst v63  }
0x23e: {  	_ =	swait.ge [sflag:s8], $0x800  }
0x23f: {  	[sflag:s8] =	ssyncset.done $0x0  }
0x240: {  	[sflag:s8] =	ssyncadd.s32 $0xFFFFF800  }
0x241: {  	v0 =	vld @!p0 [tilespmem:s31+$0x300];
	_ =	sdelay $0x4  }
0x242: {  	v0 =	vand.u32 @!p0 $0x1FFFF, v0  }
0x243: {  	[tilespmem:$0x6500] =	vst @!p0 v0  }
0x244: {  	v0 =	vld @!p0 [tilespmem:s31+$0x310];
	_ =	sdelay $0x4  }
0x245: {  	v0 =	vand.u32 @!p0 $0x1FFFF, v0  }
0x246: {  	[tilespmem:$0x6510] =	vst @!p0 v0  }
0x247: {  	v0 =	vld @!p0 [tilespmem:s31+$0x320];
	_ =	sdelay $0x4  }
0x248: {  	v0 =	vand.u32 @!p0 $0x1FFFF, v0  }
0x249: {  	[tilespmem:$0x6520] =	vst @!p0 v0  }
0x24a: {  	v0 =	vld @!p0 [tilespmem:s31+$0x330];
	_ =	sdelay $0x4  }
0x24b: {  	v0 =	vand.u32 @!p0 $0x1FFFF, v0  }
0x24c: {  	[tilespmem:$0x6530] =	vst @!p0 v0  }
0x24d: {  	v0 =	vld @!p0 [tilespmem:s31+$0x340];
	_ =	sdelay $0x4  }
0x24e: {  	v0 =	vand.u32 @!p0 $0x1FFFF, v0  }
0x24f: {  	[tilespmem:$0x6540] =	vst @!p0 v0  }
0x250: {  	v0 =	vld @!p0 [tilespmem:s31+$0x350];
	_ =	sdelay $0x4  }
0x251: {  	v0 =	vand.u32 @!p0 $0x1FFFF, v0  }
0x252: {  	[tilespmem:$0x6550] =	vst @!p0 v0  }
0x253: {  	v0 =	vld @!p0 [tilespmem:s31+$0x360];
	_ =	sdelay $0x4  }
0x254: {  	v0 =	vand.u32 @!p0 $0x1FFFF, v0  }
0x255: {  	[tilespmem:$0x6560] =	vst @!p0 v0  }
0x256: {  	v0 =	vld @!p0 [tilespmem:s31+$0x370];
	_ =	sdelay $0x4  }
0x257: {  	s3 =	simm.s32 $0x4;
	v0 =	vand.u32 @!p0 $0x1FFFF, v0  }
0x258: {  	s1 =	simm.s32 @!p0 $0x6500;
	s0 =	simm.s32 @!p0 $0x80;
	s2 =	simm.s32 @!p0 $0xE600;
	[tilespmem:$0x6570] =	vst @!p0 v0  }
0x259: {  	[tilespmem:s2], [sflag:$0x3] =	stream.indirect.gather @!p0 [hbm4b:s4+s0], $0x80, s1, s0, $0xb8;
	[tilespmem:$0x16E00] =	vst v63  }
0x25a: {  	_ =	swait.ge [sflag:s3], $0x4000  }
0x25b: {  	[sflag:s3] =	ssyncset.done $0x0  }
0x25c: {  	[sflag:s3] =	ssyncadd.s32 $0xFFFFC000  }
0x25d: {  	v0 =	vld [tilespmem:s25+$0x0];
	_ =	sdelay $0x4  }
0x25e: {  	v0 =	vshrl.u32 v0, $0xD  }
0x25f: {  	(v2sf) =	vpush v0, $0x0;
	_ =	sdelay $0x5  }
0x260: {  	(v2sf) =	vpush v0, $0x1;
	_ =	sdelay $0x5  }
0x261: {  	(v2sf) =	vpush v0, $0x2;
	_ =	sdelay $0x2  }
0x262: {  	s5 =	spop (v2sf)  }
0x263: {  	s0 =	sand.u32 $0x7FFF0, s5  }
0x264: {  	s0 =	sadd.s32 $0x0, s0  }
0x265: {  	(v2sf) =	vpush v0, $0x3;
	v1 =	vld [tilespmem:s0+$0x12600];
	_ =	sdelay $0x2  }
0x266: {  	s7 =	spop (v2sf)  }
0x267: {  	s1 =	sand.u32 $0x7FFF0, s7;
	s0 =	simm.s32 $0x16680  }
0x268: {  	s1 =	sadd.s32 $0x0, s1;
	[tilespmem:s0+$0xFFFFFF80] =	vst v1  }
0x269: {  	(v2sf) =	vpush v0, $0x4;
	v1 =	vld [tilespmem:s1+$0x12680];
	_ =	sdelay $0x2  }
0x26a: {  	s9 =	spop (v2sf)  }
0x26b: {  	s1 =	sand.u32 $0x7FFF0, s9  }
0x26c: {  	s1 =	sadd.s32 $0x0, s1;
	[tilespmem:s0+$0xFFFFFF90] =	vst v1  }
0x26d: {  	(v2sf) =	vpush v0, $0x5;
	v1 =	vld [tilespmem:s1+$0x12700];
	_ =	sdelay $0x2  }
0x26e: {  	s10 =	spop (v2sf)  }
0x26f: {  	s1 =	sand.u32 $0x7FFF0, s10  }
0x270: {  	s1 =	sadd.s32 $0x0, s1;
	[tilespmem:s0+$0xFFFFFFA0] =	vst v1  }
0x271: {  	(v2sf) =	vpush v0, $0x6;
	v1 =	vld [tilespmem:s1+$0x12780];
	_ =	sdelay $0x2  }
0x272: {  	s12 =	spop (v2sf)  }
0x273: {  	s1 =	sand.u32 $0x7FFF0, s12  }
0x274: {  	s1 =	sadd.s32 $0x0, s1;
	[tilespmem:s0+$0xFFFFFFB0] =	vst v1  }
0x275: {  	(v2sf) =	vpush v0, $0x7;
	v1 =	vld [tilespmem:s1+$0x12800];
	_ =	sdelay $0x2  }
0x276: {  	s13 =	spop (v2sf)  }
0x277: {  	s1 =	sand.u32 $0x7FFF0, s13  }
0x278: {  	s1 =	sadd.s32 $0x0, s1;
	[tilespmem:s0+$0xFFFFFFC0] =	vst v1  }
0x279: {  	(v2sf) =	vpush v0, $0x8;
	v1 =	vld [tilespmem:s1+$0x12880];
	_ =	sdelay $0x2  }
0x27a: {  	s14 =	spop (v2sf)  }
0x27b: {  	s1 =	sand.u32 $0x7FFF0, s14  }
0x27c: {  	s1 =	sadd.s32 $0x0, s1;
	[tilespmem:s0+$0xFFFFFFD0] =	vst v1  }
0x27d: {  	(v2sf) =	vpush v0, $0x9;
	v1 =	vld [tilespmem:s1+$0x12900];
	_ =	sdelay $0x2  }
0x27e: {  	s15 =	spop (v2sf)  }
0x27f: {  	s1 =	sand.u32 $0x7FFF0, s15  }
0x280: {  	s1 =	sadd.s32 $0x0, s1;
	[tilespmem:s0+$0xFFFFFFE0] =	vst v1  }
0x281: {  	(v2sf) =	vpush v0, $0xA;
	v1 =	vld [tilespmem:s1+$0x12980];
	_ =	sdelay $0x2  }
0x282: {  	s16 =	spop (v2sf)  }
0x283: {  	s1 =	sand.u32 $0x7FFF0, s16  }
0x284: {  	s1 =	sadd.s32 $0x0, s1;
	[tilespmem:s0+$0xFFFFFFF0] =	vst v1  }
0x285: {  	(v2sf) =	vpush v0, $0xB;
	v1 =	vld [tilespmem:s1+$0x12A00];
	_ =	sdelay $0x2  }
0x286: {  	s17 =	spop (v2sf)  }
0x287: {  	s1 =	sand.u32 $0x7FFF0, s17  }
0x288: {  	s1 =	sadd.s32 $0x0, s1;
	[tilespmem:s0+$0x0] =	vst v1  }
0x289: {  	(v2sf) =	vpush v0, $0xC;
	v1 =	vld [tilespmem:s1+$0x12A80];
	_ =	sdelay $0x2  }
0x28a: {  	s18 =	spop (v2sf)  }
0x28b: {  	s1 =	sand.u32 $0x7FFF0, s18  }
0x28c: {  	s1 =	sadd.s32 $0x0, s1;
	[tilespmem:s0+$0x10] =	vst v1  }
0x28d: {  	(v2sf) =	vpush v0, $0xD;
	v1 =	vld [tilespmem:s1+$0x12B00];
	_ =	sdelay $0x2  }
0x28e: {  	s20 =	spop (v2sf)  }
0x28f: {  	s1 =	sand.u32 $0x7FFF0, s20  }
0x290: {  	s1 =	sadd.s32 $0x0, s1;
	[tilespmem:s0+$0x20] =	vst v1  }
0x291: {  	(v2sf) =	vpush v0, $0xE;
	v1 =	vld [tilespmem:s1+$0x12B80];
	_ =	sdelay $0x2  }
0x292: {  	s21 =	spop (v2sf)  }
0x293: {  	s1 =	sand.u32 $0x7FFF0, s21  }
0x294: {  	s1 =	sadd.s32 $0x0, s1;
	[tilespmem:s0+$0x30] =	vst v1  }
0x295: {  	(v2sf) =	vpush v0, $0xF;
	v0 =	vld [tilespmem:s1+$0x12C00];
	_ =	sdelay $0x2  }
0x296: {  	s22 =	spop (v2sf)  }
0x297: {  	s1 =	sand.u32 $0x7FFF0, s22  }
0x298: {  	s1 =	sadd.s32 $0x0, s1;
	[tilespmem:s0+$0x40] =	vst v0  }
0x299: {  	v0 =	vld [tilespmem:s1+$0x12C80];
	_ =	sdelay $0x2  }
0x29a: {  	s23 =	spop (v2sf)  }
0x29b: {  	s1 =	sand.u32 $0x7FFF0, s23  }
0x29c: {  	s1 =	sadd.s32 $0x0, s1;
	[tilespmem:s0+$0x50] =	vst v0  }
0x29d: {  	v0 =	vld [tilespmem:s1+$0x12D00];
	_ =	sdelay $0x2  }
0x29e: {  	s26 =	spop (v2sf)  }
0x29f: {  	s1 =	sand.u32 $0x7FFF0, s26  }
0x2a0: {  	s31 =	sadd.s32 $0x0, s1;
	[tilespmem:s0+$0x60] =	vst v0  }
0x2a1: {  	s9 =	smov.u32 s25;
	s1 =	simm.s32 $0x2000;
	v0 =	vld [tilespmem:s31+$0x12D80]  }
.LBB2_9:
0x2a2: {  	_ =	sdelay $0x3  }
0x2a3: {  	p0 =	sne.s32 s1, $0xE000;
	s9 =	sadd.s32 $0x10, s9;
	[tilespmem:s0+$0x70] =	vst v0;
	s0 =	sadd.s32 $0x100, s0  }
0x2a4: {  	s2 =	smov.u32 s1;
	s1 =	sadd.s32 $0x2000, s1;
	v0 =	vld [tilespmem:s9+$0x0];
	_ =	sdelay $0x4  }
0x2a5: {  	v0 =	vshrl.u32 v0, $0xD  }
0x2a6: {  	(v2sf) =	vpush v0, $0x0  }
0x2a7: {  	(v2sf) =	vpush v0, $0x1  }
0x2a8: {  	(v2sf) =	vpush v0, $0x2  }
0x2a9: {  	(v2sf) =	vpush v0, $0x3  }
0x2aa: {  	(v2sf) =	vpush v0, $0x4  }
0x2ab: {  	(v2sf) =	vpush v0, $0x5  }
0x2ac: {  	(v2sf) =	vpush v0, $0x6  }
0x2ad: {  	(v2sf) =	vpush v0, $0x7;
	_ =	sdelay $0x1  }
0x2ae: {  	(v2sf) =	vpush v0, $0x8  }
0x2af: {  	(v2sf) =	vpush v0, $0x9  }
0x2b0: {  	(v2sf) =	vpush v0, $0xA  }
0x2b1: {  	(v2sf) =	vpush v0, $0xB  }
0x2b2: {  	(v2sf) =	vpush v0, $0xC;
	_ =	sdelay $0x1  }
0x2b3: {  	s3 =	spop (v2sf);
	(v2sf) =	vpush v0, $0xD  }
0x2b4: {  	s18 =	sshra.s32 s2, $0x2;
	s3 =	sand.u32 $0x7FFF0, s3;
	s2 =	spop (v2sf);
	(v2sf) =	vpush v0, $0xE  }
0x2b5: {  	s3 =	sadd.s32 s18, s3;
	s2 =	sand.u32 $0x7FFF0, s2;
	s5 =	spop (v2sf);
	(v2sf) =	vpush v0, $0xF  }
0x2b6: {  	v0 =	vld [tilespmem:s3+$0x12600];
	s3 =	sand.u32 $0x7FFF0, s5;
	s5 =	spop (v2sf)  }
0x2b7: {  	s23 =	sand.u32 $0x7FFF0, s5;
	s5 =	spop (v2sf)  }
0x2b8: {  	s5 =	sand.u32 $0x7FFF0, s5;
	s7 =	spop (v2sf)  }
0x2b9: {  	s22 =	sadd.s32 s18, s5;
	s5 =	sand.u32 $0x7FFF0, s7;
	s7 =	spop (v2sf)  }
0x2ba: {  	s21 =	sadd.s32 s18, s5;
	s5 =	sand.u32 $0x7FFF0, s7;
	s7 =	spop (v2sf)  }
0x2bb: {  	s2 =	sadd.s32 s18, s2;
	[tilespmem:s0+$0xFFFFFF80] =	vst v0;
	s20 =	sadd.s32 s18, s5;
	s5 =	sand.u32 $0x7FFF0, s7  }
0x2bc: {  	v0 =	vld [tilespmem:s2+$0x12680];
	s15 =	sadd.s32 s18, s5;
	s2 =	spop (v2sf)  }
0x2bd: {  	s2 =	sand.u32 $0x7FFF0, s2;
	s5 =	spop (v2sf)  }
0x2be: {  	s17 =	sadd.s32 s18, s2;
	s2 =	sand.u32 $0x7FFF0, s5;
	s5 =	spop (v2sf)  }
0x2bf: {  	s16 =	sadd.s32 s18, s2;
	s2 =	sand.u32 $0x7FFF0, s5;
	s5 =	spop (v2sf)  }
0x2c0: {  	s14 =	sadd.s32 s18, s2;
	s2 =	sand.u32 $0x7FFF0, s5;
	s5 =	spop (v2sf)  }
0x2c1: {  	s3 =	sadd.s32 s18, s3;
	[tilespmem:s0+$0xFFFFFF90] =	vst v0;
	s7 =	sadd.s32 s18, s2;
	s2 =	sand.u32 $0x7FFF0, s5  }
0x2c2: {  	v0 =	vld [tilespmem:s3+$0x12700];
	s5 =	sadd.s32 s18, s2;
	s2 =	spop (v2sf)  }
0x2c3: {  	s2 =	sand.u32 $0x7FFF0, s2;
	s3 =	spop (v2sf)  }
0x2c4: {  	s13 =	sadd.s32 s18, s2;
	s2 =	sand.u32 $0x7FFF0, s3;
	s3 =	spop (v2sf)  }
0x2c5: {  	s12 =	sadd.s32 s18, s2;
	s2 =	sand.u32 $0x7FFF0, s3  }
0x2c6: {  	s10 =	sadd.s32 s18, s2  }
0x2c7: {  	s2 =	sadd.s32 s18, s23;
	[tilespmem:s0+$0xFFFFFFA0] =	vst v0  }
0x2c8: {  	v0 =	vld [tilespmem:s2+$0x12780];
	_ =	sdelay $0x4  }
0x2c9: {  	[tilespmem:s0+$0xFFFFFFB0] =	vst v0  }
0x2ca: {  	v0 =	vld [tilespmem:s22+$0x12800];
	_ =	sdelay $0x4  }
0x2cb: {  	[tilespmem:s0+$0xFFFFFFC0] =	vst v0  }
0x2cc: {  	v0 =	vld [tilespmem:s21+$0x12880];
	_ =	sdelay $0x4  }
0x2cd: {  	[tilespmem:s0+$0xFFFFFFD0] =	vst v0  }
0x2ce: {  	v0 =	vld [tilespmem:s20+$0x12900];
	_ =	sdelay $0x4  }
0x2cf: {  	[tilespmem:s0+$0xFFFFFFE0] =	vst v0  }
0x2d0: {  	v0 =	vld [tilespmem:s15+$0x12980];
	_ =	sdelay $0x4  }
0x2d1: {  	[tilespmem:s0+$0xFFFFFFF0] =	vst v0  }
0x2d2: {  	v0 =	vld [tilespmem:s17+$0x12A00];
	_ =	sdelay $0x4  }
0x2d3: {  	[tilespmem:s0+$0x0] =	vst v0  }
0x2d4: {  	v0 =	vld [tilespmem:s16+$0x12A80];
	_ =	sdelay $0x4  }
0x2d5: {  	[tilespmem:s0+$0x10] =	vst v0  }
0x2d6: {  	v0 =	vld [tilespmem:s14+$0x12B00];
	_ =	sdelay $0x4  }
0x2d7: {  	[tilespmem:s0+$0x20] =	vst v0  }
0x2d8: {  	v0 =	vld [tilespmem:s7+$0x12B80];
	_ =	sdelay $0x4  }
0x2d9: {  	[tilespmem:s0+$0x30] =	vst v0  }
0x2da: {  	v0 =	vld [tilespmem:s5+$0x12C00];
	_ =	sdelay $0x4  }
0x2db: {  	[tilespmem:s0+$0x40] =	vst v0  }
0x2dc: {  	v0 =	vld [tilespmem:s13+$0x12C80];
	_ =	sdelay $0x4  }
0x2dd: {  	[tilespmem:s0+$0x50] =	vst v0  }
0x2de: {  	v0 =	vld [tilespmem:s12+$0x12D00];
	_ =	sdelay $0x1  }
.Ltmp3:
0x2df: {  	(pc) =	sbr.rel @p0 .LBB2_9-.Ltmp3, $3  }
0x2e0: {  	_ =	sdelay $0x1  }
0x2e1: {  	[tilespmem:s0+$0x60] =	vst v0  }
0x2e2: {  	v0 =	vld [tilespmem:s10+$0x12D80]  }
0x2e3: {  	_ = 	snop  }
0x2e4: {  	s1 =	sshll.u32 s30, $0xB  }
0x2e5: {  	s29 =	sadd.s32 $0x1, s29;
	s1 =	sadd.s32 s6, s1  }
0x2e6: {  	s30 =	rddreg [dreg:$0x1];
	p0 =	sne.s32 s29, $0x32;
	s1 =	sshrl.u32 s1, $0x3  }
.Ltmp4:
0x2e7: {  	s31 =	simm.s32 $0x0;
	[tilespmem:s0+$0x70] =	vst v0;
	s0 =	sadd.s32 s30, s1;
	(pc) =	sbr.rel @p0 .LBB2_2-.Ltmp4, $4  }
0x2e8: {  	[hbm4b:s0+s31] =	stream.linear.scatter [tilespmem:s19], [sflag:$0x5], $0x800, $0x38;
	[tilespmem:$0x16E00] =	vst v63  }
0x2e9: {  	_ =	swait.ge [sflag:s8], $0x800  }
0x2ea: {  	s28 =	sadd.s32 $0x200, s28;
	s11 =	sadd.s32 $0x200, s11;
	[sflag:s8] =	ssyncset.done $0x0  }
0x2eb: {  	s24 =	sadd.s32 $0x200, s24;
	s25 =	sadd.s32 $0x200, s25;
	[sflag:s8] =	ssyncadd.s32 $0xFFFFF800  }
0x2ec: {  	s1 =	rddreg [dreg:$0x5]  }
0x2ed: {  	s0 =	rddreg [dreg:$0x4];
	s1 =	sadd.s32 $0x1, s1  }
0x2ee: {  	p0 =	sne.s32 s1, s0  }
.Ltmp5:
0x2ef: {  	_ = 	snop;
	(pc) =	sbr.rel @p0 .LBB2_1-.Ltmp5, $1  }
0x2f0: {  	_ =	sdelay $0x3  }
0x2f1: {  	_ =	sfence.sel $0x180000  }
0x2f2: {  	[bflag:$0x0] =	sbarrier.arrive $0xFFFF  }
0x2f3: {  	_ =	strace $0x90000047  }
0x2f4: {  	s0 =	stileid.u32;
	[bflag:$0x2] =	sbarrier.arrive $0xFFFF  }
0x2f5: {  	p0 =	sne.s32 s0, $0x0;
	s0 =	rddreg [dreg:$0x2]  }
0x2f6: {  	s0 =	sadd.s32 @!p0 $0x100000, s0  }
0x2f7: {  	[sflag:s0] =	ssyncadd.tile.s32 @!p0 $0x1;
	_ =	shalt  }
.Lfunc_end2:
_tile_overlayer_lowered:
.L_overlay_start_2:
0x2f8: {  	(tag) =	ssettag $0x2  }
0x2f9: {  	s0 =	rddreg [dreg:$0x0];
	s2 =	stileid.u32  }
0x2fa: {  	s1 =	rddreg [dreg:$0x1];
	p0 =	sne.s32 s2, $0x0  }
0x2fb: {  	s3 =	rddreg [dreg:$0x2];
	[bflag:$0x3] =	sbarrier.arrive $0xFFFF;
	s2 =	simm.s32 @!p0 $0x1C05  }
0x2fc: {  	[timem:s3], [sflag:s2] =	dma.local @!p0 [hbm:s0], s1  }
0x2fd: {  	s0 =	simm.s32 @!p0 $0x5  }
0x2fe: {  	_ =	swait.ge @!p0 [sflag:s0], s1  }
0x2ff: {  	s1 =	ssub.s32 @!p0 $0x0, s1;
	[sflag:s0] =	ssyncset.done @!p0 $0x0  }
0x300: {  	[sflag:s0] =	ssyncadd.s32 @!p0 s1  }
0x301: {  	[bflag:$0x3] =	sbarrier.arrive $0xFFFF  }
0x302: {  	_ =	shalt  }

</sc_bundles>
